<compile_context>
chip_gen: v7x
topology: tpu7x:2x2x1
jax: 0.10.2.dev20260603
libtpu: 0.0.44.dev20260713+nightly
codegen_flags: <defaults>
</compile_context>

<pallas_src>
import functools

import jax
import jax.numpy as jnp
from jax import lax
from jax.experimental import pallas as pl
from jax.experimental.pallas import tpu as pltpu
from jax.experimental.pallas import tpu_sc as plsc

EMB = 128
NG = 16
NTILES = 16
NCORES = 2
RNG = 13312
ROWS_PER_TILE = RNG // NTILES
CHA = 1024
GCH = 64
MBUF = CHA + 2 * GCH + 16 + 128
SSH = 17
SMASK = (1 << SSH) - 1

_F32 = jnp.float32
_I32 = jnp.int32


def _cdiv(a, b):
    return (a + b - 1) // b


_GDN = lax.GatherDimensionNumbers(
    offset_dims=(), collapsed_slice_dims=(0,), start_index_map=(0,))


def _take16(x, idx):
    return lax.gather(x, idx[:, None], _GDN, (1,),
                      mode=lax.GatherScatterMode.PROMISE_IN_BOUNDS)


def _prefix16(v):
    io = lax.iota(_I32, 16)
    pos = v
    for sh in (1, 2, 4, 8):
        idxc = jnp.maximum(io - sh, 0)
        pos = pos + jnp.where(io >= sh, _take16(pos, idxc), 0)
    return pos



def _sc_agg_body(src_hbm, s_hbm, t_hbm, c_hbm, w_hbm, b_hbm, out_hbm,
                 wv, bv, tbuf, sbuf, cbuf, mts, mc,
                 rows0, rows1, gs0, gs1, gt0, gt1,
                 acc, sem_g, sem_s, *, S, R):
    cid = lax.axis_index("c")
    sid = lax.axis_index("s")
    pltpu.sync_copy(w_hbm, wv)
    pltpu.sync_copy(b_hbm, bv)
    base = sid * S
    zero16 = jnp.zeros((16,), _F32)
    trash_p = jnp.full((16,), RNG << SSH, _I32)

    rows_b = (rows0, rows1)
    gs_b = (gs0, gs1)
    gt_b = (gt0, gt1)

    def stage_idx(ch, q):
        for j in range(GCH // 16):
            v = mts[pl.ds(ch * GCH + j * 16, 16)]
            gt_b[q][pl.ds(j * 16, 16)] = lax.shift_right_logical(v, SSH)
            gs_b[q][pl.ds(j * 16, 16)] = v & SMASK

    def range_body(r, _carry):
        core_owns = (r % NCORES) == cid
        lo = r * RNG

        @pl.when(core_owns)
        def _zero():
            def zb(j, _):
                rows0[j // 8, pl.ds((j % 8) * 16, 16)] = zero16
                return 0
            lax.fori_loop(0, GCH * 8, zb, 0)
            for j in range(ROWS_PER_TILE // GCH):
                pltpu.sync_copy(rows0, acc.at[pl.ds(sid * ROWS_PER_TILE + j * GCH, GCH)])

            @pl.when(sid == 0)
            def _():
                pltpu.sync_copy(rows0.at[pl.ds(0, 8)], acc.at[pl.ds(RNG, 8)])

        plsc.subcore_barrier()

        def handle(ch, nch, p):
            q = 1 - p
            nxt = ch + 1
            pltpu.make_async_copy(src_hbm.at[gs_b[p]], rows_b[p], sem_g).wait()

            @pl.when(nxt < nch)
            def _prefetch():
                @pl.when(ch >= 1)
                def _():
                    pltpu.make_async_copy(rows_b[q], acc.at[gt_b[q]], sem_s).wait()
                stage_idx(nxt, q)
                pltpu.async_copy(src_hbm.at[gs_b[q]], rows_b[q], sem_g)

            def eb(e, _):
                cs = mc[pl.ds(ch * GCH + e, 16)][0]
                for g in range(8):
                    sl = pl.ds(g * 16, 16)
                    rows_b[p][e, sl] = jnp.maximum(
                        rows_b[p][e, sl] + cs * wv[sl] + bv[sl], 0.0)
                return 0
            lax.fori_loop(0, GCH, eb, 0)
            pltpu.async_copy(rows_b[p], acc.at[gt_b[p]], sem_s, add=True)

        def drain(nch):
            @pl.when(nch > 0)
            def _():
                stage_idx(0, 0)
                pltpu.async_copy(src_hbm.at[gs0], rows0, sem_g)

                def pair(k, _):
                    @pl.when(2 * k < nch)
                    def _():
                        handle(2 * k, nch, 0)

                    @pl.when(2 * k + 1 < nch)
                    def _():
                        handle(2 * k + 1, nch, 1)
                    return 0
                lax.fori_loop(0, (nch + 1) // 2, pair, 0)

                @pl.when(nch >= 2)
                def _():
                    pltpu.make_async_copy(rows0, acc.at[gt0], sem_s).wait()

                @pl.when(nch >= 1)
                def _():
                    pltpu.make_async_copy(rows1, acc.at[gt1], sem_s).wait()

        @pl.when(core_owns)
        def _accum():
            def chunk_body(k, cnt):
                coff = k * CHA
                pltpu.sync_copy(t_hbm.at[pl.ds(base + coff, CHA)], tbuf)
                pltpu.sync_copy(s_hbm.at[pl.ds(base + coff, CHA)], sbuf)
                pltpu.sync_copy(c_hbm.at[pl.ds(base + coff, CHA)], cbuf)

                def cpb(g, cnt):
                    tv = tbuf[pl.ds(g * 16, 16)]
                    sv = sbuf[pl.ds(g * 16, 16)]
                    cv = cbuf[pl.ds(g * 16, 16)]
                    m = (tv >= lo) & (tv < lo + RNG)
                    io = lax.iota(_I32, 16)
                    pos = _prefix16(jnp.where(m, 1, 0))
                    sh = jnp.where(m, io - pos + 1, 0)
                    vp = lax.shift_left(tv - lo, SSH) | sv
                    vc = cv
                    for b in (1, 2, 4, 8):
                        idxb = jnp.minimum(io + b, 15)
                        shv = _take16(sh, idxb)
                        claim = (shv & b) != 0
                        depart = (sh & b) != 0
                        vp = jnp.where(claim, _take16(vp, idxb), vp)
                        vc = jnp.where(claim, _take16(vc, idxb), vc)
                        sh = jnp.where(claim, shv & ~b, jnp.where(depart, 0, sh))
                    mts[pl.ds(cnt, 16)] = vp
                    mc[pl.ds(cnt, 16)] = vc
                    return cnt + pos[15]

                cnt = lax.fori_loop(0, CHA // 16, cpb, cnt)

                full = cnt // GCH
                drain(full)

                @pl.when(full > 0)
                def _move_tail():
                    for j in range(2 * GCH // 16):
                        v1 = mts[pl.ds(full * GCH + j * 16, 16)]
                        mts[pl.ds(j * 16, 16)] = v1
                        v2 = mc[pl.ds(full * GCH + j * 16, 16)]
                        mc[pl.ds(j * 16, 16)] = v2

                return cnt - full * GCH

            cnt = lax.fori_loop(0, S // CHA, chunk_body, jnp.int32(0))

            for g in range(GCH // 16):
                mts[pl.ds(cnt + g * 16, 16)] = trash_p
                mc[pl.ds(cnt + g * 16, 16)] = zero16

            drain((cnt + (GCH - 1)) // GCH)

        plsc.subcore_barrier()

        @pl.when(core_owns)
        def _writeout():
            pltpu.sync_copy(acc.at[pl.ds(sid * ROWS_PER_TILE, ROWS_PER_TILE)],
                            out_hbm.at[pl.ds(lo + sid * ROWS_PER_TILE, ROWS_PER_TILE)])

        plsc.subcore_barrier()
        return 0

    lax.fori_loop(0, R, range_body, 0)


@functools.partial(jax.jit, static_argnames=("n_tgt",))
def _sc_aggregate(src, s_idx, t_idx, coef, w, b, n_tgt):
    E = int(s_idx.shape[0])
    S = _cdiv(E, NTILES * CHA) * CHA
    EP = S * NTILES
    R = _cdiv(n_tgt, RNG)
    n_tgt_pad = R * RNG

    s_p = jnp.pad(s_idx, (0, EP - E))
    t_p = jnp.pad(t_idx, (0, EP - E), constant_values=-1)
    c_p = jnp.pad(coef, (0, EP - E))

    mesh = plsc.VectorSubcoreMesh(core_axis_name="c", subcore_axis_name="s")
    body = functools.partial(_sc_agg_body, S=S, R=R)
    out = pl.kernel(
        body,
        out_type=jax.ShapeDtypeStruct((n_tgt_pad + 8, EMB), _F32),
        mesh=mesh,
        scratch_types=[
            pltpu.VMEM((EMB,), _F32),
            pltpu.VMEM((EMB,), _F32),
            pltpu.VMEM((CHA,), _I32),
            pltpu.VMEM((CHA,), _I32),
            pltpu.VMEM((CHA,), _F32),
            pltpu.VMEM((MBUF,), _I32),
            pltpu.VMEM((MBUF,), _F32),
            pltpu.VMEM((GCH, EMB), _F32),
            pltpu.VMEM((GCH, EMB), _F32),
            pltpu.VMEM((GCH,), _I32),
            pltpu.VMEM((GCH,), _I32),
            pltpu.VMEM((GCH,), _I32),
            pltpu.VMEM((GCH,), _I32),
            pltpu.VMEM_SHARED((RNG + 8, EMB), _F32),
            pltpu.SemaphoreType.DMA,
            pltpu.SemaphoreType.DMA,
        ],
    )(src, s_p, t_p, c_p, w, b)
    return out[:n_tgt]



_BLK = 2048


def _mlp2_body(x_ref, w1_ref, b1_ref, w2_ref, b2_ref, o_ref):
    x = x_ref[...]
    h = jnp.maximum(jnp.dot(x, w1_ref[...], preferred_element_type=_F32) + b1_ref[...], 0.0)
    o_ref[...] = jnp.maximum(jnp.dot(h, w2_ref[...], preferred_element_type=_F32) + b2_ref[...], 0.0)


def _mlp2(x, w1, b1, w2, b2):
    n, din = x.shape
    grid = _cdiv(n, _BLK)
    return pl.pallas_call(
        _mlp2_body,
        grid=(grid,),
        in_specs=[
            pl.BlockSpec((_BLK, din), lambda i: (i, 0)),
            pl.BlockSpec((din, EMB), lambda i: (0, 0)),
            pl.BlockSpec((1, EMB), lambda i: (0, 0)),
            pl.BlockSpec((EMB, EMB), lambda i: (0, 0)),
            pl.BlockSpec((1, EMB), lambda i: (0, 0)),
        ],
        out_specs=pl.BlockSpec((_BLK, EMB), lambda i: (i, 0)),
        out_shape=jax.ShapeDtypeStruct((n, EMB), _F32),
    )(x, w1, b1.reshape(1, EMB), w2, b2.reshape(1, EMB))


def _gin_update_body(t_ref, a_ref, eps_ref, w1_ref, b1_ref, w2_ref, b2_ref, o_ref):
    h = (1.0 + eps_ref[0, 0]) * t_ref[...] + a_ref[...]
    h = jnp.maximum(jnp.dot(h, w1_ref[...], preferred_element_type=_F32) + b1_ref[...], 0.0)
    o_ref[...] = jnp.dot(h, w2_ref[...], preferred_element_type=_F32) + b2_ref[...]


def _gin_update(tgt, agg, eps, w1, b1, w2, b2):
    n = tgt.shape[0]
    grid = _cdiv(n, _BLK)
    return pl.pallas_call(
        _gin_update_body,
        grid=(grid,),
        in_specs=[
            pl.BlockSpec((_BLK, EMB), lambda i: (i, 0)),
            pl.BlockSpec((_BLK, EMB), lambda i: (i, 0)),
            pl.BlockSpec((1, 1), lambda i: (0, 0)),
            pl.BlockSpec((EMB, EMB), lambda i: (0, 0)),
            pl.BlockSpec((1, EMB), lambda i: (0, 0)),
            pl.BlockSpec((EMB, EMB), lambda i: (0, 0)),
            pl.BlockSpec((1, EMB), lambda i: (0, 0)),
        ],
        out_specs=pl.BlockSpec((_BLK, EMB), lambda i: (i, 0)),
        out_shape=jax.ShapeDtypeStruct((n, EMB), _F32),
    )(tgt, agg, eps.reshape(1, 1), w1, b1.reshape(1, EMB), w2, b2.reshape(1, EMB))


def _gatt1_body(x_ref, bt_ref, wa_ref, ba_ref, wb_ref, bb_ref,
                g2_ref, gmax_ref, *, n):
    i = pl.program_id(0)
    x = x_ref[...]
    g = jnp.maximum(jnp.dot(x, wa_ref[...], preferred_element_type=_F32) + ba_ref[...], 0.0)
    g2 = jnp.maximum(jnp.dot(g, wb_ref[...], preferred_element_type=_F32) + bb_ref[...], 0.0)
    g2_ref[...] = g2
    rows = lax.broadcasted_iota(_I32, (_BLK, 1), 0) + i * _BLK
    valid = rows < n
    onehot = (bt_ref[...] == lax.broadcasted_iota(_I32, (1, NG), 1)) & valid
    gm = jnp.max(jnp.where(onehot, g2, -jnp.inf), axis=0, keepdims=True)
    prev = jnp.where(i == 0, jnp.full((1, NG), -jnp.inf), gmax_ref[...])
    gmax_ref[...] = jnp.maximum(prev, gm)


def _gatt2_body(x_ref, g2_ref, bt_ref, gmax_ref, num_ref, den_ref, *, n):
    i = pl.program_id(0)
    x = x_ref[...]
    g2 = g2_ref[...]
    rows = lax.broadcasted_iota(_I32, (_BLK, 1), 0) + i * _BLK
    valid = rows < n
    onehot_b = (bt_ref[...] == lax.broadcasted_iota(_I32, (1, NG), 1)) & valid
    onehot = onehot_b.astype(_F32)
    gmax_row = jnp.sum(onehot * gmax_ref[...], axis=1, keepdims=True)
    ex = jnp.where(valid, jnp.exp(g2 - gmax_row), 0.0)
    woh = onehot * ex
    den_part = lax.dot_general(woh, ex * 0.0 + 1.0, (((0,), (0,)), ((), ())),
                               preferred_element_type=_F32)
    num_part = lax.dot_general(woh, x, (((0,), (0,)), ((), ())),
                               preferred_element_type=_F32)
    pn = jnp.where(i == 0, jnp.zeros((NG, EMB), _F32), num_ref[...])
    pd = jnp.where(i == 0, jnp.zeros((NG, 1), _F32), den_ref[...])
    num_ref[...] = pn + num_part
    den_ref[...] = pd + den_part


def _gatt(x, batch2d, wa, ba, wb, bb):
    n = x.shape[0]
    grid = _cdiv(n, _BLK)
    g2, gmax = pl.pallas_call(
        functools.partial(_gatt1_body, n=n),
        grid=(grid,),
        in_specs=[
            pl.BlockSpec((_BLK, EMB), lambda i: (i, 0)),
            pl.BlockSpec((_BLK, 1), lambda i: (i, 0)),
            pl.BlockSpec((EMB, EMB), lambda i: (0, 0)),
            pl.BlockSpec((1, EMB), lambda i: (0, 0)),
            pl.BlockSpec((EMB, 1), lambda i: (0, 0)),
            pl.BlockSpec((1, 1), lambda i: (0, 0)),
        ],
        out_specs=[
            pl.BlockSpec((_BLK, 1), lambda i: (i, 0)),
            pl.BlockSpec((1, NG), lambda i: (0, 0)),
        ],
        out_shape=[
            jax.ShapeDtypeStruct((n, 1), _F32),
            jax.ShapeDtypeStruct((1, NG), _F32),
        ],
    )(x, batch2d, wa, ba.reshape(1, EMB), wb, bb.reshape(1, 1))
    num, den = pl.pallas_call(
        functools.partial(_gatt2_body, n=n),
        grid=(grid,),
        in_specs=[
            pl.BlockSpec((_BLK, EMB), lambda i: (i, 0)),
            pl.BlockSpec((_BLK, 1), lambda i: (i, 0)),
            pl.BlockSpec((_BLK, 1), lambda i: (i, 0)),
            pl.BlockSpec((1, NG), lambda i: (0, 0)),
        ],
        out_specs=[
            pl.BlockSpec((NG, EMB), lambda i: (0, 0)),
            pl.BlockSpec((NG, 1), lambda i: (0, 0)),
        ],
        out_shape=[
            jax.ShapeDtypeStruct((NG, EMB), _F32),
            jax.ShapeDtypeStruct((NG, 1), _F32),
        ],
    )(x, g2, batch2d, gmax)
    return num, den


def _head_body(ns_ref, ds_ref, nn_ref, dn_ref, nr_ref, dr_ref,
               w1_ref, b1_ref, w2_ref, b2_ref, o_ref):
    st = ns_ref[...] / (ds_ref[...] + 1e-16)
    nd = nn_ref[...] / (dn_ref[...] + 1e-16)
    rd = nr_ref[...] / (dr_ref[...] + 1e-16)
    x = jnp.concatenate([st, nd, rd], axis=1)
    h = jnp.maximum(jnp.dot(x, w1_ref[...], preferred_element_type=_F32) + b1_ref[...], 0.0)
    y = jnp.dot(h, w2_ref[...], preferred_element_type=_F32) + b2_ref[...]
    o_ref[...] = jax.nn.sigmoid(y)


def _head(ns, ds, nn, dn, nr, dr, w1, b1, w2, b2):
    return pl.pallas_call(
        _head_body,
        out_shape=jax.ShapeDtypeStruct((NG, 1), _F32),
    )(ns, ds, nn, dn, nr, dr, w1, b1.reshape(1, EMB), w2, b2.reshape(1, 1))



def kernel(con_features, var_features, obj_features, cv_edge_indices,
           cv_edge_features, ov_edge_indices, ov_edge_features, num_graphs,
           var_batch, con_batch, obj_batch, params):
    p = params
    n_con = con_features.shape[0]
    n_var = var_features.shape[0]
    n_obj = obj_features.shape[0]

    cv_s = cv_edge_indices[0]
    cv_t = cv_edge_indices[1]
    ov_s = ov_edge_indices[0]
    ov_t = ov_edge_indices[1]
    cv_c = cv_edge_features[:, 0]
    ov_c = ov_edge_features[:, 0]

    con = _mlp2(con_features, p['ce1_W'], p['ce1_b'], p['ce2_W'], p['ce2_b'])
    var = _mlp2(var_features, p['ve1_W'], p['ve1_b'], p['ve2_W'], p['ve2_b'])
    obj = _mlp2(obj_features, p['oe1_W'], p['oe1_b'], p['oe2_W'], p['oe2_b'])

    agg = _sc_aggregate(var, cv_t, cv_s, cv_c, p['vc_We'][0], p['vc_be'], n_con)
    con1 = _gin_update(con, agg, p['vc_eps'], p['vc_W1'], p['vc_b1'], p['vc_W2'], p['vc_b2'])
    agg = _sc_aggregate(con1, cv_s, cv_t, cv_c, p['cv_We'][0], p['cv_be'], n_var)
    var1 = _gin_update(var, agg, p['cv_eps'], p['cv_W1'], p['cv_b1'], p['cv_W2'], p['cv_b2'])

    vb = var_batch.reshape(-1, 1)
    cb = con_batch.reshape(-1, 1)
    ob = obj_batch.reshape(-1, 1)

    st_num, st_den = _gatt(jnp.concatenate([var1, con1], 0),
                           jnp.concatenate([vb, cb], 0),
                           p['g1a_W'], p['g1a_b'], p['g1b_W'], p['g1b_b'])

    agg = _sc_aggregate(var1, ov_t, ov_s, ov_c, p['vo_We'][0], p['vo_be'], n_obj)
    obj1 = _gin_update(obj, agg, p['vo_eps'], p['vo_W1'], p['vo_b1'], p['vo_W2'], p['vo_b2'])
    agg = _sc_aggregate(obj1, ov_s, ov_t, ov_c, p['ov_We'][0], p['ov_be'], n_var)
    var2 = _gin_update(var1, agg, p['ov_eps'], p['ov_W1'], p['ov_b1'], p['ov_W2'], p['ov_b2'])

    nd_num, nd_den = _gatt(jnp.concatenate([var2, obj1], 0),
                           jnp.concatenate([vb, ob], 0),
                           p['g2a_W'], p['g2a_b'], p['g2b_W'], p['g2b_b'])
    rd_num, rd_den = _gatt(jnp.concatenate([obj1, con1], 0),
                           jnp.concatenate([ob, cb], 0),
                           p['g3a_W'], p['g3a_b'], p['g3b_W'], p['g3b_b'])

    return _head(st_num, st_den, nd_num, nd_den, rd_num, rd_den,
                 p['l1_W'], p['l1_b'], p['l2_W'], p['l2_b'])

# --- scband reference (transcript-rebuilt; emitter-appended) ---
"""Pipeline reference for scband-gin1-policy-84000970375206 (READ-ONLY COPY).

The authoritative reference and input builder live on the scoring server;
editing this copy changes nothing except your own understanding.
"""

import jax, jax.numpy as jnp
import numpy as np

EMB = 128

def _param_linear(key, din, dout, scale=0.05):
    k1, k2 = jax.random.split(key)
    W = jax.random.normal(k1, (din, dout), dtype=jnp.float32) * scale
    b = jax.random.normal(k2, (dout,), dtype=jnp.float32) * scale
    return W, b

def setup_inputs(seed: int = 0):
    key = jax.random.key(seed)
    ks = jax.random.split(key, 64)
    n_con, n_var, n_obj = 50000, 100000, 10000
    e_cv, e_ov = 500000, 100000
    num_graphs = 16
    inp = {}
    inp['con_features'] = jax.random.normal(ks[0], (n_con, 1), dtype=jnp.float32)
    inp['var_features'] = jax.random.normal(ks[1], (n_var, 3), dtype=jnp.float32)
    inp['obj_features'] = jax.random.normal(ks[2], (n_obj, 7), dtype=jnp.float32)
    inp['cv_edge_indices'] = jnp.stack([jax.random.randint(ks[3], (e_cv,), 0, n_con), jax.random.randint(ks[4], (e_cv,), 0, n_var)], axis=0).astype(jnp.int32)
    inp['cv_edge_features'] = jax.random.normal(ks[5], (e_cv, 1), dtype=jnp.float32)
    inp['ov_edge_indices'] = jnp.stack([jax.random.randint(ks[6], (e_ov,), 0, n_obj), jax.random.randint(ks[7], (e_ov,), 0, n_var)], axis=0).astype(jnp.int32)
    inp['ov_edge_features'] = jax.random.normal(ks[8], (e_ov, 1), dtype=jnp.float32)
    inp['num_graphs'] = num_graphs
    inp['var_batch'] = jnp.sort(jax.random.randint(ks[9], (n_var,), 0, num_graphs)).astype(jnp.int32)
    inp['con_batch'] = jnp.sort(jax.random.randint(ks[10], (n_con,), 0, num_graphs)).astype(jnp.int32)
    inp['obj_batch'] = jnp.sort(jax.random.randint(ks[11], (n_obj,), 0, num_graphs)).astype(jnp.int32)
    p = {}
    specs = [('ce1', 1, EMB), ('ce2', EMB, EMB), ('ve1', 3, EMB), ('ve2', EMB, EMB), ('oe1', 7, EMB), ('oe2', EMB, EMB), ('l1', 3 * EMB, EMB), ('l2', EMB, 1), ('g1a', EMB, EMB), ('g1b', EMB, 1), ('g2a', EMB, EMB), ('g2b', EMB, 1), ('g3a', EMB, EMB), ('g3b', EMB, 1)]
    for j, (nm, di, do) in enumerate(specs):
        W, b = _param_linear(ks[20 + j], di, do)
        p[nm + '_W'] = W
        p[nm + '_b'] = b
    for j, pre in enumerate(['vc', 'cv', 'vo', 'ov']):
        kk = jax.random.split(ks[40 + j], 3)
        We, be = _param_linear(kk[0], 1, EMB)
        W1, b1 = _param_linear(kk[1], EMB, EMB)
        W2, b2 = _param_linear(kk[2], EMB, EMB)
        p[pre + '_We'] = We; p[pre + '_be'] = be
        p[pre + '_W1'] = W1; p[pre + '_b1'] = b1
        p[pre + '_W2'] = W2; p[pre + '_b2'] = b2
        p[pre + '_eps'] = jnp.zeros((), dtype=jnp.float32)
    inp['params'] = p
    return inp

def _emb2(x, p, a, b):
    x = jax.nn.relu(x @ p[a + '_W'] + p[a + '_b'])
    x = jax.nn.relu(x @ p[b + '_W'] + p[b + '_b'])
    return x

def _bgin(src, ei, ef, tgt, p, pre):
    s = ei[0]
    t = ei[1]
    e = ef @ p[pre + '_We'] + p[pre + '_be']
    msg = jax.nn.relu(src[s] + e)
    agg = jax.ops.segment_sum(msg, t, num_segments=tgt.shape[0])
    h = (1.0 + p[pre + '_eps']) * tgt + agg
    h = jax.nn.relu(h @ p[pre + '_W1'] + p[pre + '_b1'])
    return h @ p[pre + '_W2'] + p[pre + '_b2']

def _gatt(x, batch, num_graphs, p, a, b):
    g = jax.nn.relu(x @ p[a + '_W'] + p[a + '_b'])
    g = jax.nn.relu(g @ p[b + '_W'] + p[b + '_b'])
    gmax = jax.ops.segment_max(g, batch, num_segments=num_graphs)
    gmax = jnp.where(jnp.isfinite(gmax), gmax, 0.0)
    ex = jnp.exp(g - gmax[batch])
    den = jax.ops.segment_sum(ex, batch, num_segments=num_graphs)
    attn = ex / (den[batch] + 1e-16)
    return jax.ops.segment_sum(attn * x, batch, num_segments=num_graphs)

def reference(con_features, var_features, obj_features, cv_edge_indices, cv_edge_features, ov_edge_indices, ov_edge_features, num_graphs, var_batch, con_batch, obj_batch, params):
    p = params
    NUM_GRAPHS = 16
    ng_zero = (jnp.asarray(num_graphs) * 0).astype(jnp.int32)
    var_batch = var_batch + ng_zero
    con_batch = con_batch + ng_zero
    obj_batch = obj_batch + ng_zero
    rcv = jnp.stack([cv_edge_indices[1], cv_edge_indices[0]], axis=0)
    rov = jnp.stack([ov_edge_indices[1], ov_edge_indices[0]], axis=0)
    con = _emb2(con_features, p, 'ce1', 'ce2')
    var = _emb2(var_features, p, 've1', 've2')
    obj = _emb2(obj_features, p, 'oe1', 'oe2')
    con = _bgin(var, rcv, cv_edge_features, con, p, 'vc')
    var = _bgin(con, cv_edge_indices, cv_edge_features, var, p, 'cv')
    st = _gatt(jnp.concatenate([var, con], 0), jnp.concatenate([var_batch, con_batch], 0), NUM_GRAPHS, p, 'g1a', 'g1b')
    obj = _bgin(var, rov, ov_edge_features, obj, p, 'vo')
    var = _bgin(obj, ov_edge_indices, ov_edge_features, var, p, 'ov')
    nd = _gatt(jnp.concatenate([var, obj], 0), jnp.concatenate([var_batch, obj_batch], 0), NUM_GRAPHS, p, 'g2a', 'g2b')
    rd = _gatt(jnp.concatenate([obj, con], 0), jnp.concatenate([obj_batch, con_batch], 0), NUM_GRAPHS, p, 'g3a', 'g3b')
    x = jnp.concatenate([st, nd, rd], axis=1)
    x = jax.nn.relu(x @ p['l1_W'] + p['l1_b'])
    x = jax.nn.sigmoid(x @ p['l2_W'] + p['l2_b'])
    return x

if __name__ == "__main__":
    import jax
    _d = setup_inputs()
    print(jax.jit(kernel)(*tuple(_d.values())))

</pallas_src>

<mosaic_0001>
#map = affine_map<(d0, d1) -> (0, 0)>
#map1 = affine_map<(d0, d1) -> (0)>
module attributes {stable_mosaic.version = 14 : i64} {
  func.func @_sc_agg_body(%arg0: i32, %arg1: i32, %arg2: memref<100000x128xf32, #tpu.memory_space<hbm>>, %arg3: memref<507904xi32, #tpu.memory_space<hbm>>, %arg4: memref<507904xi32, #tpu.memory_space<hbm>>, %arg5: memref<507904xf32, #tpu.memory_space<hbm>>, %arg6: memref<128xf32, #tpu.memory_space<hbm>>, %arg7: memref<128xf32, #tpu.memory_space<hbm>>, %arg8: memref<53256x128xf32, #tpu.memory_space<hbm>>, %arg9: memref<128xf32, #tpu.memory_space<vmem>>, %arg10: memref<128xf32, #tpu.memory_space<vmem>>, %arg11: memref<1024xi32, #tpu.memory_space<vmem>>, %arg12: memref<1024xi32, #tpu.memory_space<vmem>>, %arg13: memref<1024xf32, #tpu.memory_space<vmem>>, %arg14: memref<1296xi32, #tpu.memory_space<vmem>>, %arg15: memref<1296xf32, #tpu.memory_space<vmem>>, %arg16: memref<64x128xf32, #tpu.memory_space<vmem>>, %arg17: memref<64x128xf32, #tpu.memory_space<vmem>>, %arg18: memref<64xi32, #tpu.memory_space<vmem>>, %arg19: memref<64xi32, #tpu.memory_space<vmem>>, %arg20: memref<64xi32, #tpu.memory_space<vmem>>, %arg21: memref<64xi32, #tpu.memory_space<vmem>>, %arg22: memref<13320x128xf32, #tpu.memory_space<vmem_shared>>, %arg23: memref<!tpu.dma_semaphore, #tpu.memory_space<semaphore_mem>>, %arg24: memref<!tpu.dma_semaphore, #tpu.memory_space<semaphore_mem>>) attributes {dimension_semantics = [#tpu.dimension_semantics<core_parallel>, #tpu.dimension_semantics<subcore_parallel>], iteration_bounds = array<i64: 2, 16>, scalar_prefetch = 0 : i64, scratch_operands = 16 : i64, tpu.core_type = #tpu.core_type<sc_vector_subcore>, window_params = [{transform_indices = #map}, {transform_indices = #map1}, {transform_indices = #map1}, {transform_indices = #map1}, {transform_indices = #map1}, {transform_indices = #map1}, {transform_indices = #map}]} {
    "tpu.region"() ({
      %run_scoped3A = tpu.sem_alloc : memref<!tpu.dma_semaphore, #tpu.memory_space<semaphore_mem>>
      tpu.enqueue_dma source(%arg6 : memref<128xf32, #tpu.memory_space<hbm>>) target(%arg9 : memref<128xf32, #tpu.memory_space<vmem>>) target_semaphore(%run_scoped3A : memref<!tpu.dma_semaphore, #tpu.memory_space<semaphore_mem>>)
      tpu.wait_dma2 semaphore(%run_scoped3A : memref<!tpu.dma_semaphore, #tpu.memory_space<semaphore_mem>>) src(%arg6 : memref<128xf32, #tpu.memory_space<hbm>>) dst(%arg9 : memref<128xf32, #tpu.memory_space<vmem>>)
      tpu.yield
    }) : () -> ()
    "tpu.region"() ({
      %run_scoped3A = tpu.sem_alloc : memref<!tpu.dma_semaphore, #tpu.memory_space<semaphore_mem>>
      tpu.enqueue_dma source(%arg7 : memref<128xf32, #tpu.memory_space<hbm>>) target(%arg10 : memref<128xf32, #tpu.memory_space<vmem>>) target_semaphore(%run_scoped3A : memref<!tpu.dma_semaphore, #tpu.memory_space<semaphore_mem>>)
      tpu.wait_dma2 semaphore(%run_scoped3A : memref<!tpu.dma_semaphore, #tpu.memory_space<semaphore_mem>>) src(%arg7 : memref<128xf32, #tpu.memory_space<hbm>>) dst(%arg10 : memref<128xf32, #tpu.memory_space<vmem>>)
      tpu.yield
    }) : () -> ()
    %mul3A = arith.constant 31744 : i32
    %mul3A_0 = arith.muli %arg1, %mul3A : i32
    %broadcast_in_dim3A = arith.constant 0.000000e+00 : f32
    %broadcast_in_dim3A_1 = vector.broadcast %broadcast_in_dim3A : f32 to vector<16xf32>
    %broadcast_in_dim3A_2 = arith.constant 1744830464 : i32
    %broadcast_in_dim3A_3 = vector.broadcast %broadcast_in_dim3A_2 : i32 to vector<16xi32>
    %scan3A = arith.constant 0 : i32
    %scan3A_4 = arith.constant 0 : i32
    %scan3A_5 = arith.constant 4 : i32
    %scan3A_6 = arith.addi %scan3A_4, %scan3A_5 : i32
    %scan3A_7 = arith.constant 1 : i32
    %scan3A_8 = scf.for %scan3A_10 = %scan3A_4 to %scan3A_6 step %scan3A_7 iter_args(%scan3A_11 = %scan3A) -> (i32)  : i32 {
      %jit3A = arith.constant 2 : i32
      %eq3A = arith.constant 0 : i32
      %eq3A_12 = arith.cmpi eq, %jit3A, %eq3A : i32
      %jit3A_13 = arith.constant 1 : i32
      %select_n3A = arith.select %eq3A_12, %jit3A_13, %jit3A : i32
      %rem3A = arith.remsi %scan3A_10, %select_n3A : i32
      %ne3A = arith.constant 0 : i32
      %ne3A_14 = arith.cmpi ne, %rem3A, %ne3A : i32
      %lt3A = arith.constant 0 : i32
      %lt3A_15 = arith.cmpi slt, %rem3A, %lt3A : i32
      %lt3A_16 = arith.constant 0 : i32
      %lt3A_17 = arith.cmpi slt, %select_n3A, %lt3A_16 : i32
      %ne3A_18 = arith.xori %lt3A_15, %lt3A_17 : i1
      %and3A = arith.andi %ne3A_18, %ne3A_14 : i1
      %add3A = arith.addi %rem3A, %select_n3A : i32
      %select_n3A_19 = arith.select %and3A, %add3A, %rem3A : i32
      %eq3A_20 = arith.cmpi eq, %select_n3A_19, %arg0 : i32
      %mul3A_21 = arith.constant 13312 : i32
      %mul3A_22 = arith.muli %scan3A_10, %mul3A_21 : i32
      %convert_element_type3A = arith.extui %eq3A_20 : i1 to i32
      %cond3A = arith.constant 0 : i32
      %cond3A_23 = arith.cmpi ne, %convert_element_type3A, %cond3A : i32
      scf.if %cond3A_23 {
        %scan3A_33 = arith.constant 0 : i32
        %scan3A_34 = arith.constant 0 : i32
        %scan3A_35 = arith.constant 512 : i32
        %scan3A_36 = arith.addi %scan3A_34, %scan3A_35 : i32
        %scan3A_37 = arith.constant 1 : i32
        %scan3A_38 = scf.for %scan3A_97 = %scan3A_34 to %scan3A_36 step %scan3A_37 iter_args(%scan3A_98 = %scan3A_33) -> (i32)  : i32 {
          %jit3A_99 = arith.constant 8 : i32
          %div3A = arith.divsi %scan3A_97, %jit3A_99 : i32
          %sign3A = arith.constant 0 : i32
          %sign3A_100 = arith.cmpi sgt, %scan3A_97, %sign3A : i32
          %sign3A_101 = arith.extui %sign3A_100 : i1 to i32
          %sign3A_102 = arith.constant 0 : i32
          %sign3A_103 = arith.cmpi slt, %scan3A_97, %sign3A_102 : i32
          %sign3A_104 = arith.extui %sign3A_103 : i1 to i32
          %sign3A_105 = arith.subi %sign3A_101, %sign3A_104 : i32
          %sign3A_106 = arith.constant 0 : i32
          %sign3A_107 = arith.cmpi sgt, %jit3A_99, %sign3A_106 : i32
          %sign3A_108 = arith.extui %sign3A_107 : i1 to i32
          %sign3A_109 = arith.constant 0 : i32
          %sign3A_110 = arith.cmpi slt, %jit3A_99, %sign3A_109 : i32
          %sign3A_111 = arith.extui %sign3A_110 : i1 to i32
          %sign3A_112 = arith.subi %sign3A_108, %sign3A_111 : i32
          %ne3A_113 = arith.cmpi ne, %sign3A_105, %sign3A_112 : i32
          %rem3A_114 = arith.remsi %scan3A_97, %jit3A_99 : i32
          %ne3A_115 = arith.constant 0 : i32
          %ne3A_116 = arith.cmpi ne, %rem3A_114, %ne3A_115 : i32
          %and3A_117 = arith.andi %ne3A_113, %ne3A_116 : i1
          %sub3A = arith.constant 1 : i32
          %sub3A_118 = arith.subi %div3A, %sub3A : i32
          %select_n3A_119 = arith.select %and3A_117, %sub3A_118, %div3A : i32
          %jit3A_120 = arith.constant 8 : i32
          %eq3A_121 = arith.constant 0 : i32
          %eq3A_122 = arith.cmpi eq, %jit3A_120, %eq3A_121 : i32
          %jit3A_123 = arith.constant 1 : i32
          %select_n3A_124 = arith.select %eq3A_122, %jit3A_123, %jit3A_120 : i32
          %rem3A_125 = arith.remsi %scan3A_97, %select_n3A_124 : i32
          %ne3A_126 = arith.constant 0 : i32
          %ne3A_127 = arith.cmpi ne, %rem3A_125, %ne3A_126 : i32
          %lt3A_128 = arith.constant 0 : i32
          %lt3A_129 = arith.cmpi slt, %rem3A_125, %lt3A_128 : i32
          %lt3A_130 = arith.constant 0 : i32
          %lt3A_131 = arith.cmpi slt, %select_n3A_124, %lt3A_130 : i32
          %ne3A_132 = arith.xori %lt3A_129, %lt3A_131 : i1
          %and3A_133 = arith.andi %ne3A_132, %ne3A_127 : i1
          %add3A_134 = arith.addi %rem3A_125, %select_n3A_124 : i32
          %select_n3A_135 = arith.select %and3A_133, %add3A_134, %rem3A_125 : i32
          %mul3A_136 = arith.constant 16 : i32
          %mul3A_137 = arith.muli %select_n3A_135, %mul3A_136 : i32
          %swap3A = arith.index_cast %select_n3A_119 : i32 to index
          %swap3A_138 = arith.index_cast %mul3A_137 : i32 to index
          %swap3A_139 = tpu.vector_load %arg16[%swap3A, %swap3A_138] {strides = array<i32>} : memref<64x128xf32, #tpu.memory_space<vmem>>, vector<1x16xf32>,
          %swap3A_140 = vector.shape_cast %swap3A_139 : vector<1x16xf32> to vector<16xf32>
          %swap3A_141 = vector.shape_cast %broadcast_in_dim3A_1 : vector<16xf32> to vector<1x16xf32>
          tpu.vector_store %arg16[%swap3A, %swap3A_138], %swap3A_141 {strides = array<i32>} : memref<64x128xf32, #tpu.memory_space<vmem>>, vector<1x16xf32>,
          %scan3A_142 = arith.constant 0 : i32
          scf.yield %scan3A_142 : i32
        }
        %scan3A_39 = arith.constant 512 : i32
        %mul3A_40 = arith.constant 832 : i32
        %mul3A_41 = arith.muli %arg1, %mul3A_40 : i32
        %add3A_42 = arith.constant 0 : i32
        %add3A_43 = arith.addi %mul3A_41, %add3A_42 : i32
        "tpu.region"() ({
          %run_scoped3A = tpu.sem_alloc : memref<!tpu.dma_semaphore, #tpu.memory_space<semaphore_mem>>
          %dma_start3A = arith.constant 0 : i32
          %dma_start3A_97 = tpu.memref_slice %arg22[%add3A_43, %dma_start3A] : memref<13320x128xf32, #tpu.memory_space<vmem_shared>> -> memref<64x128xf32, #tpu.memory_space<vmem_shared>>
          %dma_start3A_98 = arith.constant 0 : i32
          %dma_start3A_99 = tpu.memref_slice %arg22[%add3A_43, %dma_start3A_98] : memref<13320x128xf32, #tpu.memory_space<vmem_shared>> -> memref<64x128xf32, #tpu.memory_space<vmem_shared>>
          tpu.enqueue_dma source(%arg16 : memref<64x128xf32, #tpu.memory_space<vmem>>) target(%dma_start3A_99 : memref<64x128xf32, #tpu.memory_space<vmem_shared>>) target_semaphore(%run_scoped3A : memref<!tpu.dma_semaphore, #tpu.memory_space<semaphore_mem>>)
          %dma_wait3A = arith.constant 0 : i32
          %dma_wait3A_100 = tpu.memref_slice %arg22[%add3A_43, %dma_wait3A] : memref<13320x128xf32, #tpu.memory_space<vmem_shared>> -> memref<64x128xf32, #tpu.memory_space<vmem_shared>>
          %dma_wait3A_101 = arith.constant 0 : i32
          %dma_wait3A_102 = tpu.memref_slice %arg22[%add3A_43, %dma_wait3A_101] : memref<13320x128xf32, #tpu.memory_space<vmem_shared>> -> memref<64x128xf32, #tpu.memory_space<vmem_shared>>
          tpu.wait_dma2 semaphore(%run_scoped3A : memref<!tpu.dma_semaphore, #tpu.memory_space<semaphore_mem>>) src(%arg16 : memref<64x128xf32, #tpu.memory_space<vmem>>) dst(%dma_wait3A_102 : memref<64x128xf32, #tpu.memory_space<vmem_shared>>)
          tpu.yield
        }) : () -> ()
        %mul3A_44 = arith.constant 832 : i32
        %mul3A_45 = arith.muli %arg1, %mul3A_44 : i32
        %add3A_46 = arith.constant 64 : i32
        %add3A_47 = arith.addi %mul3A_45, %add3A_46 : i32
        "tpu.region"() ({
          %run_scoped3A = tpu.sem_alloc : memref<!tpu.dma_semaphore, #tpu.memory_space<semaphore_mem>>
          %dma_start3A = arith.constant 0 : i32
          %dma_start3A_97 = tpu.memref_slice %arg22[%add3A_47, %dma_start3A] : memref<13320x128xf32, #tpu.memory_space<vmem_shared>> -> memref<64x128xf32, #tpu.memory_space<vmem_shared>>
          %dma_start3A_98 = arith.constant 0 : i32
          %dma_start3A_99 = tpu.memref_slice %arg22[%add3A_47, %dma_start3A_98] : memref<13320x128xf32, #tpu.memory_space<vmem_shared>> -> memref<64x128xf32, #tpu.memory_space<vmem_shared>>
          tpu.enqueue_dma source(%arg16 : memref<64x128xf32, #tpu.memory_space<vmem>>) target(%dma_start3A_99 : memref<64x128xf32, #tpu.memory_space<vmem_shared>>) target_semaphore(%run_scoped3A : memref<!tpu.dma_semaphore, #tpu.memory_space<semaphore_mem>>)
          %dma_wait3A = arith.constant 0 : i32
          %dma_wait3A_100 = tpu.memref_slice %arg22[%add3A_47, %dma_wait3A] : memref<13320x128xf32, #tpu.memory_space<vmem_shared>> -> memref<64x128xf32, #tpu.memory_space<vmem_shared>>
          %dma_wait3A_101 = arith.constant 0 : i32
          %dma_wait3A_102 = tpu.memref_slice %arg22[%add3A_47, %dma_wait3A_101] : memref<13320x128xf32, #tpu.memory_space<vmem_shared>> -> memref<64x128xf32, #tpu.memory_space<vmem_shared>>
          tpu.wait_dma2 semaphore(%run_scoped3A : memref<!tpu.dma_semaphore, #tpu.memory_space<semaphore_mem>>) src(%arg16 : memref<64x128xf32, #tpu.memory_space<vmem>>) dst(%dma_wait3A_102 : memref<64x128xf32, #tpu.memory_space<vmem_shared>>)
          tpu.yield
        }) : () -> ()
        %mul3A_48 = arith.constant 832 : i32
        %mul3A_49 = arith.muli %arg1, %mul3A_48 : i32
        %add3A_50 = arith.constant 128 : i32
        %add3A_51 = arith.addi %mul3A_49, %add3A_50 : i32
        "tpu.region"() ({
          %run_scoped3A = tpu.sem_alloc : memref<!tpu.dma_semaphore, #tpu.memory_space<semaphore_mem>>
          %dma_start3A = arith.constant 0 : i32
          %dma_start3A_97 = tpu.memref_slice %arg22[%add3A_51, %dma_start3A] : memref<13320x128xf32, #tpu.memory_space<vmem_shared>> -> memref<64x128xf32, #tpu.memory_space<vmem_shared>>
          %dma_start3A_98 = arith.constant 0 : i32
          %dma_start3A_99 = tpu.memref_slice %arg22[%add3A_51, %dma_start3A_98] : memref<13320x128xf32, #tpu.memory_space<vmem_shared>> -> memref<64x128xf32, #tpu.memory_space<vmem_shared>>
          tpu.enqueue_dma source(%arg16 : memref<64x128xf32, #tpu.memory_space<vmem>>) target(%dma_start3A_99 : memref<64x128xf32, #tpu.memory_space<vmem_shared>>) target_semaphore(%run_scoped3A : memref<!tpu.dma_semaphore, #tpu.memory_space<semaphore_mem>>)
          %dma_wait3A = arith.constant 0 : i32
          %dma_wait3A_100 = tpu.memref_slice %arg22[%add3A_51, %dma_wait3A] : memref<13320x128xf32, #tpu.memory_space<vmem_shared>> -> memref<64x128xf32, #tpu.memory_space<vmem_shared>>
          %dma_wait3A_101 = arith.constant 0 : i32
          %dma_wait3A_102 = tpu.memref_slice %arg22[%add3A_51, %dma_wait3A_101] : memref<13320x128xf32, #tpu.memory_space<vmem_shared>> -> memref<64x128xf32, #tpu.memory_space<vmem_shared>>
          tpu.wait_dma2 semaphore(%run_scoped3A : memref<!tpu.dma_semaphore, #tpu.memory_space<semaphore_mem>>) src(%arg16 : memref<64x128xf32, #tpu.memory_space<vmem>>) dst(%dma_wait3A_102 : memref<64x128xf32, #tpu.memory_space<vmem_shared>>)
          tpu.yield
        }) : () -> ()
        %mul3A_52 = arith.constant 832 : i32
        %mul3A_53 = arith.muli %arg1, %mul3A_52 : i32
        %add3A_54 = arith.constant 192 : i32
        %add3A_55 = arith.addi %mul3A_53, %add3A_54 : i32
        "tpu.region"() ({
          %run_scoped3A = tpu.sem_alloc : memref<!tpu.dma_semaphore, #tpu.memory_space<semaphore_mem>>
          %dma_start3A = arith.constant 0 : i32
          %dma_start3A_97 = tpu.memref_slice %arg22[%add3A_55, %dma_start3A] : memref<13320x128xf32, #tpu.memory_space<vmem_shared>> -> memref<64x128xf32, #tpu.memory_space<vmem_shared>>
          %dma_start3A_98 = arith.constant 0 : i32
          %dma_start3A_99 = tpu.memref_slice %arg22[%add3A_55, %dma_start3A_98] : memref<13320x128xf32, #tpu.memory_space<vmem_shared>> -> memref<64x128xf32, #tpu.memory_space<vmem_shared>>
          tpu.enqueue_dma source(%arg16 : memref<64x128xf32, #tpu.memory_space<vmem>>) target(%dma_start3A_99 : memref<64x128xf32, #tpu.memory_space<vmem_shared>>) target_semaphore(%run_scoped3A : memref<!tpu.dma_semaphore, #tpu.memory_space<semaphore_mem>>)
          %dma_wait3A = arith.constant 0 : i32
          %dma_wait3A_100 = tpu.memref_slice %arg22[%add3A_55, %dma_wait3A] : memref<13320x128xf32, #tpu.memory_space<vmem_shared>> -> memref<64x128xf32, #tpu.memory_space<vmem_shared>>
          %dma_wait3A_101 = arith.constant 0 : i32
          %dma_wait3A_102 = tpu.memref_slice %arg22[%add3A_55, %dma_wait3A_101] : memref<13320x128xf32, #tpu.memory_space<vmem_shared>> -> memref<64x128xf32, #tpu.memory_space<vmem_shared>>
          tpu.wait_dma2 semaphore(%run_scoped3A : memref<!tpu.dma_semaphore, #tpu.memory_space<semaphore_mem>>) src(%arg16 : memref<64x128xf32, #tpu.memory_space<vmem>>) dst(%dma_wait3A_102 : memref<64x128xf32, #tpu.memory_space<vmem_shared>>)
          tpu.yield
        }) : () -> ()
        %mul3A_56 = arith.constant 832 : i32
        %mul3A_57 = arith.muli %arg1, %mul3A_56 : i32
        %add3A_58 = arith.constant 256 : i32
        %add3A_59 = arith.addi %mul3A_57, %add3A_58 : i32
        "tpu.region"() ({
          %run_scoped3A = tpu.sem_alloc : memref<!tpu.dma_semaphore, #tpu.memory_space<semaphore_mem>>
          %dma_start3A = arith.constant 0 : i32
          %dma_start3A_97 = tpu.memref_slice %arg22[%add3A_59, %dma_start3A] : memref<13320x128xf32, #tpu.memory_space<vmem_shared>> -> memref<64x128xf32, #tpu.memory_space<vmem_shared>>
          %dma_start3A_98 = arith.constant 0 : i32
          %dma_start3A_99 = tpu.memref_slice %arg22[%add3A_59, %dma_start3A_98] : memref<13320x128xf32, #tpu.memory_space<vmem_shared>> -> memref<64x128xf32, #tpu.memory_space<vmem_shared>>
          tpu.enqueue_dma source(%arg16 : memref<64x128xf32, #tpu.memory_space<vmem>>) target(%dma_start3A_99 : memref<64x128xf32, #tpu.memory_space<vmem_shared>>) target_semaphore(%run_scoped3A : memref<!tpu.dma_semaphore, #tpu.memory_space<semaphore_mem>>)
          %dma_wait3A = arith.constant 0 : i32
          %dma_wait3A_100 = tpu.memref_slice %arg22[%add3A_59, %dma_wait3A] : memref<13320x128xf32, #tpu.memory_space<vmem_shared>> -> memref<64x128xf32, #tpu.memory_space<vmem_shared>>
          %dma_wait3A_101 = arith.constant 0 : i32
          %dma_wait3A_102 = tpu.memref_slice %arg22[%add3A_59, %dma_wait3A_101] : memref<13320x128xf32, #tpu.memory_space<vmem_shared>> -> memref<64x128xf32, #tpu.memory_space<vmem_shared>>
          tpu.wait_dma2 semaphore(%run_scoped3A : memref<!tpu.dma_semaphore, #tpu.memory_space<semaphore_mem>>) src(%arg16 : memref<64x128xf32, #tpu.memory_space<vmem>>) dst(%dma_wait3A_102 : memref<64x128xf32, #tpu.memory_space<vmem_shared>>)
          tpu.yield
        }) : () -> ()
        %mul3A_60 = arith.constant 832 : i32
        %mul3A_61 = arith.muli %arg1, %mul3A_60 : i32
        %add3A_62 = arith.constant 320 : i32
        %add3A_63 = arith.addi %mul3A_61, %add3A_62 : i32
        "tpu.region"() ({
          %run_scoped3A = tpu.sem_alloc : memref<!tpu.dma_semaphore, #tpu.memory_space<semaphore_mem>>
          %dma_start3A = arith.constant 0 : i32
          %dma_start3A_97 = tpu.memref_slice %arg22[%add3A_63, %dma_start3A] : memref<13320x128xf32, #tpu.memory_space<vmem_shared>> -> memref<64x128xf32, #tpu.memory_space<vmem_shared>>
          %dma_start3A_98 = arith.constant 0 : i32
          %dma_start3A_99 = tpu.memref_slice %arg22[%add3A_63, %dma_start3A_98] : memref<13320x128xf32, #tpu.memory_space<vmem_shared>> -> memref<64x128xf32, #tpu.memory_space<vmem_shared>>
          tpu.enqueue_dma source(%arg16 : memref<64x128xf32, #tpu.memory_space<vmem>>) target(%dma_start3A_99 : memref<64x128xf32, #tpu.memory_space<vmem_shared>>) target_semaphore(%run_scoped3A : memref<!tpu.dma_semaphore, #tpu.memory_space<semaphore_mem>>)
          %dma_wait3A = arith.constant 0 : i32
          %dma_wait3A_100 = tpu.memref_slice %arg22[%add3A_63, %dma_wait3A] : memref<13320x128xf32, #tpu.memory_space<vmem_shared>> -> memref<64x128xf32, #tpu.memory_space<vmem_shared>>
          %dma_wait3A_101 = arith.constant 0 : i32
          %dma_wait3A_102 = tpu.memref_slice %arg22[%add3A_63, %dma_wait3A_101] : memref<13320x128xf32, #tpu.memory_space<vmem_shared>> -> memref<64x128xf32, #tpu.memory_space<vmem_shared>>
          tpu.wait_dma2 semaphore(%run_scoped3A : memref<!tpu.dma_semaphore, #tpu.memory_space<semaphore_mem>>) src(%arg16 : memref<64x128xf32, #tpu.memory_space<vmem>>) dst(%dma_wait3A_102 : memref<64x128xf32, #tpu.memory_space<vmem_shared>>)
          tpu.yield
        }) : () -> ()
        %mul3A_64 = arith.constant 832 : i32
        %mul3A_65 = arith.muli %arg1, %mul3A_64 : i32
        %add3A_66 = arith.constant 384 : i32
        %add3A_67 = arith.addi %mul3A_65, %add3A_66 : i32
        "tpu.region"() ({
          %run_scoped3A = tpu.sem_alloc : memref<!tpu.dma_semaphore, #tpu.memory_space<semaphore_mem>>
          %dma_start3A = arith.constant 0 : i32
          %dma_start3A_97 = tpu.memref_slice %arg22[%add3A_67, %dma_start3A] : memref<13320x128xf32, #tpu.memory_space<vmem_shared>> -> memref<64x128xf32, #tpu.memory_space<vmem_shared>>
          %dma_start3A_98 = arith.constant 0 : i32
          %dma_start3A_99 = tpu.memref_slice %arg22[%add3A_67, %dma_start3A_98] : memref<13320x128xf32, #tpu.memory_space<vmem_shared>> -> memref<64x128xf32, #tpu.memory_space<vmem_shared>>
          tpu.enqueue_dma source(%arg16 : memref<64x128xf32, #tpu.memory_space<vmem>>) target(%dma_start3A_99 : memref<64x128xf32, #tpu.memory_space<vmem_shared>>) target_semaphore(%run_scoped3A : memref<!tpu.dma_semaphore, #tpu.memory_space<semaphore_mem>>)
          %dma_wait3A = arith.constant 0 : i32
          %dma_wait3A_100 = tpu.memref_slice %arg22[%add3A_67, %dma_wait3A] : memref<13320x128xf32, #tpu.memory_space<vmem_shared>> -> memref<64x128xf32, #tpu.memory_space<vmem_shared>>
          %dma_wait3A_101 = arith.constant 0 : i32
          %dma_wait3A_102 = tpu.memref_slice %arg22[%add3A_67, %dma_wait3A_101] : memref<13320x128xf32, #tpu.memory_space<vmem_shared>> -> memref<64x128xf32, #tpu.memory_space<vmem_shared>>
          tpu.wait_dma2 semaphore(%run_scoped3A : memref<!tpu.dma_semaphore, #tpu.memory_space<semaphore_mem>>) src(%arg16 : memref<64x128xf32, #tpu.memory_space<vmem>>) dst(%dma_wait3A_102 : memref<64x128xf32, #tpu.memory_space<vmem_shared>>)
          tpu.yield
        }) : () -> ()
        %mul3A_68 = arith.constant 832 : i32
        %mul3A_69 = arith.muli %arg1, %mul3A_68 : i32
        %add3A_70 = arith.constant 448 : i32
        %add3A_71 = arith.addi %mul3A_69, %add3A_70 : i32
        "tpu.region"() ({
          %run_scoped3A = tpu.sem_alloc : memref<!tpu.dma_semaphore, #tpu.memory_space<semaphore_mem>>
          %dma_start3A = arith.constant 0 : i32
          %dma_start3A_97 = tpu.memref_slice %arg22[%add3A_71, %dma_start3A] : memref<13320x128xf32, #tpu.memory_space<vmem_shared>> -> memref<64x128xf32, #tpu.memory_space<vmem_shared>>
          %dma_start3A_98 = arith.constant 0 : i32
          %dma_start3A_99 = tpu.memref_slice %arg22[%add3A_71, %dma_start3A_98] : memref<13320x128xf32, #tpu.memory_space<vmem_shared>> -> memref<64x128xf32, #tpu.memory_space<vmem_shared>>
          tpu.enqueue_dma source(%arg16 : memref<64x128xf32, #tpu.memory_space<vmem>>) target(%dma_start3A_99 : memref<64x128xf32, #tpu.memory_space<vmem_shared>>) target_semaphore(%run_scoped3A : memref<!tpu.dma_semaphore, #tpu.memory_space<semaphore_mem>>)
          %dma_wait3A = arith.constant 0 : i32
          %dma_wait3A_100 = tpu.memref_slice %arg22[%add3A_71, %dma_wait3A] : memref<13320x128xf32, #tpu.memory_space<vmem_shared>> -> memref<64x128xf32, #tpu.memory_space<vmem_shared>>
          %dma_wait3A_101 = arith.constant 0 : i32
          %dma_wait3A_102 = tpu.memref_slice %arg22[%add3A_71, %dma_wait3A_101] : memref<13320x128xf32, #tpu.memory_space<vmem_shared>> -> memref<64x128xf32, #tpu.memory_space<vmem_shared>>
          tpu.wait_dma2 semaphore(%run_scoped3A : memref<!tpu.dma_semaphore, #tpu.memory_space<semaphore_mem>>) src(%arg16 : memref<64x128xf32, #tpu.memory_space<vmem>>) dst(%dma_wait3A_102 : memref<64x128xf32, #tpu.memory_space<vmem_shared>>)
          tpu.yield
        }) : () -> ()
        %mul3A_72 = arith.constant 832 : i32
        %mul3A_73 = arith.muli %arg1, %mul3A_72 : i32
        %add3A_74 = arith.constant 512 : i32
        %add3A_75 = arith.addi %mul3A_73, %add3A_74 : i32
        "tpu.region"() ({
          %run_scoped3A = tpu.sem_alloc : memref<!tpu.dma_semaphore, #tpu.memory_space<semaphore_mem>>
          %dma_start3A = arith.constant 0 : i32
          %dma_start3A_97 = tpu.memref_slice %arg22[%add3A_75, %dma_start3A] : memref<13320x128xf32, #tpu.memory_space<vmem_shared>> -> memref<64x128xf32, #tpu.memory_space<vmem_shared>>
          %dma_start3A_98 = arith.constant 0 : i32
          %dma_start3A_99 = tpu.memref_slice %arg22[%add3A_75, %dma_start3A_98] : memref<13320x128xf32, #tpu.memory_space<vmem_shared>> -> memref<64x128xf32, #tpu.memory_space<vmem_shared>>
          tpu.enqueue_dma source(%arg16 : memref<64x128xf32, #tpu.memory_space<vmem>>) target(%dma_start3A_99 : memref<64x128xf32, #tpu.memory_space<vmem_shared>>) target_semaphore(%run_scoped3A : memref<!tpu.dma_semaphore, #tpu.memory_space<semaphore_mem>>)
          %dma_wait3A = arith.constant 0 : i32
          %dma_wait3A_100 = tpu.memref_slice %arg22[%add3A_75, %dma_wait3A] : memref<13320x128xf32, #tpu.memory_space<vmem_shared>> -> memref<64x128xf32, #tpu.memory_space<vmem_shared>>
          %dma_wait3A_101 = arith.constant 0 : i32
          %dma_wait3A_102 = tpu.memref_slice %arg22[%add3A_75, %dma_wait3A_101] : memref<13320x128xf32, #tpu.memory_space<vmem_shared>> -> memref<64x128xf32, #tpu.memory_space<vmem_shared>>
          tpu.wait_dma2 semaphore(%run_scoped3A : memref<!tpu.dma_semaphore, #tpu.memory_space<semaphore_mem>>) src(%arg16 : memref<64x128xf32, #tpu.memory_space<vmem>>) dst(%dma_wait3A_102 : memref<64x128xf32, #tpu.memory_space<vmem_shared>>)
          tpu.yield
        }) : () -> ()
        %mul3A_76 = arith.constant 832 : i32
        %mul3A_77 = arith.muli %arg1, %mul3A_76 : i32
        %add3A_78 = arith.constant 576 : i32
        %add3A_79 = arith.addi %mul3A_77, %add3A_78 : i32
        "tpu.region"() ({
          %run_scoped3A = tpu.sem_alloc : memref<!tpu.dma_semaphore, #tpu.memory_space<semaphore_mem>>
          %dma_start3A = arith.constant 0 : i32
          %dma_start3A_97 = tpu.memref_slice %arg22[%add3A_79, %dma_start3A] : memref<13320x128xf32, #tpu.memory_space<vmem_shared>> -> memref<64x128xf32, #tpu.memory_space<vmem_shared>>
          %dma_start3A_98 = arith.constant 0 : i32
          %dma_start3A_99 = tpu.memref_slice %arg22[%add3A_79, %dma_start3A_98] : memref<13320x128xf32, #tpu.memory_space<vmem_shared>> -> memref<64x128xf32, #tpu.memory_space<vmem_shared>>
          tpu.enqueue_dma source(%arg16 : memref<64x128xf32, #tpu.memory_space<vmem>>) target(%dma_start3A_99 : memref<64x128xf32, #tpu.memory_space<vmem_shared>>) target_semaphore(%run_scoped3A : memref<!tpu.dma_semaphore, #tpu.memory_space<semaphore_mem>>)
          %dma_wait3A = arith.constant 0 : i32
          %dma_wait3A_100 = tpu.memref_slice %arg22[%add3A_79, %dma_wait3A] : memref<13320x128xf32, #tpu.memory_space<vmem_shared>> -> memref<64x128xf32, #tpu.memory_space<vmem_shared>>
          %dma_wait3A_101 = arith.constant 0 : i32
          %dma_wait3A_102 = tpu.memref_slice %arg22[%add3A_79, %dma_wait3A_101] : memref<13320x128xf32, #tpu.memory_space<vmem_shared>> -> memref<64x128xf32, #tpu.memory_space<vmem_shared>>
          tpu.wait_dma2 semaphore(%run_scoped3A : memref<!tpu.dma_semaphore, #tpu.memory_space<semaphore_mem>>) src(%arg16 : memref<64x128xf32, #tpu.memory_space<vmem>>) dst(%dma_wait3A_102 : memref<64x128xf32, #tpu.memory_space<vmem_shared>>)
          tpu.yield
        }) : () -> ()
        %mul3A_80 = arith.constant 832 : i32
        %mul3A_81 = arith.muli %arg1, %mul3A_80 : i32
        %add3A_82 = arith.constant 640 : i32
        %add3A_83 = arith.addi %mul3A_81, %add3A_82 : i32
        "tpu.region"() ({
          %run_scoped3A = tpu.sem_alloc : memref<!tpu.dma_semaphore, #tpu.memory_space<semaphore_mem>>
          %dma_start3A = arith.constant 0 : i32
          %dma_start3A_97 = tpu.memref_slice %arg22[%add3A_83, %dma_start3A] : memref<13320x128xf32, #tpu.memory_space<vmem_shared>> -> memref<64x128xf32, #tpu.memory_space<vmem_shared>>
          %dma_start3A_98 = arith.constant 0 : i32
          %dma_start3A_99 = tpu.memref_slice %arg22[%add3A_83, %dma_start3A_98] : memref<13320x128xf32, #tpu.memory_space<vmem_shared>> -> memref<64x128xf32, #tpu.memory_space<vmem_shared>>
          tpu.enqueue_dma source(%arg16 : memref<64x128xf32, #tpu.memory_space<vmem>>) target(%dma_start3A_99 : memref<64x128xf32, #tpu.memory_space<vmem_shared>>) target_semaphore(%run_scoped3A : memref<!tpu.dma_semaphore, #tpu.memory_space<semaphore_mem>>)
          %dma_wait3A = arith.constant 0 : i32
          %dma_wait3A_100 = tpu.memref_slice %arg22[%add3A_83, %dma_wait3A] : memref<13320x128xf32, #tpu.memory_space<vmem_shared>> -> memref<64x128xf32, #tpu.memory_space<vmem_shared>>
          %dma_wait3A_101 = arith.constant 0 : i32
          %dma_wait3A_102 = tpu.memref_slice %arg22[%add3A_83, %dma_wait3A_101] : memref<13320x128xf32, #tpu.memory_space<vmem_shared>> -> memref<64x128xf32, #tpu.memory_space<vmem_shared>>
          tpu.wait_dma2 semaphore(%run_scoped3A : memref<!tpu.dma_semaphore, #tpu.memory_space<semaphore_mem>>) src(%arg16 : memref<64x128xf32, #tpu.memory_space<vmem>>) dst(%dma_wait3A_102 : memref<64x128xf32, #tpu.memory_space<vmem_shared>>)
          tpu.yield
        }) : () -> ()
        %mul3A_84 = arith.constant 832 : i32
        %mul3A_85 = arith.muli %arg1, %mul3A_84 : i32
        %add3A_86 = arith.constant 704 : i32
        %add3A_87 = arith.addi %mul3A_85, %add3A_86 : i32
        "tpu.region"() ({
          %run_scoped3A = tpu.sem_alloc : memref<!tpu.dma_semaphore, #tpu.memory_space<semaphore_mem>>
          %dma_start3A = arith.constant 0 : i32
          %dma_start3A_97 = tpu.memref_slice %arg22[%add3A_87, %dma_start3A] : memref<13320x128xf32, #tpu.memory_space<vmem_shared>> -> memref<64x128xf32, #tpu.memory_space<vmem_shared>>
          %dma_start3A_98 = arith.constant 0 : i32
          %dma_start3A_99 = tpu.memref_slice %arg22[%add3A_87, %dma_start3A_98] : memref<13320x128xf32, #tpu.memory_space<vmem_shared>> -> memref<64x128xf32, #tpu.memory_space<vmem_shared>>
          tpu.enqueue_dma source(%arg16 : memref<64x128xf32, #tpu.memory_space<vmem>>) target(%dma_start3A_99 : memref<64x128xf32, #tpu.memory_space<vmem_shared>>) target_semaphore(%run_scoped3A : memref<!tpu.dma_semaphore, #tpu.memory_space<semaphore_mem>>)
          %dma_wait3A = arith.constant 0 : i32
          %dma_wait3A_100 = tpu.memref_slice %arg22[%add3A_87, %dma_wait3A] : memref<13320x128xf32, #tpu.memory_space<vmem_shared>> -> memref<64x128xf32, #tpu.memory_space<vmem_shared>>
          %dma_wait3A_101 = arith.constant 0 : i32
          %dma_wait3A_102 = tpu.memref_slice %arg22[%add3A_87, %dma_wait3A_101] : memref<13320x128xf32, #tpu.memory_space<vmem_shared>> -> memref<64x128xf32, #tpu.memory_space<vmem_shared>>
          tpu.wait_dma2 semaphore(%run_scoped3A : memref<!tpu.dma_semaphore, #tpu.memory_space<semaphore_mem>>) src(%arg16 : memref<64x128xf32, #tpu.memory_space<vmem>>) dst(%dma_wait3A_102 : memref<64x128xf32, #tpu.memory_space<vmem_shared>>)
          tpu.yield
        }) : () -> ()
        %mul3A_88 = arith.constant 832 : i32
        %mul3A_89 = arith.muli %arg1, %mul3A_88 : i32
        %add3A_90 = arith.constant 768 : i32
        %add3A_91 = arith.addi %mul3A_89, %add3A_90 : i32
        "tpu.region"() ({
          %run_scoped3A = tpu.sem_alloc : memref<!tpu.dma_semaphore, #tpu.memory_space<semaphore_mem>>
          %dma_start3A = arith.constant 0 : i32
          %dma_start3A_97 = tpu.memref_slice %arg22[%add3A_91, %dma_start3A] : memref<13320x128xf32, #tpu.memory_space<vmem_shared>> -> memref<64x128xf32, #tpu.memory_space<vmem_shared>>
          %dma_start3A_98 = arith.constant 0 : i32
          %dma_start3A_99 = tpu.memref_slice %arg22[%add3A_91, %dma_start3A_98] : memref<13320x128xf32, #tpu.memory_space<vmem_shared>> -> memref<64x128xf32, #tpu.memory_space<vmem_shared>>
          tpu.enqueue_dma source(%arg16 : memref<64x128xf32, #tpu.memory_space<vmem>>) target(%dma_start3A_99 : memref<64x128xf32, #tpu.memory_space<vmem_shared>>) target_semaphore(%run_scoped3A : memref<!tpu.dma_semaphore, #tpu.memory_space<semaphore_mem>>)
          %dma_wait3A = arith.constant 0 : i32
          %dma_wait3A_100 = tpu.memref_slice %arg22[%add3A_91, %dma_wait3A] : memref<13320x128xf32, #tpu.memory_space<vmem_shared>> -> memref<64x128xf32, #tpu.memory_space<vmem_shared>>
          %dma_wait3A_101 = arith.constant 0 : i32
          %dma_wait3A_102 = tpu.memref_slice %arg22[%add3A_91, %dma_wait3A_101] : memref<13320x128xf32, #tpu.memory_space<vmem_shared>> -> memref<64x128xf32, #tpu.memory_space<vmem_shared>>
          tpu.wait_dma2 semaphore(%run_scoped3A : memref<!tpu.dma_semaphore, #tpu.memory_space<semaphore_mem>>) src(%arg16 : memref<64x128xf32, #tpu.memory_space<vmem>>) dst(%dma_wait3A_102 : memref<64x128xf32, #tpu.memory_space<vmem_shared>>)
          tpu.yield
        }) : () -> ()
        %eq3A_92 = arith.constant 0 : i32
        %eq3A_93 = arith.cmpi eq, %arg1, %eq3A_92 : i32
        %convert_element_type3A_94 = arith.extui %eq3A_93 : i1 to i32
        %cond3A_95 = arith.constant 0 : i32
        %cond3A_96 = arith.cmpi ne, %convert_element_type3A_94, %cond3A_95 : i32
        scf.if %cond3A_96 {
          "tpu.region"() ({
            %run_scoped3A = tpu.sem_alloc : memref<!tpu.dma_semaphore, #tpu.memory_space<semaphore_mem>>
            %dma_start3A = arith.constant 0 : i32
            %dma_start3A_97 = arith.constant 0 : i32
            %dma_start3A_98 = tpu.memref_slice %arg16[%dma_start3A, %dma_start3A_97] : memref<64x128xf32, #tpu.memory_space<vmem>> -> memref<8x128xf32, #tpu.memory_space<vmem>>
            %dma_start3A_99 = arith.constant 13312 : i32
            %dma_start3A_100 = arith.constant 0 : i32
            %dma_start3A_101 = tpu.memref_slice %arg22[%dma_start3A_99, %dma_start3A_100] : memref<13320x128xf32, #tpu.memory_space<vmem_shared>> -> memref<8x128xf32, #tpu.memory_space<vmem_shared>>
            %dma_start3A_102 = arith.constant 13312 : i32
            %dma_start3A_103 = arith.constant 0 : i32
            %dma_start3A_104 = tpu.memref_slice %arg22[%dma_start3A_102, %dma_start3A_103] : memref<13320x128xf32, #tpu.memory_space<vmem_shared>> -> memref<8x128xf32, #tpu.memory_space<vmem_shared>>
            %dma_start3A_105 = arith.constant 0 : i32
            %dma_start3A_106 = arith.constant 0 : i32
            %dma_start3A_107 = tpu.memref_slice %arg16[%dma_start3A_105, %dma_start3A_106] : memref<64x128xf32, #tpu.memory_space<vmem>> -> memref<8x128xf32, #tpu.memory_space<vmem>>
            tpu.enqueue_dma source(%dma_start3A_107 : memref<8x128xf32, #tpu.memory_space<vmem>>) target(%dma_start3A_104 : memref<8x128xf32, #tpu.memory_space<vmem_shared>>) target_semaphore(%run_scoped3A : memref<!tpu.dma_semaphore, #tpu.memory_space<semaphore_mem>>)
            %dma_wait3A = arith.constant 0 : i32
            %dma_wait3A_108 = arith.constant 0 : i32
            %dma_wait3A_109 = tpu.memref_slice %arg16[%dma_wait3A, %dma_wait3A_108] : memref<64x128xf32, #tpu.memory_space<vmem>> -> memref<8x128xf32, #tpu.memory_space<vmem>>
            %dma_wait3A_110 = arith.constant 13312 : i32
            %dma_wait3A_111 = arith.constant 0 : i32
            %dma_wait3A_112 = tpu.memref_slice %arg22[%dma_wait3A_110, %dma_wait3A_111] : memref<13320x128xf32, #tpu.memory_space<vmem_shared>> -> memref<8x128xf32, #tpu.memory_space<vmem_shared>>
            %dma_wait3A_113 = arith.constant 13312 : i32
            %dma_wait3A_114 = arith.constant 0 : i32
            %dma_wait3A_115 = tpu.memref_slice %arg22[%dma_wait3A_113, %dma_wait3A_114] : memref<13320x128xf32, #tpu.memory_space<vmem_shared>> -> memref<8x128xf32, #tpu.memory_space<vmem_shared>>
            %dma_wait3A_116 = arith.constant 0 : i32
            %dma_wait3A_117 = arith.constant 0 : i32
            %dma_wait3A_118 = tpu.memref_slice %arg16[%dma_wait3A_116, %dma_wait3A_117] : memref<64x128xf32, #tpu.memory_space<vmem>> -> memref<8x128xf32, #tpu.memory_space<vmem>>
            tpu.wait_dma2 semaphore(%run_scoped3A : memref<!tpu.dma_semaphore, #tpu.memory_space<semaphore_mem>>) src(%dma_wait3A_118 : memref<8x128xf32, #tpu.memory_space<vmem>>) dst(%dma_wait3A_115 : memref<8x128xf32, #tpu.memory_space<vmem_shared>>)
            tpu.yield
          }) : () -> ()
        } else {
        }
      } else {
      }
      %barrier3A = arith.constant 0 : index
      tpu.barrier barrier_id(%barrier3A)
      %convert_element_type3A_24 = arith.extui %eq3A_20 : i1 to i32
      %cond3A_25 = arith.constant 0 : i32
      %cond3A_26 = arith.cmpi ne, %convert_element_type3A_24, %cond3A_25 : i32
      scf.if %cond3A_26 {
        %scan3A_33 = arith.constant 0 : i32
        %scan3A_34 = arith.constant 0 : i32
        %scan3A_35 = arith.constant 31 : i32
        %scan3A_36 = arith.addi %scan3A_34, %scan3A_35 : i32
        %scan3A_37 = arith.constant 1 : i32
        %scan3A_38 = scf.for %scan3A_114 = %scan3A_34 to %scan3A_36 step %scan3A_37 iter_args(%scan3A_115 = %scan3A_33) -> (i32)  : i32 {
          %mul3A_116 = arith.constant 1024 : i32
          %mul3A_117 = arith.muli %scan3A_114, %mul3A_116 : i32
          %add3A_118 = arith.addi %mul3A_0, %mul3A_117 : i32
          "tpu.region"() ({
            %run_scoped3A = tpu.sem_alloc : memref<!tpu.dma_semaphore, #tpu.memory_space<semaphore_mem>>
            %dma_start3A = tpu.memref_slice %arg4[%add3A_118] : memref<507904xi32, #tpu.memory_space<hbm>> -> memref<1024xi32, #tpu.memory_space<hbm>>
            %dma_start3A_164 = tpu.memref_slice %arg4[%add3A_118] : memref<507904xi32, #tpu.memory_space<hbm>> -> memref<1024xi32, #tpu.memory_space<hbm>>
            tpu.enqueue_dma source(%dma_start3A_164 : memref<1024xi32, #tpu.memory_space<hbm>>) target(%arg11 : memref<1024xi32, #tpu.memory_space<vmem>>) target_semaphore(%run_scoped3A : memref<!tpu.dma_semaphore, #tpu.memory_space<semaphore_mem>>)
            %dma_wait3A = tpu.memref_slice %arg4[%add3A_118] : memref<507904xi32, #tpu.memory_space<hbm>> -> memref<1024xi32, #tpu.memory_space<hbm>>
            %dma_wait3A_165 = tpu.memref_slice %arg4[%add3A_118] : memref<507904xi32, #tpu.memory_space<hbm>> -> memref<1024xi32, #tpu.memory_space<hbm>>
            tpu.wait_dma2 semaphore(%run_scoped3A : memref<!tpu.dma_semaphore, #tpu.memory_space<semaphore_mem>>) src(%dma_wait3A_165 : memref<1024xi32, #tpu.memory_space<hbm>>) dst(%arg11 : memref<1024xi32, #tpu.memory_space<vmem>>)
            tpu.yield
          }) : () -> ()
          %add3A_119 = arith.addi %mul3A_0, %mul3A_117 : i32
          "tpu.region"() ({
            %run_scoped3A = tpu.sem_alloc : memref<!tpu.dma_semaphore, #tpu.memory_space<semaphore_mem>>
            %dma_start3A = tpu.memref_slice %arg3[%add3A_119] : memref<507904xi32, #tpu.memory_space<hbm>> -> memref<1024xi32, #tpu.memory_space<hbm>>
            %dma_start3A_164 = tpu.memref_slice %arg3[%add3A_119] : memref<507904xi32, #tpu.memory_space<hbm>> -> memref<1024xi32, #tpu.memory_space<hbm>>
            tpu.enqueue_dma source(%dma_start3A_164 : memref<1024xi32, #tpu.memory_space<hbm>>) target(%arg12 : memref<1024xi32, #tpu.memory_space<vmem>>) target_semaphore(%run_scoped3A : memref<!tpu.dma_semaphore, #tpu.memory_space<semaphore_mem>>)
            %dma_wait3A = tpu.memref_slice %arg3[%add3A_119] : memref<507904xi32, #tpu.memory_space<hbm>> -> memref<1024xi32, #tpu.memory_space<hbm>>
            %dma_wait3A_165 = tpu.memref_slice %arg3[%add3A_119] : memref<507904xi32, #tpu.memory_space<hbm>> -> memref<1024xi32, #tpu.memory_space<hbm>>
            tpu.wait_dma2 semaphore(%run_scoped3A : memref<!tpu.dma_semaphore, #tpu.memory_space<semaphore_mem>>) src(%dma_wait3A_165 : memref<1024xi32, #tpu.memory_space<hbm>>) dst(%arg12 : memref<1024xi32, #tpu.memory_space<vmem>>)
            tpu.yield
          }) : () -> ()
          %add3A_120 = arith.addi %mul3A_0, %mul3A_117 : i32
          "tpu.region"() ({
            %run_scoped3A = tpu.sem_alloc : memref<!tpu.dma_semaphore, #tpu.memory_space<semaphore_mem>>
            %dma_start3A = tpu.memref_slice %arg5[%add3A_120] : memref<507904xf32, #tpu.memory_space<hbm>> -> memref<1024xf32, #tpu.memory_space<hbm>>
            %dma_start3A_164 = tpu.memref_slice %arg5[%add3A_120] : memref<507904xf32, #tpu.memory_space<hbm>> -> memref<1024xf32, #tpu.memory_space<hbm>>
            tpu.enqueue_dma source(%dma_start3A_164 : memref<1024xf32, #tpu.memory_space<hbm>>) target(%arg13 : memref<1024xf32, #tpu.memory_space<vmem>>) target_semaphore(%run_scoped3A : memref<!tpu.dma_semaphore, #tpu.memory_space<semaphore_mem>>)
            %dma_wait3A = tpu.memref_slice %arg5[%add3A_120] : memref<507904xf32, #tpu.memory_space<hbm>> -> memref<1024xf32, #tpu.memory_space<hbm>>
            %dma_wait3A_165 = tpu.memref_slice %arg5[%add3A_120] : memref<507904xf32, #tpu.memory_space<hbm>> -> memref<1024xf32, #tpu.memory_space<hbm>>
            tpu.wait_dma2 semaphore(%run_scoped3A : memref<!tpu.dma_semaphore, #tpu.memory_space<semaphore_mem>>) src(%dma_wait3A_165 : memref<1024xf32, #tpu.memory_space<hbm>>) dst(%arg13 : memref<1024xf32, #tpu.memory_space<vmem>>)
            tpu.yield
          }) : () -> ()
          %scan3A_121 = arith.constant 0 : i32
          %scan3A_122 = arith.constant 64 : i32
          %scan3A_123 = arith.addi %scan3A_121, %scan3A_122 : i32
          %scan3A_124 = arith.constant 1 : i32
          %scan3A_125 = scf.for %scan3A_164 = %scan3A_121 to %scan3A_123 step %scan3A_124 iter_args(%scan3A_165 = %scan3A_115) -> (i32)  : i32 {
            %mul3A_166 = arith.constant 16 : i32
            %mul3A_167 = arith.muli %scan3A_164, %mul3A_166 : i32
            %get3A = arith.index_cast %mul3A_167 : i32 to index
            %get3A_168 = tpu.vector_load %arg11[%get3A] {strides = array<i32>} : memref<1024xi32, #tpu.memory_space<vmem>>, vector<16xi32>,
            %get3A_169 = vector.shape_cast %get3A_168 : vector<16xi32> to vector<16xi32>
            %mul3A_170 = arith.constant 16 : i32
            %mul3A_171 = arith.muli %scan3A_164, %mul3A_170 : i32
            %get3A_172 = arith.index_cast %mul3A_171 : i32 to index
            %get3A_173 = tpu.vector_load %arg12[%get3A_172] {strides = array<i32>} : memref<1024xi32, #tpu.memory_space<vmem>>, vector<16xi32>,
            %get3A_174 = vector.shape_cast %get3A_173 : vector<16xi32> to vector<16xi32>
            %mul3A_175 = arith.constant 16 : i32
            %mul3A_176 = arith.muli %scan3A_164, %mul3A_175 : i32
            %get3A_177 = arith.index_cast %mul3A_176 : i32 to index
            %get3A_178 = tpu.vector_load %arg13[%get3A_177] {strides = array<i32>} : memref<1024xf32, #tpu.memory_space<vmem>>, vector<16xf32>,
            %get3A_179 = vector.shape_cast %get3A_178 : vector<16xf32> to vector<16xf32>
            %ge3A = vector.broadcast %mul3A_22 : i32 to vector<16xi32>
            %ge3A_180 = arith.cmpi sge, %get3A_169, %ge3A : vector<16xi32>
            %add3A_181 = arith.constant 13312 : i32
            %add3A_182 = arith.addi %mul3A_22, %add3A_181 : i32
            %lt3A_183 = vector.broadcast %add3A_182 : i32 to vector<16xi32>
            %lt3A_184 = arith.cmpi slt, %get3A_169, %lt3A_183 : vector<16xi32>
            %and3A_185 = arith.andi %ge3A_180, %lt3A_184 : vector<16xi1>
            %iota3A = tpu.iota {dimensions = array<i32: 0>} : vector<16xi32>
            %jit3A_186 = arith.constant 1 : i32
            %jit3A_187 = arith.constant 0 : i32
            %broadcast_in_dim3A_188 = vector.broadcast %jit3A_186 : i32 to vector<16xi32>
            %broadcast_in_dim3A_189 = vector.broadcast %jit3A_187 : i32 to vector<16xi32>
            %select_n3A_190 = arith.select %and3A_185, %broadcast_in_dim3A_188, %broadcast_in_dim3A_189 : vector<16xi1>, vector<16xi32>
            %iota3A_191 = tpu.iota {dimensions = array<i32: 0>} : vector<16xi32>
            %sub3A_192 = arith.constant 1 : i32
            %sub3A_193 = vector.broadcast %sub3A_192 : i32 to vector<16xi32>
            %sub3A_194 = arith.subi %iota3A_191, %sub3A_193 : vector<16xi32>
            %max3A = arith.constant 0 : i32
            %max3A_195 = vector.broadcast %max3A : i32 to vector<16xi32>
            %max3A_196 = arith.maxsi %sub3A_194, %max3A_195 : vector<16xi32>
            %ge3A_197 = arith.constant 1 : i32
            %ge3A_198 = vector.broadcast %ge3A_197 : i32 to vector<16xi32>
            %ge3A_199 = arith.cmpi sge, %iota3A_191, %ge3A_198 : vector<16xi32>
            %broadcast_in_dim3A_200 = vector.shape_cast %max3A_196 : vector<16xi32> to vector<16x1xi32>
            %gather3A = vector.shape_cast %broadcast_in_dim3A_200 : vector<16x1xi32> to vector<16xi32>
            %gather3A_201 = tpu.dynamic_gather %select_n3A_190[%gather3A] in [0] : vector<16xi32>, vector<16xi32> -> vector<16xi32>
            %jit3A_202 = arith.constant 0 : i32
            %broadcast_in_dim3A_203 = vector.broadcast %jit3A_202 : i32 to vector<16xi32>
            %select_n3A_204 = arith.select %ge3A_199, %gather3A_201, %broadcast_in_dim3A_203 : vector<16xi1>, vector<16xi32>
            %add3A_205 = arith.addi %select_n3A_190, %select_n3A_204 : vector<16xi32>
            %sub3A_206 = arith.constant 2 : i32
            %sub3A_207 = vector.broadcast %sub3A_206 : i32 to vector<16xi32>
            %sub3A_208 = arith.subi %iota3A_191, %sub3A_207 : vector<16xi32>
            %max3A_209 = arith.constant 0 : i32
            %max3A_210 = vector.broadcast %max3A_209 : i32 to vector<16xi32>
            %max3A_211 = arith.maxsi %sub3A_208, %max3A_210 : vector<16xi32>
            %ge3A_212 = arith.constant 2 : i32
            %ge3A_213 = vector.broadcast %ge3A_212 : i32 to vector<16xi32>
            %ge3A_214 = arith.cmpi sge, %iota3A_191, %ge3A_213 : vector<16xi32>
            %broadcast_in_dim3A_215 = vector.shape_cast %max3A_211 : vector<16xi32> to vector<16x1xi32>
            %gather3A_216 = vector.shape_cast %broadcast_in_dim3A_215 : vector<16x1xi32> to vector<16xi32>
            %gather3A_217 = tpu.dynamic_gather %add3A_205[%gather3A_216] in [0] : vector<16xi32>, vector<16xi32> -> vector<16xi32>
            %jit3A_218 = arith.constant 0 : i32
            %broadcast_in_dim3A_219 = vector.broadcast %jit3A_218 : i32 to vector<16xi32>
            %select_n3A_220 = arith.select %ge3A_214, %gather3A_217, %broadcast_in_dim3A_219 : vector<16xi1>, vector<16xi32>
            %add3A_221 = arith.addi %add3A_205, %select_n3A_220 : vector<16xi32>
            %sub3A_222 = arith.constant 4 : i32
            %sub3A_223 = vector.broadcast %sub3A_222 : i32 to vector<16xi32>
            %sub3A_224 = arith.subi %iota3A_191, %sub3A_223 : vector<16xi32>
            %max3A_225 = arith.constant 0 : i32
            %max3A_226 = vector.broadcast %max3A_225 : i32 to vector<16xi32>
            %max3A_227 = arith.maxsi %sub3A_224, %max3A_226 : vector<16xi32>
            %ge3A_228 = arith.constant 4 : i32
            %ge3A_229 = vector.broadcast %ge3A_228 : i32 to vector<16xi32>
            %ge3A_230 = arith.cmpi sge, %iota3A_191, %ge3A_229 : vector<16xi32>
            %broadcast_in_dim3A_231 = vector.shape_cast %max3A_227 : vector<16xi32> to vector<16x1xi32>
            %gather3A_232 = vector.shape_cast %broadcast_in_dim3A_231 : vector<16x1xi32> to vector<16xi32>
            %gather3A_233 = tpu.dynamic_gather %add3A_221[%gather3A_232] in [0] : vector<16xi32>, vector<16xi32> -> vector<16xi32>
            %jit3A_234 = arith.constant 0 : i32
            %broadcast_in_dim3A_235 = vector.broadcast %jit3A_234 : i32 to vector<16xi32>
            %select_n3A_236 = arith.select %ge3A_230, %gather3A_233, %broadcast_in_dim3A_235 : vector<16xi1>, vector<16xi32>
            %add3A_237 = arith.addi %add3A_221, %select_n3A_236 : vector<16xi32>
            %sub3A_238 = arith.constant 8 : i32
            %sub3A_239 = vector.broadcast %sub3A_238 : i32 to vector<16xi32>
            %sub3A_240 = arith.subi %iota3A_191, %sub3A_239 : vector<16xi32>
            %max3A_241 = arith.constant 0 : i32
            %max3A_242 = vector.broadcast %max3A_241 : i32 to vector<16xi32>
            %max3A_243 = arith.maxsi %sub3A_240, %max3A_242 : vector<16xi32>
            %ge3A_244 = arith.constant 8 : i32
            %ge3A_245 = vector.broadcast %ge3A_244 : i32 to vector<16xi32>
            %ge3A_246 = arith.cmpi sge, %iota3A_191, %ge3A_245 : vector<16xi32>
            %broadcast_in_dim3A_247 = vector.shape_cast %max3A_243 : vector<16xi32> to vector<16x1xi32>
            %gather3A_248 = vector.shape_cast %broadcast_in_dim3A_247 : vector<16x1xi32> to vector<16xi32>
            %gather3A_249 = tpu.dynamic_gather %add3A_237[%gather3A_248] in [0] : vector<16xi32>, vector<16xi32> -> vector<16xi32>
            %jit3A_250 = arith.constant 0 : i32
            %broadcast_in_dim3A_251 = vector.broadcast %jit3A_250 : i32 to vector<16xi32>
            %select_n3A_252 = arith.select %ge3A_246, %gather3A_249, %broadcast_in_dim3A_251 : vector<16xi1>, vector<16xi32>
            %add3A_253 = arith.addi %add3A_237, %select_n3A_252 : vector<16xi32>
            %sub3A_254 = arith.subi %iota3A, %add3A_253 : vector<16xi32>
            %add3A_255 = arith.constant 1 : i32
            %add3A_256 = vector.broadcast %add3A_255 : i32 to vector<16xi32>
            %add3A_257 = arith.addi %sub3A_254, %add3A_256 : vector<16xi32>
            %jit3A_258 = arith.constant 0 : i32
            %broadcast_in_dim3A_259 = vector.broadcast %jit3A_258 : i32 to vector<16xi32>
            %select_n3A_260 = arith.select %and3A_185, %add3A_257, %broadcast_in_dim3A_259 : vector<16xi1>, vector<16xi32>
            %sub3A_261 = vector.broadcast %mul3A_22 : i32 to vector<16xi32>
            %sub3A_262 = arith.subi %get3A_169, %sub3A_261 : vector<16xi32>
            %shift_left3A = arith.constant 17 : i32
            %shift_left3A_263 = vector.broadcast %shift_left3A : i32 to vector<16xi32>
            %shift_left3A_264 = arith.shli %sub3A_262, %shift_left3A_263 : vector<16xi32>
            %or3A = arith.ori %shift_left3A_264, %get3A_174 : vector<16xi32>
            %add3A_265 = arith.constant 1 : i32
            %add3A_266 = vector.broadcast %add3A_265 : i32 to vector<16xi32>
            %add3A_267 = arith.addi %iota3A, %add3A_266 : vector<16xi32>
            %min3A = arith.constant 15 : i32
            %min3A_268 = vector.broadcast %min3A : i32 to vector<16xi32>
            %min3A_269 = arith.minsi %add3A_267, %min3A_268 : vector<16xi32>
            %broadcast_in_dim3A_270 = vector.shape_cast %min3A_269 : vector<16xi32> to vector<16x1xi32>
            %gather3A_271 = vector.shape_cast %broadcast_in_dim3A_270 : vector<16x1xi32> to vector<16xi32>
            %gather3A_272 = tpu.dynamic_gather %select_n3A_260[%gather3A_271] in [0] : vector<16xi32>, vector<16xi32> -> vector<16xi32>
            %and3A_273 = arith.constant 1 : i32
            %and3A_274 = vector.broadcast %and3A_273 : i32 to vector<16xi32>
            %and3A_275 = arith.andi %gather3A_272, %and3A_274 : vector<16xi32>
            %ne3A_276 = arith.constant 0 : i32
            %ne3A_277 = vector.broadcast %ne3A_276 : i32 to vector<16xi32>
            %ne3A_278 = arith.cmpi ne, %and3A_275, %ne3A_277 : vector<16xi32>
            %and3A_279 = arith.constant 1 : i32
            %and3A_280 = vector.broadcast %and3A_279 : i32 to vector<16xi32>
            %and3A_281 = arith.andi %select_n3A_260, %and3A_280 : vector<16xi32>
            %ne3A_282 = arith.constant 0 : i32
            %ne3A_283 = vector.broadcast %ne3A_282 : i32 to vector<16xi32>
            %ne3A_284 = arith.cmpi ne, %and3A_281, %ne3A_283 : vector<16xi32>
            %broadcast_in_dim3A_285 = vector.shape_cast %min3A_269 : vector<16xi32> to vector<16x1xi32>
            %gather3A_286 = vector.shape_cast %broadcast_in_dim3A_285 : vector<16x1xi32> to vector<16xi32>
            %gather3A_287 = tpu.dynamic_gather %or3A[%gather3A_286] in [0] : vector<16xi32>, vector<16xi32> -> vector<16xi32>
            %select_n3A_288 = arith.select %ne3A_278, %gather3A_287, %or3A : vector<16xi1>, vector<16xi32>
            %broadcast_in_dim3A_289 = vector.shape_cast %min3A_269 : vector<16xi32> to vector<16x1xi32>
            %gather3A_290 = vector.shape_cast %broadcast_in_dim3A_289 : vector<16x1xi32> to vector<16xi32>
            %gather3A_291 = tpu.dynamic_gather %get3A_179[%gather3A_290] in [0] : vector<16xf32>, vector<16xi32> -> vector<16xf32>
            %select_n3A_292 = arith.select %ne3A_278, %gather3A_291, %get3A_179 : vector<16xi1>, vector<16xf32>
            %and3A_293 = arith.constant -2 : i32
            %and3A_294 = vector.broadcast %and3A_293 : i32 to vector<16xi32>
            %and3A_295 = arith.andi %gather3A_272, %and3A_294 : vector<16xi32>
            %jit3A_296 = arith.constant 0 : i32
            %broadcast_in_dim3A_297 = vector.broadcast %jit3A_296 : i32 to vector<16xi32>
            %select_n3A_298 = arith.select %ne3A_284, %broadcast_in_dim3A_297, %select_n3A_260 : vector<16xi1>, vector<16xi32>
            %select_n3A_299 = arith.select %ne3A_278, %and3A_295, %select_n3A_298 : vector<16xi1>, vector<16xi32>
            %add3A_300 = arith.constant 2 : i32
            %add3A_301 = vector.broadcast %add3A_300 : i32 to vector<16xi32>
            %add3A_302 = arith.addi %iota3A, %add3A_301 : vector<16xi32>
            %min3A_303 = arith.constant 15 : i32
            %min3A_304 = vector.broadcast %min3A_303 : i32 to vector<16xi32>
            %min3A_305 = arith.minsi %add3A_302, %min3A_304 : vector<16xi32>
            %broadcast_in_dim3A_306 = vector.shape_cast %min3A_305 : vector<16xi32> to vector<16x1xi32>
            %gather3A_307 = vector.shape_cast %broadcast_in_dim3A_306 : vector<16x1xi32> to vector<16xi32>
            %gather3A_308 = tpu.dynamic_gather %select_n3A_299[%gather3A_307] in [0] : vector<16xi32>, vector<16xi32> -> vector<16xi32>
            %and3A_309 = arith.constant 2 : i32
            %and3A_310 = vector.broadcast %and3A_309 : i32 to vector<16xi32>
            %and3A_311 = arith.andi %gather3A_308, %and3A_310 : vector<16xi32>
            %ne3A_312 = arith.constant 0 : i32
            %ne3A_313 = vector.broadcast %ne3A_312 : i32 to vector<16xi32>
            %ne3A_314 = arith.cmpi ne, %and3A_311, %ne3A_313 : vector<16xi32>
            %and3A_315 = arith.constant 2 : i32
            %and3A_316 = vector.broadcast %and3A_315 : i32 to vector<16xi32>
            %and3A_317 = arith.andi %select_n3A_299, %and3A_316 : vector<16xi32>
            %ne3A_318 = arith.constant 0 : i32
            %ne3A_319 = vector.broadcast %ne3A_318 : i32 to vector<16xi32>
            %ne3A_320 = arith.cmpi ne, %and3A_317, %ne3A_319 : vector<16xi32>
            %broadcast_in_dim3A_321 = vector.shape_cast %min3A_305 : vector<16xi32> to vector<16x1xi32>
            %gather3A_322 = vector.shape_cast %broadcast_in_dim3A_321 : vector<16x1xi32> to vector<16xi32>
            %gather3A_323 = tpu.dynamic_gather %select_n3A_288[%gather3A_322] in [0] : vector<16xi32>, vector<16xi32> -> vector<16xi32>
            %select_n3A_324 = arith.select %ne3A_314, %gather3A_323, %select_n3A_288 : vector<16xi1>, vector<16xi32>
            %broadcast_in_dim3A_325 = vector.shape_cast %min3A_305 : vector<16xi32> to vector<16x1xi32>
            %gather3A_326 = vector.shape_cast %broadcast_in_dim3A_325 : vector<16x1xi32> to vector<16xi32>
            %gather3A_327 = tpu.dynamic_gather %select_n3A_292[%gather3A_326] in [0] : vector<16xf32>, vector<16xi32> -> vector<16xf32>
            %select_n3A_328 = arith.select %ne3A_314, %gather3A_327, %select_n3A_292 : vector<16xi1>, vector<16xf32>
            %and3A_329 = arith.constant -3 : i32
            %and3A_330 = vector.broadcast %and3A_329 : i32 to vector<16xi32>
            %and3A_331 = arith.andi %gather3A_308, %and3A_330 : vector<16xi32>
            %jit3A_332 = arith.constant 0 : i32
            %broadcast_in_dim3A_333 = vector.broadcast %jit3A_332 : i32 to vector<16xi32>
            %select_n3A_334 = arith.select %ne3A_320, %broadcast_in_dim3A_333, %select_n3A_299 : vector<16xi1>, vector<16xi32>
            %select_n3A_335 = arith.select %ne3A_314, %and3A_331, %select_n3A_334 : vector<16xi1>, vector<16xi32>
            %add3A_336 = arith.constant 4 : i32
            %add3A_337 = vector.broadcast %add3A_336 : i32 to vector<16xi32>
            %add3A_338 = arith.addi %iota3A, %add3A_337 : vector<16xi32>
            %min3A_339 = arith.constant 15 : i32
            %min3A_340 = vector.broadcast %min3A_339 : i32 to vector<16xi32>
            %min3A_341 = arith.minsi %add3A_338, %min3A_340 : vector<16xi32>
            %broadcast_in_dim3A_342 = vector.shape_cast %min3A_341 : vector<16xi32> to vector<16x1xi32>
            %gather3A_343 = vector.shape_cast %broadcast_in_dim3A_342 : vector<16x1xi32> to vector<16xi32>
            %gather3A_344 = tpu.dynamic_gather %select_n3A_335[%gather3A_343] in [0] : vector<16xi32>, vector<16xi32> -> vector<16xi32>
            %and3A_345 = arith.constant 4 : i32
            %and3A_346 = vector.broadcast %and3A_345 : i32 to vector<16xi32>
            %and3A_347 = arith.andi %gather3A_344, %and3A_346 : vector<16xi32>
            %ne3A_348 = arith.constant 0 : i32
            %ne3A_349 = vector.broadcast %ne3A_348 : i32 to vector<16xi32>
            %ne3A_350 = arith.cmpi ne, %and3A_347, %ne3A_349 : vector<16xi32>
            %and3A_351 = arith.constant 4 : i32
            %and3A_352 = vector.broadcast %and3A_351 : i32 to vector<16xi32>
            %and3A_353 = arith.andi %select_n3A_335, %and3A_352 : vector<16xi32>
            %ne3A_354 = arith.constant 0 : i32
            %ne3A_355 = vector.broadcast %ne3A_354 : i32 to vector<16xi32>
            %ne3A_356 = arith.cmpi ne, %and3A_353, %ne3A_355 : vector<16xi32>
            %broadcast_in_dim3A_357 = vector.shape_cast %min3A_341 : vector<16xi32> to vector<16x1xi32>
            %gather3A_358 = vector.shape_cast %broadcast_in_dim3A_357 : vector<16x1xi32> to vector<16xi32>
            %gather3A_359 = tpu.dynamic_gather %select_n3A_324[%gather3A_358] in [0] : vector<16xi32>, vector<16xi32> -> vector<16xi32>
            %select_n3A_360 = arith.select %ne3A_350, %gather3A_359, %select_n3A_324 : vector<16xi1>, vector<16xi32>
            %broadcast_in_dim3A_361 = vector.shape_cast %min3A_341 : vector<16xi32> to vector<16x1xi32>
            %gather3A_362 = vector.shape_cast %broadcast_in_dim3A_361 : vector<16x1xi32> to vector<16xi32>
            %gather3A_363 = tpu.dynamic_gather %select_n3A_328[%gather3A_362] in [0] : vector<16xf32>, vector<16xi32> -> vector<16xf32>
            %select_n3A_364 = arith.select %ne3A_350, %gather3A_363, %select_n3A_328 : vector<16xi1>, vector<16xf32>
            %and3A_365 = arith.constant -5 : i32
            %and3A_366 = vector.broadcast %and3A_365 : i32 to vector<16xi32>
            %and3A_367 = arith.andi %gather3A_344, %and3A_366 : vector<16xi32>
            %jit3A_368 = arith.constant 0 : i32
            %broadcast_in_dim3A_369 = vector.broadcast %jit3A_368 : i32 to vector<16xi32>
            %select_n3A_370 = arith.select %ne3A_356, %broadcast_in_dim3A_369, %select_n3A_335 : vector<16xi1>, vector<16xi32>
            %select_n3A_371 = arith.select %ne3A_350, %and3A_367, %select_n3A_370 : vector<16xi1>, vector<16xi32>
            %add3A_372 = arith.constant 8 : i32
            %add3A_373 = vector.broadcast %add3A_372 : i32 to vector<16xi32>
            %add3A_374 = arith.addi %iota3A, %add3A_373 : vector<16xi32>
            %min3A_375 = arith.constant 15 : i32
            %min3A_376 = vector.broadcast %min3A_375 : i32 to vector<16xi32>
            %min3A_377 = arith.minsi %add3A_374, %min3A_376 : vector<16xi32>
            %broadcast_in_dim3A_378 = vector.shape_cast %min3A_377 : vector<16xi32> to vector<16x1xi32>
            %gather3A_379 = vector.shape_cast %broadcast_in_dim3A_378 : vector<16x1xi32> to vector<16xi32>
            %gather3A_380 = tpu.dynamic_gather %select_n3A_371[%gather3A_379] in [0] : vector<16xi32>, vector<16xi32> -> vector<16xi32>
            %and3A_381 = arith.constant 8 : i32
            %and3A_382 = vector.broadcast %and3A_381 : i32 to vector<16xi32>
            %and3A_383 = arith.andi %gather3A_380, %and3A_382 : vector<16xi32>
            %ne3A_384 = arith.constant 0 : i32
            %ne3A_385 = vector.broadcast %ne3A_384 : i32 to vector<16xi32>
            %ne3A_386 = arith.cmpi ne, %and3A_383, %ne3A_385 : vector<16xi32>
            %and3A_387 = arith.constant 8 : i32
            %and3A_388 = vector.broadcast %and3A_387 : i32 to vector<16xi32>
            %and3A_389 = arith.andi %select_n3A_371, %and3A_388 : vector<16xi32>
            %ne3A_390 = arith.constant 0 : i32
            %ne3A_391 = vector.broadcast %ne3A_390 : i32 to vector<16xi32>
            %ne3A_392 = arith.cmpi ne, %and3A_389, %ne3A_391 : vector<16xi32>
            %broadcast_in_dim3A_393 = vector.shape_cast %min3A_377 : vector<16xi32> to vector<16x1xi32>
            %gather3A_394 = vector.shape_cast %broadcast_in_dim3A_393 : vector<16x1xi32> to vector<16xi32>
            %gather3A_395 = tpu.dynamic_gather %select_n3A_360[%gather3A_394] in [0] : vector<16xi32>, vector<16xi32> -> vector<16xi32>
            %select_n3A_396 = arith.select %ne3A_386, %gather3A_395, %select_n3A_360 : vector<16xi1>, vector<16xi32>
            %broadcast_in_dim3A_397 = vector.shape_cast %min3A_377 : vector<16xi32> to vector<16x1xi32>
            %gather3A_398 = vector.shape_cast %broadcast_in_dim3A_397 : vector<16x1xi32> to vector<16xi32>
            %gather3A_399 = tpu.dynamic_gather %select_n3A_364[%gather3A_398] in [0] : vector<16xf32>, vector<16xi32> -> vector<16xf32>
            %select_n3A_400 = arith.select %ne3A_386, %gather3A_399, %select_n3A_364 : vector<16xi1>, vector<16xf32>
            %and3A_401 = arith.constant -9 : i32
            %and3A_402 = vector.broadcast %and3A_401 : i32 to vector<16xi32>
            %and3A_403 = arith.andi %gather3A_380, %and3A_402 : vector<16xi32>
            %jit3A_404 = arith.constant 0 : i32
            %broadcast_in_dim3A_405 = vector.broadcast %jit3A_404 : i32 to vector<16xi32>
            %select_n3A_406 = arith.select %ne3A_392, %broadcast_in_dim3A_405, %select_n3A_371 : vector<16xi1>, vector<16xi32>
            %select_n3A_407 = arith.select %ne3A_386, %and3A_403, %select_n3A_406 : vector<16xi1>, vector<16xi32>
            %swap3A_408 = arith.index_cast %scan3A_165 : i32 to index
            %swap3A_409 = tpu.vector_load %arg14[%swap3A_408] {strides = array<i32>} : memref<1296xi32, #tpu.memory_space<vmem>>, vector<16xi32>,
            %swap3A_410 = vector.shape_cast %swap3A_409 : vector<16xi32> to vector<16xi32>
            %swap3A_411 = vector.shape_cast %select_n3A_396 : vector<16xi32> to vector<16xi32>
            tpu.vector_store %arg14[%swap3A_408], %swap3A_411 {strides = array<i32>} : memref<1296xi32, #tpu.memory_space<vmem>>, vector<16xi32>,
            %swap3A_412 = arith.index_cast %scan3A_165 : i32 to index
            %swap3A_413 = tpu.vector_load %arg15[%swap3A_412] {strides = array<i32>} : memref<1296xf32, #tpu.memory_space<vmem>>, vector<16xf32>,
            %swap3A_414 = vector.shape_cast %swap3A_413 : vector<16xf32> to vector<16xf32>
            %swap3A_415 = vector.shape_cast %select_n3A_400 : vector<16xf32> to vector<16xf32>
            tpu.vector_store %arg15[%swap3A_412], %swap3A_415 {strides = array<i32>} : memref<1296xf32, #tpu.memory_space<vmem>>, vector<16xf32>,
            %slice3A = vector.extract_strided_slice %add3A_253 {offsets = [15], sizes = [1], strides = [1]} : vector<16xi32> to vector<1xi32>
            %squeeze3A = vector.extract %slice3A[0] : i32 from vector<1xi32>
            %add3A_416 = arith.addi %scan3A_165, %squeeze3A : i32
            scf.yield %add3A_416 : i32
          }
          %scan3A_126 = arith.constant 64 : i32
          %jit3A_127 = arith.constant 64 : i32
          %div3A_128 = arith.divsi %scan3A_125, %jit3A_127 : i32
          %sign3A_129 = arith.constant 0 : i32
          %sign3A_130 = arith.cmpi sgt, %scan3A_125, %sign3A_129 : i32
          %sign3A_131 = arith.extui %sign3A_130 : i1 to i32
          %sign3A_132 = arith.constant 0 : i32
          %sign3A_133 = arith.cmpi slt, %scan3A_125, %sign3A_132 : i32
          %sign3A_134 = arith.extui %sign3A_133 : i1 to i32
          %sign3A_135 = arith.subi %sign3A_131, %sign3A_134 : i32
          %sign3A_136 = arith.constant 0 : i32
          %sign3A_137 = arith.cmpi sgt, %jit3A_127, %sign3A_136 : i32
          %sign3A_138 = arith.extui %sign3A_137 : i1 to i32
          %sign3A_139 = arith.constant 0 : i32
          %sign3A_140 = arith.cmpi slt, %jit3A_127, %sign3A_139 : i32
          %sign3A_141 = arith.extui %sign3A_140 : i1 to i32
          %sign3A_142 = arith.subi %sign3A_138, %sign3A_141 : i32
          %ne3A_143 = arith.cmpi ne, %sign3A_135, %sign3A_142 : i32
          %rem3A_144 = arith.remsi %scan3A_125, %jit3A_127 : i32
          %ne3A_145 = arith.constant 0 : i32
          %ne3A_146 = arith.cmpi ne, %rem3A_144, %ne3A_145 : i32
          %and3A_147 = arith.andi %ne3A_143, %ne3A_146 : i1
          %sub3A_148 = arith.constant 1 : i32
          %sub3A_149 = arith.subi %div3A_128, %sub3A_148 : i32
          %select_n3A_150 = arith.select %and3A_147, %sub3A_149, %div3A_128 : i32
          %gt3A_151 = arith.constant 0 : i32
          %gt3A_152 = arith.cmpi sgt, %select_n3A_150, %gt3A_151 : i32
          %convert_element_type3A_153 = arith.extui %gt3A_152 : i1 to i32
          %cond3A_154 = arith.constant 0 : i32
          %cond3A_155 = arith.cmpi ne, %convert_element_type3A_153, %cond3A_154 : i32
          scf.if %cond3A_155 {
            %get3A = arith.constant 0 : index
            %get3A_164 = tpu.vector_load %arg14[%get3A] {strides = array<i32>} : memref<1296xi32, #tpu.memory_space<vmem>>, vector<16xi32>,
            %get3A_165 = vector.shape_cast %get3A_164 : vector<16xi32> to vector<16xi32>
            %shift_right_logical3A = arith.constant 17 : i32
            %shift_right_logical3A_166 = vector.broadcast %shift_right_logical3A : i32 to vector<16xi32>
            %shift_right_logical3A_167 = arith.shrui %get3A_165, %shift_right_logical3A_166 : vector<16xi32>
            %swap3A_168 = arith.constant 0 : index
            %swap3A_169 = tpu.vector_load %arg20[%swap3A_168] {strides = array<i32>} : memref<64xi32, #tpu.memory_space<vmem>>, vector<16xi32>,
            %swap3A_170 = vector.shape_cast %swap3A_169 : vector<16xi32> to vector<16xi32>
            %swap3A_171 = vector.shape_cast %shift_right_logical3A_167 : vector<16xi32> to vector<16xi32>
            tpu.vector_store %arg20[%swap3A_168], %swap3A_171 {strides = array<i32>} : memref<64xi32, #tpu.memory_space<vmem>>, vector<16xi32>,
            %and3A_172 = arith.constant 131071 : i32
            %and3A_173 = vector.broadcast %and3A_172 : i32 to vector<16xi32>
            %and3A_174 = arith.andi %get3A_165, %and3A_173 : vector<16xi32>
            %swap3A_175 = arith.constant 0 : index
            %swap3A_176 = tpu.vector_load %arg18[%swap3A_175] {strides = array<i32>} : memref<64xi32, #tpu.memory_space<vmem>>, vector<16xi32>,
            %swap3A_177 = vector.shape_cast %swap3A_176 : vector<16xi32> to vector<16xi32>
            %swap3A_178 = vector.shape_cast %and3A_174 : vector<16xi32> to vector<16xi32>
            tpu.vector_store %arg18[%swap3A_175], %swap3A_178 {strides = array<i32>} : memref<64xi32, #tpu.memory_space<vmem>>, vector<16xi32>,
            %get3A_179 = arith.constant 16 : index
            %get3A_180 = tpu.vector_load %arg14[%get3A_179] {strides = array<i32>} : memref<1296xi32, #tpu.memory_space<vmem>>, vector<16xi32>,
            %get3A_181 = vector.shape_cast %get3A_180 : vector<16xi32> to vector<16xi32>
            %shift_right_logical3A_182 = arith.constant 17 : i32
            %shift_right_logical3A_183 = vector.broadcast %shift_right_logical3A_182 : i32 to vector<16xi32>
            %shift_right_logical3A_184 = arith.shrui %get3A_181, %shift_right_logical3A_183 : vector<16xi32>
            %swap3A_185 = arith.constant 16 : index
            %swap3A_186 = tpu.vector_load %arg20[%swap3A_185] {strides = array<i32>} : memref<64xi32, #tpu.memory_space<vmem>>, vector<16xi32>,
            %swap3A_187 = vector.shape_cast %swap3A_186 : vector<16xi32> to vector<16xi32>
            %swap3A_188 = vector.shape_cast %shift_right_logical3A_184 : vector<16xi32> to vector<16xi32>
            tpu.vector_store %arg20[%swap3A_185], %swap3A_188 {strides = array<i32>} : memref<64xi32, #tpu.memory_space<vmem>>, vector<16xi32>,
            %and3A_189 = arith.constant 131071 : i32
            %and3A_190 = vector.broadcast %and3A_189 : i32 to vector<16xi32>
            %and3A_191 = arith.andi %get3A_181, %and3A_190 : vector<16xi32>
            %swap3A_192 = arith.constant 16 : index
            %swap3A_193 = tpu.vector_load %arg18[%swap3A_192] {strides = array<i32>} : memref<64xi32, #tpu.memory_space<vmem>>, vector<16xi32>,
            %swap3A_194 = vector.shape_cast %swap3A_193 : vector<16xi32> to vector<16xi32>
            %swap3A_195 = vector.shape_cast %and3A_191 : vector<16xi32> to vector<16xi32>
            tpu.vector_store %arg18[%swap3A_192], %swap3A_195 {strides = array<i32>} : memref<64xi32, #tpu.memory_space<vmem>>, vector<16xi32>,
            %get3A_196 = arith.constant 32 : index
            %get3A_197 = tpu.vector_load %arg14[%get3A_196] {strides = array<i32>} : memref<1296xi32, #tpu.memory_space<vmem>>, vector<16xi32>,
            %get3A_198 = vector.shape_cast %get3A_197 : vector<16xi32> to vector<16xi32>
            %shift_right_logical3A_199 = arith.constant 17 : i32
            %shift_right_logical3A_200 = vector.broadcast %shift_right_logical3A_199 : i32 to vector<16xi32>
            %shift_right_logical3A_201 = arith.shrui %get3A_198, %shift_right_logical3A_200 : vector<16xi32>
            %swap3A_202 = arith.constant 32 : index
            %swap3A_203 = tpu.vector_load %arg20[%swap3A_202] {strides = array<i32>} : memref<64xi32, #tpu.memory_space<vmem>>, vector<16xi32>,
            %swap3A_204 = vector.shape_cast %swap3A_203 : vector<16xi32> to vector<16xi32>
            %swap3A_205 = vector.shape_cast %shift_right_logical3A_201 : vector<16xi32> to vector<16xi32>
            tpu.vector_store %arg20[%swap3A_202], %swap3A_205 {strides = array<i32>} : memref<64xi32, #tpu.memory_space<vmem>>, vector<16xi32>,
            %and3A_206 = arith.constant 131071 : i32
            %and3A_207 = vector.broadcast %and3A_206 : i32 to vector<16xi32>
            %and3A_208 = arith.andi %get3A_198, %and3A_207 : vector<16xi32>
            %swap3A_209 = arith.constant 32 : index
            %swap3A_210 = tpu.vector_load %arg18[%swap3A_209] {strides = array<i32>} : memref<64xi32, #tpu.memory_space<vmem>>, vector<16xi32>,
            %swap3A_211 = vector.shape_cast %swap3A_210 : vector<16xi32> to vector<16xi32>
            %swap3A_212 = vector.shape_cast %and3A_208 : vector<16xi32> to vector<16xi32>
            tpu.vector_store %arg18[%swap3A_209], %swap3A_212 {strides = array<i32>} : memref<64xi32, #tpu.memory_space<vmem>>, vector<16xi32>,
            %get3A_213 = arith.constant 48 : index
            %get3A_214 = tpu.vector_load %arg14[%get3A_213] {strides = array<i32>} : memref<1296xi32, #tpu.memory_space<vmem>>, vector<16xi32>,
            %get3A_215 = vector.shape_cast %get3A_214 : vector<16xi32> to vector<16xi32>
            %shift_right_logical3A_216 = arith.constant 17 : i32
            %shift_right_logical3A_217 = vector.broadcast %shift_right_logical3A_216 : i32 to vector<16xi32>
            %shift_right_logical3A_218 = arith.shrui %get3A_215, %shift_right_logical3A_217 : vector<16xi32>
            %swap3A_219 = arith.constant 48 : index
            %swap3A_220 = tpu.vector_load %arg20[%swap3A_219] {strides = array<i32>} : memref<64xi32, #tpu.memory_space<vmem>>, vector<16xi32>,
            %swap3A_221 = vector.shape_cast %swap3A_220 : vector<16xi32> to vector<16xi32>
            %swap3A_222 = vector.shape_cast %shift_right_logical3A_218 : vector<16xi32> to vector<16xi32>
            tpu.vector_store %arg20[%swap3A_219], %swap3A_222 {strides = array<i32>} : memref<64xi32, #tpu.memory_space<vmem>>, vector<16xi32>,
            %and3A_223 = arith.constant 131071 : i32
            %and3A_224 = vector.broadcast %and3A_223 : i32 to vector<16xi32>
            %and3A_225 = arith.andi %get3A_215, %and3A_224 : vector<16xi32>
            %swap3A_226 = arith.constant 48 : index
            %swap3A_227 = tpu.vector_load %arg18[%swap3A_226] {strides = array<i32>} : memref<64xi32, #tpu.memory_space<vmem>>, vector<16xi32>,
            %swap3A_228 = vector.shape_cast %swap3A_227 : vector<16xi32> to vector<16xi32>
            %swap3A_229 = vector.shape_cast %and3A_225 : vector<16xi32> to vector<16xi32>
            tpu.vector_store %arg18[%swap3A_226], %swap3A_229 {strides = array<i32>} : memref<64xi32, #tpu.memory_space<vmem>>, vector<16xi32>,
            %dma_start3A = arith.constant 0 : i32
            %dma_start3A_230 = arith.constant 0 : i32
            %dma_start3A_231 = tpu.memref_slice %arg2[%dma_start3A, %dma_start3A_230] : memref<100000x128xf32, #tpu.memory_space<hbm>> -> memref<100000x128xf32, #tpu.memory_space<hbm>>
            tpu.enqueue_indirect_dma source(%dma_start3A_231 : memref<100000x128xf32, #tpu.memory_space<hbm>>) target(%arg16 : memref<64x128xf32, #tpu.memory_space<vmem>>) offsets(%arg18 : memref<64xi32, #tpu.memory_space<vmem>>) semaphore(%arg23 : memref<!tpu.dma_semaphore, #tpu.memory_space<semaphore_mem>>)
            %add3A_232 = arith.constant 1 : i32
            %add3A_233 = arith.addi %select_n3A_150, %add3A_232 : i32
            %jit3A_234 = arith.constant 2 : i32
            %div3A_235 = arith.divsi %add3A_233, %jit3A_234 : i32
            %sign3A_236 = arith.constant 0 : i32
            %sign3A_237 = arith.cmpi sgt, %add3A_233, %sign3A_236 : i32
            %sign3A_238 = arith.extui %sign3A_237 : i1 to i32
            %sign3A_239 = arith.constant 0 : i32
            %sign3A_240 = arith.cmpi slt, %add3A_233, %sign3A_239 : i32
            %sign3A_241 = arith.extui %sign3A_240 : i1 to i32
            %sign3A_242 = arith.subi %sign3A_238, %sign3A_241 : i32
            %sign3A_243 = arith.constant 0 : i32
            %sign3A_244 = arith.cmpi sgt, %jit3A_234, %sign3A_243 : i32
            %sign3A_245 = arith.extui %sign3A_244 : i1 to i32
            %sign3A_246 = arith.constant 0 : i32
            %sign3A_247 = arith.cmpi slt, %jit3A_234, %sign3A_246 : i32
            %sign3A_248 = arith.extui %sign3A_247 : i1 to i32
            %sign3A_249 = arith.subi %sign3A_245, %sign3A_248 : i32
            %ne3A_250 = arith.cmpi ne, %sign3A_242, %sign3A_249 : i32
            %rem3A_251 = arith.remsi %add3A_233, %jit3A_234 : i32
            %ne3A_252 = arith.constant 0 : i32
            %ne3A_253 = arith.cmpi ne, %rem3A_251, %ne3A_252 : i32
            %and3A_254 = arith.andi %ne3A_250, %ne3A_253 : i1
            %sub3A_255 = arith.constant 1 : i32
            %sub3A_256 = arith.subi %div3A_235, %sub3A_255 : i32
            %select_n3A_257 = arith.select %and3A_254, %sub3A_256, %div3A_235 : i32
            %while3A = arith.constant 0 : i32
            %while3A_258 = arith.constant 0 : i32
            %while3A_259 = arith.subi %select_n3A_257, %while3A : i32
            %while3A_260 = arith.addi %while3A, %while3A_259 : i32
            %while3A_261 = arith.constant 1 : i32
            %while3A_262 = arith.divsi %while3A_259, %while3A_261 : i32
            %while3A_263 = arith.muli %while3A_262, %while3A_261 : i32
            %while3A_264 = arith.addi %while3A, %while3A_263 : i32
            %while3A_265 = arith.constant 1 : i32
            %while3A_266 = scf.for %while3A_278 = %while3A to %while3A_264 step %while3A_265 iter_args(%while3A_279 = %while3A_258) -> (i32)  : i32 {
              %mul3A_280 = arith.constant 2 : i32
              %mul3A_281 = arith.muli %mul3A_280, %while3A_278 : i32
              %lt3A_282 = arith.cmpi slt, %mul3A_281, %select_n3A_150 : i32
              %convert_element_type3A_283 = arith.extui %lt3A_282 : i1 to i32
              %cond3A_284 = arith.constant 0 : i32
              %cond3A_285 = arith.cmpi ne, %convert_element_type3A_283, %cond3A_284 : i32
              scf.if %cond3A_285 {
                %mul3A_295 = arith.constant 2 : i32
                %mul3A_296 = arith.muli %mul3A_295, %while3A_278 : i32
                %add3A_297 = arith.constant 1 : i32
                %add3A_298 = arith.addi %mul3A_296, %add3A_297 : i32
                %dma_wait3A = arith.constant 0 : i32
                %dma_wait3A_299 = arith.constant 0 : i32
                %dma_wait3A_300 = tpu.memref_slice %arg2[%dma_wait3A, %dma_wait3A_299] : memref<100000x128xf32, #tpu.memory_space<hbm>> -> memref<100000x128xf32, #tpu.memory_space<hbm>>
                tpu.wait_indirect_dma semaphore(%arg23 : memref<!tpu.dma_semaphore, #tpu.memory_space<semaphore_mem>>) src(%dma_wait3A_300 : memref<100000x128xf32, #tpu.memory_space<hbm>>) dst(%arg16 : memref<64x128xf32, #tpu.memory_space<vmem>>)
                %lt3A_301 = arith.cmpi slt, %add3A_298, %select_n3A_150 : i32
                %convert_element_type3A_302 = arith.extui %lt3A_301 : i1 to i32
                %cond3A_303 = arith.constant 0 : i32
                %cond3A_304 = arith.cmpi ne, %convert_element_type3A_302, %cond3A_303 : i32
                scf.if %cond3A_304 {
                  %ge3A_315 = arith.constant 1 : i32
                  %ge3A_316 = arith.cmpi sge, %mul3A_296, %ge3A_315 : i32
                  %convert_element_type3A_317 = arith.extui %ge3A_316 : i1 to i32
                  %cond3A_318 = arith.constant 0 : i32
                  %cond3A_319 = arith.cmpi ne, %convert_element_type3A_317, %cond3A_318 : i32
                  scf.if %cond3A_319 {
                    %dma_wait3A_407 = arith.constant 0 : i32
                    %dma_wait3A_408 = arith.constant 0 : i32
                    %dma_wait3A_409 = tpu.memref_slice %arg22[%dma_wait3A_407, %dma_wait3A_408] : memref<13320x128xf32, #tpu.memory_space<vmem_shared>> -> memref<13320x128xf32, #tpu.memory_space<vmem_shared>>
                    tpu.wait_indirect_dma semaphore(%arg24 : memref<!tpu.dma_semaphore, #tpu.memory_space<semaphore_mem>>) src(%arg17 : memref<64x128xf32, #tpu.memory_space<vmem>>) dst(%dma_wait3A_409 : memref<13320x128xf32, #tpu.memory_space<vmem_shared>>)
                  } else {
                  }
                  %mul3A_320 = arith.constant 64 : i32
                  %mul3A_321 = arith.muli %add3A_298, %mul3A_320 : i32
                  %add3A_322 = arith.constant 0 : i32
                  %add3A_323 = arith.addi %mul3A_321, %add3A_322 : i32
                  %get3A_324 = arith.index_cast %add3A_323 : i32 to index
                  %get3A_325 = tpu.vector_load %arg14[%get3A_324] {strides = array<i32>} : memref<1296xi32, #tpu.memory_space<vmem>>, vector<16xi32>,
                  %get3A_326 = vector.shape_cast %get3A_325 : vector<16xi32> to vector<16xi32>
                  %shift_right_logical3A_327 = arith.constant 17 : i32
                  %shift_right_logical3A_328 = vector.broadcast %shift_right_logical3A_327 : i32 to vector<16xi32>
                  %shift_right_logical3A_329 = arith.shrui %get3A_326, %shift_right_logical3A_328 : vector<16xi32>
                  %swap3A_330 = arith.constant 0 : index
                  %swap3A_331 = tpu.vector_load %arg21[%swap3A_330] {strides = array<i32>} : memref<64xi32, #tpu.memory_space<vmem>>, vector<16xi32>,
                  %swap3A_332 = vector.shape_cast %swap3A_331 : vector<16xi32> to vector<16xi32>
                  %swap3A_333 = vector.shape_cast %shift_right_logical3A_329 : vector<16xi32> to vector<16xi32>
                  tpu.vector_store %arg21[%swap3A_330], %swap3A_333 {strides = array<i32>} : memref<64xi32, #tpu.memory_space<vmem>>, vector<16xi32>,
                  %and3A_334 = arith.constant 131071 : i32
                  %and3A_335 = vector.broadcast %and3A_334 : i32 to vector<16xi32>
                  %and3A_336 = arith.andi %get3A_326, %and3A_335 : vector<16xi32>
                  %swap3A_337 = arith.constant 0 : index
                  %swap3A_338 = tpu.vector_load %arg19[%swap3A_337] {strides = array<i32>} : memref<64xi32, #tpu.memory_space<vmem>>, vector<16xi32>,
                  %swap3A_339 = vector.shape_cast %swap3A_338 : vector<16xi32> to vector<16xi32>
                  %swap3A_340 = vector.shape_cast %and3A_336 : vector<16xi32> to vector<16xi32>
                  tpu.vector_store %arg19[%swap3A_337], %swap3A_340 {strides = array<i32>} : memref<64xi32, #tpu.memory_space<vmem>>, vector<16xi32>,
                  %mul3A_341 = arith.constant 64 : i32
                  %mul3A_342 = arith.muli %add3A_298, %mul3A_341 : i32
                  %add3A_343 = arith.constant 16 : i32
                  %add3A_344 = arith.addi %mul3A_342, %add3A_343 : i32
                  %get3A_345 = arith.index_cast %add3A_344 : i32 to index
                  %get3A_346 = tpu.vector_load %arg14[%get3A_345] {strides = array<i32>} : memref<1296xi32, #tpu.memory_space<vmem>>, vector<16xi32>,
                  %get3A_347 = vector.shape_cast %get3A_346 : vector<16xi32> to vector<16xi32>
                  %shift_right_logical3A_348 = arith.constant 17 : i32
                  %shift_right_logical3A_349 = vector.broadcast %shift_right_logical3A_348 : i32 to vector<16xi32>
                  %shift_right_logical3A_350 = arith.shrui %get3A_347, %shift_right_logical3A_349 : vector<16xi32>
                  %swap3A_351 = arith.constant 16 : index
                  %swap3A_352 = tpu.vector_load %arg21[%swap3A_351] {strides = array<i32>} : memref<64xi32, #tpu.memory_space<vmem>>, vector<16xi32>,
                  %swap3A_353 = vector.shape_cast %swap3A_352 : vector<16xi32> to vector<16xi32>
                  %swap3A_354 = vector.shape_cast %shift_right_logical3A_350 : vector<16xi32> to vector<16xi32>
                  tpu.vector_store %arg21[%swap3A_351], %swap3A_354 {strides = array<i32>} : memref<64xi32, #tpu.memory_space<vmem>>, vector<16xi32>,
                  %and3A_355 = arith.constant 131071 : i32
                  %and3A_356 = vector.broadcast %and3A_355 : i32 to vector<16xi32>
                  %and3A_357 = arith.andi %get3A_347, %and3A_356 : vector<16xi32>
                  %swap3A_358 = arith.constant 16 : index
                  %swap3A_359 = tpu.vector_load %arg19[%swap3A_358] {strides = array<i32>} : memref<64xi32, #tpu.memory_space<vmem>>, vector<16xi32>,
                  %swap3A_360 = vector.shape_cast %swap3A_359 : vector<16xi32> to vector<16xi32>
                  %swap3A_361 = vector.shape_cast %and3A_357 : vector<16xi32> to vector<16xi32>
                  tpu.vector_store %arg19[%swap3A_358], %swap3A_361 {strides = array<i32>} : memref<64xi32, #tpu.memory_space<vmem>>, vector<16xi32>,
                  %mul3A_362 = arith.constant 64 : i32
                  %mul3A_363 = arith.muli %add3A_298, %mul3A_362 : i32
                  %add3A_364 = arith.constant 32 : i32
                  %add3A_365 = arith.addi %mul3A_363, %add3A_364 : i32
                  %get3A_366 = arith.index_cast %add3A_365 : i32 to index
                  %get3A_367 = tpu.vector_load %arg14[%get3A_366] {strides = array<i32>} : memref<1296xi32, #tpu.memory_space<vmem>>, vector<16xi32>,
                  %get3A_368 = vector.shape_cast %get3A_367 : vector<16xi32> to vector<16xi32>
                  %shift_right_logical3A_369 = arith.constant 17 : i32
                  %shift_right_logical3A_370 = vector.broadcast %shift_right_logical3A_369 : i32 to vector<16xi32>
                  %shift_right_logical3A_371 = arith.shrui %get3A_368, %shift_right_logical3A_370 : vector<16xi32>
                  %swap3A_372 = arith.constant 32 : index
                  %swap3A_373 = tpu.vector_load %arg21[%swap3A_372] {strides = array<i32>} : memref<64xi32, #tpu.memory_space<vmem>>, vector<16xi32>,
                  %swap3A_374 = vector.shape_cast %swap3A_373 : vector<16xi32> to vector<16xi32>
                  %swap3A_375 = vector.shape_cast %shift_right_logical3A_371 : vector<16xi32> to vector<16xi32>
                  tpu.vector_store %arg21[%swap3A_372], %swap3A_375 {strides = array<i32>} : memref<64xi32, #tpu.memory_space<vmem>>, vector<16xi32>,
                  %and3A_376 = arith.constant 131071 : i32
                  %and3A_377 = vector.broadcast %and3A_376 : i32 to vector<16xi32>
                  %and3A_378 = arith.andi %get3A_368, %and3A_377 : vector<16xi32>
                  %swap3A_379 = arith.constant 32 : index
                  %swap3A_380 = tpu.vector_load %arg19[%swap3A_379] {strides = array<i32>} : memref<64xi32, #tpu.memory_space<vmem>>, vector<16xi32>,
                  %swap3A_381 = vector.shape_cast %swap3A_380 : vector<16xi32> to vector<16xi32>
                  %swap3A_382 = vector.shape_cast %and3A_378 : vector<16xi32> to vector<16xi32>
                  tpu.vector_store %arg19[%swap3A_379], %swap3A_382 {strides = array<i32>} : memref<64xi32, #tpu.memory_space<vmem>>, vector<16xi32>,
                  %mul3A_383 = arith.constant 64 : i32
                  %mul3A_384 = arith.muli %add3A_298, %mul3A_383 : i32
                  %add3A_385 = arith.constant 48 : i32
                  %add3A_386 = arith.addi %mul3A_384, %add3A_385 : i32
                  %get3A_387 = arith.index_cast %add3A_386 : i32 to index
                  %get3A_388 = tpu.vector_load %arg14[%get3A_387] {strides = array<i32>} : memref<1296xi32, #tpu.memory_space<vmem>>, vector<16xi32>,
                  %get3A_389 = vector.shape_cast %get3A_388 : vector<16xi32> to vector<16xi32>
                  %shift_right_logical3A_390 = arith.constant 17 : i32
                  %shift_right_logical3A_391 = vector.broadcast %shift_right_logical3A_390 : i32 to vector<16xi32>
                  %shift_right_logical3A_392 = arith.shrui %get3A_389, %shift_right_logical3A_391 : vector<16xi32>
                  %swap3A_393 = arith.constant 48 : index
                  %swap3A_394 = tpu.vector_load %arg21[%swap3A_393] {strides = array<i32>} : memref<64xi32, #tpu.memory_space<vmem>>, vector<16xi32>,
                  %swap3A_395 = vector.shape_cast %swap3A_394 : vector<16xi32> to vector<16xi32>
                  %swap3A_396 = vector.shape_cast %shift_right_logical3A_392 : vector<16xi32> to vector<16xi32>
                  tpu.vector_store %arg21[%swap3A_393], %swap3A_396 {strides = array<i32>} : memref<64xi32, #tpu.memory_space<vmem>>, vector<16xi32>,
                  %and3A_397 = arith.constant 131071 : i32
                  %and3A_398 = vector.broadcast %and3A_397 : i32 to vector<16xi32>
                  %and3A_399 = arith.andi %get3A_389, %and3A_398 : vector<16xi32>
                  %swap3A_400 = arith.constant 48 : index
                  %swap3A_401 = tpu.vector_load %arg19[%swap3A_400] {strides = array<i32>} : memref<64xi32, #tpu.memory_space<vmem>>, vector<16xi32>,
                  %swap3A_402 = vector.shape_cast %swap3A_401 : vector<16xi32> to vector<16xi32>
                  %swap3A_403 = vector.shape_cast %and3A_399 : vector<16xi32> to vector<16xi32>
                  tpu.vector_store %arg19[%swap3A_400], %swap3A_403 {strides = array<i32>} : memref<64xi32, #tpu.memory_space<vmem>>, vector<16xi32>,
                  %dma_start3A_404 = arith.constant 0 : i32
                  %dma_start3A_405 = arith.constant 0 : i32
                  %dma_start3A_406 = tpu.memref_slice %arg2[%dma_start3A_404, %dma_start3A_405] : memref<100000x128xf32, #tpu.memory_space<hbm>> -> memref<100000x128xf32, #tpu.memory_space<hbm>>
                  tpu.enqueue_indirect_dma source(%dma_start3A_406 : memref<100000x128xf32, #tpu.memory_space<hbm>>) target(%arg17 : memref<64x128xf32, #tpu.memory_space<vmem>>) offsets(%arg19 : memref<64xi32, #tpu.memory_space<vmem>>) semaphore(%arg23 : memref<!tpu.dma_semaphore, #tpu.memory_space<semaphore_mem>>)
                } else {
                }
                %scan3A_305 = arith.constant 0 : i32
                %scan3A_306 = arith.constant 0 : i32
                %scan3A_307 = arith.constant 64 : i32
                %scan3A_308 = arith.addi %scan3A_306, %scan3A_307 : i32
                %scan3A_309 = arith.constant 1 : i32
                %scan3A_310 = scf.for %scan3A_315 = %scan3A_306 to %scan3A_308 step %scan3A_309 iter_args(%scan3A_316 = %scan3A_305) -> (i32)  : i32 {
                  %mul3A_317 = arith.constant 64 : i32
                  %mul3A_318 = arith.muli %mul3A_296, %mul3A_317 : i32
                  %add3A_319 = arith.addi %mul3A_318, %scan3A_315 : i32
                  %get3A_320 = arith.index_cast %add3A_319 : i32 to index
                  %get3A_321 = tpu.vector_load %arg15[%get3A_320] {strides = array<i32>} : memref<1296xf32, #tpu.memory_space<vmem>>, vector<16xf32>,
                  %get3A_322 = vector.shape_cast %get3A_321 : vector<16xf32> to vector<16xf32>
                  %slice3A = vector.extract_strided_slice %get3A_322 {offsets = [0], sizes = [1], strides = [1]} : vector<16xf32> to vector<1xf32>
                  %squeeze3A = vector.extract %slice3A[0] : f32 from vector<1xf32>
                  %get3A_323 = arith.index_cast %scan3A_315 : i32 to index
                  %get3A_324 = arith.constant 0 : index
                  %get3A_325 = tpu.vector_load %arg16[%get3A_323, %get3A_324] {strides = array<i32>} : memref<64x128xf32, #tpu.memory_space<vmem>>, vector<1x16xf32>,
                  %get3A_326 = vector.shape_cast %get3A_325 : vector<1x16xf32> to vector<16xf32>
                  %get3A_327 = arith.constant 0 : index
                  %get3A_328 = tpu.vector_load %arg9[%get3A_327] {strides = array<i32>} : memref<128xf32, #tpu.memory_space<vmem>>, vector<16xf32>,
                  %get3A_329 = vector.shape_cast %get3A_328 : vector<16xf32> to vector<16xf32>
                  %mul3A_330 = vector.broadcast %squeeze3A : f32 to vector<16xf32>
                  %mul3A_331 = arith.mulf %mul3A_330, %get3A_329 : vector<16xf32>
                  %add3A_332 = arith.addf %get3A_326, %mul3A_331 : vector<16xf32>
                  %get3A_333 = arith.constant 0 : index
                  %get3A_334 = tpu.vector_load %arg10[%get3A_333] {strides = array<i32>} : memref<128xf32, #tpu.memory_space<vmem>>, vector<16xf32>,
                  %get3A_335 = vector.shape_cast %get3A_334 : vector<16xf32> to vector<16xf32>
                  %add3A_336 = arith.addf %add3A_332, %get3A_335 : vector<16xf32>
                  %max3A = arith.constant 0.000000e+00 : f32
                  %max3A_337 = vector.broadcast %max3A : f32 to vector<16xf32>
                  %max3A_338 = arith.maximumf %add3A_336, %max3A_337 : vector<16xf32>
                  %swap3A_339 = arith.index_cast %scan3A_315 : i32 to index
                  %swap3A_340 = arith.constant 0 : index
                  %swap3A_341 = tpu.vector_load %arg16[%swap3A_339, %swap3A_340] {strides = array<i32>} : memref<64x128xf32, #tpu.memory_space<vmem>>, vector<1x16xf32>,
                  %swap3A_342 = vector.shape_cast %swap3A_341 : vector<1x16xf32> to vector<16xf32>
                  %swap3A_343 = vector.shape_cast %max3A_338 : vector<16xf32> to vector<1x16xf32>
                  tpu.vector_store %arg16[%swap3A_339, %swap3A_340], %swap3A_343 {strides = array<i32>} : memref<64x128xf32, #tpu.memory_space<vmem>>, vector<1x16xf32>,
                  %get3A_344 = arith.index_cast %scan3A_315 : i32 to index
                  %get3A_345 = arith.constant 16 : index
                  %get3A_346 = tpu.vector_load %arg16[%get3A_344, %get3A_345] {strides = array<i32>} : memref<64x128xf32, #tpu.memory_space<vmem>>, vector<1x16xf32>,
                  %get3A_347 = vector.shape_cast %get3A_346 : vector<1x16xf32> to vector<16xf32>
                  %get3A_348 = arith.constant 16 : index
                  %get3A_349 = tpu.vector_load %arg9[%get3A_348] {strides = array<i32>} : memref<128xf32, #tpu.memory_space<vmem>>, vector<16xf32>,
                  %get3A_350 = vector.shape_cast %get3A_349 : vector<16xf32> to vector<16xf32>
                  %mul3A_351 = vector.broadcast %squeeze3A : f32 to vector<16xf32>
                  %mul3A_352 = arith.mulf %mul3A_351, %get3A_350 : vector<16xf32>
                  %add3A_353 = arith.addf %get3A_347, %mul3A_352 : vector<16xf32>
                  %get3A_354 = arith.constant 16 : index
                  %get3A_355 = tpu.vector_load %arg10[%get3A_354] {strides = array<i32>} : memref<128xf32, #tpu.memory_space<vmem>>, vector<16xf32>,
                  %get3A_356 = vector.shape_cast %get3A_355 : vector<16xf32> to vector<16xf32>
                  %add3A_357 = arith.addf %add3A_353, %get3A_356 : vector<16xf32>
                  %max3A_358 = arith.constant 0.000000e+00 : f32
                  %max3A_359 = vector.broadcast %max3A_358 : f32 to vector<16xf32>
                  %max3A_360 = arith.maximumf %add3A_357, %max3A_359 : vector<16xf32>
                  %swap3A_361 = arith.index_cast %scan3A_315 : i32 to index
                  %swap3A_362 = arith.constant 16 : index
                  %swap3A_363 = tpu.vector_load %arg16[%swap3A_361, %swap3A_362] {strides = array<i32>} : memref<64x128xf32, #tpu.memory_space<vmem>>, vector<1x16xf32>,
                  %swap3A_364 = vector.shape_cast %swap3A_363 : vector<1x16xf32> to vector<16xf32>
                  %swap3A_365 = vector.shape_cast %max3A_360 : vector<16xf32> to vector<1x16xf32>
                  tpu.vector_store %arg16[%swap3A_361, %swap3A_362], %swap3A_365 {strides = array<i32>} : memref<64x128xf32, #tpu.memory_space<vmem>>, vector<1x16xf32>,
                  %get3A_366 = arith.index_cast %scan3A_315 : i32 to index
                  %get3A_367 = arith.constant 32 : index
                  %get3A_368 = tpu.vector_load %arg16[%get3A_366, %get3A_367] {strides = array<i32>} : memref<64x128xf32, #tpu.memory_space<vmem>>, vector<1x16xf32>,
                  %get3A_369 = vector.shape_cast %get3A_368 : vector<1x16xf32> to vector<16xf32>
                  %get3A_370 = arith.constant 32 : index
                  %get3A_371 = tpu.vector_load %arg9[%get3A_370] {strides = array<i32>} : memref<128xf32, #tpu.memory_space<vmem>>, vector<16xf32>,
                  %get3A_372 = vector.shape_cast %get3A_371 : vector<16xf32> to vector<16xf32>
                  %mul3A_373 = vector.broadcast %squeeze3A : f32 to vector<16xf32>
                  %mul3A_374 = arith.mulf %mul3A_373, %get3A_372 : vector<16xf32>
                  %add3A_375 = arith.addf %get3A_369, %mul3A_374 : vector<16xf32>
                  %get3A_376 = arith.constant 32 : index
                  %get3A_377 = tpu.vector_load %arg10[%get3A_376] {strides = array<i32>} : memref<128xf32, #tpu.memory_space<vmem>>, vector<16xf32>,
                  %get3A_378 = vector.shape_cast %get3A_377 : vector<16xf32> to vector<16xf32>
                  %add3A_379 = arith.addf %add3A_375, %get3A_378 : vector<16xf32>
                  %max3A_380 = arith.constant 0.000000e+00 : f32
                  %max3A_381 = vector.broadcast %max3A_380 : f32 to vector<16xf32>
                  %max3A_382 = arith.maximumf %add3A_379, %max3A_381 : vector<16xf32>
                  %swap3A_383 = arith.index_cast %scan3A_315 : i32 to index
                  %swap3A_384 = arith.constant 32 : index
                  %swap3A_385 = tpu.vector_load %arg16[%swap3A_383, %swap3A_384] {strides = array<i32>} : memref<64x128xf32, #tpu.memory_space<vmem>>, vector<1x16xf32>,
                  %swap3A_386 = vector.shape_cast %swap3A_385 : vector<1x16xf32> to vector<16xf32>
                  %swap3A_387 = vector.shape_cast %max3A_382 : vector<16xf32> to vector<1x16xf32>
                  tpu.vector_store %arg16[%swap3A_383, %swap3A_384], %swap3A_387 {strides = array<i32>} : memref<64x128xf32, #tpu.memory_space<vmem>>, vector<1x16xf32>,
                  %get3A_388 = arith.index_cast %scan3A_315 : i32 to index
                  %get3A_389 = arith.constant 48 : index
                  %get3A_390 = tpu.vector_load %arg16[%get3A_388, %get3A_389] {strides = array<i32>} : memref<64x128xf32, #tpu.memory_space<vmem>>, vector<1x16xf32>,
                  %get3A_391 = vector.shape_cast %get3A_390 : vector<1x16xf32> to vector<16xf32>
                  %get3A_392 = arith.constant 48 : index
                  %get3A_393 = tpu.vector_load %arg9[%get3A_392] {strides = array<i32>} : memref<128xf32, #tpu.memory_space<vmem>>, vector<16xf32>,
                  %get3A_394 = vector.shape_cast %get3A_393 : vector<16xf32> to vector<16xf32>
                  %mul3A_395 = vector.broadcast %squeeze3A : f32 to vector<16xf32>
                  %mul3A_396 = arith.mulf %mul3A_395, %get3A_394 : vector<16xf32>
                  %add3A_397 = arith.addf %get3A_391, %mul3A_396 : vector<16xf32>
                  %get3A_398 = arith.constant 48 : index
                  %get3A_399 = tpu.vector_load %arg10[%get3A_398] {strides = array<i32>} : memref<128xf32, #tpu.memory_space<vmem>>, vector<16xf32>,
                  %get3A_400 = vector.shape_cast %get3A_399 : vector<16xf32> to vector<16xf32>
                  %add3A_401 = arith.addf %add3A_397, %get3A_400 : vector<16xf32>
                  %max3A_402 = arith.constant 0.000000e+00 : f32
                  %max3A_403 = vector.broadcast %max3A_402 : f32 to vector<16xf32>
                  %max3A_404 = arith.maximumf %add3A_401, %max3A_403 : vector<16xf32>
                  %swap3A_405 = arith.index_cast %scan3A_315 : i32 to index
                  %swap3A_406 = arith.constant 48 : index
                  %swap3A_407 = tpu.vector_load %arg16[%swap3A_405, %swap3A_406] {strides = array<i32>} : memref<64x128xf32, #tpu.memory_space<vmem>>, vector<1x16xf32>,
                  %swap3A_408 = vector.shape_cast %swap3A_407 : vector<1x16xf32> to vector<16xf32>
                  %swap3A_409 = vector.shape_cast %max3A_404 : vector<16xf32> to vector<1x16xf32>
                  tpu.vector_store %arg16[%swap3A_405, %swap3A_406], %swap3A_409 {strides = array<i32>} : memref<64x128xf32, #tpu.memory_space<vmem>>, vector<1x16xf32>,
                  %get3A_410 = arith.index_cast %scan3A_315 : i32 to index
                  %get3A_411 = arith.constant 64 : index
                  %get3A_412 = tpu.vector_load %arg16[%get3A_410, %get3A_411] {strides = array<i32>} : memref<64x128xf32, #tpu.memory_space<vmem>>, vector<1x16xf32>,
                  %get3A_413 = vector.shape_cast %get3A_412 : vector<1x16xf32> to vector<16xf32>
                  %get3A_414 = arith.constant 64 : index
                  %get3A_415 = tpu.vector_load %arg9[%get3A_414] {strides = array<i32>} : memref<128xf32, #tpu.memory_space<vmem>>, vector<16xf32>,
                  %get3A_416 = vector.shape_cast %get3A_415 : vector<16xf32> to vector<16xf32>
                  %mul3A_417 = vector.broadcast %squeeze3A : f32 to vector<16xf32>
                  %mul3A_418 = arith.mulf %mul3A_417, %get3A_416 : vector<16xf32>
                  %add3A_419 = arith.addf %get3A_413, %mul3A_418 : vector<16xf32>
                  %get3A_420 = arith.constant 64 : index
                  %get3A_421 = tpu.vector_load %arg10[%get3A_420] {strides = array<i32>} : memref<128xf32, #tpu.memory_space<vmem>>, vector<16xf32>,
                  %get3A_422 = vector.shape_cast %get3A_421 : vector<16xf32> to vector<16xf32>
                  %add3A_423 = arith.addf %add3A_419, %get3A_422 : vector<16xf32>
                  %max3A_424 = arith.constant 0.000000e+00 : f32
                  %max3A_425 = vector.broadcast %max3A_424 : f32 to vector<16xf32>
                  %max3A_426 = arith.maximumf %add3A_423, %max3A_425 : vector<16xf32>
                  %swap3A_427 = arith.index_cast %scan3A_315 : i32 to index
                  %swap3A_428 = arith.constant 64 : index
                  %swap3A_429 = tpu.vector_load %arg16[%swap3A_427, %swap3A_428] {strides = array<i32>} : memref<64x128xf32, #tpu.memory_space<vmem>>, vector<1x16xf32>,
                  %swap3A_430 = vector.shape_cast %swap3A_429 : vector<1x16xf32> to vector<16xf32>
                  %swap3A_431 = vector.shape_cast %max3A_426 : vector<16xf32> to vector<1x16xf32>
                  tpu.vector_store %arg16[%swap3A_427, %swap3A_428], %swap3A_431 {strides = array<i32>} : memref<64x128xf32, #tpu.memory_space<vmem>>, vector<1x16xf32>,
                  %get3A_432 = arith.index_cast %scan3A_315 : i32 to index
                  %get3A_433 = arith.constant 80 : index
                  %get3A_434 = tpu.vector_load %arg16[%get3A_432, %get3A_433] {strides = array<i32>} : memref<64x128xf32, #tpu.memory_space<vmem>>, vector<1x16xf32>,
                  %get3A_435 = vector.shape_cast %get3A_434 : vector<1x16xf32> to vector<16xf32>
                  %get3A_436 = arith.constant 80 : index
                  %get3A_437 = tpu.vector_load %arg9[%get3A_436] {strides = array<i32>} : memref<128xf32, #tpu.memory_space<vmem>>, vector<16xf32>,
                  %get3A_438 = vector.shape_cast %get3A_437 : vector<16xf32> to vector<16xf32>
                  %mul3A_439 = vector.broadcast %squeeze3A : f32 to vector<16xf32>
                  %mul3A_440 = arith.mulf %mul3A_439, %get3A_438 : vector<16xf32>
                  %add3A_441 = arith.addf %get3A_435, %mul3A_440 : vector<16xf32>
                  %get3A_442 = arith.constant 80 : index
                  %get3A_443 = tpu.vector_load %arg10[%get3A_442] {strides = array<i32>} : memref<128xf32, #tpu.memory_space<vmem>>, vector<16xf32>,
                  %get3A_444 = vector.shape_cast %get3A_443 : vector<16xf32> to vector<16xf32>
                  %add3A_445 = arith.addf %add3A_441, %get3A_444 : vector<16xf32>
                  %max3A_446 = arith.constant 0.000000e+00 : f32
                  %max3A_447 = vector.broadcast %max3A_446 : f32 to vector<16xf32>
                  %max3A_448 = arith.maximumf %add3A_445, %max3A_447 : vector<16xf32>
                  %swap3A_449 = arith.index_cast %scan3A_315 : i32 to index
                  %swap3A_450 = arith.constant 80 : index
                  %swap3A_451 = tpu.vector_load %arg16[%swap3A_449, %swap3A_450] {strides = array<i32>} : memref<64x128xf32, #tpu.memory_space<vmem>>, vector<1x16xf32>,
                  %swap3A_452 = vector.shape_cast %swap3A_451 : vector<1x16xf32> to vector<16xf32>
                  %swap3A_453 = vector.shape_cast %max3A_448 : vector<16xf32> to vector<1x16xf32>
                  tpu.vector_store %arg16[%swap3A_449, %swap3A_450], %swap3A_453 {strides = array<i32>} : memref<64x128xf32, #tpu.memory_space<vmem>>, vector<1x16xf32>,
                  %get3A_454 = arith.index_cast %scan3A_315 : i32 to index
                  %get3A_455 = arith.constant 96 : index
                  %get3A_456 = tpu.vector_load %arg16[%get3A_454, %get3A_455] {strides = array<i32>} : memref<64x128xf32, #tpu.memory_space<vmem>>, vector<1x16xf32>,
                  %get3A_457 = vector.shape_cast %get3A_456 : vector<1x16xf32> to vector<16xf32>
                  %get3A_458 = arith.constant 96 : index
                  %get3A_459 = tpu.vector_load %arg9[%get3A_458] {strides = array<i32>} : memref<128xf32, #tpu.memory_space<vmem>>, vector<16xf32>,
                  %get3A_460 = vector.shape_cast %get3A_459 : vector<16xf32> to vector<16xf32>
                  %mul3A_461 = vector.broadcast %squeeze3A : f32 to vector<16xf32>
                  %mul3A_462 = arith.mulf %mul3A_461, %get3A_460 : vector<16xf32>
                  %add3A_463 = arith.addf %get3A_457, %mul3A_462 : vector<16xf32>
                  %get3A_464 = arith.constant 96 : index
                  %get3A_465 = tpu.vector_load %arg10[%get3A_464] {strides = array<i32>} : memref<128xf32, #tpu.memory_space<vmem>>, vector<16xf32>,
                  %get3A_466 = vector.shape_cast %get3A_465 : vector<16xf32> to vector<16xf32>
                  %add3A_467 = arith.addf %add3A_463, %get3A_466 : vector<16xf32>
                  %max3A_468 = arith.constant 0.000000e+00 : f32
                  %max3A_469 = vector.broadcast %max3A_468 : f32 to vector<16xf32>
                  %max3A_470 = arith.maximumf %add3A_467, %max3A_469 : vector<16xf32>
                  %swap3A_471 = arith.index_cast %scan3A_315 : i32 to index
                  %swap3A_472 = arith.constant 96 : index
                  %swap3A_473 = tpu.vector_load %arg16[%swap3A_471, %swap3A_472] {strides = array<i32>} : memref<64x128xf32, #tpu.memory_space<vmem>>, vector<1x16xf32>,
                  %swap3A_474 = vector.shape_cast %swap3A_473 : vector<1x16xf32> to vector<16xf32>
                  %swap3A_475 = vector.shape_cast %max3A_470 : vector<16xf32> to vector<1x16xf32>
                  tpu.vector_store %arg16[%swap3A_471, %swap3A_472], %swap3A_475 {strides = array<i32>} : memref<64x128xf32, #tpu.memory_space<vmem>>, vector<1x16xf32>,
                  %get3A_476 = arith.index_cast %scan3A_315 : i32 to index
                  %get3A_477 = arith.constant 112 : index
                  %get3A_478 = tpu.vector_load %arg16[%get3A_476, %get3A_477] {strides = array<i32>} : memref<64x128xf32, #tpu.memory_space<vmem>>, vector<1x16xf32>,
                  %get3A_479 = vector.shape_cast %get3A_478 : vector<1x16xf32> to vector<16xf32>
                  %get3A_480 = arith.constant 112 : index
                  %get3A_481 = tpu.vector_load %arg9[%get3A_480] {strides = array<i32>} : memref<128xf32, #tpu.memory_space<vmem>>, vector<16xf32>,
                  %get3A_482 = vector.shape_cast %get3A_481 : vector<16xf32> to vector<16xf32>
                  %mul3A_483 = vector.broadcast %squeeze3A : f32 to vector<16xf32>
                  %mul3A_484 = arith.mulf %mul3A_483, %get3A_482 : vector<16xf32>
                  %add3A_485 = arith.addf %get3A_479, %mul3A_484 : vector<16xf32>
                  %get3A_486 = arith.constant 112 : index
                  %get3A_487 = tpu.vector_load %arg10[%get3A_486] {strides = array<i32>} : memref<128xf32, #tpu.memory_space<vmem>>, vector<16xf32>,
                  %get3A_488 = vector.shape_cast %get3A_487 : vector<16xf32> to vector<16xf32>
                  %add3A_489 = arith.addf %add3A_485, %get3A_488 : vector<16xf32>
                  %max3A_490 = arith.constant 0.000000e+00 : f32
                  %max3A_491 = vector.broadcast %max3A_490 : f32 to vector<16xf32>
                  %max3A_492 = arith.maximumf %add3A_489, %max3A_491 : vector<16xf32>
                  %swap3A_493 = arith.index_cast %scan3A_315 : i32 to index
                  %swap3A_494 = arith.constant 112 : index
                  %swap3A_495 = tpu.vector_load %arg16[%swap3A_493, %swap3A_494] {strides = array<i32>} : memref<64x128xf32, #tpu.memory_space<vmem>>, vector<1x16xf32>,
                  %swap3A_496 = vector.shape_cast %swap3A_495 : vector<1x16xf32> to vector<16xf32>
                  %swap3A_497 = vector.shape_cast %max3A_492 : vector<16xf32> to vector<1x16xf32>
                  tpu.vector_store %arg16[%swap3A_493, %swap3A_494], %swap3A_497 {strides = array<i32>} : memref<64x128xf32, #tpu.memory_space<vmem>>, vector<1x16xf32>,
                  %scan3A_498 = arith.constant 0 : i32
                  scf.yield %scan3A_498 : i32
                }
                %scan3A_311 = arith.constant 64 : i32
                %dma_start3A_312 = arith.constant 0 : i32
                %dma_start3A_313 = arith.constant 0 : i32
                %dma_start3A_314 = tpu.memref_slice %arg22[%dma_start3A_312, %dma_start3A_313] : memref<13320x128xf32, #tpu.memory_space<vmem_shared>> -> memref<13320x128xf32, #tpu.memory_space<vmem_shared>>
                tpu.enqueue_indirect_dma source(%arg16 : memref<64x128xf32, #tpu.memory_space<vmem>>) target(%dma_start3A_314 : memref<13320x128xf32, #tpu.memory_space<vmem_shared>>) offsets(%arg20 : memref<64xi32, #tpu.memory_space<vmem>>) semaphore(%arg24 : memref<!tpu.dma_semaphore, #tpu.memory_space<semaphore_mem>>) {add = true}
              } else {
              }
              %mul3A_286 = arith.constant 2 : i32
              %mul3A_287 = arith.muli %mul3A_286, %while3A_278 : i32
              %add3A_288 = arith.constant 1 : i32
              %add3A_289 = arith.addi %mul3A_287, %add3A_288 : i32
              %lt3A_290 = arith.cmpi slt, %add3A_289, %select_n3A_150 : i32
              %convert_element_type3A_291 = arith.extui %lt3A_290 : i1 to i32
              %cond3A_292 = arith.constant 0 : i32
              %cond3A_293 = arith.cmpi ne, %convert_element_type3A_291, %cond3A_292 : i32
              scf.if %cond3A_293 {
                %mul3A_295 = arith.constant 2 : i32
                %mul3A_296 = arith.muli %mul3A_295, %while3A_278 : i32
                %add3A_297 = arith.constant 1 : i32
                %add3A_298 = arith.addi %mul3A_296, %add3A_297 : i32
                %add3A_299 = arith.constant 1 : i32
                %add3A_300 = arith.addi %add3A_298, %add3A_299 : i32
                %dma_wait3A = arith.constant 0 : i32
                %dma_wait3A_301 = arith.constant 0 : i32
                %dma_wait3A_302 = tpu.memref_slice %arg2[%dma_wait3A, %dma_wait3A_301] : memref<100000x128xf32, #tpu.memory_space<hbm>> -> memref<100000x128xf32, #tpu.memory_space<hbm>>
                tpu.wait_indirect_dma semaphore(%arg23 : memref<!tpu.dma_semaphore, #tpu.memory_space<semaphore_mem>>) src(%dma_wait3A_302 : memref<100000x128xf32, #tpu.memory_space<hbm>>) dst(%arg17 : memref<64x128xf32, #tpu.memory_space<vmem>>)
                %lt3A_303 = arith.cmpi slt, %add3A_300, %select_n3A_150 : i32
                %convert_element_type3A_304 = arith.extui %lt3A_303 : i1 to i32
                %cond3A_305 = arith.constant 0 : i32
                %cond3A_306 = arith.cmpi ne, %convert_element_type3A_304, %cond3A_305 : i32
                scf.if %cond3A_306 {
                  %ge3A_317 = arith.constant 1 : i32
                  %ge3A_318 = arith.cmpi sge, %add3A_298, %ge3A_317 : i32
                  %convert_element_type3A_319 = arith.extui %ge3A_318 : i1 to i32
                  %cond3A_320 = arith.constant 0 : i32
                  %cond3A_321 = arith.cmpi ne, %convert_element_type3A_319, %cond3A_320 : i32
                  scf.if %cond3A_321 {
                    %dma_wait3A_409 = arith.constant 0 : i32
                    %dma_wait3A_410 = arith.constant 0 : i32
                    %dma_wait3A_411 = tpu.memref_slice %arg22[%dma_wait3A_409, %dma_wait3A_410] : memref<13320x128xf32, #tpu.memory_space<vmem_shared>> -> memref<13320x128xf32, #tpu.memory_space<vmem_shared>>
                    tpu.wait_indirect_dma semaphore(%arg24 : memref<!tpu.dma_semaphore, #tpu.memory_space<semaphore_mem>>) src(%arg16 : memref<64x128xf32, #tpu.memory_space<vmem>>) dst(%dma_wait3A_411 : memref<13320x128xf32, #tpu.memory_space<vmem_shared>>)
                  } else {
                  }
                  %mul3A_322 = arith.constant 64 : i32
                  %mul3A_323 = arith.muli %add3A_300, %mul3A_322 : i32
                  %add3A_324 = arith.constant 0 : i32
                  %add3A_325 = arith.addi %mul3A_323, %add3A_324 : i32
                  %get3A_326 = arith.index_cast %add3A_325 : i32 to index
                  %get3A_327 = tpu.vector_load %arg14[%get3A_326] {strides = array<i32>} : memref<1296xi32, #tpu.memory_space<vmem>>, vector<16xi32>,
                  %get3A_328 = vector.shape_cast %get3A_327 : vector<16xi32> to vector<16xi32>
                  %shift_right_logical3A_329 = arith.constant 17 : i32
                  %shift_right_logical3A_330 = vector.broadcast %shift_right_logical3A_329 : i32 to vector<16xi32>
                  %shift_right_logical3A_331 = arith.shrui %get3A_328, %shift_right_logical3A_330 : vector<16xi32>
                  %swap3A_332 = arith.constant 0 : index
                  %swap3A_333 = tpu.vector_load %arg20[%swap3A_332] {strides = array<i32>} : memref<64xi32, #tpu.memory_space<vmem>>, vector<16xi32>,
                  %swap3A_334 = vector.shape_cast %swap3A_333 : vector<16xi32> to vector<16xi32>
                  %swap3A_335 = vector.shape_cast %shift_right_logical3A_331 : vector<16xi32> to vector<16xi32>
                  tpu.vector_store %arg20[%swap3A_332], %swap3A_335 {strides = array<i32>} : memref<64xi32, #tpu.memory_space<vmem>>, vector<16xi32>,
                  %and3A_336 = arith.constant 131071 : i32
                  %and3A_337 = vector.broadcast %and3A_336 : i32 to vector<16xi32>
                  %and3A_338 = arith.andi %get3A_328, %and3A_337 : vector<16xi32>
                  %swap3A_339 = arith.constant 0 : index
                  %swap3A_340 = tpu.vector_load %arg18[%swap3A_339] {strides = array<i32>} : memref<64xi32, #tpu.memory_space<vmem>>, vector<16xi32>,
                  %swap3A_341 = vector.shape_cast %swap3A_340 : vector<16xi32> to vector<16xi32>
                  %swap3A_342 = vector.shape_cast %and3A_338 : vector<16xi32> to vector<16xi32>
                  tpu.vector_store %arg18[%swap3A_339], %swap3A_342 {strides = array<i32>} : memref<64xi32, #tpu.memory_space<vmem>>, vector<16xi32>,
                  %mul3A_343 = arith.constant 64 : i32
                  %mul3A_344 = arith.muli %add3A_300, %mul3A_343 : i32
                  %add3A_345 = arith.constant 16 : i32
                  %add3A_346 = arith.addi %mul3A_344, %add3A_345 : i32
                  %get3A_347 = arith.index_cast %add3A_346 : i32 to index
                  %get3A_348 = tpu.vector_load %arg14[%get3A_347] {strides = array<i32>} : memref<1296xi32, #tpu.memory_space<vmem>>, vector<16xi32>,
                  %get3A_349 = vector.shape_cast %get3A_348 : vector<16xi32> to vector<16xi32>
                  %shift_right_logical3A_350 = arith.constant 17 : i32
                  %shift_right_logical3A_351 = vector.broadcast %shift_right_logical3A_350 : i32 to vector<16xi32>
                  %shift_right_logical3A_352 = arith.shrui %get3A_349, %shift_right_logical3A_351 : vector<16xi32>
                  %swap3A_353 = arith.constant 16 : index
                  %swap3A_354 = tpu.vector_load %arg20[%swap3A_353] {strides = array<i32>} : memref<64xi32, #tpu.memory_space<vmem>>, vector<16xi32>,
                  %swap3A_355 = vector.shape_cast %swap3A_354 : vector<16xi32> to vector<16xi32>
                  %swap3A_356 = vector.shape_cast %shift_right_logical3A_352 : vector<16xi32> to vector<16xi32>
                  tpu.vector_store %arg20[%swap3A_353], %swap3A_356 {strides = array<i32>} : memref<64xi32, #tpu.memory_space<vmem>>, vector<16xi32>,
                  %and3A_357 = arith.constant 131071 : i32
                  %and3A_358 = vector.broadcast %and3A_357 : i32 to vector<16xi32>
                  %and3A_359 = arith.andi %get3A_349, %and3A_358 : vector<16xi32>
                  %swap3A_360 = arith.constant 16 : index
                  %swap3A_361 = tpu.vector_load %arg18[%swap3A_360] {strides = array<i32>} : memref<64xi32, #tpu.memory_space<vmem>>, vector<16xi32>,
                  %swap3A_362 = vector.shape_cast %swap3A_361 : vector<16xi32> to vector<16xi32>
                  %swap3A_363 = vector.shape_cast %and3A_359 : vector<16xi32> to vector<16xi32>
                  tpu.vector_store %arg18[%swap3A_360], %swap3A_363 {strides = array<i32>} : memref<64xi32, #tpu.memory_space<vmem>>, vector<16xi32>,
                  %mul3A_364 = arith.constant 64 : i32
                  %mul3A_365 = arith.muli %add3A_300, %mul3A_364 : i32
                  %add3A_366 = arith.constant 32 : i32
                  %add3A_367 = arith.addi %mul3A_365, %add3A_366 : i32
                  %get3A_368 = arith.index_cast %add3A_367 : i32 to index
                  %get3A_369 = tpu.vector_load %arg14[%get3A_368] {strides = array<i32>} : memref<1296xi32, #tpu.memory_space<vmem>>, vector<16xi32>,
                  %get3A_370 = vector.shape_cast %get3A_369 : vector<16xi32> to vector<16xi32>
                  %shift_right_logical3A_371 = arith.constant 17 : i32
                  %shift_right_logical3A_372 = vector.broadcast %shift_right_logical3A_371 : i32 to vector<16xi32>
                  %shift_right_logical3A_373 = arith.shrui %get3A_370, %shift_right_logical3A_372 : vector<16xi32>
                  %swap3A_374 = arith.constant 32 : index
                  %swap3A_375 = tpu.vector_load %arg20[%swap3A_374] {strides = array<i32>} : memref<64xi32, #tpu.memory_space<vmem>>, vector<16xi32>,
                  %swap3A_376 = vector.shape_cast %swap3A_375 : vector<16xi32> to vector<16xi32>
                  %swap3A_377 = vector.shape_cast %shift_right_logical3A_373 : vector<16xi32> to vector<16xi32>
                  tpu.vector_store %arg20[%swap3A_374], %swap3A_377 {strides = array<i32>} : memref<64xi32, #tpu.memory_space<vmem>>, vector<16xi32>,
                  %and3A_378 = arith.constant 131071 : i32
                  %and3A_379 = vector.broadcast %and3A_378 : i32 to vector<16xi32>
                  %and3A_380 = arith.andi %get3A_370, %and3A_379 : vector<16xi32>
                  %swap3A_381 = arith.constant 32 : index
                  %swap3A_382 = tpu.vector_load %arg18[%swap3A_381] {strides = array<i32>} : memref<64xi32, #tpu.memory_space<vmem>>, vector<16xi32>,
                  %swap3A_383 = vector.shape_cast %swap3A_382 : vector<16xi32> to vector<16xi32>
                  %swap3A_384 = vector.shape_cast %and3A_380 : vector<16xi32> to vector<16xi32>
                  tpu.vector_store %arg18[%swap3A_381], %swap3A_384 {strides = array<i32>} : memref<64xi32, #tpu.memory_space<vmem>>, vector<16xi32>,
                  %mul3A_385 = arith.constant 64 : i32
                  %mul3A_386 = arith.muli %add3A_300, %mul3A_385 : i32
                  %add3A_387 = arith.constant 48 : i32
                  %add3A_388 = arith.addi %mul3A_386, %add3A_387 : i32
                  %get3A_389 = arith.index_cast %add3A_388 : i32 to index
                  %get3A_390 = tpu.vector_load %arg14[%get3A_389] {strides = array<i32>} : memref<1296xi32, #tpu.memory_space<vmem>>, vector<16xi32>,
                  %get3A_391 = vector.shape_cast %get3A_390 : vector<16xi32> to vector<16xi32>
                  %shift_right_logical3A_392 = arith.constant 17 : i32
                  %shift_right_logical3A_393 = vector.broadcast %shift_right_logical3A_392 : i32 to vector<16xi32>
                  %shift_right_logical3A_394 = arith.shrui %get3A_391, %shift_right_logical3A_393 : vector<16xi32>
                  %swap3A_395 = arith.constant 48 : index
                  %swap3A_396 = tpu.vector_load %arg20[%swap3A_395] {strides = array<i32>} : memref<64xi32, #tpu.memory_space<vmem>>, vector<16xi32>,
                  %swap3A_397 = vector.shape_cast %swap3A_396 : vector<16xi32> to vector<16xi32>
                  %swap3A_398 = vector.shape_cast %shift_right_logical3A_394 : vector<16xi32> to vector<16xi32>
                  tpu.vector_store %arg20[%swap3A_395], %swap3A_398 {strides = array<i32>} : memref<64xi32, #tpu.memory_space<vmem>>, vector<16xi32>,
                  %and3A_399 = arith.constant 131071 : i32
                  %and3A_400 = vector.broadcast %and3A_399 : i32 to vector<16xi32>
                  %and3A_401 = arith.andi %get3A_391, %and3A_400 : vector<16xi32>
                  %swap3A_402 = arith.constant 48 : index
                  %swap3A_403 = tpu.vector_load %arg18[%swap3A_402] {strides = array<i32>} : memref<64xi32, #tpu.memory_space<vmem>>, vector<16xi32>,
                  %swap3A_404 = vector.shape_cast %swap3A_403 : vector<16xi32> to vector<16xi32>
                  %swap3A_405 = vector.shape_cast %and3A_401 : vector<16xi32> to vector<16xi32>
                  tpu.vector_store %arg18[%swap3A_402], %swap3A_405 {strides = array<i32>} : memref<64xi32, #tpu.memory_space<vmem>>, vector<16xi32>,
                  %dma_start3A_406 = arith.constant 0 : i32
                  %dma_start3A_407 = arith.constant 0 : i32
                  %dma_start3A_408 = tpu.memref_slice %arg2[%dma_start3A_406, %dma_start3A_407] : memref<100000x128xf32, #tpu.memory_space<hbm>> -> memref<100000x128xf32, #tpu.memory_space<hbm>>
                  tpu.enqueue_indirect_dma source(%dma_start3A_408 : memref<100000x128xf32, #tpu.memory_space<hbm>>) target(%arg16 : memref<64x128xf32, #tpu.memory_space<vmem>>) offsets(%arg18 : memref<64xi32, #tpu.memory_space<vmem>>) semaphore(%arg23 : memref<!tpu.dma_semaphore, #tpu.memory_space<semaphore_mem>>)
                } else {
                }
                %scan3A_307 = arith.constant 0 : i32
                %scan3A_308 = arith.constant 0 : i32
                %scan3A_309 = arith.constant 64 : i32
                %scan3A_310 = arith.addi %scan3A_308, %scan3A_309 : i32
                %scan3A_311 = arith.constant 1 : i32
                %scan3A_312 = scf.for %scan3A_317 = %scan3A_308 to %scan3A_310 step %scan3A_311 iter_args(%scan3A_318 = %scan3A_307) -> (i32)  : i32 {
                  %mul3A_319 = arith.constant 64 : i32
                  %mul3A_320 = arith.muli %add3A_298, %mul3A_319 : i32
                  %add3A_321 = arith.addi %mul3A_320, %scan3A_317 : i32
                  %get3A_322 = arith.index_cast %add3A_321 : i32 to index
                  %get3A_323 = tpu.vector_load %arg15[%get3A_322] {strides = array<i32>} : memref<1296xf32, #tpu.memory_space<vmem>>, vector<16xf32>,
                  %get3A_324 = vector.shape_cast %get3A_323 : vector<16xf32> to vector<16xf32>
                  %slice3A = vector.extract_strided_slice %get3A_324 {offsets = [0], sizes = [1], strides = [1]} : vector<16xf32> to vector<1xf32>
                  %squeeze3A = vector.extract %slice3A[0] : f32 from vector<1xf32>
                  %get3A_325 = arith.index_cast %scan3A_317 : i32 to index
                  %get3A_326 = arith.constant 0 : index
                  %get3A_327 = tpu.vector_load %arg17[%get3A_325, %get3A_326] {strides = array<i32>} : memref<64x128xf32, #tpu.memory_space<vmem>>, vector<1x16xf32>,
                  %get3A_328 = vector.shape_cast %get3A_327 : vector<1x16xf32> to vector<16xf32>
                  %get3A_329 = arith.constant 0 : index
                  %get3A_330 = tpu.vector_load %arg9[%get3A_329] {strides = array<i32>} : memref<128xf32, #tpu.memory_space<vmem>>, vector<16xf32>,
                  %get3A_331 = vector.shape_cast %get3A_330 : vector<16xf32> to vector<16xf32>
                  %mul3A_332 = vector.broadcast %squeeze3A : f32 to vector<16xf32>
                  %mul3A_333 = arith.mulf %mul3A_332, %get3A_331 : vector<16xf32>
                  %add3A_334 = arith.addf %get3A_328, %mul3A_333 : vector<16xf32>
                  %get3A_335 = arith.constant 0 : index
                  %get3A_336 = tpu.vector_load %arg10[%get3A_335] {strides = array<i32>} : memref<128xf32, #tpu.memory_space<vmem>>, vector<16xf32>,
                  %get3A_337 = vector.shape_cast %get3A_336 : vector<16xf32> to vector<16xf32>
                  %add3A_338 = arith.addf %add3A_334, %get3A_337 : vector<16xf32>
                  %max3A = arith.constant 0.000000e+00 : f32
                  %max3A_339 = vector.broadcast %max3A : f32 to vector<16xf32>
                  %max3A_340 = arith.maximumf %add3A_338, %max3A_339 : vector<16xf32>
                  %swap3A_341 = arith.index_cast %scan3A_317 : i32 to index
                  %swap3A_342 = arith.constant 0 : index
                  %swap3A_343 = tpu.vector_load %arg17[%swap3A_341, %swap3A_342] {strides = array<i32>} : memref<64x128xf32, #tpu.memory_space<vmem>>, vector<1x16xf32>,
                  %swap3A_344 = vector.shape_cast %swap3A_343 : vector<1x16xf32> to vector<16xf32>
                  %swap3A_345 = vector.shape_cast %max3A_340 : vector<16xf32> to vector<1x16xf32>
                  tpu.vector_store %arg17[%swap3A_341, %swap3A_342], %swap3A_345 {strides = array<i32>} : memref<64x128xf32, #tpu.memory_space<vmem>>, vector<1x16xf32>,
                  %get3A_346 = arith.index_cast %scan3A_317 : i32 to index
                  %get3A_347 = arith.constant 16 : index
                  %get3A_348 = tpu.vector_load %arg17[%get3A_346, %get3A_347] {strides = array<i32>} : memref<64x128xf32, #tpu.memory_space<vmem>>, vector<1x16xf32>,
                  %get3A_349 = vector.shape_cast %get3A_348 : vector<1x16xf32> to vector<16xf32>
                  %get3A_350 = arith.constant 16 : index
                  %get3A_351 = tpu.vector_load %arg9[%get3A_350] {strides = array<i32>} : memref<128xf32, #tpu.memory_space<vmem>>, vector<16xf32>,
                  %get3A_352 = vector.shape_cast %get3A_351 : vector<16xf32> to vector<16xf32>
                  %mul3A_353 = vector.broadcast %squeeze3A : f32 to vector<16xf32>
                  %mul3A_354 = arith.mulf %mul3A_353, %get3A_352 : vector<16xf32>
                  %add3A_355 = arith.addf %get3A_349, %mul3A_354 : vector<16xf32>
                  %get3A_356 = arith.constant 16 : index
                  %get3A_357 = tpu.vector_load %arg10[%get3A_356] {strides = array<i32>} : memref<128xf32, #tpu.memory_space<vmem>>, vector<16xf32>,
                  %get3A_358 = vector.shape_cast %get3A_357 : vector<16xf32> to vector<16xf32>
                  %add3A_359 = arith.addf %add3A_355, %get3A_358 : vector<16xf32>
                  %max3A_360 = arith.constant 0.000000e+00 : f32
                  %max3A_361 = vector.broadcast %max3A_360 : f32 to vector<16xf32>
                  %max3A_362 = arith.maximumf %add3A_359, %max3A_361 : vector<16xf32>
                  %swap3A_363 = arith.index_cast %scan3A_317 : i32 to index
                  %swap3A_364 = arith.constant 16 : index
                  %swap3A_365 = tpu.vector_load %arg17[%swap3A_363, %swap3A_364] {strides = array<i32>} : memref<64x128xf32, #tpu.memory_space<vmem>>, vector<1x16xf32>,
                  %swap3A_366 = vector.shape_cast %swap3A_365 : vector<1x16xf32> to vector<16xf32>
                  %swap3A_367 = vector.shape_cast %max3A_362 : vector<16xf32> to vector<1x16xf32>
                  tpu.vector_store %arg17[%swap3A_363, %swap3A_364], %swap3A_367 {strides = array<i32>} : memref<64x128xf32, #tpu.memory_space<vmem>>, vector<1x16xf32>,
                  %get3A_368 = arith.index_cast %scan3A_317 : i32 to index
                  %get3A_369 = arith.constant 32 : index
                  %get3A_370 = tpu.vector_load %arg17[%get3A_368, %get3A_369] {strides = array<i32>} : memref<64x128xf32, #tpu.memory_space<vmem>>, vector<1x16xf32>,
                  %get3A_371 = vector.shape_cast %get3A_370 : vector<1x16xf32> to vector<16xf32>
                  %get3A_372 = arith.constant 32 : index
                  %get3A_373 = tpu.vector_load %arg9[%get3A_372] {strides = array<i32>} : memref<128xf32, #tpu.memory_space<vmem>>, vector<16xf32>,
                  %get3A_374 = vector.shape_cast %get3A_373 : vector<16xf32> to vector<16xf32>
                  %mul3A_375 = vector.broadcast %squeeze3A : f32 to vector<16xf32>
                  %mul3A_376 = arith.mulf %mul3A_375, %get3A_374 : vector<16xf32>
                  %add3A_377 = arith.addf %get3A_371, %mul3A_376 : vector<16xf32>
                  %get3A_378 = arith.constant 32 : index
                  %get3A_379 = tpu.vector_load %arg10[%get3A_378] {strides = array<i32>} : memref<128xf32, #tpu.memory_space<vmem>>, vector<16xf32>,
                  %get3A_380 = vector.shape_cast %get3A_379 : vector<16xf32> to vector<16xf32>
                  %add3A_381 = arith.addf %add3A_377, %get3A_380 : vector<16xf32>
                  %max3A_382 = arith.constant 0.000000e+00 : f32
                  %max3A_383 = vector.broadcast %max3A_382 : f32 to vector<16xf32>
                  %max3A_384 = arith.maximumf %add3A_381, %max3A_383 : vector<16xf32>
                  %swap3A_385 = arith.index_cast %scan3A_317 : i32 to index
                  %swap3A_386 = arith.constant 32 : index
                  %swap3A_387 = tpu.vector_load %arg17[%swap3A_385, %swap3A_386] {strides = array<i32>} : memref<64x128xf32, #tpu.memory_space<vmem>>, vector<1x16xf32>,
                  %swap3A_388 = vector.shape_cast %swap3A_387 : vector<1x16xf32> to vector<16xf32>
                  %swap3A_389 = vector.shape_cast %max3A_384 : vector<16xf32> to vector<1x16xf32>
                  tpu.vector_store %arg17[%swap3A_385, %swap3A_386], %swap3A_389 {strides = array<i32>} : memref<64x128xf32, #tpu.memory_space<vmem>>, vector<1x16xf32>,
                  %get3A_390 = arith.index_cast %scan3A_317 : i32 to index
                  %get3A_391 = arith.constant 48 : index
                  %get3A_392 = tpu.vector_load %arg17[%get3A_390, %get3A_391] {strides = array<i32>} : memref<64x128xf32, #tpu.memory_space<vmem>>, vector<1x16xf32>,
                  %get3A_393 = vector.shape_cast %get3A_392 : vector<1x16xf32> to vector<16xf32>
                  %get3A_394 = arith.constant 48 : index
                  %get3A_395 = tpu.vector_load %arg9[%get3A_394] {strides = array<i32>} : memref<128xf32, #tpu.memory_space<vmem>>, vector<16xf32>,
                  %get3A_396 = vector.shape_cast %get3A_395 : vector<16xf32> to vector<16xf32>
                  %mul3A_397 = vector.broadcast %squeeze3A : f32 to vector<16xf32>
                  %mul3A_398 = arith.mulf %mul3A_397, %get3A_396 : vector<16xf32>
                  %add3A_399 = arith.addf %get3A_393, %mul3A_398 : vector<16xf32>
                  %get3A_400 = arith.constant 48 : index
                  %get3A_401 = tpu.vector_load %arg10[%get3A_400] {strides = array<i32>} : memref<128xf32, #tpu.memory_space<vmem>>, vector<16xf32>,
                  %get3A_402 = vector.shape_cast %get3A_401 : vector<16xf32> to vector<16xf32>
                  %add3A_403 = arith.addf %add3A_399, %get3A_402 : vector<16xf32>
                  %max3A_404 = arith.constant 0.000000e+00 : f32
                  %max3A_405 = vector.broadcast %max3A_404 : f32 to vector<16xf32>
                  %max3A_406 = arith.maximumf %add3A_403, %max3A_405 : vector<16xf32>
                  %swap3A_407 = arith.index_cast %scan3A_317 : i32 to index
                  %swap3A_408 = arith.constant 48 : index
                  %swap3A_409 = tpu.vector_load %arg17[%swap3A_407, %swap3A_408] {strides = array<i32>} : memref<64x128xf32, #tpu.memory_space<vmem>>, vector<1x16xf32>,
                  %swap3A_410 = vector.shape_cast %swap3A_409 : vector<1x16xf32> to vector<16xf32>
                  %swap3A_411 = vector.shape_cast %max3A_406 : vector<16xf32> to vector<1x16xf32>
                  tpu.vector_store %arg17[%swap3A_407, %swap3A_408], %swap3A_411 {strides = array<i32>} : memref<64x128xf32, #tpu.memory_space<vmem>>, vector<1x16xf32>,
                  %get3A_412 = arith.index_cast %scan3A_317 : i32 to index
                  %get3A_413 = arith.constant 64 : index
                  %get3A_414 = tpu.vector_load %arg17[%get3A_412, %get3A_413] {strides = array<i32>} : memref<64x128xf32, #tpu.memory_space<vmem>>, vector<1x16xf32>,
                  %get3A_415 = vector.shape_cast %get3A_414 : vector<1x16xf32> to vector<16xf32>
                  %get3A_416 = arith.constant 64 : index
                  %get3A_417 = tpu.vector_load %arg9[%get3A_416] {strides = array<i32>} : memref<128xf32, #tpu.memory_space<vmem>>, vector<16xf32>,
                  %get3A_418 = vector.shape_cast %get3A_417 : vector<16xf32> to vector<16xf32>
                  %mul3A_419 = vector.broadcast %squeeze3A : f32 to vector<16xf32>
                  %mul3A_420 = arith.mulf %mul3A_419, %get3A_418 : vector<16xf32>
                  %add3A_421 = arith.addf %get3A_415, %mul3A_420 : vector<16xf32>
                  %get3A_422 = arith.constant 64 : index
                  %get3A_423 = tpu.vector_load %arg10[%get3A_422] {strides = array<i32>} : memref<128xf32, #tpu.memory_space<vmem>>, vector<16xf32>,
                  %get3A_424 = vector.shape_cast %get3A_423 : vector<16xf32> to vector<16xf32>
                  %add3A_425 = arith.addf %add3A_421, %get3A_424 : vector<16xf32>
                  %max3A_426 = arith.constant 0.000000e+00 : f32
                  %max3A_427 = vector.broadcast %max3A_426 : f32 to vector<16xf32>
                  %max3A_428 = arith.maximumf %add3A_425, %max3A_427 : vector<16xf32>
                  %swap3A_429 = arith.index_cast %scan3A_317 : i32 to index
                  %swap3A_430 = arith.constant 64 : index
                  %swap3A_431 = tpu.vector_load %arg17[%swap3A_429, %swap3A_430] {strides = array<i32>} : memref<64x128xf32, #tpu.memory_space<vmem>>, vector<1x16xf32>,
                  %swap3A_432 = vector.shape_cast %swap3A_431 : vector<1x16xf32> to vector<16xf32>
                  %swap3A_433 = vector.shape_cast %max3A_428 : vector<16xf32> to vector<1x16xf32>
                  tpu.vector_store %arg17[%swap3A_429, %swap3A_430], %swap3A_433 {strides = array<i32>} : memref<64x128xf32, #tpu.memory_space<vmem>>, vector<1x16xf32>,
                  %get3A_434 = arith.index_cast %scan3A_317 : i32 to index
                  %get3A_435 = arith.constant 80 : index
                  %get3A_436 = tpu.vector_load %arg17[%get3A_434, %get3A_435] {strides = array<i32>} : memref<64x128xf32, #tpu.memory_space<vmem>>, vector<1x16xf32>,
                  %get3A_437 = vector.shape_cast %get3A_436 : vector<1x16xf32> to vector<16xf32>
                  %get3A_438 = arith.constant 80 : index
                  %get3A_439 = tpu.vector_load %arg9[%get3A_438] {strides = array<i32>} : memref<128xf32, #tpu.memory_space<vmem>>, vector<16xf32>,
                  %get3A_440 = vector.shape_cast %get3A_439 : vector<16xf32> to vector<16xf32>
                  %mul3A_441 = vector.broadcast %squeeze3A : f32 to vector<16xf32>
                  %mul3A_442 = arith.mulf %mul3A_441, %get3A_440 : vector<16xf32>
                  %add3A_443 = arith.addf %get3A_437, %mul3A_442 : vector<16xf32>
                  %get3A_444 = arith.constant 80 : index
                  %get3A_445 = tpu.vector_load %arg10[%get3A_444] {strides = array<i32>} : memref<128xf32, #tpu.memory_space<vmem>>, vector<16xf32>,
                  %get3A_446 = vector.shape_cast %get3A_445 : vector<16xf32> to vector<16xf32>
                  %add3A_447 = arith.addf %add3A_443, %get3A_446 : vector<16xf32>
                  %max3A_448 = arith.constant 0.000000e+00 : f32
                  %max3A_449 = vector.broadcast %max3A_448 : f32 to vector<16xf32>
                  %max3A_450 = arith.maximumf %add3A_447, %max3A_449 : vector<16xf32>
                  %swap3A_451 = arith.index_cast %scan3A_317 : i32 to index
                  %swap3A_452 = arith.constant 80 : index
                  %swap3A_453 = tpu.vector_load %arg17[%swap3A_451, %swap3A_452] {strides = array<i32>} : memref<64x128xf32, #tpu.memory_space<vmem>>, vector<1x16xf32>,
                  %swap3A_454 = vector.shape_cast %swap3A_453 : vector<1x16xf32> to vector<16xf32>
                  %swap3A_455 = vector.shape_cast %max3A_450 : vector<16xf32> to vector<1x16xf32>
                  tpu.vector_store %arg17[%swap3A_451, %swap3A_452], %swap3A_455 {strides = array<i32>} : memref<64x128xf32, #tpu.memory_space<vmem>>, vector<1x16xf32>,
                  %get3A_456 = arith.index_cast %scan3A_317 : i32 to index
                  %get3A_457 = arith.constant 96 : index
                  %get3A_458 = tpu.vector_load %arg17[%get3A_456, %get3A_457] {strides = array<i32>} : memref<64x128xf32, #tpu.memory_space<vmem>>, vector<1x16xf32>,
                  %get3A_459 = vector.shape_cast %get3A_458 : vector<1x16xf32> to vector<16xf32>
                  %get3A_460 = arith.constant 96 : index
                  %get3A_461 = tpu.vector_load %arg9[%get3A_460] {strides = array<i32>} : memref<128xf32, #tpu.memory_space<vmem>>, vector<16xf32>,
                  %get3A_462 = vector.shape_cast %get3A_461 : vector<16xf32> to vector<16xf32>
                  %mul3A_463 = vector.broadcast %squeeze3A : f32 to vector<16xf32>
                  %mul3A_464 = arith.mulf %mul3A_463, %get3A_462 : vector<16xf32>
                  %add3A_465 = arith.addf %get3A_459, %mul3A_464 : vector<16xf32>
                  %get3A_466 = arith.constant 96 : index
                  %get3A_467 = tpu.vector_load %arg10[%get3A_466] {strides = array<i32>} : memref<128xf32, #tpu.memory_space<vmem>>, vector<16xf32>,
                  %get3A_468 = vector.shape_cast %get3A_467 : vector<16xf32> to vector<16xf32>
                  %add3A_469 = arith.addf %add3A_465, %get3A_468 : vector<16xf32>
                  %max3A_470 = arith.constant 0.000000e+00 : f32
                  %max3A_471 = vector.broadcast %max3A_470 : f32 to vector<16xf32>
                  %max3A_472 = arith.maximumf %add3A_469, %max3A_471 : vector<16xf32>
                  %swap3A_473 = arith.index_cast %scan3A_317 : i32 to index
                  %swap3A_474 = arith.constant 96 : index
                  %swap3A_475 = tpu.vector_load %arg17[%swap3A_473, %swap3A_474] {strides = array<i32>} : memref<64x128xf32, #tpu.memory_space<vmem>>, vector<1x16xf32>,
                  %swap3A_476 = vector.shape_cast %swap3A_475 : vector<1x16xf32> to vector<16xf32>
                  %swap3A_477 = vector.shape_cast %max3A_472 : vector<16xf32> to vector<1x16xf32>
                  tpu.vector_store %arg17[%swap3A_473, %swap3A_474], %swap3A_477 {strides = array<i32>} : memref<64x128xf32, #tpu.memory_space<vmem>>, vector<1x16xf32>,
                  %get3A_478 = arith.index_cast %scan3A_317 : i32 to index
                  %get3A_479 = arith.constant 112 : index
                  %get3A_480 = tpu.vector_load %arg17[%get3A_478, %get3A_479] {strides = array<i32>} : memref<64x128xf32, #tpu.memory_space<vmem>>, vector<1x16xf32>,
                  %get3A_481 = vector.shape_cast %get3A_480 : vector<1x16xf32> to vector<16xf32>
                  %get3A_482 = arith.constant 112 : index
                  %get3A_483 = tpu.vector_load %arg9[%get3A_482] {strides = array<i32>} : memref<128xf32, #tpu.memory_space<vmem>>, vector<16xf32>,
                  %get3A_484 = vector.shape_cast %get3A_483 : vector<16xf32> to vector<16xf32>
                  %mul3A_485 = vector.broadcast %squeeze3A : f32 to vector<16xf32>
                  %mul3A_486 = arith.mulf %mul3A_485, %get3A_484 : vector<16xf32>
                  %add3A_487 = arith.addf %get3A_481, %mul3A_486 : vector<16xf32>
                  %get3A_488 = arith.constant 112 : index
                  %get3A_489 = tpu.vector_load %arg10[%get3A_488] {strides = array<i32>} : memref<128xf32, #tpu.memory_space<vmem>>, vector<16xf32>,
                  %get3A_490 = vector.shape_cast %get3A_489 : vector<16xf32> to vector<16xf32>
                  %add3A_491 = arith.addf %add3A_487, %get3A_490 : vector<16xf32>
                  %max3A_492 = arith.constant 0.000000e+00 : f32
                  %max3A_493 = vector.broadcast %max3A_492 : f32 to vector<16xf32>
                  %max3A_494 = arith.maximumf %add3A_491, %max3A_493 : vector<16xf32>
                  %swap3A_495 = arith.index_cast %scan3A_317 : i32 to index
                  %swap3A_496 = arith.constant 112 : index
                  %swap3A_497 = tpu.vector_load %arg17[%swap3A_495, %swap3A_496] {strides = array<i32>} : memref<64x128xf32, #tpu.memory_space<vmem>>, vector<1x16xf32>,
                  %swap3A_498 = vector.shape_cast %swap3A_497 : vector<1x16xf32> to vector<16xf32>
                  %swap3A_499 = vector.shape_cast %max3A_494 : vector<16xf32> to vector<1x16xf32>
                  tpu.vector_store %arg17[%swap3A_495, %swap3A_496], %swap3A_499 {strides = array<i32>} : memref<64x128xf32, #tpu.memory_space<vmem>>, vector<1x16xf32>,
                  %scan3A_500 = arith.constant 0 : i32
                  scf.yield %scan3A_500 : i32
                }
                %scan3A_313 = arith.constant 64 : i32
                %dma_start3A_314 = arith.constant 0 : i32
                %dma_start3A_315 = arith.constant 0 : i32
                %dma_start3A_316 = tpu.memref_slice %arg22[%dma_start3A_314, %dma_start3A_315] : memref<13320x128xf32, #tpu.memory_space<vmem_shared>> -> memref<13320x128xf32, #tpu.memory_space<vmem_shared>>
                tpu.enqueue_indirect_dma source(%arg17 : memref<64x128xf32, #tpu.memory_space<vmem>>) target(%dma_start3A_316 : memref<13320x128xf32, #tpu.memory_space<vmem_shared>>) offsets(%arg21 : memref<64xi32, #tpu.memory_space<vmem>>) semaphore(%arg24 : memref<!tpu.dma_semaphore, #tpu.memory_space<semaphore_mem>>) {add = true}
              } else {
              }
              %while3A_294 = arith.constant 0 : i32
              scf.yield %while3A_294 : i32
            }
            %while3A_267 = arith.constant 1 : i32
            %while3A_268 = scf.for %while3A_278 = %while3A_264 to %while3A_260 step %while3A_267 iter_args(%while3A_279 = %while3A_266) -> (i32)  : i32 {
              %mul3A_280 = arith.constant 2 : i32
              %mul3A_281 = arith.muli %mul3A_280, %while3A_278 : i32
              %lt3A_282 = arith.cmpi slt, %mul3A_281, %select_n3A_150 : i32
              %convert_element_type3A_283 = arith.extui %lt3A_282 : i1 to i32
              %cond3A_284 = arith.constant 0 : i32
              %cond3A_285 = arith.cmpi ne, %convert_element_type3A_283, %cond3A_284 : i32
              scf.if %cond3A_285 {
                %mul3A_295 = arith.constant 2 : i32
                %mul3A_296 = arith.muli %mul3A_295, %while3A_278 : i32
                %add3A_297 = arith.constant 1 : i32
                %add3A_298 = arith.addi %mul3A_296, %add3A_297 : i32
                %dma_wait3A = arith.constant 0 : i32
                %dma_wait3A_299 = arith.constant 0 : i32
                %dma_wait3A_300 = tpu.memref_slice %arg2[%dma_wait3A, %dma_wait3A_299] : memref<100000x128xf32, #tpu.memory_space<hbm>> -> memref<100000x128xf32, #tpu.memory_space<hbm>>
                tpu.wait_indirect_dma semaphore(%arg23 : memref<!tpu.dma_semaphore, #tpu.memory_space<semaphore_mem>>) src(%dma_wait3A_300 : memref<100000x128xf32, #tpu.memory_space<hbm>>) dst(%arg16 : memref<64x128xf32, #tpu.memory_space<vmem>>)
                %lt3A_301 = arith.cmpi slt, %add3A_298, %select_n3A_150 : i32
                %convert_element_type3A_302 = arith.extui %lt3A_301 : i1 to i32
                %cond3A_303 = arith.constant 0 : i32
                %cond3A_304 = arith.cmpi ne, %convert_element_type3A_302, %cond3A_303 : i32
                scf.if %cond3A_304 {
                  %ge3A_315 = arith.constant 1 : i32
                  %ge3A_316 = arith.cmpi sge, %mul3A_296, %ge3A_315 : i32
                  %convert_element_type3A_317 = arith.extui %ge3A_316 : i1 to i32
                  %cond3A_318 = arith.constant 0 : i32
                  %cond3A_319 = arith.cmpi ne, %convert_element_type3A_317, %cond3A_318 : i32
                  scf.if %cond3A_319 {
                    %dma_wait3A_407 = arith.constant 0 : i32
                    %dma_wait3A_408 = arith.constant 0 : i32
                    %dma_wait3A_409 = tpu.memref_slice %arg22[%dma_wait3A_407, %dma_wait3A_408] : memref<13320x128xf32, #tpu.memory_space<vmem_shared>> -> memref<13320x128xf32, #tpu.memory_space<vmem_shared>>
                    tpu.wait_indirect_dma semaphore(%arg24 : memref<!tpu.dma_semaphore, #tpu.memory_space<semaphore_mem>>) src(%arg17 : memref<64x128xf32, #tpu.memory_space<vmem>>) dst(%dma_wait3A_409 : memref<13320x128xf32, #tpu.memory_space<vmem_shared>>)
                  } else {
                  }
                  %mul3A_320 = arith.constant 64 : i32
                  %mul3A_321 = arith.muli %add3A_298, %mul3A_320 : i32
                  %add3A_322 = arith.constant 0 : i32
                  %add3A_323 = arith.addi %mul3A_321, %add3A_322 : i32
                  %get3A_324 = arith.index_cast %add3A_323 : i32 to index
                  %get3A_325 = tpu.vector_load %arg14[%get3A_324] {strides = array<i32>} : memref<1296xi32, #tpu.memory_space<vmem>>, vector<16xi32>,
                  %get3A_326 = vector.shape_cast %get3A_325 : vector<16xi32> to vector<16xi32>
                  %shift_right_logical3A_327 = arith.constant 17 : i32
                  %shift_right_logical3A_328 = vector.broadcast %shift_right_logical3A_327 : i32 to vector<16xi32>
                  %shift_right_logical3A_329 = arith.shrui %get3A_326, %shift_right_logical3A_328 : vector<16xi32>
                  %swap3A_330 = arith.constant 0 : index
                  %swap3A_331 = tpu.vector_load %arg21[%swap3A_330] {strides = array<i32>} : memref<64xi32, #tpu.memory_space<vmem>>, vector<16xi32>,
                  %swap3A_332 = vector.shape_cast %swap3A_331 : vector<16xi32> to vector<16xi32>
                  %swap3A_333 = vector.shape_cast %shift_right_logical3A_329 : vector<16xi32> to vector<16xi32>
                  tpu.vector_store %arg21[%swap3A_330], %swap3A_333 {strides = array<i32>} : memref<64xi32, #tpu.memory_space<vmem>>, vector<16xi32>,
                  %and3A_334 = arith.constant 131071 : i32
                  %and3A_335 = vector.broadcast %and3A_334 : i32 to vector<16xi32>
                  %and3A_336 = arith.andi %get3A_326, %and3A_335 : vector<16xi32>
                  %swap3A_337 = arith.constant 0 : index
                  %swap3A_338 = tpu.vector_load %arg19[%swap3A_337] {strides = array<i32>} : memref<64xi32, #tpu.memory_space<vmem>>, vector<16xi32>,
                  %swap3A_339 = vector.shape_cast %swap3A_338 : vector<16xi32> to vector<16xi32>
                  %swap3A_340 = vector.shape_cast %and3A_336 : vector<16xi32> to vector<16xi32>
                  tpu.vector_store %arg19[%swap3A_337], %swap3A_340 {strides = array<i32>} : memref<64xi32, #tpu.memory_space<vmem>>, vector<16xi32>,
                  %mul3A_341 = arith.constant 64 : i32
                  %mul3A_342 = arith.muli %add3A_298, %mul3A_341 : i32
                  %add3A_343 = arith.constant 16 : i32
                  %add3A_344 = arith.addi %mul3A_342, %add3A_343 : i32
                  %get3A_345 = arith.index_cast %add3A_344 : i32 to index
                  %get3A_346 = tpu.vector_load %arg14[%get3A_345] {strides = array<i32>} : memref<1296xi32, #tpu.memory_space<vmem>>, vector<16xi32>,
                  %get3A_347 = vector.shape_cast %get3A_346 : vector<16xi32> to vector<16xi32>
                  %shift_right_logical3A_348 = arith.constant 17 : i32
                  %shift_right_logical3A_349 = vector.broadcast %shift_right_logical3A_348 : i32 to vector<16xi32>
                  %shift_right_logical3A_350 = arith.shrui %get3A_347, %shift_right_logical3A_349 : vector<16xi32>
                  %swap3A_351 = arith.constant 16 : index
                  %swap3A_352 = tpu.vector_load %arg21[%swap3A_351] {strides = array<i32>} : memref<64xi32, #tpu.memory_space<vmem>>, vector<16xi32>,
                  %swap3A_353 = vector.shape_cast %swap3A_352 : vector<16xi32> to vector<16xi32>
                  %swap3A_354 = vector.shape_cast %shift_right_logical3A_350 : vector<16xi32> to vector<16xi32>
                  tpu.vector_store %arg21[%swap3A_351], %swap3A_354 {strides = array<i32>} : memref<64xi32, #tpu.memory_space<vmem>>, vector<16xi32>,
                  %and3A_355 = arith.constant 131071 : i32
                  %and3A_356 = vector.broadcast %and3A_355 : i32 to vector<16xi32>
                  %and3A_357 = arith.andi %get3A_347, %and3A_356 : vector<16xi32>
                  %swap3A_358 = arith.constant 16 : index
                  %swap3A_359 = tpu.vector_load %arg19[%swap3A_358] {strides = array<i32>} : memref<64xi32, #tpu.memory_space<vmem>>, vector<16xi32>,
                  %swap3A_360 = vector.shape_cast %swap3A_359 : vector<16xi32> to vector<16xi32>
                  %swap3A_361 = vector.shape_cast %and3A_357 : vector<16xi32> to vector<16xi32>
                  tpu.vector_store %arg19[%swap3A_358], %swap3A_361 {strides = array<i32>} : memref<64xi32, #tpu.memory_space<vmem>>, vector<16xi32>,
                  %mul3A_362 = arith.constant 64 : i32
                  %mul3A_363 = arith.muli %add3A_298, %mul3A_362 : i32
                  %add3A_364 = arith.constant 32 : i32
                  %add3A_365 = arith.addi %mul3A_363, %add3A_364 : i32
                  %get3A_366 = arith.index_cast %add3A_365 : i32 to index
                  %get3A_367 = tpu.vector_load %arg14[%get3A_366] {strides = array<i32>} : memref<1296xi32, #tpu.memory_space<vmem>>, vector<16xi32>,
                  %get3A_368 = vector.shape_cast %get3A_367 : vector<16xi32> to vector<16xi32>
                  %shift_right_logical3A_369 = arith.constant 17 : i32
                  %shift_right_logical3A_370 = vector.broadcast %shift_right_logical3A_369 : i32 to vector<16xi32>
                  %shift_right_logical3A_371 = arith.shrui %get3A_368, %shift_right_logical3A_370 : vector<16xi32>
                  %swap3A_372 = arith.constant 32 : index
                  %swap3A_373 = tpu.vector_load %arg21[%swap3A_372] {strides = array<i32>} : memref<64xi32, #tpu.memory_space<vmem>>, vector<16xi32>,
                  %swap3A_374 = vector.shape_cast %swap3A_373 : vector<16xi32> to vector<16xi32>
                  %swap3A_375 = vector.shape_cast %shift_right_logical3A_371 : vector<16xi32> to vector<16xi32>
                  tpu.vector_store %arg21[%swap3A_372], %swap3A_375 {strides = array<i32>} : memref<64xi32, #tpu.memory_space<vmem>>, vector<16xi32>,
                  %and3A_376 = arith.constant 131071 : i32
                  %and3A_377 = vector.broadcast %and3A_376 : i32 to vector<16xi32>
                  %and3A_378 = arith.andi %get3A_368, %and3A_377 : vector<16xi32>
                  %swap3A_379 = arith.constant 32 : index
                  %swap3A_380 = tpu.vector_load %arg19[%swap3A_379] {strides = array<i32>} : memref<64xi32, #tpu.memory_space<vmem>>, vector<16xi32>,
                  %swap3A_381 = vector.shape_cast %swap3A_380 : vector<16xi32> to vector<16xi32>
                  %swap3A_382 = vector.shape_cast %and3A_378 : vector<16xi32> to vector<16xi32>
                  tpu.vector_store %arg19[%swap3A_379], %swap3A_382 {strides = array<i32>} : memref<64xi32, #tpu.memory_space<vmem>>, vector<16xi32>,
                  %mul3A_383 = arith.constant 64 : i32
                  %mul3A_384 = arith.muli %add3A_298, %mul3A_383 : i32
                  %add3A_385 = arith.constant 48 : i32
                  %add3A_386 = arith.addi %mul3A_384, %add3A_385 : i32
                  %get3A_387 = arith.index_cast %add3A_386 : i32 to index
                  %get3A_388 = tpu.vector_load %arg14[%get3A_387] {strides = array<i32>} : memref<1296xi32, #tpu.memory_space<vmem>>, vector<16xi32>,
                  %get3A_389 = vector.shape_cast %get3A_388 : vector<16xi32> to vector<16xi32>
                  %shift_right_logical3A_390 = arith.constant 17 : i32
                  %shift_right_logical3A_391 = vector.broadcast %shift_right_logical3A_390 : i32 to vector<16xi32>
                  %shift_right_logical3A_392 = arith.shrui %get3A_389, %shift_right_logical3A_391 : vector<16xi32>
                  %swap3A_393 = arith.constant 48 : index
                  %swap3A_394 = tpu.vector_load %arg21[%swap3A_393] {strides = array<i32>} : memref<64xi32, #tpu.memory_space<vmem>>, vector<16xi32>,
                  %swap3A_395 = vector.shape_cast %swap3A_394 : vector<16xi32> to vector<16xi32>
                  %swap3A_396 = vector.shape_cast %shift_right_logical3A_392 : vector<16xi32> to vector<16xi32>
                  tpu.vector_store %arg21[%swap3A_393], %swap3A_396 {strides = array<i32>} : memref<64xi32, #tpu.memory_space<vmem>>, vector<16xi32>,
                  %and3A_397 = arith.constant 131071 : i32
                  %and3A_398 = vector.broadcast %and3A_397 : i32 to vector<16xi32>
                  %and3A_399 = arith.andi %get3A_389, %and3A_398 : vector<16xi32>
                  %swap3A_400 = arith.constant 48 : index
                  %swap3A_401 = tpu.vector_load %arg19[%swap3A_400] {strides = array<i32>} : memref<64xi32, #tpu.memory_space<vmem>>, vector<16xi32>,
                  %swap3A_402 = vector.shape_cast %swap3A_401 : vector<16xi32> to vector<16xi32>
                  %swap3A_403 = vector.shape_cast %and3A_399 : vector<16xi32> to vector<16xi32>
                  tpu.vector_store %arg19[%swap3A_400], %swap3A_403 {strides = array<i32>} : memref<64xi32, #tpu.memory_space<vmem>>, vector<16xi32>,
                  %dma_start3A_404 = arith.constant 0 : i32
                  %dma_start3A_405 = arith.constant 0 : i32
                  %dma_start3A_406 = tpu.memref_slice %arg2[%dma_start3A_404, %dma_start3A_405] : memref<100000x128xf32, #tpu.memory_space<hbm>> -> memref<100000x128xf32, #tpu.memory_space<hbm>>
                  tpu.enqueue_indirect_dma source(%dma_start3A_406 : memref<100000x128xf32, #tpu.memory_space<hbm>>) target(%arg17 : memref<64x128xf32, #tpu.memory_space<vmem>>) offsets(%arg19 : memref<64xi32, #tpu.memory_space<vmem>>) semaphore(%arg23 : memref<!tpu.dma_semaphore, #tpu.memory_space<semaphore_mem>>)
                } else {
                }
                %scan3A_305 = arith.constant 0 : i32
                %scan3A_306 = arith.constant 0 : i32
                %scan3A_307 = arith.constant 64 : i32
                %scan3A_308 = arith.addi %scan3A_306, %scan3A_307 : i32
                %scan3A_309 = arith.constant 1 : i32
                %scan3A_310 = scf.for %scan3A_315 = %scan3A_306 to %scan3A_308 step %scan3A_309 iter_args(%scan3A_316 = %scan3A_305) -> (i32)  : i32 {
                  %mul3A_317 = arith.constant 64 : i32
                  %mul3A_318 = arith.muli %mul3A_296, %mul3A_317 : i32
                  %add3A_319 = arith.addi %mul3A_318, %scan3A_315 : i32
                  %get3A_320 = arith.index_cast %add3A_319 : i32 to index
                  %get3A_321 = tpu.vector_load %arg15[%get3A_320] {strides = array<i32>} : memref<1296xf32, #tpu.memory_space<vmem>>, vector<16xf32>,
                  %get3A_322 = vector.shape_cast %get3A_321 : vector<16xf32> to vector<16xf32>
                  %slice3A = vector.extract_strided_slice %get3A_322 {offsets = [0], sizes = [1], strides = [1]} : vector<16xf32> to vector<1xf32>
                  %squeeze3A = vector.extract %slice3A[0] : f32 from vector<1xf32>
                  %get3A_323 = arith.index_cast %scan3A_315 : i32 to index
                  %get3A_324 = arith.constant 0 : index
                  %get3A_325 = tpu.vector_load %arg16[%get3A_323, %get3A_324] {strides = array<i32>} : memref<64x128xf32, #tpu.memory_space<vmem>>, vector<1x16xf32>,
                  %get3A_326 = vector.shape_cast %get3A_325 : vector<1x16xf32> to vector<16xf32>
                  %get3A_327 = arith.constant 0 : index
                  %get3A_328 = tpu.vector_load %arg9[%get3A_327] {strides = array<i32>} : memref<128xf32, #tpu.memory_space<vmem>>, vector<16xf32>,
                  %get3A_329 = vector.shape_cast %get3A_328 : vector<16xf32> to vector<16xf32>
                  %mul3A_330 = vector.broadcast %squeeze3A : f32 to vector<16xf32>
                  %mul3A_331 = arith.mulf %mul3A_330, %get3A_329 : vector<16xf32>
                  %add3A_332 = arith.addf %get3A_326, %mul3A_331 : vector<16xf32>
                  %get3A_333 = arith.constant 0 : index
                  %get3A_334 = tpu.vector_load %arg10[%get3A_333] {strides = array<i32>} : memref<128xf32, #tpu.memory_space<vmem>>, vector<16xf32>,
                  %get3A_335 = vector.shape_cast %get3A_334 : vector<16xf32> to vector<16xf32>
                  %add3A_336 = arith.addf %add3A_332, %get3A_335 : vector<16xf32>
                  %max3A = arith.constant 0.000000e+00 : f32
                  %max3A_337 = vector.broadcast %max3A : f32 to vector<16xf32>
                  %max3A_338 = arith.maximumf %add3A_336, %max3A_337 : vector<16xf32>
                  %swap3A_339 = arith.index_cast %scan3A_315 : i32 to index
                  %swap3A_340 = arith.constant 0 : index
                  %swap3A_341 = tpu.vector_load %arg16[%swap3A_339, %swap3A_340] {strides = array<i32>} : memref<64x128xf32, #tpu.memory_space<vmem>>, vector<1x16xf32>,
                  %swap3A_342 = vector.shape_cast %swap3A_341 : vector<1x16xf32> to vector<16xf32>
                  %swap3A_343 = vector.shape_cast %max3A_338 : vector<16xf32> to vector<1x16xf32>
                  tpu.vector_store %arg16[%swap3A_339, %swap3A_340], %swap3A_343 {strides = array<i32>} : memref<64x128xf32, #tpu.memory_space<vmem>>, vector<1x16xf32>,
                  %get3A_344 = arith.index_cast %scan3A_315 : i32 to index
                  %get3A_345 = arith.constant 16 : index
                  %get3A_346 = tpu.vector_load %arg16[%get3A_344, %get3A_345] {strides = array<i32>} : memref<64x128xf32, #tpu.memory_space<vmem>>, vector<1x16xf32>,
                  %get3A_347 = vector.shape_cast %get3A_346 : vector<1x16xf32> to vector<16xf32>
                  %get3A_348 = arith.constant 16 : index
                  %get3A_349 = tpu.vector_load %arg9[%get3A_348] {strides = array<i32>} : memref<128xf32, #tpu.memory_space<vmem>>, vector<16xf32>,
                  %get3A_350 = vector.shape_cast %get3A_349 : vector<16xf32> to vector<16xf32>
                  %mul3A_351 = vector.broadcast %squeeze3A : f32 to vector<16xf32>
                  %mul3A_352 = arith.mulf %mul3A_351, %get3A_350 : vector<16xf32>
                  %add3A_353 = arith.addf %get3A_347, %mul3A_352 : vector<16xf32>
                  %get3A_354 = arith.constant 16 : index
                  %get3A_355 = tpu.vector_load %arg10[%get3A_354] {strides = array<i32>} : memref<128xf32, #tpu.memory_space<vmem>>, vector<16xf32>,
                  %get3A_356 = vector.shape_cast %get3A_355 : vector<16xf32> to vector<16xf32>
                  %add3A_357 = arith.addf %add3A_353, %get3A_356 : vector<16xf32>
                  %max3A_358 = arith.constant 0.000000e+00 : f32
                  %max3A_359 = vector.broadcast %max3A_358 : f32 to vector<16xf32>
                  %max3A_360 = arith.maximumf %add3A_357, %max3A_359 : vector<16xf32>
                  %swap3A_361 = arith.index_cast %scan3A_315 : i32 to index
                  %swap3A_362 = arith.constant 16 : index
                  %swap3A_363 = tpu.vector_load %arg16[%swap3A_361, %swap3A_362] {strides = array<i32>} : memref<64x128xf32, #tpu.memory_space<vmem>>, vector<1x16xf32>,
                  %swap3A_364 = vector.shape_cast %swap3A_363 : vector<1x16xf32> to vector<16xf32>
                  %swap3A_365 = vector.shape_cast %max3A_360 : vector<16xf32> to vector<1x16xf32>
                  tpu.vector_store %arg16[%swap3A_361, %swap3A_362], %swap3A_365 {strides = array<i32>} : memref<64x128xf32, #tpu.memory_space<vmem>>, vector<1x16xf32>,
                  %get3A_366 = arith.index_cast %scan3A_315 : i32 to index
                  %get3A_367 = arith.constant 32 : index
                  %get3A_368 = tpu.vector_load %arg16[%get3A_366, %get3A_367] {strides = array<i32>} : memref<64x128xf32, #tpu.memory_space<vmem>>, vector<1x16xf32>,
                  %get3A_369 = vector.shape_cast %get3A_368 : vector<1x16xf32> to vector<16xf32>
                  %get3A_370 = arith.constant 32 : index
                  %get3A_371 = tpu.vector_load %arg9[%get3A_370] {strides = array<i32>} : memref<128xf32, #tpu.memory_space<vmem>>, vector<16xf32>,
                  %get3A_372 = vector.shape_cast %get3A_371 : vector<16xf32> to vector<16xf32>
                  %mul3A_373 = vector.broadcast %squeeze3A : f32 to vector<16xf32>
                  %mul3A_374 = arith.mulf %mul3A_373, %get3A_372 : vector<16xf32>
                  %add3A_375 = arith.addf %get3A_369, %mul3A_374 : vector<16xf32>
                  %get3A_376 = arith.constant 32 : index
                  %get3A_377 = tpu.vector_load %arg10[%get3A_376] {strides = array<i32>} : memref<128xf32, #tpu.memory_space<vmem>>, vector<16xf32>,
                  %get3A_378 = vector.shape_cast %get3A_377 : vector<16xf32> to vector<16xf32>
                  %add3A_379 = arith.addf %add3A_375, %get3A_378 : vector<16xf32>
                  %max3A_380 = arith.constant 0.000000e+00 : f32
                  %max3A_381 = vector.broadcast %max3A_380 : f32 to vector<16xf32>
                  %max3A_382 = arith.maximumf %add3A_379, %max3A_381 : vector<16xf32>
                  %swap3A_383 = arith.index_cast %scan3A_315 : i32 to index
                  %swap3A_384 = arith.constant 32 : index
                  %swap3A_385 = tpu.vector_load %arg16[%swap3A_383, %swap3A_384] {strides = array<i32>} : memref<64x128xf32, #tpu.memory_space<vmem>>, vector<1x16xf32>,
                  %swap3A_386 = vector.shape_cast %swap3A_385 : vector<1x16xf32> to vector<16xf32>
                  %swap3A_387 = vector.shape_cast %max3A_382 : vector<16xf32> to vector<1x16xf32>
                  tpu.vector_store %arg16[%swap3A_383, %swap3A_384], %swap3A_387 {strides = array<i32>} : memref<64x128xf32, #tpu.memory_space<vmem>>, vector<1x16xf32>,
                  %get3A_388 = arith.index_cast %scan3A_315 : i32 to index
                  %get3A_389 = arith.constant 48 : index
                  %get3A_390 = tpu.vector_load %arg16[%get3A_388, %get3A_389] {strides = array<i32>} : memref<64x128xf32, #tpu.memory_space<vmem>>, vector<1x16xf32>,
                  %get3A_391 = vector.shape_cast %get3A_390 : vector<1x16xf32> to vector<16xf32>
                  %get3A_392 = arith.constant 48 : index
                  %get3A_393 = tpu.vector_load %arg9[%get3A_392] {strides = array<i32>} : memref<128xf32, #tpu.memory_space<vmem>>, vector<16xf32>,
                  %get3A_394 = vector.shape_cast %get3A_393 : vector<16xf32> to vector<16xf32>
                  %mul3A_395 = vector.broadcast %squeeze3A : f32 to vector<16xf32>
                  %mul3A_396 = arith.mulf %mul3A_395, %get3A_394 : vector<16xf32>
                  %add3A_397 = arith.addf %get3A_391, %mul3A_396 : vector<16xf32>
                  %get3A_398 = arith.constant 48 : index
                  %get3A_399 = tpu.vector_load %arg10[%get3A_398] {strides = array<i32>} : memref<128xf32, #tpu.memory_space<vmem>>, vector<16xf32>,
                  %get3A_400 = vector.shape_cast %get3A_399 : vector<16xf32> to vector<16xf32>
                  %add3A_401 = arith.addf %add3A_397, %get3A_400 : vector<16xf32>
                  %max3A_402 = arith.constant 0.000000e+00 : f32
                  %max3A_403 = vector.broadcast %max3A_402 : f32 to vector<16xf32>
                  %max3A_404 = arith.maximumf %add3A_401, %max3A_403 : vector<16xf32>
                  %swap3A_405 = arith.index_cast %scan3A_315 : i32 to index
                  %swap3A_406 = arith.constant 48 : index
                  %swap3A_407 = tpu.vector_load %arg16[%swap3A_405, %swap3A_406] {strides = array<i32>} : memref<64x128xf32, #tpu.memory_space<vmem>>, vector<1x16xf32>,
                  %swap3A_408 = vector.shape_cast %swap3A_407 : vector<1x16xf32> to vector<16xf32>
                  %swap3A_409 = vector.shape_cast %max3A_404 : vector<16xf32> to vector<1x16xf32>
                  tpu.vector_store %arg16[%swap3A_405, %swap3A_406], %swap3A_409 {strides = array<i32>} : memref<64x128xf32, #tpu.memory_space<vmem>>, vector<1x16xf32>,
                  %get3A_410 = arith.index_cast %scan3A_315 : i32 to index
                  %get3A_411 = arith.constant 64 : index
                  %get3A_412 = tpu.vector_load %arg16[%get3A_410, %get3A_411] {strides = array<i32>} : memref<64x128xf32, #tpu.memory_space<vmem>>, vector<1x16xf32>,
                  %get3A_413 = vector.shape_cast %get3A_412 : vector<1x16xf32> to vector<16xf32>
                  %get3A_414 = arith.constant 64 : index
                  %get3A_415 = tpu.vector_load %arg9[%get3A_414] {strides = array<i32>} : memref<128xf32, #tpu.memory_space<vmem>>, vector<16xf32>,
                  %get3A_416 = vector.shape_cast %get3A_415 : vector<16xf32> to vector<16xf32>
                  %mul3A_417 = vector.broadcast %squeeze3A : f32 to vector<16xf32>
                  %mul3A_418 = arith.mulf %mul3A_417, %get3A_416 : vector<16xf32>
                  %add3A_419 = arith.addf %get3A_413, %mul3A_418 : vector<16xf32>
                  %get3A_420 = arith.constant 64 : index
                  %get3A_421 = tpu.vector_load %arg10[%get3A_420] {strides = array<i32>} : memref<128xf32, #tpu.memory_space<vmem>>, vector<16xf32>,
                  %get3A_422 = vector.shape_cast %get3A_421 : vector<16xf32> to vector<16xf32>
                  %add3A_423 = arith.addf %add3A_419, %get3A_422 : vector<16xf32>
                  %max3A_424 = arith.constant 0.000000e+00 : f32
                  %max3A_425 = vector.broadcast %max3A_424 : f32 to vector<16xf32>
                  %max3A_426 = arith.maximumf %add3A_423, %max3A_425 : vector<16xf32>
                  %swap3A_427 = arith.index_cast %scan3A_315 : i32 to index
                  %swap3A_428 = arith.constant 64 : index
                  %swap3A_429 = tpu.vector_load %arg16[%swap3A_427, %swap3A_428] {strides = array<i32>} : memref<64x128xf32, #tpu.memory_space<vmem>>, vector<1x16xf32>,
                  %swap3A_430 = vector.shape_cast %swap3A_429 : vector<1x16xf32> to vector<16xf32>
                  %swap3A_431 = vector.shape_cast %max3A_426 : vector<16xf32> to vector<1x16xf32>
                  tpu.vector_store %arg16[%swap3A_427, %swap3A_428], %swap3A_431 {strides = array<i32>} : memref<64x128xf32, #tpu.memory_space<vmem>>, vector<1x16xf32>,
                  %get3A_432 = arith.index_cast %scan3A_315 : i32 to index
                  %get3A_433 = arith.constant 80 : index
                  %get3A_434 = tpu.vector_load %arg16[%get3A_432, %get3A_433] {strides = array<i32>} : memref<64x128xf32, #tpu.memory_space<vmem>>, vector<1x16xf32>,
                  %get3A_435 = vector.shape_cast %get3A_434 : vector<1x16xf32> to vector<16xf32>
                  %get3A_436 = arith.constant 80 : index
                  %get3A_437 = tpu.vector_load %arg9[%get3A_436] {strides = array<i32>} : memref<128xf32, #tpu.memory_space<vmem>>, vector<16xf32>,
                  %get3A_438 = vector.shape_cast %get3A_437 : vector<16xf32> to vector<16xf32>
                  %mul3A_439 = vector.broadcast %squeeze3A : f32 to vector<16xf32>
                  %mul3A_440 = arith.mulf %mul3A_439, %get3A_438 : vector<16xf32>
                  %add3A_441 = arith.addf %get3A_435, %mul3A_440 : vector<16xf32>
                  %get3A_442 = arith.constant 80 : index
                  %get3A_443 = tpu.vector_load %arg10[%get3A_442] {strides = array<i32>} : memref<128xf32, #tpu.memory_space<vmem>>, vector<16xf32>,
                  %get3A_444 = vector.shape_cast %get3A_443 : vector<16xf32> to vector<16xf32>
                  %add3A_445 = arith.addf %add3A_441, %get3A_444 : vector<16xf32>
                  %max3A_446 = arith.constant 0.000000e+00 : f32
                  %max3A_447 = vector.broadcast %max3A_446 : f32 to vector<16xf32>
                  %max3A_448 = arith.maximumf %add3A_445, %max3A_447 : vector<16xf32>
                  %swap3A_449 = arith.index_cast %scan3A_315 : i32 to index
                  %swap3A_450 = arith.constant 80 : index
                  %swap3A_451 = tpu.vector_load %arg16[%swap3A_449, %swap3A_450] {strides = array<i32>} : memref<64x128xf32, #tpu.memory_space<vmem>>, vector<1x16xf32>,
                  %swap3A_452 = vector.shape_cast %swap3A_451 : vector<1x16xf32> to vector<16xf32>
                  %swap3A_453 = vector.shape_cast %max3A_448 : vector<16xf32> to vector<1x16xf32>
                  tpu.vector_store %arg16[%swap3A_449, %swap3A_450], %swap3A_453 {strides = array<i32>} : memref<64x128xf32, #tpu.memory_space<vmem>>, vector<1x16xf32>,
                  %get3A_454 = arith.index_cast %scan3A_315 : i32 to index
                  %get3A_455 = arith.constant 96 : index
                  %get3A_456 = tpu.vector_load %arg16[%get3A_454, %get3A_455] {strides = array<i32>} : memref<64x128xf32, #tpu.memory_space<vmem>>, vector<1x16xf32>,
                  %get3A_457 = vector.shape_cast %get3A_456 : vector<1x16xf32> to vector<16xf32>
                  %get3A_458 = arith.constant 96 : index
                  %get3A_459 = tpu.vector_load %arg9[%get3A_458] {strides = array<i32>} : memref<128xf32, #tpu.memory_space<vmem>>, vector<16xf32>,
                  %get3A_460 = vector.shape_cast %get3A_459 : vector<16xf32> to vector<16xf32>
                  %mul3A_461 = vector.broadcast %squeeze3A : f32 to vector<16xf32>
                  %mul3A_462 = arith.mulf %mul3A_461, %get3A_460 : vector<16xf32>
                  %add3A_463 = arith.addf %get3A_457, %mul3A_462 : vector<16xf32>
                  %get3A_464 = arith.constant 96 : index
                  %get3A_465 = tpu.vector_load %arg10[%get3A_464] {strides = array<i32>} : memref<128xf32, #tpu.memory_space<vmem>>, vector<16xf32>,
                  %get3A_466 = vector.shape_cast %get3A_465 : vector<16xf32> to vector<16xf32>
                  %add3A_467 = arith.addf %add3A_463, %get3A_466 : vector<16xf32>
                  %max3A_468 = arith.constant 0.000000e+00 : f32
                  %max3A_469 = vector.broadcast %max3A_468 : f32 to vector<16xf32>
                  %max3A_470 = arith.maximumf %add3A_467, %max3A_469 : vector<16xf32>
                  %swap3A_471 = arith.index_cast %scan3A_315 : i32 to index
                  %swap3A_472 = arith.constant 96 : index
                  %swap3A_473 = tpu.vector_load %arg16[%swap3A_471, %swap3A_472] {strides = array<i32>} : memref<64x128xf32, #tpu.memory_space<vmem>>, vector<1x16xf32>,
                  %swap3A_474 = vector.shape_cast %swap3A_473 : vector<1x16xf32> to vector<16xf32>
                  %swap3A_475 = vector.shape_cast %max3A_470 : vector<16xf32> to vector<1x16xf32>
                  tpu.vector_store %arg16[%swap3A_471, %swap3A_472], %swap3A_475 {strides = array<i32>} : memref<64x128xf32, #tpu.memory_space<vmem>>, vector<1x16xf32>,
                  %get3A_476 = arith.index_cast %scan3A_315 : i32 to index
                  %get3A_477 = arith.constant 112 : index
                  %get3A_478 = tpu.vector_load %arg16[%get3A_476, %get3A_477] {strides = array<i32>} : memref<64x128xf32, #tpu.memory_space<vmem>>, vector<1x16xf32>,
                  %get3A_479 = vector.shape_cast %get3A_478 : vector<1x16xf32> to vector<16xf32>
                  %get3A_480 = arith.constant 112 : index
                  %get3A_481 = tpu.vector_load %arg9[%get3A_480] {strides = array<i32>} : memref<128xf32, #tpu.memory_space<vmem>>, vector<16xf32>,
                  %get3A_482 = vector.shape_cast %get3A_481 : vector<16xf32> to vector<16xf32>
                  %mul3A_483 = vector.broadcast %squeeze3A : f32 to vector<16xf32>
                  %mul3A_484 = arith.mulf %mul3A_483, %get3A_482 : vector<16xf32>
                  %add3A_485 = arith.addf %get3A_479, %mul3A_484 : vector<16xf32>
                  %get3A_486 = arith.constant 112 : index
                  %get3A_487 = tpu.vector_load %arg10[%get3A_486] {strides = array<i32>} : memref<128xf32, #tpu.memory_space<vmem>>, vector<16xf32>,
                  %get3A_488 = vector.shape_cast %get3A_487 : vector<16xf32> to vector<16xf32>
                  %add3A_489 = arith.addf %add3A_485, %get3A_488 : vector<16xf32>
                  %max3A_490 = arith.constant 0.000000e+00 : f32
                  %max3A_491 = vector.broadcast %max3A_490 : f32 to vector<16xf32>
                  %max3A_492 = arith.maximumf %add3A_489, %max3A_491 : vector<16xf32>
                  %swap3A_493 = arith.index_cast %scan3A_315 : i32 to index
                  %swap3A_494 = arith.constant 112 : index
                  %swap3A_495 = tpu.vector_load %arg16[%swap3A_493, %swap3A_494] {strides = array<i32>} : memref<64x128xf32, #tpu.memory_space<vmem>>, vector<1x16xf32>,
                  %swap3A_496 = vector.shape_cast %swap3A_495 : vector<1x16xf32> to vector<16xf32>
                  %swap3A_497 = vector.shape_cast %max3A_492 : vector<16xf32> to vector<1x16xf32>
                  tpu.vector_store %arg16[%swap3A_493, %swap3A_494], %swap3A_497 {strides = array<i32>} : memref<64x128xf32, #tpu.memory_space<vmem>>, vector<1x16xf32>,
                  %scan3A_498 = arith.constant 0 : i32
                  scf.yield %scan3A_498 : i32
                }
                %scan3A_311 = arith.constant 64 : i32
                %dma_start3A_312 = arith.constant 0 : i32
                %dma_start3A_313 = arith.constant 0 : i32
                %dma_start3A_314 = tpu.memref_slice %arg22[%dma_start3A_312, %dma_start3A_313] : memref<13320x128xf32, #tpu.memory_space<vmem_shared>> -> memref<13320x128xf32, #tpu.memory_space<vmem_shared>>
                tpu.enqueue_indirect_dma source(%arg16 : memref<64x128xf32, #tpu.memory_space<vmem>>) target(%dma_start3A_314 : memref<13320x128xf32, #tpu.memory_space<vmem_shared>>) offsets(%arg20 : memref<64xi32, #tpu.memory_space<vmem>>) semaphore(%arg24 : memref<!tpu.dma_semaphore, #tpu.memory_space<semaphore_mem>>) {add = true}
              } else {
              }
              %mul3A_286 = arith.constant 2 : i32
              %mul3A_287 = arith.muli %mul3A_286, %while3A_278 : i32
              %add3A_288 = arith.constant 1 : i32
              %add3A_289 = arith.addi %mul3A_287, %add3A_288 : i32
              %lt3A_290 = arith.cmpi slt, %add3A_289, %select_n3A_150 : i32
              %convert_element_type3A_291 = arith.extui %lt3A_290 : i1 to i32
              %cond3A_292 = arith.constant 0 : i32
              %cond3A_293 = arith.cmpi ne, %convert_element_type3A_291, %cond3A_292 : i32
              scf.if %cond3A_293 {
                %mul3A_295 = arith.constant 2 : i32
                %mul3A_296 = arith.muli %mul3A_295, %while3A_278 : i32
                %add3A_297 = arith.constant 1 : i32
                %add3A_298 = arith.addi %mul3A_296, %add3A_297 : i32
                %add3A_299 = arith.constant 1 : i32
                %add3A_300 = arith.addi %add3A_298, %add3A_299 : i32
                %dma_wait3A = arith.constant 0 : i32
                %dma_wait3A_301 = arith.constant 0 : i32
                %dma_wait3A_302 = tpu.memref_slice %arg2[%dma_wait3A, %dma_wait3A_301] : memref<100000x128xf32, #tpu.memory_space<hbm>> -> memref<100000x128xf32, #tpu.memory_space<hbm>>
                tpu.wait_indirect_dma semaphore(%arg23 : memref<!tpu.dma_semaphore, #tpu.memory_space<semaphore_mem>>) src(%dma_wait3A_302 : memref<100000x128xf32, #tpu.memory_space<hbm>>) dst(%arg17 : memref<64x128xf32, #tpu.memory_space<vmem>>)
                %lt3A_303 = arith.cmpi slt, %add3A_300, %select_n3A_150 : i32
                %convert_element_type3A_304 = arith.extui %lt3A_303 : i1 to i32
                %cond3A_305 = arith.constant 0 : i32
                %cond3A_306 = arith.cmpi ne, %convert_element_type3A_304, %cond3A_305 : i32
                scf.if %cond3A_306 {
                  %ge3A_317 = arith.constant 1 : i32
                  %ge3A_318 = arith.cmpi sge, %add3A_298, %ge3A_317 : i32
                  %convert_element_type3A_319 = arith.extui %ge3A_318 : i1 to i32
                  %cond3A_320 = arith.constant 0 : i32
                  %cond3A_321 = arith.cmpi ne, %convert_element_type3A_319, %cond3A_320 : i32
                  scf.if %cond3A_321 {
                    %dma_wait3A_409 = arith.constant 0 : i32
                    %dma_wait3A_410 = arith.constant 0 : i32
                    %dma_wait3A_411 = tpu.memref_slice %arg22[%dma_wait3A_409, %dma_wait3A_410] : memref<13320x128xf32, #tpu.memory_space<vmem_shared>> -> memref<13320x128xf32, #tpu.memory_space<vmem_shared>>
                    tpu.wait_indirect_dma semaphore(%arg24 : memref<!tpu.dma_semaphore, #tpu.memory_space<semaphore_mem>>) src(%arg16 : memref<64x128xf32, #tpu.memory_space<vmem>>) dst(%dma_wait3A_411 : memref<13320x128xf32, #tpu.memory_space<vmem_shared>>)
                  } else {
                  }
                  %mul3A_322 = arith.constant 64 : i32
                  %mul3A_323 = arith.muli %add3A_300, %mul3A_322 : i32
                  %add3A_324 = arith.constant 0 : i32
                  %add3A_325 = arith.addi %mul3A_323, %add3A_324 : i32
                  %get3A_326 = arith.index_cast %add3A_325 : i32 to index
                  %get3A_327 = tpu.vector_load %arg14[%get3A_326] {strides = array<i32>} : memref<1296xi32, #tpu.memory_space<vmem>>, vector<16xi32>,
                  %get3A_328 = vector.shape_cast %get3A_327 : vector<16xi32> to vector<16xi32>
                  %shift_right_logical3A_329 = arith.constant 17 : i32
                  %shift_right_logical3A_330 = vector.broadcast %shift_right_logical3A_329 : i32 to vector<16xi32>
                  %shift_right_logical3A_331 = arith.shrui %get3A_328, %shift_right_logical3A_330 : vector<16xi32>
                  %swap3A_332 = arith.constant 0 : index
                  %swap3A_333 = tpu.vector_load %arg20[%swap3A_332] {strides = array<i32>} : memref<64xi32, #tpu.memory_space<vmem>>, vector<16xi32>,
                  %swap3A_334 = vector.shape_cast %swap3A_333 : vector<16xi32> to vector<16xi32>
                  %swap3A_335 = vector.shape_cast %shift_right_logical3A_331 : vector<16xi32> to vector<16xi32>
                  tpu.vector_store %arg20[%swap3A_332], %swap3A_335 {strides = array<i32>} : memref<64xi32, #tpu.memory_space<vmem>>, vector<16xi32>,
                  %and3A_336 = arith.constant 131071 : i32
                  %and3A_337 = vector.broadcast %and3A_336 : i32 to vector<16xi32>
                  %and3A_338 = arith.andi %get3A_328, %and3A_337 : vector<16xi32>
                  %swap3A_339 = arith.constant 0 : index
                  %swap3A_340 = tpu.vector_load %arg18[%swap3A_339] {strides = array<i32>} : memref<64xi32, #tpu.memory_space<vmem>>, vector<16xi32>,
                  %swap3A_341 = vector.shape_cast %swap3A_340 : vector<16xi32> to vector<16xi32>
                  %swap3A_342 = vector.shape_cast %and3A_338 : vector<16xi32> to vector<16xi32>
                  tpu.vector_store %arg18[%swap3A_339], %swap3A_342 {strides = array<i32>} : memref<64xi32, #tpu.memory_space<vmem>>, vector<16xi32>,
                  %mul3A_343 = arith.constant 64 : i32
                  %mul3A_344 = arith.muli %add3A_300, %mul3A_343 : i32
                  %add3A_345 = arith.constant 16 : i32
                  %add3A_346 = arith.addi %mul3A_344, %add3A_345 : i32
                  %get3A_347 = arith.index_cast %add3A_346 : i32 to index
                  %get3A_348 = tpu.vector_load %arg14[%get3A_347] {strides = array<i32>} : memref<1296xi32, #tpu.memory_space<vmem>>, vector<16xi32>,
                  %get3A_349 = vector.shape_cast %get3A_348 : vector<16xi32> to vector<16xi32>
                  %shift_right_logical3A_350 = arith.constant 17 : i32
                  %shift_right_logical3A_351 = vector.broadcast %shift_right_logical3A_350 : i32 to vector<16xi32>
                  %shift_right_logical3A_352 = arith.shrui %get3A_349, %shift_right_logical3A_351 : vector<16xi32>
                  %swap3A_353 = arith.constant 16 : index
                  %swap3A_354 = tpu.vector_load %arg20[%swap3A_353] {strides = array<i32>} : memref<64xi32, #tpu.memory_space<vmem>>, vector<16xi32>,
                  %swap3A_355 = vector.shape_cast %swap3A_354 : vector<16xi32> to vector<16xi32>
                  %swap3A_356 = vector.shape_cast %shift_right_logical3A_352 : vector<16xi32> to vector<16xi32>
                  tpu.vector_store %arg20[%swap3A_353], %swap3A_356 {strides = array<i32>} : memref<64xi32, #tpu.memory_space<vmem>>, vector<16xi32>,
                  %and3A_357 = arith.constant 131071 : i32
                  %and3A_358 = vector.broadcast %and3A_357 : i32 to vector<16xi32>
                  %and3A_359 = arith.andi %get3A_349, %and3A_358 : vector<16xi32>
                  %swap3A_360 = arith.constant 16 : index
                  %swap3A_361 = tpu.vector_load %arg18[%swap3A_360] {strides = array<i32>} : memref<64xi32, #tpu.memory_space<vmem>>, vector<16xi32>,
                  %swap3A_362 = vector.shape_cast %swap3A_361 : vector<16xi32> to vector<16xi32>
                  %swap3A_363 = vector.shape_cast %and3A_359 : vector<16xi32> to vector<16xi32>
                  tpu.vector_store %arg18[%swap3A_360], %swap3A_363 {strides = array<i32>} : memref<64xi32, #tpu.memory_space<vmem>>, vector<16xi32>,
                  %mul3A_364 = arith.constant 64 : i32
                  %mul3A_365 = arith.muli %add3A_300, %mul3A_364 : i32
                  %add3A_366 = arith.constant 32 : i32
                  %add3A_367 = arith.addi %mul3A_365, %add3A_366 : i32
                  %get3A_368 = arith.index_cast %add3A_367 : i32 to index
                  %get3A_369 = tpu.vector_load %arg14[%get3A_368] {strides = array<i32>} : memref<1296xi32, #tpu.memory_space<vmem>>, vector<16xi32>,
                  %get3A_370 = vector.shape_cast %get3A_369 : vector<16xi32> to vector<16xi32>
                  %shift_right_logical3A_371 = arith.constant 17 : i32
                  %shift_right_logical3A_372 = vector.broadcast %shift_right_logical3A_371 : i32 to vector<16xi32>
                  %shift_right_logical3A_373 = arith.shrui %get3A_370, %shift_right_logical3A_372 : vector<16xi32>
                  %swap3A_374 = arith.constant 32 : index
                  %swap3A_375 = tpu.vector_load %arg20[%swap3A_374] {strides = array<i32>} : memref<64xi32, #tpu.memory_space<vmem>>, vector<16xi32>,
                  %swap3A_376 = vector.shape_cast %swap3A_375 : vector<16xi32> to vector<16xi32>
                  %swap3A_377 = vector.shape_cast %shift_right_logical3A_373 : vector<16xi32> to vector<16xi32>
                  tpu.vector_store %arg20[%swap3A_374], %swap3A_377 {strides = array<i32>} : memref<64xi32, #tpu.memory_space<vmem>>, vector<16xi32>,
                  %and3A_378 = arith.constant 131071 : i32
                  %and3A_379 = vector.broadcast %and3A_378 : i32 to vector<16xi32>
                  %and3A_380 = arith.andi %get3A_370, %and3A_379 : vector<16xi32>
                  %swap3A_381 = arith.constant 32 : index
                  %swap3A_382 = tpu.vector_load %arg18[%swap3A_381] {strides = array<i32>} : memref<64xi32, #tpu.memory_space<vmem>>, vector<16xi32>,
                  %swap3A_383 = vector.shape_cast %swap3A_382 : vector<16xi32> to vector<16xi32>
                  %swap3A_384 = vector.shape_cast %and3A_380 : vector<16xi32> to vector<16xi32>
                  tpu.vector_store %arg18[%swap3A_381], %swap3A_384 {strides = array<i32>} : memref<64xi32, #tpu.memory_space<vmem>>, vector<16xi32>,
                  %mul3A_385 = arith.constant 64 : i32
                  %mul3A_386 = arith.muli %add3A_300, %mul3A_385 : i32
                  %add3A_387 = arith.constant 48 : i32
                  %add3A_388 = arith.addi %mul3A_386, %add3A_387 : i32
                  %get3A_389 = arith.index_cast %add3A_388 : i32 to index
                  %get3A_390 = tpu.vector_load %arg14[%get3A_389] {strides = array<i32>} : memref<1296xi32, #tpu.memory_space<vmem>>, vector<16xi32>,
                  %get3A_391 = vector.shape_cast %get3A_390 : vector<16xi32> to vector<16xi32>
                  %shift_right_logical3A_392 = arith.constant 17 : i32
                  %shift_right_logical3A_393 = vector.broadcast %shift_right_logical3A_392 : i32 to vector<16xi32>
                  %shift_right_logical3A_394 = arith.shrui %get3A_391, %shift_right_logical3A_393 : vector<16xi32>
                  %swap3A_395 = arith.constant 48 : index
                  %swap3A_396 = tpu.vector_load %arg20[%swap3A_395] {strides = array<i32>} : memref<64xi32, #tpu.memory_space<vmem>>, vector<16xi32>,
                  %swap3A_397 = vector.shape_cast %swap3A_396 : vector<16xi32> to vector<16xi32>
                  %swap3A_398 = vector.shape_cast %shift_right_logical3A_394 : vector<16xi32> to vector<16xi32>
                  tpu.vector_store %arg20[%swap3A_395], %swap3A_398 {strides = array<i32>} : memref<64xi32, #tpu.memory_space<vmem>>, vector<16xi32>,
                  %and3A_399 = arith.constant 131071 : i32
                  %and3A_400 = vector.broadcast %and3A_399 : i32 to vector<16xi32>
                  %and3A_401 = arith.andi %get3A_391, %and3A_400 : vector<16xi32>
                  %swap3A_402 = arith.constant 48 : index
                  %swap3A_403 = tpu.vector_load %arg18[%swap3A_402] {strides = array<i32>} : memref<64xi32, #tpu.memory_space<vmem>>, vector<16xi32>,
                  %swap3A_404 = vector.shape_cast %swap3A_403 : vector<16xi32> to vector<16xi32>
                  %swap3A_405 = vector.shape_cast %and3A_401 : vector<16xi32> to vector<16xi32>
                  tpu.vector_store %arg18[%swap3A_402], %swap3A_405 {strides = array<i32>} : memref<64xi32, #tpu.memory_space<vmem>>, vector<16xi32>,
                  %dma_start3A_406 = arith.constant 0 : i32
                  %dma_start3A_407 = arith.constant 0 : i32
                  %dma_start3A_408 = tpu.memref_slice %arg2[%dma_start3A_406, %dma_start3A_407] : memref<100000x128xf32, #tpu.memory_space<hbm>> -> memref<100000x128xf32, #tpu.memory_space<hbm>>
                  tpu.enqueue_indirect_dma source(%dma_start3A_408 : memref<100000x128xf32, #tpu.memory_space<hbm>>) target(%arg16 : memref<64x128xf32, #tpu.memory_space<vmem>>) offsets(%arg18 : memref<64xi32, #tpu.memory_space<vmem>>) semaphore(%arg23 : memref<!tpu.dma_semaphore, #tpu.memory_space<semaphore_mem>>)
                } else {
                }
                %scan3A_307 = arith.constant 0 : i32
                %scan3A_308 = arith.constant 0 : i32
                %scan3A_309 = arith.constant 64 : i32
                %scan3A_310 = arith.addi %scan3A_308, %scan3A_309 : i32
                %scan3A_311 = arith.constant 1 : i32
                %scan3A_312 = scf.for %scan3A_317 = %scan3A_308 to %scan3A_310 step %scan3A_311 iter_args(%scan3A_318 = %scan3A_307) -> (i32)  : i32 {
                  %mul3A_319 = arith.constant 64 : i32
                  %mul3A_320 = arith.muli %add3A_298, %mul3A_319 : i32
                  %add3A_321 = arith.addi %mul3A_320, %scan3A_317 : i32
                  %get3A_322 = arith.index_cast %add3A_321 : i32 to index
                  %get3A_323 = tpu.vector_load %arg15[%get3A_322] {strides = array<i32>} : memref<1296xf32, #tpu.memory_space<vmem>>, vector<16xf32>,
                  %get3A_324 = vector.shape_cast %get3A_323 : vector<16xf32> to vector<16xf32>
                  %slice3A = vector.extract_strided_slice %get3A_324 {offsets = [0], sizes = [1], strides = [1]} : vector<16xf32> to vector<1xf32>
                  %squeeze3A = vector.extract %slice3A[0] : f32 from vector<1xf32>
                  %get3A_325 = arith.index_cast %scan3A_317 : i32 to index
                  %get3A_326 = arith.constant 0 : index
                  %get3A_327 = tpu.vector_load %arg17[%get3A_325, %get3A_326] {strides = array<i32>} : memref<64x128xf32, #tpu.memory_space<vmem>>, vector<1x16xf32>,
                  %get3A_328 = vector.shape_cast %get3A_327 : vector<1x16xf32> to vector<16xf32>
                  %get3A_329 = arith.constant 0 : index
                  %get3A_330 = tpu.vector_load %arg9[%get3A_329] {strides = array<i32>} : memref<128xf32, #tpu.memory_space<vmem>>, vector<16xf32>,
                  %get3A_331 = vector.shape_cast %get3A_330 : vector<16xf32> to vector<16xf32>
                  %mul3A_332 = vector.broadcast %squeeze3A : f32 to vector<16xf32>
                  %mul3A_333 = arith.mulf %mul3A_332, %get3A_331 : vector<16xf32>
                  %add3A_334 = arith.addf %get3A_328, %mul3A_333 : vector<16xf32>
                  %get3A_335 = arith.constant 0 : index
                  %get3A_336 = tpu.vector_load %arg10[%get3A_335] {strides = array<i32>} : memref<128xf32, #tpu.memory_space<vmem>>, vector<16xf32>,
                  %get3A_337 = vector.shape_cast %get3A_336 : vector<16xf32> to vector<16xf32>
                  %add3A_338 = arith.addf %add3A_334, %get3A_337 : vector<16xf32>
                  %max3A = arith.constant 0.000000e+00 : f32
                  %max3A_339 = vector.broadcast %max3A : f32 to vector<16xf32>
                  %max3A_340 = arith.maximumf %add3A_338, %max3A_339 : vector<16xf32>
                  %swap3A_341 = arith.index_cast %scan3A_317 : i32 to index
                  %swap3A_342 = arith.constant 0 : index
                  %swap3A_343 = tpu.vector_load %arg17[%swap3A_341, %swap3A_342] {strides = array<i32>} : memref<64x128xf32, #tpu.memory_space<vmem>>, vector<1x16xf32>,
                  %swap3A_344 = vector.shape_cast %swap3A_343 : vector<1x16xf32> to vector<16xf32>
                  %swap3A_345 = vector.shape_cast %max3A_340 : vector<16xf32> to vector<1x16xf32>
                  tpu.vector_store %arg17[%swap3A_341, %swap3A_342], %swap3A_345 {strides = array<i32>} : memref<64x128xf32, #tpu.memory_space<vmem>>, vector<1x16xf32>,
                  %get3A_346 = arith.index_cast %scan3A_317 : i32 to index
                  %get3A_347 = arith.constant 16 : index
                  %get3A_348 = tpu.vector_load %arg17[%get3A_346, %get3A_347] {strides = array<i32>} : memref<64x128xf32, #tpu.memory_space<vmem>>, vector<1x16xf32>,
                  %get3A_349 = vector.shape_cast %get3A_348 : vector<1x16xf32> to vector<16xf32>
                  %get3A_350 = arith.constant 16 : index
                  %get3A_351 = tpu.vector_load %arg9[%get3A_350] {strides = array<i32>} : memref<128xf32, #tpu.memory_space<vmem>>, vector<16xf32>,
                  %get3A_352 = vector.shape_cast %get3A_351 : vector<16xf32> to vector<16xf32>
                  %mul3A_353 = vector.broadcast %squeeze3A : f32 to vector<16xf32>
                  %mul3A_354 = arith.mulf %mul3A_353, %get3A_352 : vector<16xf32>
                  %add3A_355 = arith.addf %get3A_349, %mul3A_354 : vector<16xf32>
                  %get3A_356 = arith.constant 16 : index
                  %get3A_357 = tpu.vector_load %arg10[%get3A_356] {strides = array<i32>} : memref<128xf32, #tpu.memory_space<vmem>>, vector<16xf32>,
                  %get3A_358 = vector.shape_cast %get3A_357 : vector<16xf32> to vector<16xf32>
                  %add3A_359 = arith.addf %add3A_355, %get3A_358 : vector<16xf32>
                  %max3A_360 = arith.constant 0.000000e+00 : f32
                  %max3A_361 = vector.broadcast %max3A_360 : f32 to vector<16xf32>
                  %max3A_362 = arith.maximumf %add3A_359, %max3A_361 : vector<16xf32>
                  %swap3A_363 = arith.index_cast %scan3A_317 : i32 to index
                  %swap3A_364 = arith.constant 16 : index
                  %swap3A_365 = tpu.vector_load %arg17[%swap3A_363, %swap3A_364] {strides = array<i32>} : memref<64x128xf32, #tpu.memory_space<vmem>>, vector<1x16xf32>,
                  %swap3A_366 = vector.shape_cast %swap3A_365 : vector<1x16xf32> to vector<16xf32>
                  %swap3A_367 = vector.shape_cast %max3A_362 : vector<16xf32> to vector<1x16xf32>
                  tpu.vector_store %arg17[%swap3A_363, %swap3A_364], %swap3A_367 {strides = array<i32>} : memref<64x128xf32, #tpu.memory_space<vmem>>, vector<1x16xf32>,
                  %get3A_368 = arith.index_cast %scan3A_317 : i32 to index
                  %get3A_369 = arith.constant 32 : index
                  %get3A_370 = tpu.vector_load %arg17[%get3A_368, %get3A_369] {strides = array<i32>} : memref<64x128xf32, #tpu.memory_space<vmem>>, vector<1x16xf32>,
                  %get3A_371 = vector.shape_cast %get3A_370 : vector<1x16xf32> to vector<16xf32>
                  %get3A_372 = arith.constant 32 : index
                  %get3A_373 = tpu.vector_load %arg9[%get3A_372] {strides = array<i32>} : memref<128xf32, #tpu.memory_space<vmem>>, vector<16xf32>,
                  %get3A_374 = vector.shape_cast %get3A_373 : vector<16xf32> to vector<16xf32>
                  %mul3A_375 = vector.broadcast %squeeze3A : f32 to vector<16xf32>
                  %mul3A_376 = arith.mulf %mul3A_375, %get3A_374 : vector<16xf32>
                  %add3A_377 = arith.addf %get3A_371, %mul3A_376 : vector<16xf32>
                  %get3A_378 = arith.constant 32 : index
                  %get3A_379 = tpu.vector_load %arg10[%get3A_378] {strides = array<i32>} : memref<128xf32, #tpu.memory_space<vmem>>, vector<16xf32>,
                  %get3A_380 = vector.shape_cast %get3A_379 : vector<16xf32> to vector<16xf32>
                  %add3A_381 = arith.addf %add3A_377, %get3A_380 : vector<16xf32>
                  %max3A_382 = arith.constant 0.000000e+00 : f32
                  %max3A_383 = vector.broadcast %max3A_382 : f32 to vector<16xf32>
                  %max3A_384 = arith.maximumf %add3A_381, %max3A_383 : vector<16xf32>
                  %swap3A_385 = arith.index_cast %scan3A_317 : i32 to index
                  %swap3A_386 = arith.constant 32 : index
                  %swap3A_387 = tpu.vector_load %arg17[%swap3A_385, %swap3A_386] {strides = array<i32>} : memref<64x128xf32, #tpu.memory_space<vmem>>, vector<1x16xf32>,
                  %swap3A_388 = vector.shape_cast %swap3A_387 : vector<1x16xf32> to vector<16xf32>
                  %swap3A_389 = vector.shape_cast %max3A_384 : vector<16xf32> to vector<1x16xf32>
                  tpu.vector_store %arg17[%swap3A_385, %swap3A_386], %swap3A_389 {strides = array<i32>} : memref<64x128xf32, #tpu.memory_space<vmem>>, vector<1x16xf32>,
                  %get3A_390 = arith.index_cast %scan3A_317 : i32 to index
                  %get3A_391 = arith.constant 48 : index
                  %get3A_392 = tpu.vector_load %arg17[%get3A_390, %get3A_391] {strides = array<i32>} : memref<64x128xf32, #tpu.memory_space<vmem>>, vector<1x16xf32>,
                  %get3A_393 = vector.shape_cast %get3A_392 : vector<1x16xf32> to vector<16xf32>
                  %get3A_394 = arith.constant 48 : index
                  %get3A_395 = tpu.vector_load %arg9[%get3A_394] {strides = array<i32>} : memref<128xf32, #tpu.memory_space<vmem>>, vector<16xf32>,
                  %get3A_396 = vector.shape_cast %get3A_395 : vector<16xf32> to vector<16xf32>
                  %mul3A_397 = vector.broadcast %squeeze3A : f32 to vector<16xf32>
                  %mul3A_398 = arith.mulf %mul3A_397, %get3A_396 : vector<16xf32>
                  %add3A_399 = arith.addf %get3A_393, %mul3A_398 : vector<16xf32>
                  %get3A_400 = arith.constant 48 : index
                  %get3A_401 = tpu.vector_load %arg10[%get3A_400] {strides = array<i32>} : memref<128xf32, #tpu.memory_space<vmem>>, vector<16xf32>,
                  %get3A_402 = vector.shape_cast %get3A_401 : vector<16xf32> to vector<16xf32>
                  %add3A_403 = arith.addf %add3A_399, %get3A_402 : vector<16xf32>
                  %max3A_404 = arith.constant 0.000000e+00 : f32
                  %max3A_405 = vector.broadcast %max3A_404 : f32 to vector<16xf32>
                  %max3A_406 = arith.maximumf %add3A_403, %max3A_405 : vector<16xf32>
                  %swap3A_407 = arith.index_cast %scan3A_317 : i32 to index
                  %swap3A_408 = arith.constant 48 : index
                  %swap3A_409 = tpu.vector_load %arg17[%swap3A_407, %swap3A_408] {strides = array<i32>} : memref<64x128xf32, #tpu.memory_space<vmem>>, vector<1x16xf32>,
                  %swap3A_410 = vector.shape_cast %swap3A_409 : vector<1x16xf32> to vector<16xf32>
                  %swap3A_411 = vector.shape_cast %max3A_406 : vector<16xf32> to vector<1x16xf32>
                  tpu.vector_store %arg17[%swap3A_407, %swap3A_408], %swap3A_411 {strides = array<i32>} : memref<64x128xf32, #tpu.memory_space<vmem>>, vector<1x16xf32>,
                  %get3A_412 = arith.index_cast %scan3A_317 : i32 to index
                  %get3A_413 = arith.constant 64 : index
                  %get3A_414 = tpu.vector_load %arg17[%get3A_412, %get3A_413] {strides = array<i32>} : memref<64x128xf32, #tpu.memory_space<vmem>>, vector<1x16xf32>,
                  %get3A_415 = vector.shape_cast %get3A_414 : vector<1x16xf32> to vector<16xf32>
                  %get3A_416 = arith.constant 64 : index
                  %get3A_417 = tpu.vector_load %arg9[%get3A_416] {strides = array<i32>} : memref<128xf32, #tpu.memory_space<vmem>>, vector<16xf32>,
                  %get3A_418 = vector.shape_cast %get3A_417 : vector<16xf32> to vector<16xf32>
                  %mul3A_419 = vector.broadcast %squeeze3A : f32 to vector<16xf32>
                  %mul3A_420 = arith.mulf %mul3A_419, %get3A_418 : vector<16xf32>
                  %add3A_421 = arith.addf %get3A_415, %mul3A_420 : vector<16xf32>
                  %get3A_422 = arith.constant 64 : index
                  %get3A_423 = tpu.vector_load %arg10[%get3A_422] {strides = array<i32>} : memref<128xf32, #tpu.memory_space<vmem>>, vector<16xf32>,
                  %get3A_424 = vector.shape_cast %get3A_423 : vector<16xf32> to vector<16xf32>
                  %add3A_425 = arith.addf %add3A_421, %get3A_424 : vector<16xf32>
                  %max3A_426 = arith.constant 0.000000e+00 : f32
                  %max3A_427 = vector.broadcast %max3A_426 : f32 to vector<16xf32>
                  %max3A_428 = arith.maximumf %add3A_425, %max3A_427 : vector<16xf32>
                  %swap3A_429 = arith.index_cast %scan3A_317 : i32 to index
                  %swap3A_430 = arith.constant 64 : index
                  %swap3A_431 = tpu.vector_load %arg17[%swap3A_429, %swap3A_430] {strides = array<i32>} : memref<64x128xf32, #tpu.memory_space<vmem>>, vector<1x16xf32>,
                  %swap3A_432 = vector.shape_cast %swap3A_431 : vector<1x16xf32> to vector<16xf32>
                  %swap3A_433 = vector.shape_cast %max3A_428 : vector<16xf32> to vector<1x16xf32>
                  tpu.vector_store %arg17[%swap3A_429, %swap3A_430], %swap3A_433 {strides = array<i32>} : memref<64x128xf32, #tpu.memory_space<vmem>>, vector<1x16xf32>,
                  %get3A_434 = arith.index_cast %scan3A_317 : i32 to index
                  %get3A_435 = arith.constant 80 : index
                  %get3A_436 = tpu.vector_load %arg17[%get3A_434, %get3A_435] {strides = array<i32>} : memref<64x128xf32, #tpu.memory_space<vmem>>, vector<1x16xf32>,
                  %get3A_437 = vector.shape_cast %get3A_436 : vector<1x16xf32> to vector<16xf32>
                  %get3A_438 = arith.constant 80 : index
                  %get3A_439 = tpu.vector_load %arg9[%get3A_438] {strides = array<i32>} : memref<128xf32, #tpu.memory_space<vmem>>, vector<16xf32>,
                  %get3A_440 = vector.shape_cast %get3A_439 : vector<16xf32> to vector<16xf32>
                  %mul3A_441 = vector.broadcast %squeeze3A : f32 to vector<16xf32>
                  %mul3A_442 = arith.mulf %mul3A_441, %get3A_440 : vector<16xf32>
                  %add3A_443 = arith.addf %get3A_437, %mul3A_442 : vector<16xf32>
                  %get3A_444 = arith.constant 80 : index
                  %get3A_445 = tpu.vector_load %arg10[%get3A_444] {strides = array<i32>} : memref<128xf32, #tpu.memory_space<vmem>>, vector<16xf32>,
                  %get3A_446 = vector.shape_cast %get3A_445 : vector<16xf32> to vector<16xf32>
                  %add3A_447 = arith.addf %add3A_443, %get3A_446 : vector<16xf32>
                  %max3A_448 = arith.constant 0.000000e+00 : f32
                  %max3A_449 = vector.broadcast %max3A_448 : f32 to vector<16xf32>
                  %max3A_450 = arith.maximumf %add3A_447, %max3A_449 : vector<16xf32>
                  %swap3A_451 = arith.index_cast %scan3A_317 : i32 to index
                  %swap3A_452 = arith.constant 80 : index
                  %swap3A_453 = tpu.vector_load %arg17[%swap3A_451, %swap3A_452] {strides = array<i32>} : memref<64x128xf32, #tpu.memory_space<vmem>>, vector<1x16xf32>,
                  %swap3A_454 = vector.shape_cast %swap3A_453 : vector<1x16xf32> to vector<16xf32>
                  %swap3A_455 = vector.shape_cast %max3A_450 : vector<16xf32> to vector<1x16xf32>
                  tpu.vector_store %arg17[%swap3A_451, %swap3A_452], %swap3A_455 {strides = array<i32>} : memref<64x128xf32, #tpu.memory_space<vmem>>, vector<1x16xf32>,
                  %get3A_456 = arith.index_cast %scan3A_317 : i32 to index
                  %get3A_457 = arith.constant 96 : index
                  %get3A_458 = tpu.vector_load %arg17[%get3A_456, %get3A_457] {strides = array<i32>} : memref<64x128xf32, #tpu.memory_space<vmem>>, vector<1x16xf32>,
                  %get3A_459 = vector.shape_cast %get3A_458 : vector<1x16xf32> to vector<16xf32>
                  %get3A_460 = arith.constant 96 : index
                  %get3A_461 = tpu.vector_load %arg9[%get3A_460] {strides = array<i32>} : memref<128xf32, #tpu.memory_space<vmem>>, vector<16xf32>,
                  %get3A_462 = vector.shape_cast %get3A_461 : vector<16xf32> to vector<16xf32>
                  %mul3A_463 = vector.broadcast %squeeze3A : f32 to vector<16xf32>
                  %mul3A_464 = arith.mulf %mul3A_463, %get3A_462 : vector<16xf32>
                  %add3A_465 = arith.addf %get3A_459, %mul3A_464 : vector<16xf32>
                  %get3A_466 = arith.constant 96 : index
                  %get3A_467 = tpu.vector_load %arg10[%get3A_466] {strides = array<i32>} : memref<128xf32, #tpu.memory_space<vmem>>, vector<16xf32>,
                  %get3A_468 = vector.shape_cast %get3A_467 : vector<16xf32> to vector<16xf32>
                  %add3A_469 = arith.addf %add3A_465, %get3A_468 : vector<16xf32>
                  %max3A_470 = arith.constant 0.000000e+00 : f32
                  %max3A_471 = vector.broadcast %max3A_470 : f32 to vector<16xf32>
                  %max3A_472 = arith.maximumf %add3A_469, %max3A_471 : vector<16xf32>
                  %swap3A_473 = arith.index_cast %scan3A_317 : i32 to index
                  %swap3A_474 = arith.constant 96 : index
                  %swap3A_475 = tpu.vector_load %arg17[%swap3A_473, %swap3A_474] {strides = array<i32>} : memref<64x128xf32, #tpu.memory_space<vmem>>, vector<1x16xf32>,
                  %swap3A_476 = vector.shape_cast %swap3A_475 : vector<1x16xf32> to vector<16xf32>
                  %swap3A_477 = vector.shape_cast %max3A_472 : vector<16xf32> to vector<1x16xf32>
                  tpu.vector_store %arg17[%swap3A_473, %swap3A_474], %swap3A_477 {strides = array<i32>} : memref<64x128xf32, #tpu.memory_space<vmem>>, vector<1x16xf32>,
                  %get3A_478 = arith.index_cast %scan3A_317 : i32 to index
                  %get3A_479 = arith.constant 112 : index
                  %get3A_480 = tpu.vector_load %arg17[%get3A_478, %get3A_479] {strides = array<i32>} : memref<64x128xf32, #tpu.memory_space<vmem>>, vector<1x16xf32>,
                  %get3A_481 = vector.shape_cast %get3A_480 : vector<1x16xf32> to vector<16xf32>
                  %get3A_482 = arith.constant 112 : index
                  %get3A_483 = tpu.vector_load %arg9[%get3A_482] {strides = array<i32>} : memref<128xf32, #tpu.memory_space<vmem>>, vector<16xf32>,
                  %get3A_484 = vector.shape_cast %get3A_483 : vector<16xf32> to vector<16xf32>
                  %mul3A_485 = vector.broadcast %squeeze3A : f32 to vector<16xf32>
                  %mul3A_486 = arith.mulf %mul3A_485, %get3A_484 : vector<16xf32>
                  %add3A_487 = arith.addf %get3A_481, %mul3A_486 : vector<16xf32>
                  %get3A_488 = arith.constant 112 : index
                  %get3A_489 = tpu.vector_load %arg10[%get3A_488] {strides = array<i32>} : memref<128xf32, #tpu.memory_space<vmem>>, vector<16xf32>,
                  %get3A_490 = vector.shape_cast %get3A_489 : vector<16xf32> to vector<16xf32>
                  %add3A_491 = arith.addf %add3A_487, %get3A_490 : vector<16xf32>
                  %max3A_492 = arith.constant 0.000000e+00 : f32
                  %max3A_493 = vector.broadcast %max3A_492 : f32 to vector<16xf32>
                  %max3A_494 = arith.maximumf %add3A_491, %max3A_493 : vector<16xf32>
                  %swap3A_495 = arith.index_cast %scan3A_317 : i32 to index
                  %swap3A_496 = arith.constant 112 : index
                  %swap3A_497 = tpu.vector_load %arg17[%swap3A_495, %swap3A_496] {strides = array<i32>} : memref<64x128xf32, #tpu.memory_space<vmem>>, vector<1x16xf32>,
                  %swap3A_498 = vector.shape_cast %swap3A_497 : vector<1x16xf32> to vector<16xf32>
                  %swap3A_499 = vector.shape_cast %max3A_494 : vector<16xf32> to vector<1x16xf32>
                  tpu.vector_store %arg17[%swap3A_495, %swap3A_496], %swap3A_499 {strides = array<i32>} : memref<64x128xf32, #tpu.memory_space<vmem>>, vector<1x16xf32>,
                  %scan3A_500 = arith.constant 0 : i32
                  scf.yield %scan3A_500 : i32
                }
                %scan3A_313 = arith.constant 64 : i32
                %dma_start3A_314 = arith.constant 0 : i32
                %dma_start3A_315 = arith.constant 0 : i32
                %dma_start3A_316 = tpu.memref_slice %arg22[%dma_start3A_314, %dma_start3A_315] : memref<13320x128xf32, #tpu.memory_space<vmem_shared>> -> memref<13320x128xf32, #tpu.memory_space<vmem_shared>>
                tpu.enqueue_indirect_dma source(%arg17 : memref<64x128xf32, #tpu.memory_space<vmem>>) target(%dma_start3A_316 : memref<13320x128xf32, #tpu.memory_space<vmem_shared>>) offsets(%arg21 : memref<64xi32, #tpu.memory_space<vmem>>) semaphore(%arg24 : memref<!tpu.dma_semaphore, #tpu.memory_space<semaphore_mem>>) {add = true}
              } else {
              }
              %while3A_294 = arith.constant 0 : i32
              scf.yield %while3A_294 : i32
            }
            %ge3A = arith.constant 2 : i32
            %ge3A_269 = arith.cmpi sge, %select_n3A_150, %ge3A : i32
            %convert_element_type3A_270 = arith.extui %ge3A_269 : i1 to i32
            %cond3A_271 = arith.constant 0 : i32
            %cond3A_272 = arith.cmpi ne, %convert_element_type3A_270, %cond3A_271 : i32
            scf.if %cond3A_272 {
              %dma_wait3A = arith.constant 0 : i32
              %dma_wait3A_278 = arith.constant 0 : i32
              %dma_wait3A_279 = tpu.memref_slice %arg22[%dma_wait3A, %dma_wait3A_278] : memref<13320x128xf32, #tpu.memory_space<vmem_shared>> -> memref<13320x128xf32, #tpu.memory_space<vmem_shared>>
              tpu.wait_indirect_dma semaphore(%arg24 : memref<!tpu.dma_semaphore, #tpu.memory_space<semaphore_mem>>) src(%arg16 : memref<64x128xf32, #tpu.memory_space<vmem>>) dst(%dma_wait3A_279 : memref<13320x128xf32, #tpu.memory_space<vmem_shared>>)
            } else {
            }
            %ge3A_273 = arith.constant 1 : i32
            %ge3A_274 = arith.cmpi sge, %select_n3A_150, %ge3A_273 : i32
            %convert_element_type3A_275 = arith.extui %ge3A_274 : i1 to i32
            %cond3A_276 = arith.constant 0 : i32
            %cond3A_277 = arith.cmpi ne, %convert_element_type3A_275, %cond3A_276 : i32
            scf.if %cond3A_277 {
              %dma_wait3A = arith.constant 0 : i32
              %dma_wait3A_278 = arith.constant 0 : i32
              %dma_wait3A_279 = tpu.memref_slice %arg22[%dma_wait3A, %dma_wait3A_278] : memref<13320x128xf32, #tpu.memory_space<vmem_shared>> -> memref<13320x128xf32, #tpu.memory_space<vmem_shared>>
              tpu.wait_indirect_dma semaphore(%arg24 : memref<!tpu.dma_semaphore, #tpu.memory_space<semaphore_mem>>) src(%arg17 : memref<64x128xf32, #tpu.memory_space<vmem>>) dst(%dma_wait3A_279 : memref<13320x128xf32, #tpu.memory_space<vmem_shared>>)
            } else {
            }
          } else {
          }
          %gt3A_156 = arith.constant 0 : i32
          %gt3A_157 = arith.cmpi sgt, %select_n3A_150, %gt3A_156 : i32
          %convert_element_type3A_158 = arith.extui %gt3A_157 : i1 to i32
          %cond3A_159 = arith.constant 0 : i32
          %cond3A_160 = arith.cmpi ne, %convert_element_type3A_158, %cond3A_159 : i32
          scf.if %cond3A_160 {
            %mul3A_164 = arith.constant 64 : i32
            %mul3A_165 = arith.muli %select_n3A_150, %mul3A_164 : i32
            %add3A_166 = arith.constant 0 : i32
            %add3A_167 = arith.addi %mul3A_165, %add3A_166 : i32
            %get3A = arith.index_cast %add3A_167 : i32 to index
            %get3A_168 = tpu.vector_load %arg14[%get3A] {strides = array<i32>} : memref<1296xi32, #tpu.memory_space<vmem>>, vector<16xi32>,
            %get3A_169 = vector.shape_cast %get3A_168 : vector<16xi32> to vector<16xi32>
            %swap3A_170 = arith.constant 0 : index
            %swap3A_171 = tpu.vector_load %arg14[%swap3A_170] {strides = array<i32>} : memref<1296xi32, #tpu.memory_space<vmem>>, vector<16xi32>,
            %swap3A_172 = vector.shape_cast %swap3A_171 : vector<16xi32> to vector<16xi32>
            %swap3A_173 = vector.shape_cast %get3A_169 : vector<16xi32> to vector<16xi32>
            tpu.vector_store %arg14[%swap3A_170], %swap3A_173 {strides = array<i32>} : memref<1296xi32, #tpu.memory_space<vmem>>, vector<16xi32>,
            %mul3A_174 = arith.constant 64 : i32
            %mul3A_175 = arith.muli %select_n3A_150, %mul3A_174 : i32
            %add3A_176 = arith.constant 0 : i32
            %add3A_177 = arith.addi %mul3A_175, %add3A_176 : i32
            %get3A_178 = arith.index_cast %add3A_177 : i32 to index
            %get3A_179 = tpu.vector_load %arg15[%get3A_178] {strides = array<i32>} : memref<1296xf32, #tpu.memory_space<vmem>>, vector<16xf32>,
            %get3A_180 = vector.shape_cast %get3A_179 : vector<16xf32> to vector<16xf32>
            %swap3A_181 = arith.constant 0 : index
            %swap3A_182 = tpu.vector_load %arg15[%swap3A_181] {strides = array<i32>} : memref<1296xf32, #tpu.memory_space<vmem>>, vector<16xf32>,
            %swap3A_183 = vector.shape_cast %swap3A_182 : vector<16xf32> to vector<16xf32>
            %swap3A_184 = vector.shape_cast %get3A_180 : vector<16xf32> to vector<16xf32>
            tpu.vector_store %arg15[%swap3A_181], %swap3A_184 {strides = array<i32>} : memref<1296xf32, #tpu.memory_space<vmem>>, vector<16xf32>,
            %mul3A_185 = arith.constant 64 : i32
            %mul3A_186 = arith.muli %select_n3A_150, %mul3A_185 : i32
            %add3A_187 = arith.constant 16 : i32
            %add3A_188 = arith.addi %mul3A_186, %add3A_187 : i32
            %get3A_189 = arith.index_cast %add3A_188 : i32 to index
            %get3A_190 = tpu.vector_load %arg14[%get3A_189] {strides = array<i32>} : memref<1296xi32, #tpu.memory_space<vmem>>, vector<16xi32>,
            %get3A_191 = vector.shape_cast %get3A_190 : vector<16xi32> to vector<16xi32>
            %swap3A_192 = arith.constant 16 : index
            %swap3A_193 = tpu.vector_load %arg14[%swap3A_192] {strides = array<i32>} : memref<1296xi32, #tpu.memory_space<vmem>>, vector<16xi32>,
            %swap3A_194 = vector.shape_cast %swap3A_193 : vector<16xi32> to vector<16xi32>
            %swap3A_195 = vector.shape_cast %get3A_191 : vector<16xi32> to vector<16xi32>
            tpu.vector_store %arg14[%swap3A_192], %swap3A_195 {strides = array<i32>} : memref<1296xi32, #tpu.memory_space<vmem>>, vector<16xi32>,
            %mul3A_196 = arith.constant 64 : i32
            %mul3A_197 = arith.muli %select_n3A_150, %mul3A_196 : i32
            %add3A_198 = arith.constant 16 : i32
            %add3A_199 = arith.addi %mul3A_197, %add3A_198 : i32
            %get3A_200 = arith.index_cast %add3A_199 : i32 to index
            %get3A_201 = tpu.vector_load %arg15[%get3A_200] {strides = array<i32>} : memref<1296xf32, #tpu.memory_space<vmem>>, vector<16xf32>,
            %get3A_202 = vector.shape_cast %get3A_201 : vector<16xf32> to vector<16xf32>
            %swap3A_203 = arith.constant 16 : index
            %swap3A_204 = tpu.vector_load %arg15[%swap3A_203] {strides = array<i32>} : memref<1296xf32, #tpu.memory_space<vmem>>, vector<16xf32>,
            %swap3A_205 = vector.shape_cast %swap3A_204 : vector<16xf32> to vector<16xf32>
            %swap3A_206 = vector.shape_cast %get3A_202 : vector<16xf32> to vector<16xf32>
            tpu.vector_store %arg15[%swap3A_203], %swap3A_206 {strides = array<i32>} : memref<1296xf32, #tpu.memory_space<vmem>>, vector<16xf32>,
            %mul3A_207 = arith.constant 64 : i32
            %mul3A_208 = arith.muli %select_n3A_150, %mul3A_207 : i32
            %add3A_209 = arith.constant 32 : i32
            %add3A_210 = arith.addi %mul3A_208, %add3A_209 : i32
            %get3A_211 = arith.index_cast %add3A_210 : i32 to index
            %get3A_212 = tpu.vector_load %arg14[%get3A_211] {strides = array<i32>} : memref<1296xi32, #tpu.memory_space<vmem>>, vector<16xi32>,
            %get3A_213 = vector.shape_cast %get3A_212 : vector<16xi32> to vector<16xi32>
            %swap3A_214 = arith.constant 32 : index
            %swap3A_215 = tpu.vector_load %arg14[%swap3A_214] {strides = array<i32>} : memref<1296xi32, #tpu.memory_space<vmem>>, vector<16xi32>,
            %swap3A_216 = vector.shape_cast %swap3A_215 : vector<16xi32> to vector<16xi32>
            %swap3A_217 = vector.shape_cast %get3A_213 : vector<16xi32> to vector<16xi32>
            tpu.vector_store %arg14[%swap3A_214], %swap3A_217 {strides = array<i32>} : memref<1296xi32, #tpu.memory_space<vmem>>, vector<16xi32>,
            %mul3A_218 = arith.constant 64 : i32
            %mul3A_219 = arith.muli %select_n3A_150, %mul3A_218 : i32
            %add3A_220 = arith.constant 32 : i32
            %add3A_221 = arith.addi %mul3A_219, %add3A_220 : i32
            %get3A_222 = arith.index_cast %add3A_221 : i32 to index
            %get3A_223 = tpu.vector_load %arg15[%get3A_222] {strides = array<i32>} : memref<1296xf32, #tpu.memory_space<vmem>>, vector<16xf32>,
            %get3A_224 = vector.shape_cast %get3A_223 : vector<16xf32> to vector<16xf32>
            %swap3A_225 = arith.constant 32 : index
            %swap3A_226 = tpu.vector_load %arg15[%swap3A_225] {strides = array<i32>} : memref<1296xf32, #tpu.memory_space<vmem>>, vector<16xf32>,
            %swap3A_227 = vector.shape_cast %swap3A_226 : vector<16xf32> to vector<16xf32>
            %swap3A_228 = vector.shape_cast %get3A_224 : vector<16xf32> to vector<16xf32>
            tpu.vector_store %arg15[%swap3A_225], %swap3A_228 {strides = array<i32>} : memref<1296xf32, #tpu.memory_space<vmem>>, vector<16xf32>,
            %mul3A_229 = arith.constant 64 : i32
            %mul3A_230 = arith.muli %select_n3A_150, %mul3A_229 : i32
            %add3A_231 = arith.constant 48 : i32
            %add3A_232 = arith.addi %mul3A_230, %add3A_231 : i32
            %get3A_233 = arith.index_cast %add3A_232 : i32 to index
            %get3A_234 = tpu.vector_load %arg14[%get3A_233] {strides = array<i32>} : memref<1296xi32, #tpu.memory_space<vmem>>, vector<16xi32>,
            %get3A_235 = vector.shape_cast %get3A_234 : vector<16xi32> to vector<16xi32>
            %swap3A_236 = arith.constant 48 : index
            %swap3A_237 = tpu.vector_load %arg14[%swap3A_236] {strides = array<i32>} : memref<1296xi32, #tpu.memory_space<vmem>>, vector<16xi32>,
            %swap3A_238 = vector.shape_cast %swap3A_237 : vector<16xi32> to vector<16xi32>
            %swap3A_239 = vector.shape_cast %get3A_235 : vector<16xi32> to vector<16xi32>
            tpu.vector_store %arg14[%swap3A_236], %swap3A_239 {strides = array<i32>} : memref<1296xi32, #tpu.memory_space<vmem>>, vector<16xi32>,
            %mul3A_240 = arith.constant 64 : i32
            %mul3A_241 = arith.muli %select_n3A_150, %mul3A_240 : i32
            %add3A_242 = arith.constant 48 : i32
            %add3A_243 = arith.addi %mul3A_241, %add3A_242 : i32
            %get3A_244 = arith.index_cast %add3A_243 : i32 to index
            %get3A_245 = tpu.vector_load %arg15[%get3A_244] {strides = array<i32>} : memref<1296xf32, #tpu.memory_space<vmem>>, vector<16xf32>,
            %get3A_246 = vector.shape_cast %get3A_245 : vector<16xf32> to vector<16xf32>
            %swap3A_247 = arith.constant 48 : index
            %swap3A_248 = tpu.vector_load %arg15[%swap3A_247] {strides = array<i32>} : memref<1296xf32, #tpu.memory_space<vmem>>, vector<16xf32>,
            %swap3A_249 = vector.shape_cast %swap3A_248 : vector<16xf32> to vector<16xf32>
            %swap3A_250 = vector.shape_cast %get3A_246 : vector<16xf32> to vector<16xf32>
            tpu.vector_store %arg15[%swap3A_247], %swap3A_250 {strides = array<i32>} : memref<1296xf32, #tpu.memory_space<vmem>>, vector<16xf32>,
            %mul3A_251 = arith.constant 64 : i32
            %mul3A_252 = arith.muli %select_n3A_150, %mul3A_251 : i32
            %add3A_253 = arith.constant 64 : i32
            %add3A_254 = arith.addi %mul3A_252, %add3A_253 : i32
            %get3A_255 = arith.index_cast %add3A_254 : i32 to index
            %get3A_256 = tpu.vector_load %arg14[%get3A_255] {strides = array<i32>} : memref<1296xi32, #tpu.memory_space<vmem>>, vector<16xi32>,
            %get3A_257 = vector.shape_cast %get3A_256 : vector<16xi32> to vector<16xi32>
            %swap3A_258 = arith.constant 64 : index
            %swap3A_259 = tpu.vector_load %arg14[%swap3A_258] {strides = array<i32>} : memref<1296xi32, #tpu.memory_space<vmem>>, vector<16xi32>,
            %swap3A_260 = vector.shape_cast %swap3A_259 : vector<16xi32> to vector<16xi32>
            %swap3A_261 = vector.shape_cast %get3A_257 : vector<16xi32> to vector<16xi32>
            tpu.vector_store %arg14[%swap3A_258], %swap3A_261 {strides = array<i32>} : memref<1296xi32, #tpu.memory_space<vmem>>, vector<16xi32>,
            %mul3A_262 = arith.constant 64 : i32
            %mul3A_263 = arith.muli %select_n3A_150, %mul3A_262 : i32
            %add3A_264 = arith.constant 64 : i32
            %add3A_265 = arith.addi %mul3A_263, %add3A_264 : i32
            %get3A_266 = arith.index_cast %add3A_265 : i32 to index
            %get3A_267 = tpu.vector_load %arg15[%get3A_266] {strides = array<i32>} : memref<1296xf32, #tpu.memory_space<vmem>>, vector<16xf32>,
            %get3A_268 = vector.shape_cast %get3A_267 : vector<16xf32> to vector<16xf32>
            %swap3A_269 = arith.constant 64 : index
            %swap3A_270 = tpu.vector_load %arg15[%swap3A_269] {strides = array<i32>} : memref<1296xf32, #tpu.memory_space<vmem>>, vector<16xf32>,
            %swap3A_271 = vector.shape_cast %swap3A_270 : vector<16xf32> to vector<16xf32>
            %swap3A_272 = vector.shape_cast %get3A_268 : vector<16xf32> to vector<16xf32>
            tpu.vector_store %arg15[%swap3A_269], %swap3A_272 {strides = array<i32>} : memref<1296xf32, #tpu.memory_space<vmem>>, vector<16xf32>,
            %mul3A_273 = arith.constant 64 : i32
            %mul3A_274 = arith.muli %select_n3A_150, %mul3A_273 : i32
            %add3A_275 = arith.constant 80 : i32
            %add3A_276 = arith.addi %mul3A_274, %add3A_275 : i32
            %get3A_277 = arith.index_cast %add3A_276 : i32 to index
            %get3A_278 = tpu.vector_load %arg14[%get3A_277] {strides = array<i32>} : memref<1296xi32, #tpu.memory_space<vmem>>, vector<16xi32>,
            %get3A_279 = vector.shape_cast %get3A_278 : vector<16xi32> to vector<16xi32>
            %swap3A_280 = arith.constant 80 : index
            %swap3A_281 = tpu.vector_load %arg14[%swap3A_280] {strides = array<i32>} : memref<1296xi32, #tpu.memory_space<vmem>>, vector<16xi32>,
            %swap3A_282 = vector.shape_cast %swap3A_281 : vector<16xi32> to vector<16xi32>
            %swap3A_283 = vector.shape_cast %get3A_279 : vector<16xi32> to vector<16xi32>
            tpu.vector_store %arg14[%swap3A_280], %swap3A_283 {strides = array<i32>} : memref<1296xi32, #tpu.memory_space<vmem>>, vector<16xi32>,
            %mul3A_284 = arith.constant 64 : i32
            %mul3A_285 = arith.muli %select_n3A_150, %mul3A_284 : i32
            %add3A_286 = arith.constant 80 : i32
            %add3A_287 = arith.addi %mul3A_285, %add3A_286 : i32
            %get3A_288 = arith.index_cast %add3A_287 : i32 to index
            %get3A_289 = tpu.vector_load %arg15[%get3A_288] {strides = array<i32>} : memref<1296xf32, #tpu.memory_space<vmem>>, vector<16xf32>,
            %get3A_290 = vector.shape_cast %get3A_289 : vector<16xf32> to vector<16xf32>
            %swap3A_291 = arith.constant 80 : index
            %swap3A_292 = tpu.vector_load %arg15[%swap3A_291] {strides = array<i32>} : memref<1296xf32, #tpu.memory_space<vmem>>, vector<16xf32>,
            %swap3A_293 = vector.shape_cast %swap3A_292 : vector<16xf32> to vector<16xf32>
            %swap3A_294 = vector.shape_cast %get3A_290 : vector<16xf32> to vector<16xf32>
            tpu.vector_store %arg15[%swap3A_291], %swap3A_294 {strides = array<i32>} : memref<1296xf32, #tpu.memory_space<vmem>>, vector<16xf32>,
            %mul3A_295 = arith.constant 64 : i32
            %mul3A_296 = arith.muli %select_n3A_150, %mul3A_295 : i32
            %add3A_297 = arith.constant 96 : i32
            %add3A_298 = arith.addi %mul3A_296, %add3A_297 : i32
            %get3A_299 = arith.index_cast %add3A_298 : i32 to index
            %get3A_300 = tpu.vector_load %arg14[%get3A_299] {strides = array<i32>} : memref<1296xi32, #tpu.memory_space<vmem>>, vector<16xi32>,
            %get3A_301 = vector.shape_cast %get3A_300 : vector<16xi32> to vector<16xi32>
            %swap3A_302 = arith.constant 96 : index
            %swap3A_303 = tpu.vector_load %arg14[%swap3A_302] {strides = array<i32>} : memref<1296xi32, #tpu.memory_space<vmem>>, vector<16xi32>,
            %swap3A_304 = vector.shape_cast %swap3A_303 : vector<16xi32> to vector<16xi32>
            %swap3A_305 = vector.shape_cast %get3A_301 : vector<16xi32> to vector<16xi32>
            tpu.vector_store %arg14[%swap3A_302], %swap3A_305 {strides = array<i32>} : memref<1296xi32, #tpu.memory_space<vmem>>, vector<16xi32>,
            %mul3A_306 = arith.constant 64 : i32
            %mul3A_307 = arith.muli %select_n3A_150, %mul3A_306 : i32
            %add3A_308 = arith.constant 96 : i32
            %add3A_309 = arith.addi %mul3A_307, %add3A_308 : i32
            %get3A_310 = arith.index_cast %add3A_309 : i32 to index
            %get3A_311 = tpu.vector_load %arg15[%get3A_310] {strides = array<i32>} : memref<1296xf32, #tpu.memory_space<vmem>>, vector<16xf32>,
            %get3A_312 = vector.shape_cast %get3A_311 : vector<16xf32> to vector<16xf32>
            %swap3A_313 = arith.constant 96 : index
            %swap3A_314 = tpu.vector_load %arg15[%swap3A_313] {strides = array<i32>} : memref<1296xf32, #tpu.memory_space<vmem>>, vector<16xf32>,
            %swap3A_315 = vector.shape_cast %swap3A_314 : vector<16xf32> to vector<16xf32>
            %swap3A_316 = vector.shape_cast %get3A_312 : vector<16xf32> to vector<16xf32>
            tpu.vector_store %arg15[%swap3A_313], %swap3A_316 {strides = array<i32>} : memref<1296xf32, #tpu.memory_space<vmem>>, vector<16xf32>,
            %mul3A_317 = arith.constant 64 : i32
            %mul3A_318 = arith.muli %select_n3A_150, %mul3A_317 : i32
            %add3A_319 = arith.constant 112 : i32
            %add3A_320 = arith.addi %mul3A_318, %add3A_319 : i32
            %get3A_321 = arith.index_cast %add3A_320 : i32 to index
            %get3A_322 = tpu.vector_load %arg14[%get3A_321] {strides = array<i32>} : memref<1296xi32, #tpu.memory_space<vmem>>, vector<16xi32>,
            %get3A_323 = vector.shape_cast %get3A_322 : vector<16xi32> to vector<16xi32>
            %swap3A_324 = arith.constant 112 : index
            %swap3A_325 = tpu.vector_load %arg14[%swap3A_324] {strides = array<i32>} : memref<1296xi32, #tpu.memory_space<vmem>>, vector<16xi32>,
            %swap3A_326 = vector.shape_cast %swap3A_325 : vector<16xi32> to vector<16xi32>
            %swap3A_327 = vector.shape_cast %get3A_323 : vector<16xi32> to vector<16xi32>
            tpu.vector_store %arg14[%swap3A_324], %swap3A_327 {strides = array<i32>} : memref<1296xi32, #tpu.memory_space<vmem>>, vector<16xi32>,
            %mul3A_328 = arith.constant 64 : i32
            %mul3A_329 = arith.muli %select_n3A_150, %mul3A_328 : i32
            %add3A_330 = arith.constant 112 : i32
            %add3A_331 = arith.addi %mul3A_329, %add3A_330 : i32
            %get3A_332 = arith.index_cast %add3A_331 : i32 to index
            %get3A_333 = tpu.vector_load %arg15[%get3A_332] {strides = array<i32>} : memref<1296xf32, #tpu.memory_space<vmem>>, vector<16xf32>,
            %get3A_334 = vector.shape_cast %get3A_333 : vector<16xf32> to vector<16xf32>
            %swap3A_335 = arith.constant 112 : index
            %swap3A_336 = tpu.vector_load %arg15[%swap3A_335] {strides = array<i32>} : memref<1296xf32, #tpu.memory_space<vmem>>, vector<16xf32>,
            %swap3A_337 = vector.shape_cast %swap3A_336 : vector<16xf32> to vector<16xf32>
            %swap3A_338 = vector.shape_cast %get3A_334 : vector<16xf32> to vector<16xf32>
            tpu.vector_store %arg15[%swap3A_335], %swap3A_338 {strides = array<i32>} : memref<1296xf32, #tpu.memory_space<vmem>>, vector<16xf32>,
          } else {
          }
          %mul3A_161 = arith.constant 64 : i32
          %mul3A_162 = arith.muli %select_n3A_150, %mul3A_161 : i32
          %sub3A_163 = arith.subi %scan3A_125, %mul3A_162 : i32
          scf.yield %sub3A_163 : i32
        }
        %scan3A_39 = arith.constant 31 : i32
        %add3A_40 = arith.constant 0 : i32
        %add3A_41 = arith.addi %scan3A_38, %add3A_40 : i32
        %swap3A = arith.index_cast %add3A_41 : i32 to index
        %swap3A_42 = tpu.vector_load %arg14[%swap3A] {strides = array<i32>} : memref<1296xi32, #tpu.memory_space<vmem>>, vector<16xi32>,
        %swap3A_43 = vector.shape_cast %swap3A_42 : vector<16xi32> to vector<16xi32>
        %swap3A_44 = vector.shape_cast %broadcast_in_dim3A_3 : vector<16xi32> to vector<16xi32>
        tpu.vector_store %arg14[%swap3A], %swap3A_44 {strides = array<i32>} : memref<1296xi32, #tpu.memory_space<vmem>>, vector<16xi32>,
        %add3A_45 = arith.constant 0 : i32
        %add3A_46 = arith.addi %scan3A_38, %add3A_45 : i32
        %swap3A_47 = arith.index_cast %add3A_46 : i32 to index
        %swap3A_48 = tpu.vector_load %arg15[%swap3A_47] {strides = array<i32>} : memref<1296xf32, #tpu.memory_space<vmem>>, vector<16xf32>,
        %swap3A_49 = vector.shape_cast %swap3A_48 : vector<16xf32> to vector<16xf32>
        %swap3A_50 = vector.shape_cast %broadcast_in_dim3A_1 : vector<16xf32> to vector<16xf32>
        tpu.vector_store %arg15[%swap3A_47], %swap3A_50 {strides = array<i32>} : memref<1296xf32, #tpu.memory_space<vmem>>, vector<16xf32>,
        %add3A_51 = arith.constant 16 : i32
        %add3A_52 = arith.addi %scan3A_38, %add3A_51 : i32
        %swap3A_53 = arith.index_cast %add3A_52 : i32 to index
        %swap3A_54 = tpu.vector_load %arg14[%swap3A_53] {strides = array<i32>} : memref<1296xi32, #tpu.memory_space<vmem>>, vector<16xi32>,
        %swap3A_55 = vector.shape_cast %swap3A_54 : vector<16xi32> to vector<16xi32>
        %swap3A_56 = vector.shape_cast %broadcast_in_dim3A_3 : vector<16xi32> to vector<16xi32>
        tpu.vector_store %arg14[%swap3A_53], %swap3A_56 {strides = array<i32>} : memref<1296xi32, #tpu.memory_space<vmem>>, vector<16xi32>,
        %add3A_57 = arith.constant 16 : i32
        %add3A_58 = arith.addi %scan3A_38, %add3A_57 : i32
        %swap3A_59 = arith.index_cast %add3A_58 : i32 to index
        %swap3A_60 = tpu.vector_load %arg15[%swap3A_59] {strides = array<i32>} : memref<1296xf32, #tpu.memory_space<vmem>>, vector<16xf32>,
        %swap3A_61 = vector.shape_cast %swap3A_60 : vector<16xf32> to vector<16xf32>
        %swap3A_62 = vector.shape_cast %broadcast_in_dim3A_1 : vector<16xf32> to vector<16xf32>
        tpu.vector_store %arg15[%swap3A_59], %swap3A_62 {strides = array<i32>} : memref<1296xf32, #tpu.memory_space<vmem>>, vector<16xf32>,
        %add3A_63 = arith.constant 32 : i32
        %add3A_64 = arith.addi %scan3A_38, %add3A_63 : i32
        %swap3A_65 = arith.index_cast %add3A_64 : i32 to index
        %swap3A_66 = tpu.vector_load %arg14[%swap3A_65] {strides = array<i32>} : memref<1296xi32, #tpu.memory_space<vmem>>, vector<16xi32>,
        %swap3A_67 = vector.shape_cast %swap3A_66 : vector<16xi32> to vector<16xi32>
        %swap3A_68 = vector.shape_cast %broadcast_in_dim3A_3 : vector<16xi32> to vector<16xi32>
        tpu.vector_store %arg14[%swap3A_65], %swap3A_68 {strides = array<i32>} : memref<1296xi32, #tpu.memory_space<vmem>>, vector<16xi32>,
        %add3A_69 = arith.constant 32 : i32
        %add3A_70 = arith.addi %scan3A_38, %add3A_69 : i32
        %swap3A_71 = arith.index_cast %add3A_70 : i32 to index
        %swap3A_72 = tpu.vector_load %arg15[%swap3A_71] {strides = array<i32>} : memref<1296xf32, #tpu.memory_space<vmem>>, vector<16xf32>,
        %swap3A_73 = vector.shape_cast %swap3A_72 : vector<16xf32> to vector<16xf32>
        %swap3A_74 = vector.shape_cast %broadcast_in_dim3A_1 : vector<16xf32> to vector<16xf32>
        tpu.vector_store %arg15[%swap3A_71], %swap3A_74 {strides = array<i32>} : memref<1296xf32, #tpu.memory_space<vmem>>, vector<16xf32>,
        %add3A_75 = arith.constant 48 : i32
        %add3A_76 = arith.addi %scan3A_38, %add3A_75 : i32
        %swap3A_77 = arith.index_cast %add3A_76 : i32 to index
        %swap3A_78 = tpu.vector_load %arg14[%swap3A_77] {strides = array<i32>} : memref<1296xi32, #tpu.memory_space<vmem>>, vector<16xi32>,
        %swap3A_79 = vector.shape_cast %swap3A_78 : vector<16xi32> to vector<16xi32>
        %swap3A_80 = vector.shape_cast %broadcast_in_dim3A_3 : vector<16xi32> to vector<16xi32>
        tpu.vector_store %arg14[%swap3A_77], %swap3A_80 {strides = array<i32>} : memref<1296xi32, #tpu.memory_space<vmem>>, vector<16xi32>,
        %add3A_81 = arith.constant 48 : i32
        %add3A_82 = arith.addi %scan3A_38, %add3A_81 : i32
        %swap3A_83 = arith.index_cast %add3A_82 : i32 to index
        %swap3A_84 = tpu.vector_load %arg15[%swap3A_83] {strides = array<i32>} : memref<1296xf32, #tpu.memory_space<vmem>>, vector<16xf32>,
        %swap3A_85 = vector.shape_cast %swap3A_84 : vector<16xf32> to vector<16xf32>
        %swap3A_86 = vector.shape_cast %broadcast_in_dim3A_1 : vector<16xf32> to vector<16xf32>
        tpu.vector_store %arg15[%swap3A_83], %swap3A_86 {strides = array<i32>} : memref<1296xf32, #tpu.memory_space<vmem>>, vector<16xf32>,
        %add3A_87 = arith.constant 63 : i32
        %add3A_88 = arith.addi %scan3A_38, %add3A_87 : i32
        %jit3A_89 = arith.constant 64 : i32
        %div3A = arith.divsi %add3A_88, %jit3A_89 : i32
        %sign3A = arith.constant 0 : i32
        %sign3A_90 = arith.cmpi sgt, %add3A_88, %sign3A : i32
        %sign3A_91 = arith.extui %sign3A_90 : i1 to i32
        %sign3A_92 = arith.constant 0 : i32
        %sign3A_93 = arith.cmpi slt, %add3A_88, %sign3A_92 : i32
        %sign3A_94 = arith.extui %sign3A_93 : i1 to i32
        %sign3A_95 = arith.subi %sign3A_91, %sign3A_94 : i32
        %sign3A_96 = arith.constant 0 : i32
        %sign3A_97 = arith.cmpi sgt, %jit3A_89, %sign3A_96 : i32
        %sign3A_98 = arith.extui %sign3A_97 : i1 to i32
        %sign3A_99 = arith.constant 0 : i32
        %sign3A_100 = arith.cmpi slt, %jit3A_89, %sign3A_99 : i32
        %sign3A_101 = arith.extui %sign3A_100 : i1 to i32
        %sign3A_102 = arith.subi %sign3A_98, %sign3A_101 : i32
        %ne3A_103 = arith.cmpi ne, %sign3A_95, %sign3A_102 : i32
        %rem3A_104 = arith.remsi %add3A_88, %jit3A_89 : i32
        %ne3A_105 = arith.constant 0 : i32
        %ne3A_106 = arith.cmpi ne, %rem3A_104, %ne3A_105 : i32
        %and3A_107 = arith.andi %ne3A_103, %ne3A_106 : i1
        %sub3A = arith.constant 1 : i32
        %sub3A_108 = arith.subi %div3A, %sub3A : i32
        %select_n3A_109 = arith.select %and3A_107, %sub3A_108, %div3A : i32
        %gt3A = arith.constant 0 : i32
        %gt3A_110 = arith.cmpi sgt, %select_n3A_109, %gt3A : i32
        %convert_element_type3A_111 = arith.extui %gt3A_110 : i1 to i32
        %cond3A_112 = arith.constant 0 : i32
        %cond3A_113 = arith.cmpi ne, %convert_element_type3A_111, %cond3A_112 : i32
        scf.if %cond3A_113 {
          %get3A = arith.constant 0 : index
          %get3A_114 = tpu.vector_load %arg14[%get3A] {strides = array<i32>} : memref<1296xi32, #tpu.memory_space<vmem>>, vector<16xi32>,
          %get3A_115 = vector.shape_cast %get3A_114 : vector<16xi32> to vector<16xi32>
          %shift_right_logical3A = arith.constant 17 : i32
          %shift_right_logical3A_116 = vector.broadcast %shift_right_logical3A : i32 to vector<16xi32>
          %shift_right_logical3A_117 = arith.shrui %get3A_115, %shift_right_logical3A_116 : vector<16xi32>
          %swap3A_118 = arith.constant 0 : index
          %swap3A_119 = tpu.vector_load %arg20[%swap3A_118] {strides = array<i32>} : memref<64xi32, #tpu.memory_space<vmem>>, vector<16xi32>,
          %swap3A_120 = vector.shape_cast %swap3A_119 : vector<16xi32> to vector<16xi32>
          %swap3A_121 = vector.shape_cast %shift_right_logical3A_117 : vector<16xi32> to vector<16xi32>
          tpu.vector_store %arg20[%swap3A_118], %swap3A_121 {strides = array<i32>} : memref<64xi32, #tpu.memory_space<vmem>>, vector<16xi32>,
          %and3A_122 = arith.constant 131071 : i32
          %and3A_123 = vector.broadcast %and3A_122 : i32 to vector<16xi32>
          %and3A_124 = arith.andi %get3A_115, %and3A_123 : vector<16xi32>
          %swap3A_125 = arith.constant 0 : index
          %swap3A_126 = tpu.vector_load %arg18[%swap3A_125] {strides = array<i32>} : memref<64xi32, #tpu.memory_space<vmem>>, vector<16xi32>,
          %swap3A_127 = vector.shape_cast %swap3A_126 : vector<16xi32> to vector<16xi32>
          %swap3A_128 = vector.shape_cast %and3A_124 : vector<16xi32> to vector<16xi32>
          tpu.vector_store %arg18[%swap3A_125], %swap3A_128 {strides = array<i32>} : memref<64xi32, #tpu.memory_space<vmem>>, vector<16xi32>,
          %get3A_129 = arith.constant 16 : index
          %get3A_130 = tpu.vector_load %arg14[%get3A_129] {strides = array<i32>} : memref<1296xi32, #tpu.memory_space<vmem>>, vector<16xi32>,
          %get3A_131 = vector.shape_cast %get3A_130 : vector<16xi32> to vector<16xi32>
          %shift_right_logical3A_132 = arith.constant 17 : i32
          %shift_right_logical3A_133 = vector.broadcast %shift_right_logical3A_132 : i32 to vector<16xi32>
          %shift_right_logical3A_134 = arith.shrui %get3A_131, %shift_right_logical3A_133 : vector<16xi32>
          %swap3A_135 = arith.constant 16 : index
          %swap3A_136 = tpu.vector_load %arg20[%swap3A_135] {strides = array<i32>} : memref<64xi32, #tpu.memory_space<vmem>>, vector<16xi32>,
          %swap3A_137 = vector.shape_cast %swap3A_136 : vector<16xi32> to vector<16xi32>
          %swap3A_138 = vector.shape_cast %shift_right_logical3A_134 : vector<16xi32> to vector<16xi32>
          tpu.vector_store %arg20[%swap3A_135], %swap3A_138 {strides = array<i32>} : memref<64xi32, #tpu.memory_space<vmem>>, vector<16xi32>,
          %and3A_139 = arith.constant 131071 : i32
          %and3A_140 = vector.broadcast %and3A_139 : i32 to vector<16xi32>
          %and3A_141 = arith.andi %get3A_131, %and3A_140 : vector<16xi32>
          %swap3A_142 = arith.constant 16 : index
          %swap3A_143 = tpu.vector_load %arg18[%swap3A_142] {strides = array<i32>} : memref<64xi32, #tpu.memory_space<vmem>>, vector<16xi32>,
          %swap3A_144 = vector.shape_cast %swap3A_143 : vector<16xi32> to vector<16xi32>
          %swap3A_145 = vector.shape_cast %and3A_141 : vector<16xi32> to vector<16xi32>
          tpu.vector_store %arg18[%swap3A_142], %swap3A_145 {strides = array<i32>} : memref<64xi32, #tpu.memory_space<vmem>>, vector<16xi32>,
          %get3A_146 = arith.constant 32 : index
          %get3A_147 = tpu.vector_load %arg14[%get3A_146] {strides = array<i32>} : memref<1296xi32, #tpu.memory_space<vmem>>, vector<16xi32>,
          %get3A_148 = vector.shape_cast %get3A_147 : vector<16xi32> to vector<16xi32>
          %shift_right_logical3A_149 = arith.constant 17 : i32
          %shift_right_logical3A_150 = vector.broadcast %shift_right_logical3A_149 : i32 to vector<16xi32>
          %shift_right_logical3A_151 = arith.shrui %get3A_148, %shift_right_logical3A_150 : vector<16xi32>
          %swap3A_152 = arith.constant 32 : index
          %swap3A_153 = tpu.vector_load %arg20[%swap3A_152] {strides = array<i32>} : memref<64xi32, #tpu.memory_space<vmem>>, vector<16xi32>,
          %swap3A_154 = vector.shape_cast %swap3A_153 : vector<16xi32> to vector<16xi32>
          %swap3A_155 = vector.shape_cast %shift_right_logical3A_151 : vector<16xi32> to vector<16xi32>
          tpu.vector_store %arg20[%swap3A_152], %swap3A_155 {strides = array<i32>} : memref<64xi32, #tpu.memory_space<vmem>>, vector<16xi32>,
          %and3A_156 = arith.constant 131071 : i32
          %and3A_157 = vector.broadcast %and3A_156 : i32 to vector<16xi32>
          %and3A_158 = arith.andi %get3A_148, %and3A_157 : vector<16xi32>
          %swap3A_159 = arith.constant 32 : index
          %swap3A_160 = tpu.vector_load %arg18[%swap3A_159] {strides = array<i32>} : memref<64xi32, #tpu.memory_space<vmem>>, vector<16xi32>,
          %swap3A_161 = vector.shape_cast %swap3A_160 : vector<16xi32> to vector<16xi32>
          %swap3A_162 = vector.shape_cast %and3A_158 : vector<16xi32> to vector<16xi32>
          tpu.vector_store %arg18[%swap3A_159], %swap3A_162 {strides = array<i32>} : memref<64xi32, #tpu.memory_space<vmem>>, vector<16xi32>,
          %get3A_163 = arith.constant 48 : index
          %get3A_164 = tpu.vector_load %arg14[%get3A_163] {strides = array<i32>} : memref<1296xi32, #tpu.memory_space<vmem>>, vector<16xi32>,
          %get3A_165 = vector.shape_cast %get3A_164 : vector<16xi32> to vector<16xi32>
          %shift_right_logical3A_166 = arith.constant 17 : i32
          %shift_right_logical3A_167 = vector.broadcast %shift_right_logical3A_166 : i32 to vector<16xi32>
          %shift_right_logical3A_168 = arith.shrui %get3A_165, %shift_right_logical3A_167 : vector<16xi32>
          %swap3A_169 = arith.constant 48 : index
          %swap3A_170 = tpu.vector_load %arg20[%swap3A_169] {strides = array<i32>} : memref<64xi32, #tpu.memory_space<vmem>>, vector<16xi32>,
          %swap3A_171 = vector.shape_cast %swap3A_170 : vector<16xi32> to vector<16xi32>
          %swap3A_172 = vector.shape_cast %shift_right_logical3A_168 : vector<16xi32> to vector<16xi32>
          tpu.vector_store %arg20[%swap3A_169], %swap3A_172 {strides = array<i32>} : memref<64xi32, #tpu.memory_space<vmem>>, vector<16xi32>,
          %and3A_173 = arith.constant 131071 : i32
          %and3A_174 = vector.broadcast %and3A_173 : i32 to vector<16xi32>
          %and3A_175 = arith.andi %get3A_165, %and3A_174 : vector<16xi32>
          %swap3A_176 = arith.constant 48 : index
          %swap3A_177 = tpu.vector_load %arg18[%swap3A_176] {strides = array<i32>} : memref<64xi32, #tpu.memory_space<vmem>>, vector<16xi32>,
          %swap3A_178 = vector.shape_cast %swap3A_177 : vector<16xi32> to vector<16xi32>
          %swap3A_179 = vector.shape_cast %and3A_175 : vector<16xi32> to vector<16xi32>
          tpu.vector_store %arg18[%swap3A_176], %swap3A_179 {strides = array<i32>} : memref<64xi32, #tpu.memory_space<vmem>>, vector<16xi32>,
          %dma_start3A = arith.constant 0 : i32
          %dma_start3A_180 = arith.constant 0 : i32
          %dma_start3A_181 = tpu.memref_slice %arg2[%dma_start3A, %dma_start3A_180] : memref<100000x128xf32, #tpu.memory_space<hbm>> -> memref<100000x128xf32, #tpu.memory_space<hbm>>
          tpu.enqueue_indirect_dma source(%dma_start3A_181 : memref<100000x128xf32, #tpu.memory_space<hbm>>) target(%arg16 : memref<64x128xf32, #tpu.memory_space<vmem>>) offsets(%arg18 : memref<64xi32, #tpu.memory_space<vmem>>) semaphore(%arg23 : memref<!tpu.dma_semaphore, #tpu.memory_space<semaphore_mem>>)
          %add3A_182 = arith.constant 1 : i32
          %add3A_183 = arith.addi %select_n3A_109, %add3A_182 : i32
          %jit3A_184 = arith.constant 2 : i32
          %div3A_185 = arith.divsi %add3A_183, %jit3A_184 : i32
          %sign3A_186 = arith.constant 0 : i32
          %sign3A_187 = arith.cmpi sgt, %add3A_183, %sign3A_186 : i32
          %sign3A_188 = arith.extui %sign3A_187 : i1 to i32
          %sign3A_189 = arith.constant 0 : i32
          %sign3A_190 = arith.cmpi slt, %add3A_183, %sign3A_189 : i32
          %sign3A_191 = arith.extui %sign3A_190 : i1 to i32
          %sign3A_192 = arith.subi %sign3A_188, %sign3A_191 : i32
          %sign3A_193 = arith.constant 0 : i32
          %sign3A_194 = arith.cmpi sgt, %jit3A_184, %sign3A_193 : i32
          %sign3A_195 = arith.extui %sign3A_194 : i1 to i32
          %sign3A_196 = arith.constant 0 : i32
          %sign3A_197 = arith.cmpi slt, %jit3A_184, %sign3A_196 : i32
          %sign3A_198 = arith.extui %sign3A_197 : i1 to i32
          %sign3A_199 = arith.subi %sign3A_195, %sign3A_198 : i32
          %ne3A_200 = arith.cmpi ne, %sign3A_192, %sign3A_199 : i32
          %rem3A_201 = arith.remsi %add3A_183, %jit3A_184 : i32
          %ne3A_202 = arith.constant 0 : i32
          %ne3A_203 = arith.cmpi ne, %rem3A_201, %ne3A_202 : i32
          %and3A_204 = arith.andi %ne3A_200, %ne3A_203 : i1
          %sub3A_205 = arith.constant 1 : i32
          %sub3A_206 = arith.subi %div3A_185, %sub3A_205 : i32
          %select_n3A_207 = arith.select %and3A_204, %sub3A_206, %div3A_185 : i32
          %while3A = arith.constant 0 : i32
          %while3A_208 = arith.constant 0 : i32
          %while3A_209 = arith.subi %select_n3A_207, %while3A : i32
          %while3A_210 = arith.addi %while3A, %while3A_209 : i32
          %while3A_211 = arith.constant 1 : i32
          %while3A_212 = arith.divsi %while3A_209, %while3A_211 : i32
          %while3A_213 = arith.muli %while3A_212, %while3A_211 : i32
          %while3A_214 = arith.addi %while3A, %while3A_213 : i32
          %while3A_215 = arith.constant 1 : i32
          %while3A_216 = scf.for %while3A_228 = %while3A to %while3A_214 step %while3A_215 iter_args(%while3A_229 = %while3A_208) -> (i32)  : i32 {
            %mul3A_230 = arith.constant 2 : i32
            %mul3A_231 = arith.muli %mul3A_230, %while3A_228 : i32
            %lt3A_232 = arith.cmpi slt, %mul3A_231, %select_n3A_109 : i32
            %convert_element_type3A_233 = arith.extui %lt3A_232 : i1 to i32
            %cond3A_234 = arith.constant 0 : i32
            %cond3A_235 = arith.cmpi ne, %convert_element_type3A_233, %cond3A_234 : i32
            scf.if %cond3A_235 {
              %mul3A_245 = arith.constant 2 : i32
              %mul3A_246 = arith.muli %mul3A_245, %while3A_228 : i32
              %add3A_247 = arith.constant 1 : i32
              %add3A_248 = arith.addi %mul3A_246, %add3A_247 : i32
              %dma_wait3A = arith.constant 0 : i32
              %dma_wait3A_249 = arith.constant 0 : i32
              %dma_wait3A_250 = tpu.memref_slice %arg2[%dma_wait3A, %dma_wait3A_249] : memref<100000x128xf32, #tpu.memory_space<hbm>> -> memref<100000x128xf32, #tpu.memory_space<hbm>>
              tpu.wait_indirect_dma semaphore(%arg23 : memref<!tpu.dma_semaphore, #tpu.memory_space<semaphore_mem>>) src(%dma_wait3A_250 : memref<100000x128xf32, #tpu.memory_space<hbm>>) dst(%arg16 : memref<64x128xf32, #tpu.memory_space<vmem>>)
              %lt3A_251 = arith.cmpi slt, %add3A_248, %select_n3A_109 : i32
              %convert_element_type3A_252 = arith.extui %lt3A_251 : i1 to i32
              %cond3A_253 = arith.constant 0 : i32
              %cond3A_254 = arith.cmpi ne, %convert_element_type3A_252, %cond3A_253 : i32
              scf.if %cond3A_254 {
                %ge3A_265 = arith.constant 1 : i32
                %ge3A_266 = arith.cmpi sge, %mul3A_246, %ge3A_265 : i32
                %convert_element_type3A_267 = arith.extui %ge3A_266 : i1 to i32
                %cond3A_268 = arith.constant 0 : i32
                %cond3A_269 = arith.cmpi ne, %convert_element_type3A_267, %cond3A_268 : i32
                scf.if %cond3A_269 {
                  %dma_wait3A_357 = arith.constant 0 : i32
                  %dma_wait3A_358 = arith.constant 0 : i32
                  %dma_wait3A_359 = tpu.memref_slice %arg22[%dma_wait3A_357, %dma_wait3A_358] : memref<13320x128xf32, #tpu.memory_space<vmem_shared>> -> memref<13320x128xf32, #tpu.memory_space<vmem_shared>>
                  tpu.wait_indirect_dma semaphore(%arg24 : memref<!tpu.dma_semaphore, #tpu.memory_space<semaphore_mem>>) src(%arg17 : memref<64x128xf32, #tpu.memory_space<vmem>>) dst(%dma_wait3A_359 : memref<13320x128xf32, #tpu.memory_space<vmem_shared>>)
                } else {
                }
                %mul3A_270 = arith.constant 64 : i32
                %mul3A_271 = arith.muli %add3A_248, %mul3A_270 : i32
                %add3A_272 = arith.constant 0 : i32
                %add3A_273 = arith.addi %mul3A_271, %add3A_272 : i32
                %get3A_274 = arith.index_cast %add3A_273 : i32 to index
                %get3A_275 = tpu.vector_load %arg14[%get3A_274] {strides = array<i32>} : memref<1296xi32, #tpu.memory_space<vmem>>, vector<16xi32>,
                %get3A_276 = vector.shape_cast %get3A_275 : vector<16xi32> to vector<16xi32>
                %shift_right_logical3A_277 = arith.constant 17 : i32
                %shift_right_logical3A_278 = vector.broadcast %shift_right_logical3A_277 : i32 to vector<16xi32>
                %shift_right_logical3A_279 = arith.shrui %get3A_276, %shift_right_logical3A_278 : vector<16xi32>
                %swap3A_280 = arith.constant 0 : index
                %swap3A_281 = tpu.vector_load %arg21[%swap3A_280] {strides = array<i32>} : memref<64xi32, #tpu.memory_space<vmem>>, vector<16xi32>,
                %swap3A_282 = vector.shape_cast %swap3A_281 : vector<16xi32> to vector<16xi32>
                %swap3A_283 = vector.shape_cast %shift_right_logical3A_279 : vector<16xi32> to vector<16xi32>
                tpu.vector_store %arg21[%swap3A_280], %swap3A_283 {strides = array<i32>} : memref<64xi32, #tpu.memory_space<vmem>>, vector<16xi32>,
                %and3A_284 = arith.constant 131071 : i32
                %and3A_285 = vector.broadcast %and3A_284 : i32 to vector<16xi32>
                %and3A_286 = arith.andi %get3A_276, %and3A_285 : vector<16xi32>
                %swap3A_287 = arith.constant 0 : index
                %swap3A_288 = tpu.vector_load %arg19[%swap3A_287] {strides = array<i32>} : memref<64xi32, #tpu.memory_space<vmem>>, vector<16xi32>,
                %swap3A_289 = vector.shape_cast %swap3A_288 : vector<16xi32> to vector<16xi32>
                %swap3A_290 = vector.shape_cast %and3A_286 : vector<16xi32> to vector<16xi32>
                tpu.vector_store %arg19[%swap3A_287], %swap3A_290 {strides = array<i32>} : memref<64xi32, #tpu.memory_space<vmem>>, vector<16xi32>,
                %mul3A_291 = arith.constant 64 : i32
                %mul3A_292 = arith.muli %add3A_248, %mul3A_291 : i32
                %add3A_293 = arith.constant 16 : i32
                %add3A_294 = arith.addi %mul3A_292, %add3A_293 : i32
                %get3A_295 = arith.index_cast %add3A_294 : i32 to index
                %get3A_296 = tpu.vector_load %arg14[%get3A_295] {strides = array<i32>} : memref<1296xi32, #tpu.memory_space<vmem>>, vector<16xi32>,
                %get3A_297 = vector.shape_cast %get3A_296 : vector<16xi32> to vector<16xi32>
                %shift_right_logical3A_298 = arith.constant 17 : i32
                %shift_right_logical3A_299 = vector.broadcast %shift_right_logical3A_298 : i32 to vector<16xi32>
                %shift_right_logical3A_300 = arith.shrui %get3A_297, %shift_right_logical3A_299 : vector<16xi32>
                %swap3A_301 = arith.constant 16 : index
                %swap3A_302 = tpu.vector_load %arg21[%swap3A_301] {strides = array<i32>} : memref<64xi32, #tpu.memory_space<vmem>>, vector<16xi32>,
                %swap3A_303 = vector.shape_cast %swap3A_302 : vector<16xi32> to vector<16xi32>
                %swap3A_304 = vector.shape_cast %shift_right_logical3A_300 : vector<16xi32> to vector<16xi32>
                tpu.vector_store %arg21[%swap3A_301], %swap3A_304 {strides = array<i32>} : memref<64xi32, #tpu.memory_space<vmem>>, vector<16xi32>,
                %and3A_305 = arith.constant 131071 : i32
                %and3A_306 = vector.broadcast %and3A_305 : i32 to vector<16xi32>
                %and3A_307 = arith.andi %get3A_297, %and3A_306 : vector<16xi32>
                %swap3A_308 = arith.constant 16 : index
                %swap3A_309 = tpu.vector_load %arg19[%swap3A_308] {strides = array<i32>} : memref<64xi32, #tpu.memory_space<vmem>>, vector<16xi32>,
                %swap3A_310 = vector.shape_cast %swap3A_309 : vector<16xi32> to vector<16xi32>
                %swap3A_311 = vector.shape_cast %and3A_307 : vector<16xi32> to vector<16xi32>
                tpu.vector_store %arg19[%swap3A_308], %swap3A_311 {strides = array<i32>} : memref<64xi32, #tpu.memory_space<vmem>>, vector<16xi32>,
                %mul3A_312 = arith.constant 64 : i32
                %mul3A_313 = arith.muli %add3A_248, %mul3A_312 : i32
                %add3A_314 = arith.constant 32 : i32
                %add3A_315 = arith.addi %mul3A_313, %add3A_314 : i32
                %get3A_316 = arith.index_cast %add3A_315 : i32 to index
                %get3A_317 = tpu.vector_load %arg14[%get3A_316] {strides = array<i32>} : memref<1296xi32, #tpu.memory_space<vmem>>, vector<16xi32>,
                %get3A_318 = vector.shape_cast %get3A_317 : vector<16xi32> to vector<16xi32>
                %shift_right_logical3A_319 = arith.constant 17 : i32
                %shift_right_logical3A_320 = vector.broadcast %shift_right_logical3A_319 : i32 to vector<16xi32>
                %shift_right_logical3A_321 = arith.shrui %get3A_318, %shift_right_logical3A_320 : vector<16xi32>
                %swap3A_322 = arith.constant 32 : index
                %swap3A_323 = tpu.vector_load %arg21[%swap3A_322] {strides = array<i32>} : memref<64xi32, #tpu.memory_space<vmem>>, vector<16xi32>,
                %swap3A_324 = vector.shape_cast %swap3A_323 : vector<16xi32> to vector<16xi32>
                %swap3A_325 = vector.shape_cast %shift_right_logical3A_321 : vector<16xi32> to vector<16xi32>
                tpu.vector_store %arg21[%swap3A_322], %swap3A_325 {strides = array<i32>} : memref<64xi32, #tpu.memory_space<vmem>>, vector<16xi32>,
                %and3A_326 = arith.constant 131071 : i32
                %and3A_327 = vector.broadcast %and3A_326 : i32 to vector<16xi32>
                %and3A_328 = arith.andi %get3A_318, %and3A_327 : vector<16xi32>
                %swap3A_329 = arith.constant 32 : index
                %swap3A_330 = tpu.vector_load %arg19[%swap3A_329] {strides = array<i32>} : memref<64xi32, #tpu.memory_space<vmem>>, vector<16xi32>,
                %swap3A_331 = vector.shape_cast %swap3A_330 : vector<16xi32> to vector<16xi32>
                %swap3A_332 = vector.shape_cast %and3A_328 : vector<16xi32> to vector<16xi32>
                tpu.vector_store %arg19[%swap3A_329], %swap3A_332 {strides = array<i32>} : memref<64xi32, #tpu.memory_space<vmem>>, vector<16xi32>,
                %mul3A_333 = arith.constant 64 : i32
                %mul3A_334 = arith.muli %add3A_248, %mul3A_333 : i32
                %add3A_335 = arith.constant 48 : i32
                %add3A_336 = arith.addi %mul3A_334, %add3A_335 : i32
                %get3A_337 = arith.index_cast %add3A_336 : i32 to index
                %get3A_338 = tpu.vector_load %arg14[%get3A_337] {strides = array<i32>} : memref<1296xi32, #tpu.memory_space<vmem>>, vector<16xi32>,
                %get3A_339 = vector.shape_cast %get3A_338 : vector<16xi32> to vector<16xi32>
                %shift_right_logical3A_340 = arith.constant 17 : i32
                %shift_right_logical3A_341 = vector.broadcast %shift_right_logical3A_340 : i32 to vector<16xi32>
                %shift_right_logical3A_342 = arith.shrui %get3A_339, %shift_right_logical3A_341 : vector<16xi32>
                %swap3A_343 = arith.constant 48 : index
                %swap3A_344 = tpu.vector_load %arg21[%swap3A_343] {strides = array<i32>} : memref<64xi32, #tpu.memory_space<vmem>>, vector<16xi32>,
                %swap3A_345 = vector.shape_cast %swap3A_344 : vector<16xi32> to vector<16xi32>
                %swap3A_346 = vector.shape_cast %shift_right_logical3A_342 : vector<16xi32> to vector<16xi32>
                tpu.vector_store %arg21[%swap3A_343], %swap3A_346 {strides = array<i32>} : memref<64xi32, #tpu.memory_space<vmem>>, vector<16xi32>,
                %and3A_347 = arith.constant 131071 : i32
                %and3A_348 = vector.broadcast %and3A_347 : i32 to vector<16xi32>
                %and3A_349 = arith.andi %get3A_339, %and3A_348 : vector<16xi32>
                %swap3A_350 = arith.constant 48 : index
                %swap3A_351 = tpu.vector_load %arg19[%swap3A_350] {strides = array<i32>} : memref<64xi32, #tpu.memory_space<vmem>>, vector<16xi32>,
                %swap3A_352 = vector.shape_cast %swap3A_351 : vector<16xi32> to vector<16xi32>
                %swap3A_353 = vector.shape_cast %and3A_349 : vector<16xi32> to vector<16xi32>
                tpu.vector_store %arg19[%swap3A_350], %swap3A_353 {strides = array<i32>} : memref<64xi32, #tpu.memory_space<vmem>>, vector<16xi32>,
                %dma_start3A_354 = arith.constant 0 : i32
                %dma_start3A_355 = arith.constant 0 : i32
                %dma_start3A_356 = tpu.memref_slice %arg2[%dma_start3A_354, %dma_start3A_355] : memref<100000x128xf32, #tpu.memory_space<hbm>> -> memref<100000x128xf32, #tpu.memory_space<hbm>>
                tpu.enqueue_indirect_dma source(%dma_start3A_356 : memref<100000x128xf32, #tpu.memory_space<hbm>>) target(%arg17 : memref<64x128xf32, #tpu.memory_space<vmem>>) offsets(%arg19 : memref<64xi32, #tpu.memory_space<vmem>>) semaphore(%arg23 : memref<!tpu.dma_semaphore, #tpu.memory_space<semaphore_mem>>)
              } else {
              }
              %scan3A_255 = arith.constant 0 : i32
              %scan3A_256 = arith.constant 0 : i32
              %scan3A_257 = arith.constant 64 : i32
              %scan3A_258 = arith.addi %scan3A_256, %scan3A_257 : i32
              %scan3A_259 = arith.constant 1 : i32
              %scan3A_260 = scf.for %scan3A_265 = %scan3A_256 to %scan3A_258 step %scan3A_259 iter_args(%scan3A_266 = %scan3A_255) -> (i32)  : i32 {
                %mul3A_267 = arith.constant 64 : i32
                %mul3A_268 = arith.muli %mul3A_246, %mul3A_267 : i32
                %add3A_269 = arith.addi %mul3A_268, %scan3A_265 : i32
                %get3A_270 = arith.index_cast %add3A_269 : i32 to index
                %get3A_271 = tpu.vector_load %arg15[%get3A_270] {strides = array<i32>} : memref<1296xf32, #tpu.memory_space<vmem>>, vector<16xf32>,
                %get3A_272 = vector.shape_cast %get3A_271 : vector<16xf32> to vector<16xf32>
                %slice3A = vector.extract_strided_slice %get3A_272 {offsets = [0], sizes = [1], strides = [1]} : vector<16xf32> to vector<1xf32>
                %squeeze3A = vector.extract %slice3A[0] : f32 from vector<1xf32>
                %get3A_273 = arith.index_cast %scan3A_265 : i32 to index
                %get3A_274 = arith.constant 0 : index
                %get3A_275 = tpu.vector_load %arg16[%get3A_273, %get3A_274] {strides = array<i32>} : memref<64x128xf32, #tpu.memory_space<vmem>>, vector<1x16xf32>,
                %get3A_276 = vector.shape_cast %get3A_275 : vector<1x16xf32> to vector<16xf32>
                %get3A_277 = arith.constant 0 : index
                %get3A_278 = tpu.vector_load %arg9[%get3A_277] {strides = array<i32>} : memref<128xf32, #tpu.memory_space<vmem>>, vector<16xf32>,
                %get3A_279 = vector.shape_cast %get3A_278 : vector<16xf32> to vector<16xf32>
                %mul3A_280 = vector.broadcast %squeeze3A : f32 to vector<16xf32>
                %mul3A_281 = arith.mulf %mul3A_280, %get3A_279 : vector<16xf32>
                %add3A_282 = arith.addf %get3A_276, %mul3A_281 : vector<16xf32>
                %get3A_283 = arith.constant 0 : index
                %get3A_284 = tpu.vector_load %arg10[%get3A_283] {strides = array<i32>} : memref<128xf32, #tpu.memory_space<vmem>>, vector<16xf32>,
                %get3A_285 = vector.shape_cast %get3A_284 : vector<16xf32> to vector<16xf32>
                %add3A_286 = arith.addf %add3A_282, %get3A_285 : vector<16xf32>
                %max3A = arith.constant 0.000000e+00 : f32
                %max3A_287 = vector.broadcast %max3A : f32 to vector<16xf32>
                %max3A_288 = arith.maximumf %add3A_286, %max3A_287 : vector<16xf32>
                %swap3A_289 = arith.index_cast %scan3A_265 : i32 to index
                %swap3A_290 = arith.constant 0 : index
                %swap3A_291 = tpu.vector_load %arg16[%swap3A_289, %swap3A_290] {strides = array<i32>} : memref<64x128xf32, #tpu.memory_space<vmem>>, vector<1x16xf32>,
                %swap3A_292 = vector.shape_cast %swap3A_291 : vector<1x16xf32> to vector<16xf32>
                %swap3A_293 = vector.shape_cast %max3A_288 : vector<16xf32> to vector<1x16xf32>
                tpu.vector_store %arg16[%swap3A_289, %swap3A_290], %swap3A_293 {strides = array<i32>} : memref<64x128xf32, #tpu.memory_space<vmem>>, vector<1x16xf32>,
                %get3A_294 = arith.index_cast %scan3A_265 : i32 to index
                %get3A_295 = arith.constant 16 : index
                %get3A_296 = tpu.vector_load %arg16[%get3A_294, %get3A_295] {strides = array<i32>} : memref<64x128xf32, #tpu.memory_space<vmem>>, vector<1x16xf32>,
                %get3A_297 = vector.shape_cast %get3A_296 : vector<1x16xf32> to vector<16xf32>
                %get3A_298 = arith.constant 16 : index
                %get3A_299 = tpu.vector_load %arg9[%get3A_298] {strides = array<i32>} : memref<128xf32, #tpu.memory_space<vmem>>, vector<16xf32>,
                %get3A_300 = vector.shape_cast %get3A_299 : vector<16xf32> to vector<16xf32>
                %mul3A_301 = vector.broadcast %squeeze3A : f32 to vector<16xf32>
                %mul3A_302 = arith.mulf %mul3A_301, %get3A_300 : vector<16xf32>
                %add3A_303 = arith.addf %get3A_297, %mul3A_302 : vector<16xf32>
                %get3A_304 = arith.constant 16 : index
                %get3A_305 = tpu.vector_load %arg10[%get3A_304] {strides = array<i32>} : memref<128xf32, #tpu.memory_space<vmem>>, vector<16xf32>,
                %get3A_306 = vector.shape_cast %get3A_305 : vector<16xf32> to vector<16xf32>
                %add3A_307 = arith.addf %add3A_303, %get3A_306 : vector<16xf32>
                %max3A_308 = arith.constant 0.000000e+00 : f32
                %max3A_309 = vector.broadcast %max3A_308 : f32 to vector<16xf32>
                %max3A_310 = arith.maximumf %add3A_307, %max3A_309 : vector<16xf32>
                %swap3A_311 = arith.index_cast %scan3A_265 : i32 to index
                %swap3A_312 = arith.constant 16 : index
                %swap3A_313 = tpu.vector_load %arg16[%swap3A_311, %swap3A_312] {strides = array<i32>} : memref<64x128xf32, #tpu.memory_space<vmem>>, vector<1x16xf32>,
                %swap3A_314 = vector.shape_cast %swap3A_313 : vector<1x16xf32> to vector<16xf32>
                %swap3A_315 = vector.shape_cast %max3A_310 : vector<16xf32> to vector<1x16xf32>
                tpu.vector_store %arg16[%swap3A_311, %swap3A_312], %swap3A_315 {strides = array<i32>} : memref<64x128xf32, #tpu.memory_space<vmem>>, vector<1x16xf32>,
                %get3A_316 = arith.index_cast %scan3A_265 : i32 to index
                %get3A_317 = arith.constant 32 : index
                %get3A_318 = tpu.vector_load %arg16[%get3A_316, %get3A_317] {strides = array<i32>} : memref<64x128xf32, #tpu.memory_space<vmem>>, vector<1x16xf32>,
                %get3A_319 = vector.shape_cast %get3A_318 : vector<1x16xf32> to vector<16xf32>
                %get3A_320 = arith.constant 32 : index
                %get3A_321 = tpu.vector_load %arg9[%get3A_320] {strides = array<i32>} : memref<128xf32, #tpu.memory_space<vmem>>, vector<16xf32>,
                %get3A_322 = vector.shape_cast %get3A_321 : vector<16xf32> to vector<16xf32>
                %mul3A_323 = vector.broadcast %squeeze3A : f32 to vector<16xf32>
                %mul3A_324 = arith.mulf %mul3A_323, %get3A_322 : vector<16xf32>
                %add3A_325 = arith.addf %get3A_319, %mul3A_324 : vector<16xf32>
                %get3A_326 = arith.constant 32 : index
                %get3A_327 = tpu.vector_load %arg10[%get3A_326] {strides = array<i32>} : memref<128xf32, #tpu.memory_space<vmem>>, vector<16xf32>,
                %get3A_328 = vector.shape_cast %get3A_327 : vector<16xf32> to vector<16xf32>
                %add3A_329 = arith.addf %add3A_325, %get3A_328 : vector<16xf32>
                %max3A_330 = arith.constant 0.000000e+00 : f32
                %max3A_331 = vector.broadcast %max3A_330 : f32 to vector<16xf32>
                %max3A_332 = arith.maximumf %add3A_329, %max3A_331 : vector<16xf32>
                %swap3A_333 = arith.index_cast %scan3A_265 : i32 to index
                %swap3A_334 = arith.constant 32 : index
                %swap3A_335 = tpu.vector_load %arg16[%swap3A_333, %swap3A_334] {strides = array<i32>} : memref<64x128xf32, #tpu.memory_space<vmem>>, vector<1x16xf32>,
                %swap3A_336 = vector.shape_cast %swap3A_335 : vector<1x16xf32> to vector<16xf32>
                %swap3A_337 = vector.shape_cast %max3A_332 : vector<16xf32> to vector<1x16xf32>
                tpu.vector_store %arg16[%swap3A_333, %swap3A_334], %swap3A_337 {strides = array<i32>} : memref<64x128xf32, #tpu.memory_space<vmem>>, vector<1x16xf32>,
                %get3A_338 = arith.index_cast %scan3A_265 : i32 to index
                %get3A_339 = arith.constant 48 : index
                %get3A_340 = tpu.vector_load %arg16[%get3A_338, %get3A_339] {strides = array<i32>} : memref<64x128xf32, #tpu.memory_space<vmem>>, vector<1x16xf32>,
                %get3A_341 = vector.shape_cast %get3A_340 : vector<1x16xf32> to vector<16xf32>
                %get3A_342 = arith.constant 48 : index
                %get3A_343 = tpu.vector_load %arg9[%get3A_342] {strides = array<i32>} : memref<128xf32, #tpu.memory_space<vmem>>, vector<16xf32>,
                %get3A_344 = vector.shape_cast %get3A_343 : vector<16xf32> to vector<16xf32>
                %mul3A_345 = vector.broadcast %squeeze3A : f32 to vector<16xf32>
                %mul3A_346 = arith.mulf %mul3A_345, %get3A_344 : vector<16xf32>
                %add3A_347 = arith.addf %get3A_341, %mul3A_346 : vector<16xf32>
                %get3A_348 = arith.constant 48 : index
                %get3A_349 = tpu.vector_load %arg10[%get3A_348] {strides = array<i32>} : memref<128xf32, #tpu.memory_space<vmem>>, vector<16xf32>,
                %get3A_350 = vector.shape_cast %get3A_349 : vector<16xf32> to vector<16xf32>
                %add3A_351 = arith.addf %add3A_347, %get3A_350 : vector<16xf32>
                %max3A_352 = arith.constant 0.000000e+00 : f32
                %max3A_353 = vector.broadcast %max3A_352 : f32 to vector<16xf32>
                %max3A_354 = arith.maximumf %add3A_351, %max3A_353 : vector<16xf32>
                %swap3A_355 = arith.index_cast %scan3A_265 : i32 to index
                %swap3A_356 = arith.constant 48 : index
                %swap3A_357 = tpu.vector_load %arg16[%swap3A_355, %swap3A_356] {strides = array<i32>} : memref<64x128xf32, #tpu.memory_space<vmem>>, vector<1x16xf32>,
                %swap3A_358 = vector.shape_cast %swap3A_357 : vector<1x16xf32> to vector<16xf32>
                %swap3A_359 = vector.shape_cast %max3A_354 : vector<16xf32> to vector<1x16xf32>
                tpu.vector_store %arg16[%swap3A_355, %swap3A_356], %swap3A_359 {strides = array<i32>} : memref<64x128xf32, #tpu.memory_space<vmem>>, vector<1x16xf32>,
                %get3A_360 = arith.index_cast %scan3A_265 : i32 to index
                %get3A_361 = arith.constant 64 : index
                %get3A_362 = tpu.vector_load %arg16[%get3A_360, %get3A_361] {strides = array<i32>} : memref<64x128xf32, #tpu.memory_space<vmem>>, vector<1x16xf32>,
                %get3A_363 = vector.shape_cast %get3A_362 : vector<1x16xf32> to vector<16xf32>
                %get3A_364 = arith.constant 64 : index
                %get3A_365 = tpu.vector_load %arg9[%get3A_364] {strides = array<i32>} : memref<128xf32, #tpu.memory_space<vmem>>, vector<16xf32>,
                %get3A_366 = vector.shape_cast %get3A_365 : vector<16xf32> to vector<16xf32>
                %mul3A_367 = vector.broadcast %squeeze3A : f32 to vector<16xf32>
                %mul3A_368 = arith.mulf %mul3A_367, %get3A_366 : vector<16xf32>
                %add3A_369 = arith.addf %get3A_363, %mul3A_368 : vector<16xf32>
                %get3A_370 = arith.constant 64 : index
                %get3A_371 = tpu.vector_load %arg10[%get3A_370] {strides = array<i32>} : memref<128xf32, #tpu.memory_space<vmem>>, vector<16xf32>,
                %get3A_372 = vector.shape_cast %get3A_371 : vector<16xf32> to vector<16xf32>
                %add3A_373 = arith.addf %add3A_369, %get3A_372 : vector<16xf32>
                %max3A_374 = arith.constant 0.000000e+00 : f32
                %max3A_375 = vector.broadcast %max3A_374 : f32 to vector<16xf32>
                %max3A_376 = arith.maximumf %add3A_373, %max3A_375 : vector<16xf32>
                %swap3A_377 = arith.index_cast %scan3A_265 : i32 to index
                %swap3A_378 = arith.constant 64 : index
                %swap3A_379 = tpu.vector_load %arg16[%swap3A_377, %swap3A_378] {strides = array<i32>} : memref<64x128xf32, #tpu.memory_space<vmem>>, vector<1x16xf32>,
                %swap3A_380 = vector.shape_cast %swap3A_379 : vector<1x16xf32> to vector<16xf32>
                %swap3A_381 = vector.shape_cast %max3A_376 : vector<16xf32> to vector<1x16xf32>
                tpu.vector_store %arg16[%swap3A_377, %swap3A_378], %swap3A_381 {strides = array<i32>} : memref<64x128xf32, #tpu.memory_space<vmem>>, vector<1x16xf32>,
                %get3A_382 = arith.index_cast %scan3A_265 : i32 to index
                %get3A_383 = arith.constant 80 : index
                %get3A_384 = tpu.vector_load %arg16[%get3A_382, %get3A_383] {strides = array<i32>} : memref<64x128xf32, #tpu.memory_space<vmem>>, vector<1x16xf32>,
                %get3A_385 = vector.shape_cast %get3A_384 : vector<1x16xf32> to vector<16xf32>
                %get3A_386 = arith.constant 80 : index
                %get3A_387 = tpu.vector_load %arg9[%get3A_386] {strides = array<i32>} : memref<128xf32, #tpu.memory_space<vmem>>, vector<16xf32>,
                %get3A_388 = vector.shape_cast %get3A_387 : vector<16xf32> to vector<16xf32>
                %mul3A_389 = vector.broadcast %squeeze3A : f32 to vector<16xf32>
                %mul3A_390 = arith.mulf %mul3A_389, %get3A_388 : vector<16xf32>
                %add3A_391 = arith.addf %get3A_385, %mul3A_390 : vector<16xf32>
                %get3A_392 = arith.constant 80 : index
                %get3A_393 = tpu.vector_load %arg10[%get3A_392] {strides = array<i32>} : memref<128xf32, #tpu.memory_space<vmem>>, vector<16xf32>,
                %get3A_394 = vector.shape_cast %get3A_393 : vector<16xf32> to vector<16xf32>
                %add3A_395 = arith.addf %add3A_391, %get3A_394 : vector<16xf32>
                %max3A_396 = arith.constant 0.000000e+00 : f32
                %max3A_397 = vector.broadcast %max3A_396 : f32 to vector<16xf32>
                %max3A_398 = arith.maximumf %add3A_395, %max3A_397 : vector<16xf32>
                %swap3A_399 = arith.index_cast %scan3A_265 : i32 to index
                %swap3A_400 = arith.constant 80 : index
                %swap3A_401 = tpu.vector_load %arg16[%swap3A_399, %swap3A_400] {strides = array<i32>} : memref<64x128xf32, #tpu.memory_space<vmem>>, vector<1x16xf32>,
                %swap3A_402 = vector.shape_cast %swap3A_401 : vector<1x16xf32> to vector<16xf32>
                %swap3A_403 = vector.shape_cast %max3A_398 : vector<16xf32> to vector<1x16xf32>
                tpu.vector_store %arg16[%swap3A_399, %swap3A_400], %swap3A_403 {strides = array<i32>} : memref<64x128xf32, #tpu.memory_space<vmem>>, vector<1x16xf32>,
                %get3A_404 = arith.index_cast %scan3A_265 : i32 to index
                %get3A_405 = arith.constant 96 : index
                %get3A_406 = tpu.vector_load %arg16[%get3A_404, %get3A_405] {strides = array<i32>} : memref<64x128xf32, #tpu.memory_space<vmem>>, vector<1x16xf32>,
                %get3A_407 = vector.shape_cast %get3A_406 : vector<1x16xf32> to vector<16xf32>
                %get3A_408 = arith.constant 96 : index
                %get3A_409 = tpu.vector_load %arg9[%get3A_408] {strides = array<i32>} : memref<128xf32, #tpu.memory_space<vmem>>, vector<16xf32>,
                %get3A_410 = vector.shape_cast %get3A_409 : vector<16xf32> to vector<16xf32>
                %mul3A_411 = vector.broadcast %squeeze3A : f32 to vector<16xf32>
                %mul3A_412 = arith.mulf %mul3A_411, %get3A_410 : vector<16xf32>
                %add3A_413 = arith.addf %get3A_407, %mul3A_412 : vector<16xf32>
                %get3A_414 = arith.constant 96 : index
                %get3A_415 = tpu.vector_load %arg10[%get3A_414] {strides = array<i32>} : memref<128xf32, #tpu.memory_space<vmem>>, vector<16xf32>,
                %get3A_416 = vector.shape_cast %get3A_415 : vector<16xf32> to vector<16xf32>
                %add3A_417 = arith.addf %add3A_413, %get3A_416 : vector<16xf32>
                %max3A_418 = arith.constant 0.000000e+00 : f32
                %max3A_419 = vector.broadcast %max3A_418 : f32 to vector<16xf32>
                %max3A_420 = arith.maximumf %add3A_417, %max3A_419 : vector<16xf32>
                %swap3A_421 = arith.index_cast %scan3A_265 : i32 to index
                %swap3A_422 = arith.constant 96 : index
                %swap3A_423 = tpu.vector_load %arg16[%swap3A_421, %swap3A_422] {strides = array<i32>} : memref<64x128xf32, #tpu.memory_space<vmem>>, vector<1x16xf32>,
                %swap3A_424 = vector.shape_cast %swap3A_423 : vector<1x16xf32> to vector<16xf32>
                %swap3A_425 = vector.shape_cast %max3A_420 : vector<16xf32> to vector<1x16xf32>
                tpu.vector_store %arg16[%swap3A_421, %swap3A_422], %swap3A_425 {strides = array<i32>} : memref<64x128xf32, #tpu.memory_space<vmem>>, vector<1x16xf32>,
                %get3A_426 = arith.index_cast %scan3A_265 : i32 to index
                %get3A_427 = arith.constant 112 : index
                %get3A_428 = tpu.vector_load %arg16[%get3A_426, %get3A_427] {strides = array<i32>} : memref<64x128xf32, #tpu.memory_space<vmem>>, vector<1x16xf32>,
                %get3A_429 = vector.shape_cast %get3A_428 : vector<1x16xf32> to vector<16xf32>
                %get3A_430 = arith.constant 112 : index
                %get3A_431 = tpu.vector_load %arg9[%get3A_430] {strides = array<i32>} : memref<128xf32, #tpu.memory_space<vmem>>, vector<16xf32>,
                %get3A_432 = vector.shape_cast %get3A_431 : vector<16xf32> to vector<16xf32>
                %mul3A_433 = vector.broadcast %squeeze3A : f32 to vector<16xf32>
                %mul3A_434 = arith.mulf %mul3A_433, %get3A_432 : vector<16xf32>
                %add3A_435 = arith.addf %get3A_429, %mul3A_434 : vector<16xf32>
                %get3A_436 = arith.constant 112 : index
                %get3A_437 = tpu.vector_load %arg10[%get3A_436] {strides = array<i32>} : memref<128xf32, #tpu.memory_space<vmem>>, vector<16xf32>,
                %get3A_438 = vector.shape_cast %get3A_437 : vector<16xf32> to vector<16xf32>
                %add3A_439 = arith.addf %add3A_435, %get3A_438 : vector<16xf32>
                %max3A_440 = arith.constant 0.000000e+00 : f32
                %max3A_441 = vector.broadcast %max3A_440 : f32 to vector<16xf32>
                %max3A_442 = arith.maximumf %add3A_439, %max3A_441 : vector<16xf32>
                %swap3A_443 = arith.index_cast %scan3A_265 : i32 to index
                %swap3A_444 = arith.constant 112 : index
                %swap3A_445 = tpu.vector_load %arg16[%swap3A_443, %swap3A_444] {strides = array<i32>} : memref<64x128xf32, #tpu.memory_space<vmem>>, vector<1x16xf32>,
                %swap3A_446 = vector.shape_cast %swap3A_445 : vector<1x16xf32> to vector<16xf32>
                %swap3A_447 = vector.shape_cast %max3A_442 : vector<16xf32> to vector<1x16xf32>
                tpu.vector_store %arg16[%swap3A_443, %swap3A_444], %swap3A_447 {strides = array<i32>} : memref<64x128xf32, #tpu.memory_space<vmem>>, vector<1x16xf32>,
                %scan3A_448 = arith.constant 0 : i32
                scf.yield %scan3A_448 : i32
              }
              %scan3A_261 = arith.constant 64 : i32
              %dma_start3A_262 = arith.constant 0 : i32
              %dma_start3A_263 = arith.constant 0 : i32
              %dma_start3A_264 = tpu.memref_slice %arg22[%dma_start3A_262, %dma_start3A_263] : memref<13320x128xf32, #tpu.memory_space<vmem_shared>> -> memref<13320x128xf32, #tpu.memory_space<vmem_shared>>
              tpu.enqueue_indirect_dma source(%arg16 : memref<64x128xf32, #tpu.memory_space<vmem>>) target(%dma_start3A_264 : memref<13320x128xf32, #tpu.memory_space<vmem_shared>>) offsets(%arg20 : memref<64xi32, #tpu.memory_space<vmem>>) semaphore(%arg24 : memref<!tpu.dma_semaphore, #tpu.memory_space<semaphore_mem>>) {add = true}
            } else {
            }
            %mul3A_236 = arith.constant 2 : i32
            %mul3A_237 = arith.muli %mul3A_236, %while3A_228 : i32
            %add3A_238 = arith.constant 1 : i32
            %add3A_239 = arith.addi %mul3A_237, %add3A_238 : i32
            %lt3A_240 = arith.cmpi slt, %add3A_239, %select_n3A_109 : i32
            %convert_element_type3A_241 = arith.extui %lt3A_240 : i1 to i32
            %cond3A_242 = arith.constant 0 : i32
            %cond3A_243 = arith.cmpi ne, %convert_element_type3A_241, %cond3A_242 : i32
            scf.if %cond3A_243 {
              %mul3A_245 = arith.constant 2 : i32
              %mul3A_246 = arith.muli %mul3A_245, %while3A_228 : i32
              %add3A_247 = arith.constant 1 : i32
              %add3A_248 = arith.addi %mul3A_246, %add3A_247 : i32
              %add3A_249 = arith.constant 1 : i32
              %add3A_250 = arith.addi %add3A_248, %add3A_249 : i32
              %dma_wait3A = arith.constant 0 : i32
              %dma_wait3A_251 = arith.constant 0 : i32
              %dma_wait3A_252 = tpu.memref_slice %arg2[%dma_wait3A, %dma_wait3A_251] : memref<100000x128xf32, #tpu.memory_space<hbm>> -> memref<100000x128xf32, #tpu.memory_space<hbm>>
              tpu.wait_indirect_dma semaphore(%arg23 : memref<!tpu.dma_semaphore, #tpu.memory_space<semaphore_mem>>) src(%dma_wait3A_252 : memref<100000x128xf32, #tpu.memory_space<hbm>>) dst(%arg17 : memref<64x128xf32, #tpu.memory_space<vmem>>)
              %lt3A_253 = arith.cmpi slt, %add3A_250, %select_n3A_109 : i32
              %convert_element_type3A_254 = arith.extui %lt3A_253 : i1 to i32
              %cond3A_255 = arith.constant 0 : i32
              %cond3A_256 = arith.cmpi ne, %convert_element_type3A_254, %cond3A_255 : i32
              scf.if %cond3A_256 {
                %ge3A_267 = arith.constant 1 : i32
                %ge3A_268 = arith.cmpi sge, %add3A_248, %ge3A_267 : i32
                %convert_element_type3A_269 = arith.extui %ge3A_268 : i1 to i32
                %cond3A_270 = arith.constant 0 : i32
                %cond3A_271 = arith.cmpi ne, %convert_element_type3A_269, %cond3A_270 : i32
                scf.if %cond3A_271 {
                  %dma_wait3A_359 = arith.constant 0 : i32
                  %dma_wait3A_360 = arith.constant 0 : i32
                  %dma_wait3A_361 = tpu.memref_slice %arg22[%dma_wait3A_359, %dma_wait3A_360] : memref<13320x128xf32, #tpu.memory_space<vmem_shared>> -> memref<13320x128xf32, #tpu.memory_space<vmem_shared>>
                  tpu.wait_indirect_dma semaphore(%arg24 : memref<!tpu.dma_semaphore, #tpu.memory_space<semaphore_mem>>) src(%arg16 : memref<64x128xf32, #tpu.memory_space<vmem>>) dst(%dma_wait3A_361 : memref<13320x128xf32, #tpu.memory_space<vmem_shared>>)
                } else {
                }
                %mul3A_272 = arith.constant 64 : i32
                %mul3A_273 = arith.muli %add3A_250, %mul3A_272 : i32
                %add3A_274 = arith.constant 0 : i32
                %add3A_275 = arith.addi %mul3A_273, %add3A_274 : i32
                %get3A_276 = arith.index_cast %add3A_275 : i32 to index
                %get3A_277 = tpu.vector_load %arg14[%get3A_276] {strides = array<i32>} : memref<1296xi32, #tpu.memory_space<vmem>>, vector<16xi32>,
                %get3A_278 = vector.shape_cast %get3A_277 : vector<16xi32> to vector<16xi32>
                %shift_right_logical3A_279 = arith.constant 17 : i32
                %shift_right_logical3A_280 = vector.broadcast %shift_right_logical3A_279 : i32 to vector<16xi32>
                %shift_right_logical3A_281 = arith.shrui %get3A_278, %shift_right_logical3A_280 : vector<16xi32>
                %swap3A_282 = arith.constant 0 : index
                %swap3A_283 = tpu.vector_load %arg20[%swap3A_282] {strides = array<i32>} : memref<64xi32, #tpu.memory_space<vmem>>, vector<16xi32>,
                %swap3A_284 = vector.shape_cast %swap3A_283 : vector<16xi32> to vector<16xi32>
                %swap3A_285 = vector.shape_cast %shift_right_logical3A_281 : vector<16xi32> to vector<16xi32>
                tpu.vector_store %arg20[%swap3A_282], %swap3A_285 {strides = array<i32>} : memref<64xi32, #tpu.memory_space<vmem>>, vector<16xi32>,
                %and3A_286 = arith.constant 131071 : i32
                %and3A_287 = vector.broadcast %and3A_286 : i32 to vector<16xi32>
                %and3A_288 = arith.andi %get3A_278, %and3A_287 : vector<16xi32>
                %swap3A_289 = arith.constant 0 : index
                %swap3A_290 = tpu.vector_load %arg18[%swap3A_289] {strides = array<i32>} : memref<64xi32, #tpu.memory_space<vmem>>, vector<16xi32>,
                %swap3A_291 = vector.shape_cast %swap3A_290 : vector<16xi32> to vector<16xi32>
                %swap3A_292 = vector.shape_cast %and3A_288 : vector<16xi32> to vector<16xi32>
                tpu.vector_store %arg18[%swap3A_289], %swap3A_292 {strides = array<i32>} : memref<64xi32, #tpu.memory_space<vmem>>, vector<16xi32>,
                %mul3A_293 = arith.constant 64 : i32
                %mul3A_294 = arith.muli %add3A_250, %mul3A_293 : i32
                %add3A_295 = arith.constant 16 : i32
                %add3A_296 = arith.addi %mul3A_294, %add3A_295 : i32
                %get3A_297 = arith.index_cast %add3A_296 : i32 to index
                %get3A_298 = tpu.vector_load %arg14[%get3A_297] {strides = array<i32>} : memref<1296xi32, #tpu.memory_space<vmem>>, vector<16xi32>,
                %get3A_299 = vector.shape_cast %get3A_298 : vector<16xi32> to vector<16xi32>
                %shift_right_logical3A_300 = arith.constant 17 : i32
                %shift_right_logical3A_301 = vector.broadcast %shift_right_logical3A_300 : i32 to vector<16xi32>
                %shift_right_logical3A_302 = arith.shrui %get3A_299, %shift_right_logical3A_301 : vector<16xi32>
                %swap3A_303 = arith.constant 16 : index
                %swap3A_304 = tpu.vector_load %arg20[%swap3A_303] {strides = array<i32>} : memref<64xi32, #tpu.memory_space<vmem>>, vector<16xi32>,
                %swap3A_305 = vector.shape_cast %swap3A_304 : vector<16xi32> to vector<16xi32>
                %swap3A_306 = vector.shape_cast %shift_right_logical3A_302 : vector<16xi32> to vector<16xi32>
                tpu.vector_store %arg20[%swap3A_303], %swap3A_306 {strides = array<i32>} : memref<64xi32, #tpu.memory_space<vmem>>, vector<16xi32>,
                %and3A_307 = arith.constant 131071 : i32
                %and3A_308 = vector.broadcast %and3A_307 : i32 to vector<16xi32>
                %and3A_309 = arith.andi %get3A_299, %and3A_308 : vector<16xi32>
                %swap3A_310 = arith.constant 16 : index
                %swap3A_311 = tpu.vector_load %arg18[%swap3A_310] {strides = array<i32>} : memref<64xi32, #tpu.memory_space<vmem>>, vector<16xi32>,
                %swap3A_312 = vector.shape_cast %swap3A_311 : vector<16xi32> to vector<16xi32>
                %swap3A_313 = vector.shape_cast %and3A_309 : vector<16xi32> to vector<16xi32>
                tpu.vector_store %arg18[%swap3A_310], %swap3A_313 {strides = array<i32>} : memref<64xi32, #tpu.memory_space<vmem>>, vector<16xi32>,
                %mul3A_314 = arith.constant 64 : i32
                %mul3A_315 = arith.muli %add3A_250, %mul3A_314 : i32
                %add3A_316 = arith.constant 32 : i32
                %add3A_317 = arith.addi %mul3A_315, %add3A_316 : i32
                %get3A_318 = arith.index_cast %add3A_317 : i32 to index
                %get3A_319 = tpu.vector_load %arg14[%get3A_318] {strides = array<i32>} : memref<1296xi32, #tpu.memory_space<vmem>>, vector<16xi32>,
                %get3A_320 = vector.shape_cast %get3A_319 : vector<16xi32> to vector<16xi32>
                %shift_right_logical3A_321 = arith.constant 17 : i32
                %shift_right_logical3A_322 = vector.broadcast %shift_right_logical3A_321 : i32 to vector<16xi32>
                %shift_right_logical3A_323 = arith.shrui %get3A_320, %shift_right_logical3A_322 : vector<16xi32>
                %swap3A_324 = arith.constant 32 : index
                %swap3A_325 = tpu.vector_load %arg20[%swap3A_324] {strides = array<i32>} : memref<64xi32, #tpu.memory_space<vmem>>, vector<16xi32>,
                %swap3A_326 = vector.shape_cast %swap3A_325 : vector<16xi32> to vector<16xi32>
                %swap3A_327 = vector.shape_cast %shift_right_logical3A_323 : vector<16xi32> to vector<16xi32>
                tpu.vector_store %arg20[%swap3A_324], %swap3A_327 {strides = array<i32>} : memref<64xi32, #tpu.memory_space<vmem>>, vector<16xi32>,
                %and3A_328 = arith.constant 131071 : i32
                %and3A_329 = vector.broadcast %and3A_328 : i32 to vector<16xi32>
                %and3A_330 = arith.andi %get3A_320, %and3A_329 : vector<16xi32>
                %swap3A_331 = arith.constant 32 : index
                %swap3A_332 = tpu.vector_load %arg18[%swap3A_331] {strides = array<i32>} : memref<64xi32, #tpu.memory_space<vmem>>, vector<16xi32>,
                %swap3A_333 = vector.shape_cast %swap3A_332 : vector<16xi32> to vector<16xi32>
                %swap3A_334 = vector.shape_cast %and3A_330 : vector<16xi32> to vector<16xi32>
                tpu.vector_store %arg18[%swap3A_331], %swap3A_334 {strides = array<i32>} : memref<64xi32, #tpu.memory_space<vmem>>, vector<16xi32>,
                %mul3A_335 = arith.constant 64 : i32
                %mul3A_336 = arith.muli %add3A_250, %mul3A_335 : i32
                %add3A_337 = arith.constant 48 : i32
                %add3A_338 = arith.addi %mul3A_336, %add3A_337 : i32
                %get3A_339 = arith.index_cast %add3A_338 : i32 to index
                %get3A_340 = tpu.vector_load %arg14[%get3A_339] {strides = array<i32>} : memref<1296xi32, #tpu.memory_space<vmem>>, vector<16xi32>,
                %get3A_341 = vector.shape_cast %get3A_340 : vector<16xi32> to vector<16xi32>
                %shift_right_logical3A_342 = arith.constant 17 : i32
                %shift_right_logical3A_343 = vector.broadcast %shift_right_logical3A_342 : i32 to vector<16xi32>
                %shift_right_logical3A_344 = arith.shrui %get3A_341, %shift_right_logical3A_343 : vector<16xi32>
                %swap3A_345 = arith.constant 48 : index
                %swap3A_346 = tpu.vector_load %arg20[%swap3A_345] {strides = array<i32>} : memref<64xi32, #tpu.memory_space<vmem>>, vector<16xi32>,
                %swap3A_347 = vector.shape_cast %swap3A_346 : vector<16xi32> to vector<16xi32>
                %swap3A_348 = vector.shape_cast %shift_right_logical3A_344 : vector<16xi32> to vector<16xi32>
                tpu.vector_store %arg20[%swap3A_345], %swap3A_348 {strides = array<i32>} : memref<64xi32, #tpu.memory_space<vmem>>, vector<16xi32>,
                %and3A_349 = arith.constant 131071 : i32
                %and3A_350 = vector.broadcast %and3A_349 : i32 to vector<16xi32>
                %and3A_351 = arith.andi %get3A_341, %and3A_350 : vector<16xi32>
                %swap3A_352 = arith.constant 48 : index
                %swap3A_353 = tpu.vector_load %arg18[%swap3A_352] {strides = array<i32>} : memref<64xi32, #tpu.memory_space<vmem>>, vector<16xi32>,
                %swap3A_354 = vector.shape_cast %swap3A_353 : vector<16xi32> to vector<16xi32>
                %swap3A_355 = vector.shape_cast %and3A_351 : vector<16xi32> to vector<16xi32>
                tpu.vector_store %arg18[%swap3A_352], %swap3A_355 {strides = array<i32>} : memref<64xi32, #tpu.memory_space<vmem>>, vector<16xi32>,
                %dma_start3A_356 = arith.constant 0 : i32
                %dma_start3A_357 = arith.constant 0 : i32
                %dma_start3A_358 = tpu.memref_slice %arg2[%dma_start3A_356, %dma_start3A_357] : memref<100000x128xf32, #tpu.memory_space<hbm>> -> memref<100000x128xf32, #tpu.memory_space<hbm>>
                tpu.enqueue_indirect_dma source(%dma_start3A_358 : memref<100000x128xf32, #tpu.memory_space<hbm>>) target(%arg16 : memref<64x128xf32, #tpu.memory_space<vmem>>) offsets(%arg18 : memref<64xi32, #tpu.memory_space<vmem>>) semaphore(%arg23 : memref<!tpu.dma_semaphore, #tpu.memory_space<semaphore_mem>>)
              } else {
              }
              %scan3A_257 = arith.constant 0 : i32
              %scan3A_258 = arith.constant 0 : i32
              %scan3A_259 = arith.constant 64 : i32
              %scan3A_260 = arith.addi %scan3A_258, %scan3A_259 : i32
              %scan3A_261 = arith.constant 1 : i32
              %scan3A_262 = scf.for %scan3A_267 = %scan3A_258 to %scan3A_260 step %scan3A_261 iter_args(%scan3A_268 = %scan3A_257) -> (i32)  : i32 {
                %mul3A_269 = arith.constant 64 : i32
                %mul3A_270 = arith.muli %add3A_248, %mul3A_269 : i32
                %add3A_271 = arith.addi %mul3A_270, %scan3A_267 : i32
                %get3A_272 = arith.index_cast %add3A_271 : i32 to index
                %get3A_273 = tpu.vector_load %arg15[%get3A_272] {strides = array<i32>} : memref<1296xf32, #tpu.memory_space<vmem>>, vector<16xf32>,
                %get3A_274 = vector.shape_cast %get3A_273 : vector<16xf32> to vector<16xf32>
                %slice3A = vector.extract_strided_slice %get3A_274 {offsets = [0], sizes = [1], strides = [1]} : vector<16xf32> to vector<1xf32>
                %squeeze3A = vector.extract %slice3A[0] : f32 from vector<1xf32>
                %get3A_275 = arith.index_cast %scan3A_267 : i32 to index
                %get3A_276 = arith.constant 0 : index
                %get3A_277 = tpu.vector_load %arg17[%get3A_275, %get3A_276] {strides = array<i32>} : memref<64x128xf32, #tpu.memory_space<vmem>>, vector<1x16xf32>,
                %get3A_278 = vector.shape_cast %get3A_277 : vector<1x16xf32> to vector<16xf32>
                %get3A_279 = arith.constant 0 : index
                %get3A_280 = tpu.vector_load %arg9[%get3A_279] {strides = array<i32>} : memref<128xf32, #tpu.memory_space<vmem>>, vector<16xf32>,
                %get3A_281 = vector.shape_cast %get3A_280 : vector<16xf32> to vector<16xf32>
                %mul3A_282 = vector.broadcast %squeeze3A : f32 to vector<16xf32>
                %mul3A_283 = arith.mulf %mul3A_282, %get3A_281 : vector<16xf32>
                %add3A_284 = arith.addf %get3A_278, %mul3A_283 : vector<16xf32>
                %get3A_285 = arith.constant 0 : index
                %get3A_286 = tpu.vector_load %arg10[%get3A_285] {strides = array<i32>} : memref<128xf32, #tpu.memory_space<vmem>>, vector<16xf32>,
                %get3A_287 = vector.shape_cast %get3A_286 : vector<16xf32> to vector<16xf32>
                %add3A_288 = arith.addf %add3A_284, %get3A_287 : vector<16xf32>
                %max3A = arith.constant 0.000000e+00 : f32
                %max3A_289 = vector.broadcast %max3A : f32 to vector<16xf32>
                %max3A_290 = arith.maximumf %add3A_288, %max3A_289 : vector<16xf32>
                %swap3A_291 = arith.index_cast %scan3A_267 : i32 to index
                %swap3A_292 = arith.constant 0 : index
                %swap3A_293 = tpu.vector_load %arg17[%swap3A_291, %swap3A_292] {strides = array<i32>} : memref<64x128xf32, #tpu.memory_space<vmem>>, vector<1x16xf32>,
                %swap3A_294 = vector.shape_cast %swap3A_293 : vector<1x16xf32> to vector<16xf32>
                %swap3A_295 = vector.shape_cast %max3A_290 : vector<16xf32> to vector<1x16xf32>
                tpu.vector_store %arg17[%swap3A_291, %swap3A_292], %swap3A_295 {strides = array<i32>} : memref<64x128xf32, #tpu.memory_space<vmem>>, vector<1x16xf32>,
                %get3A_296 = arith.index_cast %scan3A_267 : i32 to index
                %get3A_297 = arith.constant 16 : index
                %get3A_298 = tpu.vector_load %arg17[%get3A_296, %get3A_297] {strides = array<i32>} : memref<64x128xf32, #tpu.memory_space<vmem>>, vector<1x16xf32>,
                %get3A_299 = vector.shape_cast %get3A_298 : vector<1x16xf32> to vector<16xf32>
                %get3A_300 = arith.constant 16 : index
                %get3A_301 = tpu.vector_load %arg9[%get3A_300] {strides = array<i32>} : memref<128xf32, #tpu.memory_space<vmem>>, vector<16xf32>,
                %get3A_302 = vector.shape_cast %get3A_301 : vector<16xf32> to vector<16xf32>
                %mul3A_303 = vector.broadcast %squeeze3A : f32 to vector<16xf32>
                %mul3A_304 = arith.mulf %mul3A_303, %get3A_302 : vector<16xf32>
                %add3A_305 = arith.addf %get3A_299, %mul3A_304 : vector<16xf32>
                %get3A_306 = arith.constant 16 : index
                %get3A_307 = tpu.vector_load %arg10[%get3A_306] {strides = array<i32>} : memref<128xf32, #tpu.memory_space<vmem>>, vector<16xf32>,
                %get3A_308 = vector.shape_cast %get3A_307 : vector<16xf32> to vector<16xf32>
                %add3A_309 = arith.addf %add3A_305, %get3A_308 : vector<16xf32>
                %max3A_310 = arith.constant 0.000000e+00 : f32
                %max3A_311 = vector.broadcast %max3A_310 : f32 to vector<16xf32>
                %max3A_312 = arith.maximumf %add3A_309, %max3A_311 : vector<16xf32>
                %swap3A_313 = arith.index_cast %scan3A_267 : i32 to index
                %swap3A_314 = arith.constant 16 : index
                %swap3A_315 = tpu.vector_load %arg17[%swap3A_313, %swap3A_314] {strides = array<i32>} : memref<64x128xf32, #tpu.memory_space<vmem>>, vector<1x16xf32>,
                %swap3A_316 = vector.shape_cast %swap3A_315 : vector<1x16xf32> to vector<16xf32>
                %swap3A_317 = vector.shape_cast %max3A_312 : vector<16xf32> to vector<1x16xf32>
                tpu.vector_store %arg17[%swap3A_313, %swap3A_314], %swap3A_317 {strides = array<i32>} : memref<64x128xf32, #tpu.memory_space<vmem>>, vector<1x16xf32>,
                %get3A_318 = arith.index_cast %scan3A_267 : i32 to index
                %get3A_319 = arith.constant 32 : index
                %get3A_320 = tpu.vector_load %arg17[%get3A_318, %get3A_319] {strides = array<i32>} : memref<64x128xf32, #tpu.memory_space<vmem>>, vector<1x16xf32>,
                %get3A_321 = vector.shape_cast %get3A_320 : vector<1x16xf32> to vector<16xf32>
                %get3A_322 = arith.constant 32 : index
                %get3A_323 = tpu.vector_load %arg9[%get3A_322] {strides = array<i32>} : memref<128xf32, #tpu.memory_space<vmem>>, vector<16xf32>,
                %get3A_324 = vector.shape_cast %get3A_323 : vector<16xf32> to vector<16xf32>
                %mul3A_325 = vector.broadcast %squeeze3A : f32 to vector<16xf32>
                %mul3A_326 = arith.mulf %mul3A_325, %get3A_324 : vector<16xf32>
                %add3A_327 = arith.addf %get3A_321, %mul3A_326 : vector<16xf32>
                %get3A_328 = arith.constant 32 : index
                %get3A_329 = tpu.vector_load %arg10[%get3A_328] {strides = array<i32>} : memref<128xf32, #tpu.memory_space<vmem>>, vector<16xf32>,
                %get3A_330 = vector.shape_cast %get3A_329 : vector<16xf32> to vector<16xf32>
                %add3A_331 = arith.addf %add3A_327, %get3A_330 : vector<16xf32>
                %max3A_332 = arith.constant 0.000000e+00 : f32
                %max3A_333 = vector.broadcast %max3A_332 : f32 to vector<16xf32>
                %max3A_334 = arith.maximumf %add3A_331, %max3A_333 : vector<16xf32>
                %swap3A_335 = arith.index_cast %scan3A_267 : i32 to index
                %swap3A_336 = arith.constant 32 : index
                %swap3A_337 = tpu.vector_load %arg17[%swap3A_335, %swap3A_336] {strides = array<i32>} : memref<64x128xf32, #tpu.memory_space<vmem>>, vector<1x16xf32>,
                %swap3A_338 = vector.shape_cast %swap3A_337 : vector<1x16xf32> to vector<16xf32>
                %swap3A_339 = vector.shape_cast %max3A_334 : vector<16xf32> to vector<1x16xf32>
                tpu.vector_store %arg17[%swap3A_335, %swap3A_336], %swap3A_339 {strides = array<i32>} : memref<64x128xf32, #tpu.memory_space<vmem>>, vector<1x16xf32>,
                %get3A_340 = arith.index_cast %scan3A_267 : i32 to index
                %get3A_341 = arith.constant 48 : index
                %get3A_342 = tpu.vector_load %arg17[%get3A_340, %get3A_341] {strides = array<i32>} : memref<64x128xf32, #tpu.memory_space<vmem>>, vector<1x16xf32>,
                %get3A_343 = vector.shape_cast %get3A_342 : vector<1x16xf32> to vector<16xf32>
                %get3A_344 = arith.constant 48 : index
                %get3A_345 = tpu.vector_load %arg9[%get3A_344] {strides = array<i32>} : memref<128xf32, #tpu.memory_space<vmem>>, vector<16xf32>,
                %get3A_346 = vector.shape_cast %get3A_345 : vector<16xf32> to vector<16xf32>
                %mul3A_347 = vector.broadcast %squeeze3A : f32 to vector<16xf32>
                %mul3A_348 = arith.mulf %mul3A_347, %get3A_346 : vector<16xf32>
                %add3A_349 = arith.addf %get3A_343, %mul3A_348 : vector<16xf32>
                %get3A_350 = arith.constant 48 : index
                %get3A_351 = tpu.vector_load %arg10[%get3A_350] {strides = array<i32>} : memref<128xf32, #tpu.memory_space<vmem>>, vector<16xf32>,
                %get3A_352 = vector.shape_cast %get3A_351 : vector<16xf32> to vector<16xf32>
                %add3A_353 = arith.addf %add3A_349, %get3A_352 : vector<16xf32>
                %max3A_354 = arith.constant 0.000000e+00 : f32
                %max3A_355 = vector.broadcast %max3A_354 : f32 to vector<16xf32>
                %max3A_356 = arith.maximumf %add3A_353, %max3A_355 : vector<16xf32>
                %swap3A_357 = arith.index_cast %scan3A_267 : i32 to index
                %swap3A_358 = arith.constant 48 : index
                %swap3A_359 = tpu.vector_load %arg17[%swap3A_357, %swap3A_358] {strides = array<i32>} : memref<64x128xf32, #tpu.memory_space<vmem>>, vector<1x16xf32>,
                %swap3A_360 = vector.shape_cast %swap3A_359 : vector<1x16xf32> to vector<16xf32>
                %swap3A_361 = vector.shape_cast %max3A_356 : vector<16xf32> to vector<1x16xf32>
                tpu.vector_store %arg17[%swap3A_357, %swap3A_358], %swap3A_361 {strides = array<i32>} : memref<64x128xf32, #tpu.memory_space<vmem>>, vector<1x16xf32>,
                %get3A_362 = arith.index_cast %scan3A_267 : i32 to index
                %get3A_363 = arith.constant 64 : index
                %get3A_364 = tpu.vector_load %arg17[%get3A_362, %get3A_363] {strides = array<i32>} : memref<64x128xf32, #tpu.memory_space<vmem>>, vector<1x16xf32>,
                %get3A_365 = vector.shape_cast %get3A_364 : vector<1x16xf32> to vector<16xf32>
                %get3A_366 = arith.constant 64 : index
                %get3A_367 = tpu.vector_load %arg9[%get3A_366] {strides = array<i32>} : memref<128xf32, #tpu.memory_space<vmem>>, vector<16xf32>,
                %get3A_368 = vector.shape_cast %get3A_367 : vector<16xf32> to vector<16xf32>
                %mul3A_369 = vector.broadcast %squeeze3A : f32 to vector<16xf32>
                %mul3A_370 = arith.mulf %mul3A_369, %get3A_368 : vector<16xf32>
                %add3A_371 = arith.addf %get3A_365, %mul3A_370 : vector<16xf32>
                %get3A_372 = arith.constant 64 : index
                %get3A_373 = tpu.vector_load %arg10[%get3A_372] {strides = array<i32>} : memref<128xf32, #tpu.memory_space<vmem>>, vector<16xf32>,
                %get3A_374 = vector.shape_cast %get3A_373 : vector<16xf32> to vector<16xf32>
                %add3A_375 = arith.addf %add3A_371, %get3A_374 : vector<16xf32>
                %max3A_376 = arith.constant 0.000000e+00 : f32
                %max3A_377 = vector.broadcast %max3A_376 : f32 to vector<16xf32>
                %max3A_378 = arith.maximumf %add3A_375, %max3A_377 : vector<16xf32>
                %swap3A_379 = arith.index_cast %scan3A_267 : i32 to index
                %swap3A_380 = arith.constant 64 : index
                %swap3A_381 = tpu.vector_load %arg17[%swap3A_379, %swap3A_380] {strides = array<i32>} : memref<64x128xf32, #tpu.memory_space<vmem>>, vector<1x16xf32>,
                %swap3A_382 = vector.shape_cast %swap3A_381 : vector<1x16xf32> to vector<16xf32>
                %swap3A_383 = vector.shape_cast %max3A_378 : vector<16xf32> to vector<1x16xf32>
                tpu.vector_store %arg17[%swap3A_379, %swap3A_380], %swap3A_383 {strides = array<i32>} : memref<64x128xf32, #tpu.memory_space<vmem>>, vector<1x16xf32>,
                %get3A_384 = arith.index_cast %scan3A_267 : i32 to index
                %get3A_385 = arith.constant 80 : index
                %get3A_386 = tpu.vector_load %arg17[%get3A_384, %get3A_385] {strides = array<i32>} : memref<64x128xf32, #tpu.memory_space<vmem>>, vector<1x16xf32>,
                %get3A_387 = vector.shape_cast %get3A_386 : vector<1x16xf32> to vector<16xf32>
                %get3A_388 = arith.constant 80 : index
                %get3A_389 = tpu.vector_load %arg9[%get3A_388] {strides = array<i32>} : memref<128xf32, #tpu.memory_space<vmem>>, vector<16xf32>,
                %get3A_390 = vector.shape_cast %get3A_389 : vector<16xf32> to vector<16xf32>
                %mul3A_391 = vector.broadcast %squeeze3A : f32 to vector<16xf32>
                %mul3A_392 = arith.mulf %mul3A_391, %get3A_390 : vector<16xf32>
                %add3A_393 = arith.addf %get3A_387, %mul3A_392 : vector<16xf32>
                %get3A_394 = arith.constant 80 : index
                %get3A_395 = tpu.vector_load %arg10[%get3A_394] {strides = array<i32>} : memref<128xf32, #tpu.memory_space<vmem>>, vector<16xf32>,
                %get3A_396 = vector.shape_cast %get3A_395 : vector<16xf32> to vector<16xf32>
                %add3A_397 = arith.addf %add3A_393, %get3A_396 : vector<16xf32>
                %max3A_398 = arith.constant 0.000000e+00 : f32
                %max3A_399 = vector.broadcast %max3A_398 : f32 to vector<16xf32>
                %max3A_400 = arith.maximumf %add3A_397, %max3A_399 : vector<16xf32>
                %swap3A_401 = arith.index_cast %scan3A_267 : i32 to index
                %swap3A_402 = arith.constant 80 : index
                %swap3A_403 = tpu.vector_load %arg17[%swap3A_401, %swap3A_402] {strides = array<i32>} : memref<64x128xf32, #tpu.memory_space<vmem>>, vector<1x16xf32>,
                %swap3A_404 = vector.shape_cast %swap3A_403 : vector<1x16xf32> to vector<16xf32>
                %swap3A_405 = vector.shape_cast %max3A_400 : vector<16xf32> to vector<1x16xf32>
                tpu.vector_store %arg17[%swap3A_401, %swap3A_402], %swap3A_405 {strides = array<i32>} : memref<64x128xf32, #tpu.memory_space<vmem>>, vector<1x16xf32>,
                %get3A_406 = arith.index_cast %scan3A_267 : i32 to index
                %get3A_407 = arith.constant 96 : index
                %get3A_408 = tpu.vector_load %arg17[%get3A_406, %get3A_407] {strides = array<i32>} : memref<64x128xf32, #tpu.memory_space<vmem>>, vector<1x16xf32>,
                %get3A_409 = vector.shape_cast %get3A_408 : vector<1x16xf32> to vector<16xf32>
                %get3A_410 = arith.constant 96 : index
                %get3A_411 = tpu.vector_load %arg9[%get3A_410] {strides = array<i32>} : memref<128xf32, #tpu.memory_space<vmem>>, vector<16xf32>,
                %get3A_412 = vector.shape_cast %get3A_411 : vector<16xf32> to vector<16xf32>
                %mul3A_413 = vector.broadcast %squeeze3A : f32 to vector<16xf32>
                %mul3A_414 = arith.mulf %mul3A_413, %get3A_412 : vector<16xf32>
                %add3A_415 = arith.addf %get3A_409, %mul3A_414 : vector<16xf32>
                %get3A_416 = arith.constant 96 : index
                %get3A_417 = tpu.vector_load %arg10[%get3A_416] {strides = array<i32>} : memref<128xf32, #tpu.memory_space<vmem>>, vector<16xf32>,
                %get3A_418 = vector.shape_cast %get3A_417 : vector<16xf32> to vector<16xf32>
                %add3A_419 = arith.addf %add3A_415, %get3A_418 : vector<16xf32>
                %max3A_420 = arith.constant 0.000000e+00 : f32
                %max3A_421 = vector.broadcast %max3A_420 : f32 to vector<16xf32>
                %max3A_422 = arith.maximumf %add3A_419, %max3A_421 : vector<16xf32>
                %swap3A_423 = arith.index_cast %scan3A_267 : i32 to index
                %swap3A_424 = arith.constant 96 : index
                %swap3A_425 = tpu.vector_load %arg17[%swap3A_423, %swap3A_424] {strides = array<i32>} : memref<64x128xf32, #tpu.memory_space<vmem>>, vector<1x16xf32>,
                %swap3A_426 = vector.shape_cast %swap3A_425 : vector<1x16xf32> to vector<16xf32>
                %swap3A_427 = vector.shape_cast %max3A_422 : vector<16xf32> to vector<1x16xf32>
                tpu.vector_store %arg17[%swap3A_423, %swap3A_424], %swap3A_427 {strides = array<i32>} : memref<64x128xf32, #tpu.memory_space<vmem>>, vector<1x16xf32>,
                %get3A_428 = arith.index_cast %scan3A_267 : i32 to index
                %get3A_429 = arith.constant 112 : index
                %get3A_430 = tpu.vector_load %arg17[%get3A_428, %get3A_429] {strides = array<i32>} : memref<64x128xf32, #tpu.memory_space<vmem>>, vector<1x16xf32>,
                %get3A_431 = vector.shape_cast %get3A_430 : vector<1x16xf32> to vector<16xf32>
                %get3A_432 = arith.constant 112 : index
                %get3A_433 = tpu.vector_load %arg9[%get3A_432] {strides = array<i32>} : memref<128xf32, #tpu.memory_space<vmem>>, vector<16xf32>,
                %get3A_434 = vector.shape_cast %get3A_433 : vector<16xf32> to vector<16xf32>
                %mul3A_435 = vector.broadcast %squeeze3A : f32 to vector<16xf32>
                %mul3A_436 = arith.mulf %mul3A_435, %get3A_434 : vector<16xf32>
                %add3A_437 = arith.addf %get3A_431, %mul3A_436 : vector<16xf32>
                %get3A_438 = arith.constant 112 : index
                %get3A_439 = tpu.vector_load %arg10[%get3A_438] {strides = array<i32>} : memref<128xf32, #tpu.memory_space<vmem>>, vector<16xf32>,
                %get3A_440 = vector.shape_cast %get3A_439 : vector<16xf32> to vector<16xf32>
                %add3A_441 = arith.addf %add3A_437, %get3A_440 : vector<16xf32>
                %max3A_442 = arith.constant 0.000000e+00 : f32
                %max3A_443 = vector.broadcast %max3A_442 : f32 to vector<16xf32>
                %max3A_444 = arith.maximumf %add3A_441, %max3A_443 : vector<16xf32>
                %swap3A_445 = arith.index_cast %scan3A_267 : i32 to index
                %swap3A_446 = arith.constant 112 : index
                %swap3A_447 = tpu.vector_load %arg17[%swap3A_445, %swap3A_446] {strides = array<i32>} : memref<64x128xf32, #tpu.memory_space<vmem>>, vector<1x16xf32>,
                %swap3A_448 = vector.shape_cast %swap3A_447 : vector<1x16xf32> to vector<16xf32>
                %swap3A_449 = vector.shape_cast %max3A_444 : vector<16xf32> to vector<1x16xf32>
                tpu.vector_store %arg17[%swap3A_445, %swap3A_446], %swap3A_449 {strides = array<i32>} : memref<64x128xf32, #tpu.memory_space<vmem>>, vector<1x16xf32>,
                %scan3A_450 = arith.constant 0 : i32
                scf.yield %scan3A_450 : i32
              }
              %scan3A_263 = arith.constant 64 : i32
              %dma_start3A_264 = arith.constant 0 : i32
              %dma_start3A_265 = arith.constant 0 : i32
              %dma_start3A_266 = tpu.memref_slice %arg22[%dma_start3A_264, %dma_start3A_265] : memref<13320x128xf32, #tpu.memory_space<vmem_shared>> -> memref<13320x128xf32, #tpu.memory_space<vmem_shared>>
              tpu.enqueue_indirect_dma source(%arg17 : memref<64x128xf32, #tpu.memory_space<vmem>>) target(%dma_start3A_266 : memref<13320x128xf32, #tpu.memory_space<vmem_shared>>) offsets(%arg21 : memref<64xi32, #tpu.memory_space<vmem>>) semaphore(%arg24 : memref<!tpu.dma_semaphore, #tpu.memory_space<semaphore_mem>>) {add = true}
            } else {
            }
            %while3A_244 = arith.constant 0 : i32
            scf.yield %while3A_244 : i32
          }
          %while3A_217 = arith.constant 1 : i32
          %while3A_218 = scf.for %while3A_228 = %while3A_214 to %while3A_210 step %while3A_217 iter_args(%while3A_229 = %while3A_216) -> (i32)  : i32 {
            %mul3A_230 = arith.constant 2 : i32
            %mul3A_231 = arith.muli %mul3A_230, %while3A_228 : i32
            %lt3A_232 = arith.cmpi slt, %mul3A_231, %select_n3A_109 : i32
            %convert_element_type3A_233 = arith.extui %lt3A_232 : i1 to i32
            %cond3A_234 = arith.constant 0 : i32
            %cond3A_235 = arith.cmpi ne, %convert_element_type3A_233, %cond3A_234 : i32
            scf.if %cond3A_235 {
              %mul3A_245 = arith.constant 2 : i32
              %mul3A_246 = arith.muli %mul3A_245, %while3A_228 : i32
              %add3A_247 = arith.constant 1 : i32
              %add3A_248 = arith.addi %mul3A_246, %add3A_247 : i32
              %dma_wait3A = arith.constant 0 : i32
              %dma_wait3A_249 = arith.constant 0 : i32
              %dma_wait3A_250 = tpu.memref_slice %arg2[%dma_wait3A, %dma_wait3A_249] : memref<100000x128xf32, #tpu.memory_space<hbm>> -> memref<100000x128xf32, #tpu.memory_space<hbm>>
              tpu.wait_indirect_dma semaphore(%arg23 : memref<!tpu.dma_semaphore, #tpu.memory_space<semaphore_mem>>) src(%dma_wait3A_250 : memref<100000x128xf32, #tpu.memory_space<hbm>>) dst(%arg16 : memref<64x128xf32, #tpu.memory_space<vmem>>)
              %lt3A_251 = arith.cmpi slt, %add3A_248, %select_n3A_109 : i32
              %convert_element_type3A_252 = arith.extui %lt3A_251 : i1 to i32
              %cond3A_253 = arith.constant 0 : i32
              %cond3A_254 = arith.cmpi ne, %convert_element_type3A_252, %cond3A_253 : i32
              scf.if %cond3A_254 {
                %ge3A_265 = arith.constant 1 : i32
                %ge3A_266 = arith.cmpi sge, %mul3A_246, %ge3A_265 : i32
                %convert_element_type3A_267 = arith.extui %ge3A_266 : i1 to i32
                %cond3A_268 = arith.constant 0 : i32
                %cond3A_269 = arith.cmpi ne, %convert_element_type3A_267, %cond3A_268 : i32
                scf.if %cond3A_269 {
                  %dma_wait3A_357 = arith.constant 0 : i32
                  %dma_wait3A_358 = arith.constant 0 : i32
                  %dma_wait3A_359 = tpu.memref_slice %arg22[%dma_wait3A_357, %dma_wait3A_358] : memref<13320x128xf32, #tpu.memory_space<vmem_shared>> -> memref<13320x128xf32, #tpu.memory_space<vmem_shared>>
                  tpu.wait_indirect_dma semaphore(%arg24 : memref<!tpu.dma_semaphore, #tpu.memory_space<semaphore_mem>>) src(%arg17 : memref<64x128xf32, #tpu.memory_space<vmem>>) dst(%dma_wait3A_359 : memref<13320x128xf32, #tpu.memory_space<vmem_shared>>)
                } else {
                }
                %mul3A_270 = arith.constant 64 : i32
                %mul3A_271 = arith.muli %add3A_248, %mul3A_270 : i32
                %add3A_272 = arith.constant 0 : i32
                %add3A_273 = arith.addi %mul3A_271, %add3A_272 : i32
                %get3A_274 = arith.index_cast %add3A_273 : i32 to index
                %get3A_275 = tpu.vector_load %arg14[%get3A_274] {strides = array<i32>} : memref<1296xi32, #tpu.memory_space<vmem>>, vector<16xi32>,
                %get3A_276 = vector.shape_cast %get3A_275 : vector<16xi32> to vector<16xi32>
                %shift_right_logical3A_277 = arith.constant 17 : i32
                %shift_right_logical3A_278 = vector.broadcast %shift_right_logical3A_277 : i32 to vector<16xi32>
                %shift_right_logical3A_279 = arith.shrui %get3A_276, %shift_right_logical3A_278 : vector<16xi32>
                %swap3A_280 = arith.constant 0 : index
                %swap3A_281 = tpu.vector_load %arg21[%swap3A_280] {strides = array<i32>} : memref<64xi32, #tpu.memory_space<vmem>>, vector<16xi32>,
                %swap3A_282 = vector.shape_cast %swap3A_281 : vector<16xi32> to vector<16xi32>
                %swap3A_283 = vector.shape_cast %shift_right_logical3A_279 : vector<16xi32> to vector<16xi32>
                tpu.vector_store %arg21[%swap3A_280], %swap3A_283 {strides = array<i32>} : memref<64xi32, #tpu.memory_space<vmem>>, vector<16xi32>,
                %and3A_284 = arith.constant 131071 : i32
                %and3A_285 = vector.broadcast %and3A_284 : i32 to vector<16xi32>
                %and3A_286 = arith.andi %get3A_276, %and3A_285 : vector<16xi32>
                %swap3A_287 = arith.constant 0 : index
                %swap3A_288 = tpu.vector_load %arg19[%swap3A_287] {strides = array<i32>} : memref<64xi32, #tpu.memory_space<vmem>>, vector<16xi32>,
                %swap3A_289 = vector.shape_cast %swap3A_288 : vector<16xi32> to vector<16xi32>
                %swap3A_290 = vector.shape_cast %and3A_286 : vector<16xi32> to vector<16xi32>
                tpu.vector_store %arg19[%swap3A_287], %swap3A_290 {strides = array<i32>} : memref<64xi32, #tpu.memory_space<vmem>>, vector<16xi32>,
                %mul3A_291 = arith.constant 64 : i32
                %mul3A_292 = arith.muli %add3A_248, %mul3A_291 : i32
                %add3A_293 = arith.constant 16 : i32
                %add3A_294 = arith.addi %mul3A_292, %add3A_293 : i32
                %get3A_295 = arith.index_cast %add3A_294 : i32 to index
                %get3A_296 = tpu.vector_load %arg14[%get3A_295] {strides = array<i32>} : memref<1296xi32, #tpu.memory_space<vmem>>, vector<16xi32>,
                %get3A_297 = vector.shape_cast %get3A_296 : vector<16xi32> to vector<16xi32>
                %shift_right_logical3A_298 = arith.constant 17 : i32
                %shift_right_logical3A_299 = vector.broadcast %shift_right_logical3A_298 : i32 to vector<16xi32>
                %shift_right_logical3A_300 = arith.shrui %get3A_297, %shift_right_logical3A_299 : vector<16xi32>
                %swap3A_301 = arith.constant 16 : index
                %swap3A_302 = tpu.vector_load %arg21[%swap3A_301] {strides = array<i32>} : memref<64xi32, #tpu.memory_space<vmem>>, vector<16xi32>,
                %swap3A_303 = vector.shape_cast %swap3A_302 : vector<16xi32> to vector<16xi32>
                %swap3A_304 = vector.shape_cast %shift_right_logical3A_300 : vector<16xi32> to vector<16xi32>
                tpu.vector_store %arg21[%swap3A_301], %swap3A_304 {strides = array<i32>} : memref<64xi32, #tpu.memory_space<vmem>>, vector<16xi32>,
                %and3A_305 = arith.constant 131071 : i32
                %and3A_306 = vector.broadcast %and3A_305 : i32 to vector<16xi32>
                %and3A_307 = arith.andi %get3A_297, %and3A_306 : vector<16xi32>
                %swap3A_308 = arith.constant 16 : index
                %swap3A_309 = tpu.vector_load %arg19[%swap3A_308] {strides = array<i32>} : memref<64xi32, #tpu.memory_space<vmem>>, vector<16xi32>,
                %swap3A_310 = vector.shape_cast %swap3A_309 : vector<16xi32> to vector<16xi32>
                %swap3A_311 = vector.shape_cast %and3A_307 : vector<16xi32> to vector<16xi32>
                tpu.vector_store %arg19[%swap3A_308], %swap3A_311 {strides = array<i32>} : memref<64xi32, #tpu.memory_space<vmem>>, vector<16xi32>,
                %mul3A_312 = arith.constant 64 : i32
                %mul3A_313 = arith.muli %add3A_248, %mul3A_312 : i32
                %add3A_314 = arith.constant 32 : i32
                %add3A_315 = arith.addi %mul3A_313, %add3A_314 : i32
                %get3A_316 = arith.index_cast %add3A_315 : i32 to index
                %get3A_317 = tpu.vector_load %arg14[%get3A_316] {strides = array<i32>} : memref<1296xi32, #tpu.memory_space<vmem>>, vector<16xi32>,
                %get3A_318 = vector.shape_cast %get3A_317 : vector<16xi32> to vector<16xi32>
                %shift_right_logical3A_319 = arith.constant 17 : i32
                %shift_right_logical3A_320 = vector.broadcast %shift_right_logical3A_319 : i32 to vector<16xi32>
                %shift_right_logical3A_321 = arith.shrui %get3A_318, %shift_right_logical3A_320 : vector<16xi32>
                %swap3A_322 = arith.constant 32 : index
                %swap3A_323 = tpu.vector_load %arg21[%swap3A_322] {strides = array<i32>} : memref<64xi32, #tpu.memory_space<vmem>>, vector<16xi32>,
                %swap3A_324 = vector.shape_cast %swap3A_323 : vector<16xi32> to vector<16xi32>
                %swap3A_325 = vector.shape_cast %shift_right_logical3A_321 : vector<16xi32> to vector<16xi32>
                tpu.vector_store %arg21[%swap3A_322], %swap3A_325 {strides = array<i32>} : memref<64xi32, #tpu.memory_space<vmem>>, vector<16xi32>,
                %and3A_326 = arith.constant 131071 : i32
                %and3A_327 = vector.broadcast %and3A_326 : i32 to vector<16xi32>
                %and3A_328 = arith.andi %get3A_318, %and3A_327 : vector<16xi32>
                %swap3A_329 = arith.constant 32 : index
                %swap3A_330 = tpu.vector_load %arg19[%swap3A_329] {strides = array<i32>} : memref<64xi32, #tpu.memory_space<vmem>>, vector<16xi32>,
                %swap3A_331 = vector.shape_cast %swap3A_330 : vector<16xi32> to vector<16xi32>
                %swap3A_332 = vector.shape_cast %and3A_328 : vector<16xi32> to vector<16xi32>
                tpu.vector_store %arg19[%swap3A_329], %swap3A_332 {strides = array<i32>} : memref<64xi32, #tpu.memory_space<vmem>>, vector<16xi32>,
                %mul3A_333 = arith.constant 64 : i32
                %mul3A_334 = arith.muli %add3A_248, %mul3A_333 : i32
                %add3A_335 = arith.constant 48 : i32
                %add3A_336 = arith.addi %mul3A_334, %add3A_335 : i32
                %get3A_337 = arith.index_cast %add3A_336 : i32 to index
                %get3A_338 = tpu.vector_load %arg14[%get3A_337] {strides = array<i32>} : memref<1296xi32, #tpu.memory_space<vmem>>, vector<16xi32>,
                %get3A_339 = vector.shape_cast %get3A_338 : vector<16xi32> to vector<16xi32>
                %shift_right_logical3A_340 = arith.constant 17 : i32
                %shift_right_logical3A_341 = vector.broadcast %shift_right_logical3A_340 : i32 to vector<16xi32>
                %shift_right_logical3A_342 = arith.shrui %get3A_339, %shift_right_logical3A_341 : vector<16xi32>
                %swap3A_343 = arith.constant 48 : index
                %swap3A_344 = tpu.vector_load %arg21[%swap3A_343] {strides = array<i32>} : memref<64xi32, #tpu.memory_space<vmem>>, vector<16xi32>,
                %swap3A_345 = vector.shape_cast %swap3A_344 : vector<16xi32> to vector<16xi32>
                %swap3A_346 = vector.shape_cast %shift_right_logical3A_342 : vector<16xi32> to vector<16xi32>
                tpu.vector_store %arg21[%swap3A_343], %swap3A_346 {strides = array<i32>} : memref<64xi32, #tpu.memory_space<vmem>>, vector<16xi32>,
                %and3A_347 = arith.constant 131071 : i32
                %and3A_348 = vector.broadcast %and3A_347 : i32 to vector<16xi32>
                %and3A_349 = arith.andi %get3A_339, %and3A_348 : vector<16xi32>
                %swap3A_350 = arith.constant 48 : index
                %swap3A_351 = tpu.vector_load %arg19[%swap3A_350] {strides = array<i32>} : memref<64xi32, #tpu.memory_space<vmem>>, vector<16xi32>,
                %swap3A_352 = vector.shape_cast %swap3A_351 : vector<16xi32> to vector<16xi32>
                %swap3A_353 = vector.shape_cast %and3A_349 : vector<16xi32> to vector<16xi32>
                tpu.vector_store %arg19[%swap3A_350], %swap3A_353 {strides = array<i32>} : memref<64xi32, #tpu.memory_space<vmem>>, vector<16xi32>,
                %dma_start3A_354 = arith.constant 0 : i32
                %dma_start3A_355 = arith.constant 0 : i32
                %dma_start3A_356 = tpu.memref_slice %arg2[%dma_start3A_354, %dma_start3A_355] : memref<100000x128xf32, #tpu.memory_space<hbm>> -> memref<100000x128xf32, #tpu.memory_space<hbm>>
                tpu.enqueue_indirect_dma source(%dma_start3A_356 : memref<100000x128xf32, #tpu.memory_space<hbm>>) target(%arg17 : memref<64x128xf32, #tpu.memory_space<vmem>>) offsets(%arg19 : memref<64xi32, #tpu.memory_space<vmem>>) semaphore(%arg23 : memref<!tpu.dma_semaphore, #tpu.memory_space<semaphore_mem>>)
              } else {
              }
              %scan3A_255 = arith.constant 0 : i32
              %scan3A_256 = arith.constant 0 : i32
              %scan3A_257 = arith.constant 64 : i32
              %scan3A_258 = arith.addi %scan3A_256, %scan3A_257 : i32
              %scan3A_259 = arith.constant 1 : i32
              %scan3A_260 = scf.for %scan3A_265 = %scan3A_256 to %scan3A_258 step %scan3A_259 iter_args(%scan3A_266 = %scan3A_255) -> (i32)  : i32 {
                %mul3A_267 = arith.constant 64 : i32
                %mul3A_268 = arith.muli %mul3A_246, %mul3A_267 : i32
                %add3A_269 = arith.addi %mul3A_268, %scan3A_265 : i32
                %get3A_270 = arith.index_cast %add3A_269 : i32 to index
                %get3A_271 = tpu.vector_load %arg15[%get3A_270] {strides = array<i32>} : memref<1296xf32, #tpu.memory_space<vmem>>, vector<16xf32>,
                %get3A_272 = vector.shape_cast %get3A_271 : vector<16xf32> to vector<16xf32>
                %slice3A = vector.extract_strided_slice %get3A_272 {offsets = [0], sizes = [1], strides = [1]} : vector<16xf32> to vector<1xf32>
                %squeeze3A = vector.extract %slice3A[0] : f32 from vector<1xf32>
                %get3A_273 = arith.index_cast %scan3A_265 : i32 to index
                %get3A_274 = arith.constant 0 : index
                %get3A_275 = tpu.vector_load %arg16[%get3A_273, %get3A_274] {strides = array<i32>} : memref<64x128xf32, #tpu.memory_space<vmem>>, vector<1x16xf32>,
                %get3A_276 = vector.shape_cast %get3A_275 : vector<1x16xf32> to vector<16xf32>
                %get3A_277 = arith.constant 0 : index
                %get3A_278 = tpu.vector_load %arg9[%get3A_277] {strides = array<i32>} : memref<128xf32, #tpu.memory_space<vmem>>, vector<16xf32>,
                %get3A_279 = vector.shape_cast %get3A_278 : vector<16xf32> to vector<16xf32>
                %mul3A_280 = vector.broadcast %squeeze3A : f32 to vector<16xf32>
                %mul3A_281 = arith.mulf %mul3A_280, %get3A_279 : vector<16xf32>
                %add3A_282 = arith.addf %get3A_276, %mul3A_281 : vector<16xf32>
                %get3A_283 = arith.constant 0 : index
                %get3A_284 = tpu.vector_load %arg10[%get3A_283] {strides = array<i32>} : memref<128xf32, #tpu.memory_space<vmem>>, vector<16xf32>,
                %get3A_285 = vector.shape_cast %get3A_284 : vector<16xf32> to vector<16xf32>
                %add3A_286 = arith.addf %add3A_282, %get3A_285 : vector<16xf32>
                %max3A = arith.constant 0.000000e+00 : f32
                %max3A_287 = vector.broadcast %max3A : f32 to vector<16xf32>
                %max3A_288 = arith.maximumf %add3A_286, %max3A_287 : vector<16xf32>
                %swap3A_289 = arith.index_cast %scan3A_265 : i32 to index
                %swap3A_290 = arith.constant 0 : index
                %swap3A_291 = tpu.vector_load %arg16[%swap3A_289, %swap3A_290] {strides = array<i32>} : memref<64x128xf32, #tpu.memory_space<vmem>>, vector<1x16xf32>,
                %swap3A_292 = vector.shape_cast %swap3A_291 : vector<1x16xf32> to vector<16xf32>
                %swap3A_293 = vector.shape_cast %max3A_288 : vector<16xf32> to vector<1x16xf32>
                tpu.vector_store %arg16[%swap3A_289, %swap3A_290], %swap3A_293 {strides = array<i32>} : memref<64x128xf32, #tpu.memory_space<vmem>>, vector<1x16xf32>,
                %get3A_294 = arith.index_cast %scan3A_265 : i32 to index
                %get3A_295 = arith.constant 16 : index
                %get3A_296 = tpu.vector_load %arg16[%get3A_294, %get3A_295] {strides = array<i32>} : memref<64x128xf32, #tpu.memory_space<vmem>>, vector<1x16xf32>,
                %get3A_297 = vector.shape_cast %get3A_296 : vector<1x16xf32> to vector<16xf32>
                %get3A_298 = arith.constant 16 : index
                %get3A_299 = tpu.vector_load %arg9[%get3A_298] {strides = array<i32>} : memref<128xf32, #tpu.memory_space<vmem>>, vector<16xf32>,
                %get3A_300 = vector.shape_cast %get3A_299 : vector<16xf32> to vector<16xf32>
                %mul3A_301 = vector.broadcast %squeeze3A : f32 to vector<16xf32>
                %mul3A_302 = arith.mulf %mul3A_301, %get3A_300 : vector<16xf32>
                %add3A_303 = arith.addf %get3A_297, %mul3A_302 : vector<16xf32>
                %get3A_304 = arith.constant 16 : index
                %get3A_305 = tpu.vector_load %arg10[%get3A_304] {strides = array<i32>} : memref<128xf32, #tpu.memory_space<vmem>>, vector<16xf32>,
                %get3A_306 = vector.shape_cast %get3A_305 : vector<16xf32> to vector<16xf32>
                %add3A_307 = arith.addf %add3A_303, %get3A_306 : vector<16xf32>
                %max3A_308 = arith.constant 0.000000e+00 : f32
                %max3A_309 = vector.broadcast %max3A_308 : f32 to vector<16xf32>
                %max3A_310 = arith.maximumf %add3A_307, %max3A_309 : vector<16xf32>
                %swap3A_311 = arith.index_cast %scan3A_265 : i32 to index
                %swap3A_312 = arith.constant 16 : index
                %swap3A_313 = tpu.vector_load %arg16[%swap3A_311, %swap3A_312] {strides = array<i32>} : memref<64x128xf32, #tpu.memory_space<vmem>>, vector<1x16xf32>,
                %swap3A_314 = vector.shape_cast %swap3A_313 : vector<1x16xf32> to vector<16xf32>
                %swap3A_315 = vector.shape_cast %max3A_310 : vector<16xf32> to vector<1x16xf32>
                tpu.vector_store %arg16[%swap3A_311, %swap3A_312], %swap3A_315 {strides = array<i32>} : memref<64x128xf32, #tpu.memory_space<vmem>>, vector<1x16xf32>,
                %get3A_316 = arith.index_cast %scan3A_265 : i32 to index
                %get3A_317 = arith.constant 32 : index
                %get3A_318 = tpu.vector_load %arg16[%get3A_316, %get3A_317] {strides = array<i32>} : memref<64x128xf32, #tpu.memory_space<vmem>>, vector<1x16xf32>,
                %get3A_319 = vector.shape_cast %get3A_318 : vector<1x16xf32> to vector<16xf32>
                %get3A_320 = arith.constant 32 : index
                %get3A_321 = tpu.vector_load %arg9[%get3A_320] {strides = array<i32>} : memref<128xf32, #tpu.memory_space<vmem>>, vector<16xf32>,
                %get3A_322 = vector.shape_cast %get3A_321 : vector<16xf32> to vector<16xf32>
                %mul3A_323 = vector.broadcast %squeeze3A : f32 to vector<16xf32>
                %mul3A_324 = arith.mulf %mul3A_323, %get3A_322 : vector<16xf32>
                %add3A_325 = arith.addf %get3A_319, %mul3A_324 : vector<16xf32>
                %get3A_326 = arith.constant 32 : index
                %get3A_327 = tpu.vector_load %arg10[%get3A_326] {strides = array<i32>} : memref<128xf32, #tpu.memory_space<vmem>>, vector<16xf32>,
                %get3A_328 = vector.shape_cast %get3A_327 : vector<16xf32> to vector<16xf32>
                %add3A_329 = arith.addf %add3A_325, %get3A_328 : vector<16xf32>
                %max3A_330 = arith.constant 0.000000e+00 : f32
                %max3A_331 = vector.broadcast %max3A_330 : f32 to vector<16xf32>
                %max3A_332 = arith.maximumf %add3A_329, %max3A_331 : vector<16xf32>
                %swap3A_333 = arith.index_cast %scan3A_265 : i32 to index
                %swap3A_334 = arith.constant 32 : index
                %swap3A_335 = tpu.vector_load %arg16[%swap3A_333, %swap3A_334] {strides = array<i32>} : memref<64x128xf32, #tpu.memory_space<vmem>>, vector<1x16xf32>,
                %swap3A_336 = vector.shape_cast %swap3A_335 : vector<1x16xf32> to vector<16xf32>
                %swap3A_337 = vector.shape_cast %max3A_332 : vector<16xf32> to vector<1x16xf32>
                tpu.vector_store %arg16[%swap3A_333, %swap3A_334], %swap3A_337 {strides = array<i32>} : memref<64x128xf32, #tpu.memory_space<vmem>>, vector<1x16xf32>,
                %get3A_338 = arith.index_cast %scan3A_265 : i32 to index
                %get3A_339 = arith.constant 48 : index
                %get3A_340 = tpu.vector_load %arg16[%get3A_338, %get3A_339] {strides = array<i32>} : memref<64x128xf32, #tpu.memory_space<vmem>>, vector<1x16xf32>,
                %get3A_341 = vector.shape_cast %get3A_340 : vector<1x16xf32> to vector<16xf32>
                %get3A_342 = arith.constant 48 : index
                %get3A_343 = tpu.vector_load %arg9[%get3A_342] {strides = array<i32>} : memref<128xf32, #tpu.memory_space<vmem>>, vector<16xf32>,
                %get3A_344 = vector.shape_cast %get3A_343 : vector<16xf32> to vector<16xf32>
                %mul3A_345 = vector.broadcast %squeeze3A : f32 to vector<16xf32>
                %mul3A_346 = arith.mulf %mul3A_345, %get3A_344 : vector<16xf32>
                %add3A_347 = arith.addf %get3A_341, %mul3A_346 : vector<16xf32>
                %get3A_348 = arith.constant 48 : index
                %get3A_349 = tpu.vector_load %arg10[%get3A_348] {strides = array<i32>} : memref<128xf32, #tpu.memory_space<vmem>>, vector<16xf32>,
                %get3A_350 = vector.shape_cast %get3A_349 : vector<16xf32> to vector<16xf32>
                %add3A_351 = arith.addf %add3A_347, %get3A_350 : vector<16xf32>
                %max3A_352 = arith.constant 0.000000e+00 : f32
                %max3A_353 = vector.broadcast %max3A_352 : f32 to vector<16xf32>
                %max3A_354 = arith.maximumf %add3A_351, %max3A_353 : vector<16xf32>
                %swap3A_355 = arith.index_cast %scan3A_265 : i32 to index
                %swap3A_356 = arith.constant 48 : index
                %swap3A_357 = tpu.vector_load %arg16[%swap3A_355, %swap3A_356] {strides = array<i32>} : memref<64x128xf32, #tpu.memory_space<vmem>>, vector<1x16xf32>,
                %swap3A_358 = vector.shape_cast %swap3A_357 : vector<1x16xf32> to vector<16xf32>
                %swap3A_359 = vector.shape_cast %max3A_354 : vector<16xf32> to vector<1x16xf32>
                tpu.vector_store %arg16[%swap3A_355, %swap3A_356], %swap3A_359 {strides = array<i32>} : memref<64x128xf32, #tpu.memory_space<vmem>>, vector<1x16xf32>,
                %get3A_360 = arith.index_cast %scan3A_265 : i32 to index
                %get3A_361 = arith.constant 64 : index
                %get3A_362 = tpu.vector_load %arg16[%get3A_360, %get3A_361] {strides = array<i32>} : memref<64x128xf32, #tpu.memory_space<vmem>>, vector<1x16xf32>,
                %get3A_363 = vector.shape_cast %get3A_362 : vector<1x16xf32> to vector<16xf32>
                %get3A_364 = arith.constant 64 : index
                %get3A_365 = tpu.vector_load %arg9[%get3A_364] {strides = array<i32>} : memref<128xf32, #tpu.memory_space<vmem>>, vector<16xf32>,
                %get3A_366 = vector.shape_cast %get3A_365 : vector<16xf32> to vector<16xf32>
                %mul3A_367 = vector.broadcast %squeeze3A : f32 to vector<16xf32>
                %mul3A_368 = arith.mulf %mul3A_367, %get3A_366 : vector<16xf32>
                %add3A_369 = arith.addf %get3A_363, %mul3A_368 : vector<16xf32>
                %get3A_370 = arith.constant 64 : index
                %get3A_371 = tpu.vector_load %arg10[%get3A_370] {strides = array<i32>} : memref<128xf32, #tpu.memory_space<vmem>>, vector<16xf32>,
                %get3A_372 = vector.shape_cast %get3A_371 : vector<16xf32> to vector<16xf32>
                %add3A_373 = arith.addf %add3A_369, %get3A_372 : vector<16xf32>
                %max3A_374 = arith.constant 0.000000e+00 : f32
                %max3A_375 = vector.broadcast %max3A_374 : f32 to vector<16xf32>
                %max3A_376 = arith.maximumf %add3A_373, %max3A_375 : vector<16xf32>
                %swap3A_377 = arith.index_cast %scan3A_265 : i32 to index
                %swap3A_378 = arith.constant 64 : index
                %swap3A_379 = tpu.vector_load %arg16[%swap3A_377, %swap3A_378] {strides = array<i32>} : memref<64x128xf32, #tpu.memory_space<vmem>>, vector<1x16xf32>,
                %swap3A_380 = vector.shape_cast %swap3A_379 : vector<1x16xf32> to vector<16xf32>
                %swap3A_381 = vector.shape_cast %max3A_376 : vector<16xf32> to vector<1x16xf32>
                tpu.vector_store %arg16[%swap3A_377, %swap3A_378], %swap3A_381 {strides = array<i32>} : memref<64x128xf32, #tpu.memory_space<vmem>>, vector<1x16xf32>,
                %get3A_382 = arith.index_cast %scan3A_265 : i32 to index
                %get3A_383 = arith.constant 80 : index
                %get3A_384 = tpu.vector_load %arg16[%get3A_382, %get3A_383] {strides = array<i32>} : memref<64x128xf32, #tpu.memory_space<vmem>>, vector<1x16xf32>,
                %get3A_385 = vector.shape_cast %get3A_384 : vector<1x16xf32> to vector<16xf32>
                %get3A_386 = arith.constant 80 : index
                %get3A_387 = tpu.vector_load %arg9[%get3A_386] {strides = array<i32>} : memref<128xf32, #tpu.memory_space<vmem>>, vector<16xf32>,
                %get3A_388 = vector.shape_cast %get3A_387 : vector<16xf32> to vector<16xf32>
                %mul3A_389 = vector.broadcast %squeeze3A : f32 to vector<16xf32>
                %mul3A_390 = arith.mulf %mul3A_389, %get3A_388 : vector<16xf32>
                %add3A_391 = arith.addf %get3A_385, %mul3A_390 : vector<16xf32>
                %get3A_392 = arith.constant 80 : index
                %get3A_393 = tpu.vector_load %arg10[%get3A_392] {strides = array<i32>} : memref<128xf32, #tpu.memory_space<vmem>>, vector<16xf32>,
                %get3A_394 = vector.shape_cast %get3A_393 : vector<16xf32> to vector<16xf32>
                %add3A_395 = arith.addf %add3A_391, %get3A_394 : vector<16xf32>
                %max3A_396 = arith.constant 0.000000e+00 : f32
                %max3A_397 = vector.broadcast %max3A_396 : f32 to vector<16xf32>
                %max3A_398 = arith.maximumf %add3A_395, %max3A_397 : vector<16xf32>
                %swap3A_399 = arith.index_cast %scan3A_265 : i32 to index
                %swap3A_400 = arith.constant 80 : index
                %swap3A_401 = tpu.vector_load %arg16[%swap3A_399, %swap3A_400] {strides = array<i32>} : memref<64x128xf32, #tpu.memory_space<vmem>>, vector<1x16xf32>,
                %swap3A_402 = vector.shape_cast %swap3A_401 : vector<1x16xf32> to vector<16xf32>
                %swap3A_403 = vector.shape_cast %max3A_398 : vector<16xf32> to vector<1x16xf32>
                tpu.vector_store %arg16[%swap3A_399, %swap3A_400], %swap3A_403 {strides = array<i32>} : memref<64x128xf32, #tpu.memory_space<vmem>>, vector<1x16xf32>,
                %get3A_404 = arith.index_cast %scan3A_265 : i32 to index
                %get3A_405 = arith.constant 96 : index
                %get3A_406 = tpu.vector_load %arg16[%get3A_404, %get3A_405] {strides = array<i32>} : memref<64x128xf32, #tpu.memory_space<vmem>>, vector<1x16xf32>,
                %get3A_407 = vector.shape_cast %get3A_406 : vector<1x16xf32> to vector<16xf32>
                %get3A_408 = arith.constant 96 : index
                %get3A_409 = tpu.vector_load %arg9[%get3A_408] {strides = array<i32>} : memref<128xf32, #tpu.memory_space<vmem>>, vector<16xf32>,
                %get3A_410 = vector.shape_cast %get3A_409 : vector<16xf32> to vector<16xf32>
                %mul3A_411 = vector.broadcast %squeeze3A : f32 to vector<16xf32>
                %mul3A_412 = arith.mulf %mul3A_411, %get3A_410 : vector<16xf32>
                %add3A_413 = arith.addf %get3A_407, %mul3A_412 : vector<16xf32>
                %get3A_414 = arith.constant 96 : index
                %get3A_415 = tpu.vector_load %arg10[%get3A_414] {strides = array<i32>} : memref<128xf32, #tpu.memory_space<vmem>>, vector<16xf32>,
                %get3A_416 = vector.shape_cast %get3A_415 : vector<16xf32> to vector<16xf32>
                %add3A_417 = arith.addf %add3A_413, %get3A_416 : vector<16xf32>
                %max3A_418 = arith.constant 0.000000e+00 : f32
                %max3A_419 = vector.broadcast %max3A_418 : f32 to vector<16xf32>
                %max3A_420 = arith.maximumf %add3A_417, %max3A_419 : vector<16xf32>
                %swap3A_421 = arith.index_cast %scan3A_265 : i32 to index
                %swap3A_422 = arith.constant 96 : index
                %swap3A_423 = tpu.vector_load %arg16[%swap3A_421, %swap3A_422] {strides = array<i32>} : memref<64x128xf32, #tpu.memory_space<vmem>>, vector<1x16xf32>,
                %swap3A_424 = vector.shape_cast %swap3A_423 : vector<1x16xf32> to vector<16xf32>
                %swap3A_425 = vector.shape_cast %max3A_420 : vector<16xf32> to vector<1x16xf32>
                tpu.vector_store %arg16[%swap3A_421, %swap3A_422], %swap3A_425 {strides = array<i32>} : memref<64x128xf32, #tpu.memory_space<vmem>>, vector<1x16xf32>,
                %get3A_426 = arith.index_cast %scan3A_265 : i32 to index
                %get3A_427 = arith.constant 112 : index
                %get3A_428 = tpu.vector_load %arg16[%get3A_426, %get3A_427] {strides = array<i32>} : memref<64x128xf32, #tpu.memory_space<vmem>>, vector<1x16xf32>,
                %get3A_429 = vector.shape_cast %get3A_428 : vector<1x16xf32> to vector<16xf32>
                %get3A_430 = arith.constant 112 : index
                %get3A_431 = tpu.vector_load %arg9[%get3A_430] {strides = array<i32>} : memref<128xf32, #tpu.memory_space<vmem>>, vector<16xf32>,
                %get3A_432 = vector.shape_cast %get3A_431 : vector<16xf32> to vector<16xf32>
                %mul3A_433 = vector.broadcast %squeeze3A : f32 to vector<16xf32>
                %mul3A_434 = arith.mulf %mul3A_433, %get3A_432 : vector<16xf32>
                %add3A_435 = arith.addf %get3A_429, %mul3A_434 : vector<16xf32>
                %get3A_436 = arith.constant 112 : index
                %get3A_437 = tpu.vector_load %arg10[%get3A_436] {strides = array<i32>} : memref<128xf32, #tpu.memory_space<vmem>>, vector<16xf32>,
                %get3A_438 = vector.shape_cast %get3A_437 : vector<16xf32> to vector<16xf32>
                %add3A_439 = arith.addf %add3A_435, %get3A_438 : vector<16xf32>
                %max3A_440 = arith.constant 0.000000e+00 : f32
                %max3A_441 = vector.broadcast %max3A_440 : f32 to vector<16xf32>
                %max3A_442 = arith.maximumf %add3A_439, %max3A_441 : vector<16xf32>
                %swap3A_443 = arith.index_cast %scan3A_265 : i32 to index
                %swap3A_444 = arith.constant 112 : index
                %swap3A_445 = tpu.vector_load %arg16[%swap3A_443, %swap3A_444] {strides = array<i32>} : memref<64x128xf32, #tpu.memory_space<vmem>>, vector<1x16xf32>,
                %swap3A_446 = vector.shape_cast %swap3A_445 : vector<1x16xf32> to vector<16xf32>
                %swap3A_447 = vector.shape_cast %max3A_442 : vector<16xf32> to vector<1x16xf32>
                tpu.vector_store %arg16[%swap3A_443, %swap3A_444], %swap3A_447 {strides = array<i32>} : memref<64x128xf32, #tpu.memory_space<vmem>>, vector<1x16xf32>,
                %scan3A_448 = arith.constant 0 : i32
                scf.yield %scan3A_448 : i32
              }
              %scan3A_261 = arith.constant 64 : i32
              %dma_start3A_262 = arith.constant 0 : i32
              %dma_start3A_263 = arith.constant 0 : i32
              %dma_start3A_264 = tpu.memref_slice %arg22[%dma_start3A_262, %dma_start3A_263] : memref<13320x128xf32, #tpu.memory_space<vmem_shared>> -> memref<13320x128xf32, #tpu.memory_space<vmem_shared>>
              tpu.enqueue_indirect_dma source(%arg16 : memref<64x128xf32, #tpu.memory_space<vmem>>) target(%dma_start3A_264 : memref<13320x128xf32, #tpu.memory_space<vmem_shared>>) offsets(%arg20 : memref<64xi32, #tpu.memory_space<vmem>>) semaphore(%arg24 : memref<!tpu.dma_semaphore, #tpu.memory_space<semaphore_mem>>) {add = true}
            } else {
            }
            %mul3A_236 = arith.constant 2 : i32
            %mul3A_237 = arith.muli %mul3A_236, %while3A_228 : i32
            %add3A_238 = arith.constant 1 : i32
            %add3A_239 = arith.addi %mul3A_237, %add3A_238 : i32
            %lt3A_240 = arith.cmpi slt, %add3A_239, %select_n3A_109 : i32
            %convert_element_type3A_241 = arith.extui %lt3A_240 : i1 to i32
            %cond3A_242 = arith.constant 0 : i32
            %cond3A_243 = arith.cmpi ne, %convert_element_type3A_241, %cond3A_242 : i32
            scf.if %cond3A_243 {
              %mul3A_245 = arith.constant 2 : i32
              %mul3A_246 = arith.muli %mul3A_245, %while3A_228 : i32
              %add3A_247 = arith.constant 1 : i32
              %add3A_248 = arith.addi %mul3A_246, %add3A_247 : i32
              %add3A_249 = arith.constant 1 : i32
              %add3A_250 = arith.addi %add3A_248, %add3A_249 : i32
              %dma_wait3A = arith.constant 0 : i32
              %dma_wait3A_251 = arith.constant 0 : i32
              %dma_wait3A_252 = tpu.memref_slice %arg2[%dma_wait3A, %dma_wait3A_251] : memref<100000x128xf32, #tpu.memory_space<hbm>> -> memref<100000x128xf32, #tpu.memory_space<hbm>>
              tpu.wait_indirect_dma semaphore(%arg23 : memref<!tpu.dma_semaphore, #tpu.memory_space<semaphore_mem>>) src(%dma_wait3A_252 : memref<100000x128xf32, #tpu.memory_space<hbm>>) dst(%arg17 : memref<64x128xf32, #tpu.memory_space<vmem>>)
              %lt3A_253 = arith.cmpi slt, %add3A_250, %select_n3A_109 : i32
              %convert_element_type3A_254 = arith.extui %lt3A_253 : i1 to i32
              %cond3A_255 = arith.constant 0 : i32
              %cond3A_256 = arith.cmpi ne, %convert_element_type3A_254, %cond3A_255 : i32
              scf.if %cond3A_256 {
                %ge3A_267 = arith.constant 1 : i32
                %ge3A_268 = arith.cmpi sge, %add3A_248, %ge3A_267 : i32
                %convert_element_type3A_269 = arith.extui %ge3A_268 : i1 to i32
                %cond3A_270 = arith.constant 0 : i32
                %cond3A_271 = arith.cmpi ne, %convert_element_type3A_269, %cond3A_270 : i32
                scf.if %cond3A_271 {
                  %dma_wait3A_359 = arith.constant 0 : i32
                  %dma_wait3A_360 = arith.constant 0 : i32
                  %dma_wait3A_361 = tpu.memref_slice %arg22[%dma_wait3A_359, %dma_wait3A_360] : memref<13320x128xf32, #tpu.memory_space<vmem_shared>> -> memref<13320x128xf32, #tpu.memory_space<vmem_shared>>
                  tpu.wait_indirect_dma semaphore(%arg24 : memref<!tpu.dma_semaphore, #tpu.memory_space<semaphore_mem>>) src(%arg16 : memref<64x128xf32, #tpu.memory_space<vmem>>) dst(%dma_wait3A_361 : memref<13320x128xf32, #tpu.memory_space<vmem_shared>>)
                } else {
                }
                %mul3A_272 = arith.constant 64 : i32
                %mul3A_273 = arith.muli %add3A_250, %mul3A_272 : i32
                %add3A_274 = arith.constant 0 : i32
                %add3A_275 = arith.addi %mul3A_273, %add3A_274 : i32
                %get3A_276 = arith.index_cast %add3A_275 : i32 to index
                %get3A_277 = tpu.vector_load %arg14[%get3A_276] {strides = array<i32>} : memref<1296xi32, #tpu.memory_space<vmem>>, vector<16xi32>,
                %get3A_278 = vector.shape_cast %get3A_277 : vector<16xi32> to vector<16xi32>
                %shift_right_logical3A_279 = arith.constant 17 : i32
                %shift_right_logical3A_280 = vector.broadcast %shift_right_logical3A_279 : i32 to vector<16xi32>
                %shift_right_logical3A_281 = arith.shrui %get3A_278, %shift_right_logical3A_280 : vector<16xi32>
                %swap3A_282 = arith.constant 0 : index
                %swap3A_283 = tpu.vector_load %arg20[%swap3A_282] {strides = array<i32>} : memref<64xi32, #tpu.memory_space<vmem>>, vector<16xi32>,
                %swap3A_284 = vector.shape_cast %swap3A_283 : vector<16xi32> to vector<16xi32>
                %swap3A_285 = vector.shape_cast %shift_right_logical3A_281 : vector<16xi32> to vector<16xi32>
                tpu.vector_store %arg20[%swap3A_282], %swap3A_285 {strides = array<i32>} : memref<64xi32, #tpu.memory_space<vmem>>, vector<16xi32>,
                %and3A_286 = arith.constant 131071 : i32
                %and3A_287 = vector.broadcast %and3A_286 : i32 to vector<16xi32>
                %and3A_288 = arith.andi %get3A_278, %and3A_287 : vector<16xi32>
                %swap3A_289 = arith.constant 0 : index
                %swap3A_290 = tpu.vector_load %arg18[%swap3A_289] {strides = array<i32>} : memref<64xi32, #tpu.memory_space<vmem>>, vector<16xi32>,
                %swap3A_291 = vector.shape_cast %swap3A_290 : vector<16xi32> to vector<16xi32>
                %swap3A_292 = vector.shape_cast %and3A_288 : vector<16xi32> to vector<16xi32>
                tpu.vector_store %arg18[%swap3A_289], %swap3A_292 {strides = array<i32>} : memref<64xi32, #tpu.memory_space<vmem>>, vector<16xi32>,
                %mul3A_293 = arith.constant 64 : i32
                %mul3A_294 = arith.muli %add3A_250, %mul3A_293 : i32
                %add3A_295 = arith.constant 16 : i32
                %add3A_296 = arith.addi %mul3A_294, %add3A_295 : i32
                %get3A_297 = arith.index_cast %add3A_296 : i32 to index
                %get3A_298 = tpu.vector_load %arg14[%get3A_297] {strides = array<i32>} : memref<1296xi32, #tpu.memory_space<vmem>>, vector<16xi32>,
                %get3A_299 = vector.shape_cast %get3A_298 : vector<16xi32> to vector<16xi32>
                %shift_right_logical3A_300 = arith.constant 17 : i32
                %shift_right_logical3A_301 = vector.broadcast %shift_right_logical3A_300 : i32 to vector<16xi32>
                %shift_right_logical3A_302 = arith.shrui %get3A_299, %shift_right_logical3A_301 : vector<16xi32>
                %swap3A_303 = arith.constant 16 : index
                %swap3A_304 = tpu.vector_load %arg20[%swap3A_303] {strides = array<i32>} : memref<64xi32, #tpu.memory_space<vmem>>, vector<16xi32>,
                %swap3A_305 = vector.shape_cast %swap3A_304 : vector<16xi32> to vector<16xi32>
                %swap3A_306 = vector.shape_cast %shift_right_logical3A_302 : vector<16xi32> to vector<16xi32>
                tpu.vector_store %arg20[%swap3A_303], %swap3A_306 {strides = array<i32>} : memref<64xi32, #tpu.memory_space<vmem>>, vector<16xi32>,
                %and3A_307 = arith.constant 131071 : i32
                %and3A_308 = vector.broadcast %and3A_307 : i32 to vector<16xi32>
                %and3A_309 = arith.andi %get3A_299, %and3A_308 : vector<16xi32>
                %swap3A_310 = arith.constant 16 : index
                %swap3A_311 = tpu.vector_load %arg18[%swap3A_310] {strides = array<i32>} : memref<64xi32, #tpu.memory_space<vmem>>, vector<16xi32>,
                %swap3A_312 = vector.shape_cast %swap3A_311 : vector<16xi32> to vector<16xi32>
                %swap3A_313 = vector.shape_cast %and3A_309 : vector<16xi32> to vector<16xi32>
                tpu.vector_store %arg18[%swap3A_310], %swap3A_313 {strides = array<i32>} : memref<64xi32, #tpu.memory_space<vmem>>, vector<16xi32>,
                %mul3A_314 = arith.constant 64 : i32
                %mul3A_315 = arith.muli %add3A_250, %mul3A_314 : i32
                %add3A_316 = arith.constant 32 : i32
                %add3A_317 = arith.addi %mul3A_315, %add3A_316 : i32
                %get3A_318 = arith.index_cast %add3A_317 : i32 to index
                %get3A_319 = tpu.vector_load %arg14[%get3A_318] {strides = array<i32>} : memref<1296xi32, #tpu.memory_space<vmem>>, vector<16xi32>,
                %get3A_320 = vector.shape_cast %get3A_319 : vector<16xi32> to vector<16xi32>
                %shift_right_logical3A_321 = arith.constant 17 : i32
                %shift_right_logical3A_322 = vector.broadcast %shift_right_logical3A_321 : i32 to vector<16xi32>
                %shift_right_logical3A_323 = arith.shrui %get3A_320, %shift_right_logical3A_322 : vector<16xi32>
                %swap3A_324 = arith.constant 32 : index
                %swap3A_325 = tpu.vector_load %arg20[%swap3A_324] {strides = array<i32>} : memref<64xi32, #tpu.memory_space<vmem>>, vector<16xi32>,
                %swap3A_326 = vector.shape_cast %swap3A_325 : vector<16xi32> to vector<16xi32>
                %swap3A_327 = vector.shape_cast %shift_right_logical3A_323 : vector<16xi32> to vector<16xi32>
                tpu.vector_store %arg20[%swap3A_324], %swap3A_327 {strides = array<i32>} : memref<64xi32, #tpu.memory_space<vmem>>, vector<16xi32>,
                %and3A_328 = arith.constant 131071 : i32
                %and3A_329 = vector.broadcast %and3A_328 : i32 to vector<16xi32>
                %and3A_330 = arith.andi %get3A_320, %and3A_329 : vector<16xi32>
                %swap3A_331 = arith.constant 32 : index
                %swap3A_332 = tpu.vector_load %arg18[%swap3A_331] {strides = array<i32>} : memref<64xi32, #tpu.memory_space<vmem>>, vector<16xi32>,
                %swap3A_333 = vector.shape_cast %swap3A_332 : vector<16xi32> to vector<16xi32>
                %swap3A_334 = vector.shape_cast %and3A_330 : vector<16xi32> to vector<16xi32>
                tpu.vector_store %arg18[%swap3A_331], %swap3A_334 {strides = array<i32>} : memref<64xi32, #tpu.memory_space<vmem>>, vector<16xi32>,
                %mul3A_335 = arith.constant 64 : i32
                %mul3A_336 = arith.muli %add3A_250, %mul3A_335 : i32
                %add3A_337 = arith.constant 48 : i32
                %add3A_338 = arith.addi %mul3A_336, %add3A_337 : i32
                %get3A_339 = arith.index_cast %add3A_338 : i32 to index
                %get3A_340 = tpu.vector_load %arg14[%get3A_339] {strides = array<i32>} : memref<1296xi32, #tpu.memory_space<vmem>>, vector<16xi32>,
                %get3A_341 = vector.shape_cast %get3A_340 : vector<16xi32> to vector<16xi32>
                %shift_right_logical3A_342 = arith.constant 17 : i32
                %shift_right_logical3A_343 = vector.broadcast %shift_right_logical3A_342 : i32 to vector<16xi32>
                %shift_right_logical3A_344 = arith.shrui %get3A_341, %shift_right_logical3A_343 : vector<16xi32>
                %swap3A_345 = arith.constant 48 : index
                %swap3A_346 = tpu.vector_load %arg20[%swap3A_345] {strides = array<i32>} : memref<64xi32, #tpu.memory_space<vmem>>, vector<16xi32>,
                %swap3A_347 = vector.shape_cast %swap3A_346 : vector<16xi32> to vector<16xi32>
                %swap3A_348 = vector.shape_cast %shift_right_logical3A_344 : vector<16xi32> to vector<16xi32>
                tpu.vector_store %arg20[%swap3A_345], %swap3A_348 {strides = array<i32>} : memref<64xi32, #tpu.memory_space<vmem>>, vector<16xi32>,
                %and3A_349 = arith.constant 131071 : i32
                %and3A_350 = vector.broadcast %and3A_349 : i32 to vector<16xi32>
                %and3A_351 = arith.andi %get3A_341, %and3A_350 : vector<16xi32>
                %swap3A_352 = arith.constant 48 : index
                %swap3A_353 = tpu.vector_load %arg18[%swap3A_352] {strides = array<i32>} : memref<64xi32, #tpu.memory_space<vmem>>, vector<16xi32>,
                %swap3A_354 = vector.shape_cast %swap3A_353 : vector<16xi32> to vector<16xi32>
                %swap3A_355 = vector.shape_cast %and3A_351 : vector<16xi32> to vector<16xi32>
                tpu.vector_store %arg18[%swap3A_352], %swap3A_355 {strides = array<i32>} : memref<64xi32, #tpu.memory_space<vmem>>, vector<16xi32>,
                %dma_start3A_356 = arith.constant 0 : i32
                %dma_start3A_357 = arith.constant 0 : i32
                %dma_start3A_358 = tpu.memref_slice %arg2[%dma_start3A_356, %dma_start3A_357] : memref<100000x128xf32, #tpu.memory_space<hbm>> -> memref<100000x128xf32, #tpu.memory_space<hbm>>
                tpu.enqueue_indirect_dma source(%dma_start3A_358 : memref<100000x128xf32, #tpu.memory_space<hbm>>) target(%arg16 : memref<64x128xf32, #tpu.memory_space<vmem>>) offsets(%arg18 : memref<64xi32, #tpu.memory_space<vmem>>) semaphore(%arg23 : memref<!tpu.dma_semaphore, #tpu.memory_space<semaphore_mem>>)
              } else {
              }
              %scan3A_257 = arith.constant 0 : i32
              %scan3A_258 = arith.constant 0 : i32
              %scan3A_259 = arith.constant 64 : i32
              %scan3A_260 = arith.addi %scan3A_258, %scan3A_259 : i32
              %scan3A_261 = arith.constant 1 : i32
              %scan3A_262 = scf.for %scan3A_267 = %scan3A_258 to %scan3A_260 step %scan3A_261 iter_args(%scan3A_268 = %scan3A_257) -> (i32)  : i32 {
                %mul3A_269 = arith.constant 64 : i32
                %mul3A_270 = arith.muli %add3A_248, %mul3A_269 : i32
                %add3A_271 = arith.addi %mul3A_270, %scan3A_267 : i32
                %get3A_272 = arith.index_cast %add3A_271 : i32 to index
                %get3A_273 = tpu.vector_load %arg15[%get3A_272] {strides = array<i32>} : memref<1296xf32, #tpu.memory_space<vmem>>, vector<16xf32>,
                %get3A_274 = vector.shape_cast %get3A_273 : vector<16xf32> to vector<16xf32>
                %slice3A = vector.extract_strided_slice %get3A_274 {offsets = [0], sizes = [1], strides = [1]} : vector<16xf32> to vector<1xf32>
                %squeeze3A = vector.extract %slice3A[0] : f32 from vector<1xf32>
                %get3A_275 = arith.index_cast %scan3A_267 : i32 to index
                %get3A_276 = arith.constant 0 : index
                %get3A_277 = tpu.vector_load %arg17[%get3A_275, %get3A_276] {strides = array<i32>} : memref<64x128xf32, #tpu.memory_space<vmem>>, vector<1x16xf32>,
                %get3A_278 = vector.shape_cast %get3A_277 : vector<1x16xf32> to vector<16xf32>
                %get3A_279 = arith.constant 0 : index
                %get3A_280 = tpu.vector_load %arg9[%get3A_279] {strides = array<i32>} : memref<128xf32, #tpu.memory_space<vmem>>, vector<16xf32>,
                %get3A_281 = vector.shape_cast %get3A_280 : vector<16xf32> to vector<16xf32>
                %mul3A_282 = vector.broadcast %squeeze3A : f32 to vector<16xf32>
                %mul3A_283 = arith.mulf %mul3A_282, %get3A_281 : vector<16xf32>
                %add3A_284 = arith.addf %get3A_278, %mul3A_283 : vector<16xf32>
                %get3A_285 = arith.constant 0 : index
                %get3A_286 = tpu.vector_load %arg10[%get3A_285] {strides = array<i32>} : memref<128xf32, #tpu.memory_space<vmem>>, vector<16xf32>,
                %get3A_287 = vector.shape_cast %get3A_286 : vector<16xf32> to vector<16xf32>
                %add3A_288 = arith.addf %add3A_284, %get3A_287 : vector<16xf32>
                %max3A = arith.constant 0.000000e+00 : f32
                %max3A_289 = vector.broadcast %max3A : f32 to vector<16xf32>
                %max3A_290 = arith.maximumf %add3A_288, %max3A_289 : vector<16xf32>
                %swap3A_291 = arith.index_cast %scan3A_267 : i32 to index
                %swap3A_292 = arith.constant 0 : index
                %swap3A_293 = tpu.vector_load %arg17[%swap3A_291, %swap3A_292] {strides = array<i32>} : memref<64x128xf32, #tpu.memory_space<vmem>>, vector<1x16xf32>,
                %swap3A_294 = vector.shape_cast %swap3A_293 : vector<1x16xf32> to vector<16xf32>
                %swap3A_295 = vector.shape_cast %max3A_290 : vector<16xf32> to vector<1x16xf32>
                tpu.vector_store %arg17[%swap3A_291, %swap3A_292], %swap3A_295 {strides = array<i32>} : memref<64x128xf32, #tpu.memory_space<vmem>>, vector<1x16xf32>,
                %get3A_296 = arith.index_cast %scan3A_267 : i32 to index
                %get3A_297 = arith.constant 16 : index
                %get3A_298 = tpu.vector_load %arg17[%get3A_296, %get3A_297] {strides = array<i32>} : memref<64x128xf32, #tpu.memory_space<vmem>>, vector<1x16xf32>,
                %get3A_299 = vector.shape_cast %get3A_298 : vector<1x16xf32> to vector<16xf32>
                %get3A_300 = arith.constant 16 : index
                %get3A_301 = tpu.vector_load %arg9[%get3A_300] {strides = array<i32>} : memref<128xf32, #tpu.memory_space<vmem>>, vector<16xf32>,
                %get3A_302 = vector.shape_cast %get3A_301 : vector<16xf32> to vector<16xf32>
                %mul3A_303 = vector.broadcast %squeeze3A : f32 to vector<16xf32>
                %mul3A_304 = arith.mulf %mul3A_303, %get3A_302 : vector<16xf32>
                %add3A_305 = arith.addf %get3A_299, %mul3A_304 : vector<16xf32>
                %get3A_306 = arith.constant 16 : index
                %get3A_307 = tpu.vector_load %arg10[%get3A_306] {strides = array<i32>} : memref<128xf32, #tpu.memory_space<vmem>>, vector<16xf32>,
                %get3A_308 = vector.shape_cast %get3A_307 : vector<16xf32> to vector<16xf32>
                %add3A_309 = arith.addf %add3A_305, %get3A_308 : vector<16xf32>
                %max3A_310 = arith.constant 0.000000e+00 : f32
                %max3A_311 = vector.broadcast %max3A_310 : f32 to vector<16xf32>
                %max3A_312 = arith.maximumf %add3A_309, %max3A_311 : vector<16xf32>
                %swap3A_313 = arith.index_cast %scan3A_267 : i32 to index
                %swap3A_314 = arith.constant 16 : index
                %swap3A_315 = tpu.vector_load %arg17[%swap3A_313, %swap3A_314] {strides = array<i32>} : memref<64x128xf32, #tpu.memory_space<vmem>>, vector<1x16xf32>,
                %swap3A_316 = vector.shape_cast %swap3A_315 : vector<1x16xf32> to vector<16xf32>
                %swap3A_317 = vector.shape_cast %max3A_312 : vector<16xf32> to vector<1x16xf32>
                tpu.vector_store %arg17[%swap3A_313, %swap3A_314], %swap3A_317 {strides = array<i32>} : memref<64x128xf32, #tpu.memory_space<vmem>>, vector<1x16xf32>,
                %get3A_318 = arith.index_cast %scan3A_267 : i32 to index
                %get3A_319 = arith.constant 32 : index
                %get3A_320 = tpu.vector_load %arg17[%get3A_318, %get3A_319] {strides = array<i32>} : memref<64x128xf32, #tpu.memory_space<vmem>>, vector<1x16xf32>,
                %get3A_321 = vector.shape_cast %get3A_320 : vector<1x16xf32> to vector<16xf32>
                %get3A_322 = arith.constant 32 : index
                %get3A_323 = tpu.vector_load %arg9[%get3A_322] {strides = array<i32>} : memref<128xf32, #tpu.memory_space<vmem>>, vector<16xf32>,
                %get3A_324 = vector.shape_cast %get3A_323 : vector<16xf32> to vector<16xf32>
                %mul3A_325 = vector.broadcast %squeeze3A : f32 to vector<16xf32>
                %mul3A_326 = arith.mulf %mul3A_325, %get3A_324 : vector<16xf32>
                %add3A_327 = arith.addf %get3A_321, %mul3A_326 : vector<16xf32>
                %get3A_328 = arith.constant 32 : index
                %get3A_329 = tpu.vector_load %arg10[%get3A_328] {strides = array<i32>} : memref<128xf32, #tpu.memory_space<vmem>>, vector<16xf32>,
                %get3A_330 = vector.shape_cast %get3A_329 : vector<16xf32> to vector<16xf32>
                %add3A_331 = arith.addf %add3A_327, %get3A_330 : vector<16xf32>
                %max3A_332 = arith.constant 0.000000e+00 : f32
                %max3A_333 = vector.broadcast %max3A_332 : f32 to vector<16xf32>
                %max3A_334 = arith.maximumf %add3A_331, %max3A_333 : vector<16xf32>
                %swap3A_335 = arith.index_cast %scan3A_267 : i32 to index
                %swap3A_336 = arith.constant 32 : index
                %swap3A_337 = tpu.vector_load %arg17[%swap3A_335, %swap3A_336] {strides = array<i32>} : memref<64x128xf32, #tpu.memory_space<vmem>>, vector<1x16xf32>,
                %swap3A_338 = vector.shape_cast %swap3A_337 : vector<1x16xf32> to vector<16xf32>
                %swap3A_339 = vector.shape_cast %max3A_334 : vector<16xf32> to vector<1x16xf32>
                tpu.vector_store %arg17[%swap3A_335, %swap3A_336], %swap3A_339 {strides = array<i32>} : memref<64x128xf32, #tpu.memory_space<vmem>>, vector<1x16xf32>,
                %get3A_340 = arith.index_cast %scan3A_267 : i32 to index
                %get3A_341 = arith.constant 48 : index
                %get3A_342 = tpu.vector_load %arg17[%get3A_340, %get3A_341] {strides = array<i32>} : memref<64x128xf32, #tpu.memory_space<vmem>>, vector<1x16xf32>,
                %get3A_343 = vector.shape_cast %get3A_342 : vector<1x16xf32> to vector<16xf32>
                %get3A_344 = arith.constant 48 : index
                %get3A_345 = tpu.vector_load %arg9[%get3A_344] {strides = array<i32>} : memref<128xf32, #tpu.memory_space<vmem>>, vector<16xf32>,
                %get3A_346 = vector.shape_cast %get3A_345 : vector<16xf32> to vector<16xf32>
                %mul3A_347 = vector.broadcast %squeeze3A : f32 to vector<16xf32>
                %mul3A_348 = arith.mulf %mul3A_347, %get3A_346 : vector<16xf32>
                %add3A_349 = arith.addf %get3A_343, %mul3A_348 : vector<16xf32>
                %get3A_350 = arith.constant 48 : index
                %get3A_351 = tpu.vector_load %arg10[%get3A_350] {strides = array<i32>} : memref<128xf32, #tpu.memory_space<vmem>>, vector<16xf32>,
                %get3A_352 = vector.shape_cast %get3A_351 : vector<16xf32> to vector<16xf32>
                %add3A_353 = arith.addf %add3A_349, %get3A_352 : vector<16xf32>
                %max3A_354 = arith.constant 0.000000e+00 : f32
                %max3A_355 = vector.broadcast %max3A_354 : f32 to vector<16xf32>
                %max3A_356 = arith.maximumf %add3A_353, %max3A_355 : vector<16xf32>
                %swap3A_357 = arith.index_cast %scan3A_267 : i32 to index
                %swap3A_358 = arith.constant 48 : index
                %swap3A_359 = tpu.vector_load %arg17[%swap3A_357, %swap3A_358] {strides = array<i32>} : memref<64x128xf32, #tpu.memory_space<vmem>>, vector<1x16xf32>,
                %swap3A_360 = vector.shape_cast %swap3A_359 : vector<1x16xf32> to vector<16xf32>
                %swap3A_361 = vector.shape_cast %max3A_356 : vector<16xf32> to vector<1x16xf32>
                tpu.vector_store %arg17[%swap3A_357, %swap3A_358], %swap3A_361 {strides = array<i32>} : memref<64x128xf32, #tpu.memory_space<vmem>>, vector<1x16xf32>,
                %get3A_362 = arith.index_cast %scan3A_267 : i32 to index
                %get3A_363 = arith.constant 64 : index
                %get3A_364 = tpu.vector_load %arg17[%get3A_362, %get3A_363] {strides = array<i32>} : memref<64x128xf32, #tpu.memory_space<vmem>>, vector<1x16xf32>,
                %get3A_365 = vector.shape_cast %get3A_364 : vector<1x16xf32> to vector<16xf32>
                %get3A_366 = arith.constant 64 : index
                %get3A_367 = tpu.vector_load %arg9[%get3A_366] {strides = array<i32>} : memref<128xf32, #tpu.memory_space<vmem>>, vector<16xf32>,
                %get3A_368 = vector.shape_cast %get3A_367 : vector<16xf32> to vector<16xf32>
                %mul3A_369 = vector.broadcast %squeeze3A : f32 to vector<16xf32>
                %mul3A_370 = arith.mulf %mul3A_369, %get3A_368 : vector<16xf32>
                %add3A_371 = arith.addf %get3A_365, %mul3A_370 : vector<16xf32>
                %get3A_372 = arith.constant 64 : index
                %get3A_373 = tpu.vector_load %arg10[%get3A_372] {strides = array<i32>} : memref<128xf32, #tpu.memory_space<vmem>>, vector<16xf32>,
                %get3A_374 = vector.shape_cast %get3A_373 : vector<16xf32> to vector<16xf32>
                %add3A_375 = arith.addf %add3A_371, %get3A_374 : vector<16xf32>
                %max3A_376 = arith.constant 0.000000e+00 : f32
                %max3A_377 = vector.broadcast %max3A_376 : f32 to vector<16xf32>
                %max3A_378 = arith.maximumf %add3A_375, %max3A_377 : vector<16xf32>
                %swap3A_379 = arith.index_cast %scan3A_267 : i32 to index
                %swap3A_380 = arith.constant 64 : index
                %swap3A_381 = tpu.vector_load %arg17[%swap3A_379, %swap3A_380] {strides = array<i32>} : memref<64x128xf32, #tpu.memory_space<vmem>>, vector<1x16xf32>,
                %swap3A_382 = vector.shape_cast %swap3A_381 : vector<1x16xf32> to vector<16xf32>
                %swap3A_383 = vector.shape_cast %max3A_378 : vector<16xf32> to vector<1x16xf32>
                tpu.vector_store %arg17[%swap3A_379, %swap3A_380], %swap3A_383 {strides = array<i32>} : memref<64x128xf32, #tpu.memory_space<vmem>>, vector<1x16xf32>,
                %get3A_384 = arith.index_cast %scan3A_267 : i32 to index
                %get3A_385 = arith.constant 80 : index
                %get3A_386 = tpu.vector_load %arg17[%get3A_384, %get3A_385] {strides = array<i32>} : memref<64x128xf32, #tpu.memory_space<vmem>>, vector<1x16xf32>,
                %get3A_387 = vector.shape_cast %get3A_386 : vector<1x16xf32> to vector<16xf32>
                %get3A_388 = arith.constant 80 : index
                %get3A_389 = tpu.vector_load %arg9[%get3A_388] {strides = array<i32>} : memref<128xf32, #tpu.memory_space<vmem>>, vector<16xf32>,
                %get3A_390 = vector.shape_cast %get3A_389 : vector<16xf32> to vector<16xf32>
                %mul3A_391 = vector.broadcast %squeeze3A : f32 to vector<16xf32>
                %mul3A_392 = arith.mulf %mul3A_391, %get3A_390 : vector<16xf32>
                %add3A_393 = arith.addf %get3A_387, %mul3A_392 : vector<16xf32>
                %get3A_394 = arith.constant 80 : index
                %get3A_395 = tpu.vector_load %arg10[%get3A_394] {strides = array<i32>} : memref<128xf32, #tpu.memory_space<vmem>>, vector<16xf32>,
                %get3A_396 = vector.shape_cast %get3A_395 : vector<16xf32> to vector<16xf32>
                %add3A_397 = arith.addf %add3A_393, %get3A_396 : vector<16xf32>
                %max3A_398 = arith.constant 0.000000e+00 : f32
                %max3A_399 = vector.broadcast %max3A_398 : f32 to vector<16xf32>
                %max3A_400 = arith.maximumf %add3A_397, %max3A_399 : vector<16xf32>
                %swap3A_401 = arith.index_cast %scan3A_267 : i32 to index
                %swap3A_402 = arith.constant 80 : index
                %swap3A_403 = tpu.vector_load %arg17[%swap3A_401, %swap3A_402] {strides = array<i32>} : memref<64x128xf32, #tpu.memory_space<vmem>>, vector<1x16xf32>,
                %swap3A_404 = vector.shape_cast %swap3A_403 : vector<1x16xf32> to vector<16xf32>
                %swap3A_405 = vector.shape_cast %max3A_400 : vector<16xf32> to vector<1x16xf32>
                tpu.vector_store %arg17[%swap3A_401, %swap3A_402], %swap3A_405 {strides = array<i32>} : memref<64x128xf32, #tpu.memory_space<vmem>>, vector<1x16xf32>,
                %get3A_406 = arith.index_cast %scan3A_267 : i32 to index
                %get3A_407 = arith.constant 96 : index
                %get3A_408 = tpu.vector_load %arg17[%get3A_406, %get3A_407] {strides = array<i32>} : memref<64x128xf32, #tpu.memory_space<vmem>>, vector<1x16xf32>,
                %get3A_409 = vector.shape_cast %get3A_408 : vector<1x16xf32> to vector<16xf32>
                %get3A_410 = arith.constant 96 : index
                %get3A_411 = tpu.vector_load %arg9[%get3A_410] {strides = array<i32>} : memref<128xf32, #tpu.memory_space<vmem>>, vector<16xf32>,
                %get3A_412 = vector.shape_cast %get3A_411 : vector<16xf32> to vector<16xf32>
                %mul3A_413 = vector.broadcast %squeeze3A : f32 to vector<16xf32>
                %mul3A_414 = arith.mulf %mul3A_413, %get3A_412 : vector<16xf32>
                %add3A_415 = arith.addf %get3A_409, %mul3A_414 : vector<16xf32>
                %get3A_416 = arith.constant 96 : index
                %get3A_417 = tpu.vector_load %arg10[%get3A_416] {strides = array<i32>} : memref<128xf32, #tpu.memory_space<vmem>>, vector<16xf32>,
                %get3A_418 = vector.shape_cast %get3A_417 : vector<16xf32> to vector<16xf32>
                %add3A_419 = arith.addf %add3A_415, %get3A_418 : vector<16xf32>
                %max3A_420 = arith.constant 0.000000e+00 : f32
                %max3A_421 = vector.broadcast %max3A_420 : f32 to vector<16xf32>
                %max3A_422 = arith.maximumf %add3A_419, %max3A_421 : vector<16xf32>
                %swap3A_423 = arith.index_cast %scan3A_267 : i32 to index
                %swap3A_424 = arith.constant 96 : index
                %swap3A_425 = tpu.vector_load %arg17[%swap3A_423, %swap3A_424] {strides = array<i32>} : memref<64x128xf32, #tpu.memory_space<vmem>>, vector<1x16xf32>,
                %swap3A_426 = vector.shape_cast %swap3A_425 : vector<1x16xf32> to vector<16xf32>
                %swap3A_427 = vector.shape_cast %max3A_422 : vector<16xf32> to vector<1x16xf32>
                tpu.vector_store %arg17[%swap3A_423, %swap3A_424], %swap3A_427 {strides = array<i32>} : memref<64x128xf32, #tpu.memory_space<vmem>>, vector<1x16xf32>,
                %get3A_428 = arith.index_cast %scan3A_267 : i32 to index
                %get3A_429 = arith.constant 112 : index
                %get3A_430 = tpu.vector_load %arg17[%get3A_428, %get3A_429] {strides = array<i32>} : memref<64x128xf32, #tpu.memory_space<vmem>>, vector<1x16xf32>,
                %get3A_431 = vector.shape_cast %get3A_430 : vector<1x16xf32> to vector<16xf32>
                %get3A_432 = arith.constant 112 : index
                %get3A_433 = tpu.vector_load %arg9[%get3A_432] {strides = array<i32>} : memref<128xf32, #tpu.memory_space<vmem>>, vector<16xf32>,
                %get3A_434 = vector.shape_cast %get3A_433 : vector<16xf32> to vector<16xf32>
                %mul3A_435 = vector.broadcast %squeeze3A : f32 to vector<16xf32>
                %mul3A_436 = arith.mulf %mul3A_435, %get3A_434 : vector<16xf32>
                %add3A_437 = arith.addf %get3A_431, %mul3A_436 : vector<16xf32>
                %get3A_438 = arith.constant 112 : index
                %get3A_439 = tpu.vector_load %arg10[%get3A_438] {strides = array<i32>} : memref<128xf32, #tpu.memory_space<vmem>>, vector<16xf32>,
                %get3A_440 = vector.shape_cast %get3A_439 : vector<16xf32> to vector<16xf32>
                %add3A_441 = arith.addf %add3A_437, %get3A_440 : vector<16xf32>
                %max3A_442 = arith.constant 0.000000e+00 : f32
                %max3A_443 = vector.broadcast %max3A_442 : f32 to vector<16xf32>
                %max3A_444 = arith.maximumf %add3A_441, %max3A_443 : vector<16xf32>
                %swap3A_445 = arith.index_cast %scan3A_267 : i32 to index
                %swap3A_446 = arith.constant 112 : index
                %swap3A_447 = tpu.vector_load %arg17[%swap3A_445, %swap3A_446] {strides = array<i32>} : memref<64x128xf32, #tpu.memory_space<vmem>>, vector<1x16xf32>,
                %swap3A_448 = vector.shape_cast %swap3A_447 : vector<1x16xf32> to vector<16xf32>
                %swap3A_449 = vector.shape_cast %max3A_444 : vector<16xf32> to vector<1x16xf32>
                tpu.vector_store %arg17[%swap3A_445, %swap3A_446], %swap3A_449 {strides = array<i32>} : memref<64x128xf32, #tpu.memory_space<vmem>>, vector<1x16xf32>,
                %scan3A_450 = arith.constant 0 : i32
                scf.yield %scan3A_450 : i32
              }
              %scan3A_263 = arith.constant 64 : i32
              %dma_start3A_264 = arith.constant 0 : i32
              %dma_start3A_265 = arith.constant 0 : i32
              %dma_start3A_266 = tpu.memref_slice %arg22[%dma_start3A_264, %dma_start3A_265] : memref<13320x128xf32, #tpu.memory_space<vmem_shared>> -> memref<13320x128xf32, #tpu.memory_space<vmem_shared>>
              tpu.enqueue_indirect_dma source(%arg17 : memref<64x128xf32, #tpu.memory_space<vmem>>) target(%dma_start3A_266 : memref<13320x128xf32, #tpu.memory_space<vmem_shared>>) offsets(%arg21 : memref<64xi32, #tpu.memory_space<vmem>>) semaphore(%arg24 : memref<!tpu.dma_semaphore, #tpu.memory_space<semaphore_mem>>) {add = true}
            } else {
            }
            %while3A_244 = arith.constant 0 : i32
            scf.yield %while3A_244 : i32
          }
          %ge3A = arith.constant 2 : i32
          %ge3A_219 = arith.cmpi sge, %select_n3A_109, %ge3A : i32
          %convert_element_type3A_220 = arith.extui %ge3A_219 : i1 to i32
          %cond3A_221 = arith.constant 0 : i32
          %cond3A_222 = arith.cmpi ne, %convert_element_type3A_220, %cond3A_221 : i32
          scf.if %cond3A_222 {
            %dma_wait3A = arith.constant 0 : i32
            %dma_wait3A_228 = arith.constant 0 : i32
            %dma_wait3A_229 = tpu.memref_slice %arg22[%dma_wait3A, %dma_wait3A_228] : memref<13320x128xf32, #tpu.memory_space<vmem_shared>> -> memref<13320x128xf32, #tpu.memory_space<vmem_shared>>
            tpu.wait_indirect_dma semaphore(%arg24 : memref<!tpu.dma_semaphore, #tpu.memory_space<semaphore_mem>>) src(%arg16 : memref<64x128xf32, #tpu.memory_space<vmem>>) dst(%dma_wait3A_229 : memref<13320x128xf32, #tpu.memory_space<vmem_shared>>)
          } else {
          }
          %ge3A_223 = arith.constant 1 : i32
          %ge3A_224 = arith.cmpi sge, %select_n3A_109, %ge3A_223 : i32
          %convert_element_type3A_225 = arith.extui %ge3A_224 : i1 to i32
          %cond3A_226 = arith.constant 0 : i32
          %cond3A_227 = arith.cmpi ne, %convert_element_type3A_225, %cond3A_226 : i32
          scf.if %cond3A_227 {
            %dma_wait3A = arith.constant 0 : i32
            %dma_wait3A_228 = arith.constant 0 : i32
            %dma_wait3A_229 = tpu.memref_slice %arg22[%dma_wait3A, %dma_wait3A_228] : memref<13320x128xf32, #tpu.memory_space<vmem_shared>> -> memref<13320x128xf32, #tpu.memory_space<vmem_shared>>
            tpu.wait_indirect_dma semaphore(%arg24 : memref<!tpu.dma_semaphore, #tpu.memory_space<semaphore_mem>>) src(%arg17 : memref<64x128xf32, #tpu.memory_space<vmem>>) dst(%dma_wait3A_229 : memref<13320x128xf32, #tpu.memory_space<vmem_shared>>)
          } else {
          }
        } else {
        }
      } else {
      }
      %barrier3A_27 = arith.constant 0 : index
      tpu.barrier barrier_id(%barrier3A_27)
      %convert_element_type3A_28 = arith.extui %eq3A_20 : i1 to i32
      %cond3A_29 = arith.constant 0 : i32
      %cond3A_30 = arith.cmpi ne, %convert_element_type3A_28, %cond3A_29 : i32
      scf.if %cond3A_30 {
        %mul3A_33 = arith.constant 832 : i32
        %mul3A_34 = arith.muli %arg1, %mul3A_33 : i32
        %mul3A_35 = arith.constant 832 : i32
        %mul3A_36 = arith.muli %arg1, %mul3A_35 : i32
        %add3A_37 = arith.addi %mul3A_22, %mul3A_36 : i32
        "tpu.region"() ({
          %run_scoped3A = tpu.sem_alloc : memref<!tpu.dma_semaphore, #tpu.memory_space<semaphore_mem>>
          %dma_start3A = arith.constant 0 : i32
          %dma_start3A_38 = tpu.memref_slice %arg8[%add3A_37, %dma_start3A] : memref<53256x128xf32, #tpu.memory_space<hbm>> -> memref<832x128xf32, #tpu.memory_space<hbm>>
          %dma_start3A_39 = arith.constant 0 : i32
          %dma_start3A_40 = tpu.memref_slice %arg22[%mul3A_34, %dma_start3A_39] : memref<13320x128xf32, #tpu.memory_space<vmem_shared>> -> memref<832x128xf32, #tpu.memory_space<vmem_shared>>
          tpu.enqueue_dma source(%dma_start3A_40 : memref<832x128xf32, #tpu.memory_space<vmem_shared>>) target(%dma_start3A_38 : memref<832x128xf32, #tpu.memory_space<hbm>>) target_semaphore(%run_scoped3A : memref<!tpu.dma_semaphore, #tpu.memory_space<semaphore_mem>>)
          %dma_wait3A = arith.constant 0 : i32
          %dma_wait3A_41 = tpu.memref_slice %arg8[%add3A_37, %dma_wait3A] : memref<53256x128xf32, #tpu.memory_space<hbm>> -> memref<832x128xf32, #tpu.memory_space<hbm>>
          %dma_wait3A_42 = arith.constant 0 : i32
          %dma_wait3A_43 = tpu.memref_slice %arg22[%mul3A_34, %dma_wait3A_42] : memref<13320x128xf32, #tpu.memory_space<vmem_shared>> -> memref<832x128xf32, #tpu.memory_space<vmem_shared>>
          tpu.wait_dma2 semaphore(%run_scoped3A : memref<!tpu.dma_semaphore, #tpu.memory_space<semaphore_mem>>) src(%dma_wait3A_43 : memref<832x128xf32, #tpu.memory_space<vmem_shared>>) dst(%dma_wait3A_41 : memref<832x128xf32, #tpu.memory_space<hbm>>)
          tpu.yield
        }) : () -> ()
      } else {
      }
      %barrier3A_31 = arith.constant 0 : index
      tpu.barrier barrier_id(%barrier3A_31)
      %scan3A_32 = arith.constant 0 : i32
      scf.yield %scan3A_32 : i32
    }
    %scan3A_9 = arith.constant 4 : i32
    return
  }
}

</mosaic_0001>

<sc_bundles>
// kernel: _sc_aggregate.3.cloned.1.call-start
scs
__scs_entry_jumppad:
0x0: {  	(pc) =	sbr.rel $0x88, $3  }
0x1: {  	(tag) =	ssettag $0x0;
	lr =	simm.s32 $0x1  }
0x2: {  	[smem:$0x3F9B] =	sst lr;
	_ =	strace $0xD0000000  }
0x3: {  	_ = 	snop  }
0x4: {  	_ = 	snop  }
0x5: {  	_ = 	snop  }
0x6: {  	_ = 	snop  }
0x7: {  	_ = 	snop  }
__scs_overlays_trampoline_lowered:
0x8: {  	[smem:$0x3FAA] =	sst s0  }
0x9: {  	[smem:$0x3FAB] =	sst s1  }
0xa: {  	[smem:$0x3FAC] =	sst s2  }
0xb: {  	[smem:$0x3FAD] =	sst s3  }
0xc: {  	[smem:$0x3FAE] =	sst s4  }
0xd: {  	[smem:$0x3FAF] =	sst s5  }
0xe: {  	[smem:$0x3FB0] =	sst s6  }
0xf: {  	[smem:$0x3FB1] =	sst s7  }
0x10: {  	[smem:$0x3FB2] =	sst s8  }
0x11: {  	[smem:$0x3FB3] =	sst s9;
	s0 =	simm.s32 @!p0 $0x0  }
0x12: {  	s1 =	sld [smem:$0x3F99];
	s0 =	simm.s32 @p0 $0x1  }
0x13: {  	[smem:$0x3FB4] =	sst s0;
	s0 =	simm.s32 @!p1 $0x0  }
0x14: {  	s2 =	sld [smem:$0x3F98];
	s0 =	simm.s32 @p1 $0x1  }
0x15: {  	[smem:$0x3FB5] =	sst s0;
	s0 =	simm.s32 @!p2 $0x0  }
0x16: {  	s3 =	sld [smem:$0x3FDB];
	s0 =	simm.s32 @p2 $0x1  }
0x17: {  	s4 =	simm.s32 $0x1BF5;
	[smem:$0x3FB7] =	sst s0  }
0x18: {  	s0 =	sld [smem:$0x3F9A];
	_ =	swait.ge [sflag:s4], $0x0  }
0x19: {  	s7 =	sld [smem:$0x3F9B]  }
0x1a: {  	s8 =	sadd.s32 $0xFFFFE003, lr  }
0x1b: {  	s9 =	sadd.s32 $0xFFFFFEF7, lr;
	s5 =	simm.s32 $0xFFFFFFFF;
	p2 =	slt.u32 s8, $0xFFFFF086  }
0x1c: {  	p1 =	slt.u32 s9, $0xF7A;
	s5 =	simm.s32 @!p2 $0x0  }
0x1d: {  	s5 =	simm.s32 @p1 $0x1;
	p0 =	seq.s32 s7, s2  }
0x1e: {  	s7 =	smul.u32 @!p0 $0xF7A, s2;
	p2 =	seq.s32 @!p0 s5, $0x0  }
0x1f: {  	s9 =	smul.u32 $0xF7A, s1;
	s8 =	simm.s32 @!p0 $0x1BF5;
	p2 =	por !p2, p0  }
0x20: {  	[sflag:s8] =	ssyncset.s32 @!p0 $0xFFFFF086;
	s6 =	sadd.s32 @!p0 s3, s7;
	s7 =	simm.s32 @!p0 $0x108  }
0x21: {  	s3 =	sadd.s32 s3, s9;
	s6 =	sadd.s32 @!p0 $0x88, s6;
	s7 =	simm.s32 @p2 $0x1082  }
0x22: {  	[simem:s7], [sflag:s8] =	dma.local @!p0 [hbm:s6], $0xF7A  }
0x23: {  	s9 =	sor.u32 $0xD0000000, s2;
	s6 =	simm.s32 $0x108;
	_ =	swait.ge @!p0 [sflag:s8], $0x0  }
0x24: {  	s3 =	sadd.s32 $0x88, s3;
	s6 =	simm.s32 @!p1 $0x1082;
	[sflag:s4] =	ssyncset.s32 $0xFFFFF086  }
0x25: {  	[simem:s6], [sflag:s4] =	dma.local [hbm:s3], $0xF7A  }
0x26: {  	[smem:$0x3F9B] =	sst s1;
	(tag) =	ssettag s2;
	_ =	strace s9  }
0x27: {  	s1 =	sld [smem:$0x3FAB]  }
0x28: {  	s2 =	sld [smem:$0x3FAC]  }
0x29: {  	s4 =	sld [smem:$0x3FAE]  }
0x2a: {  	p0 =	seq.s32 s5, $0x0;
	s5 =	sld [smem:$0x3FAF]  }
0x2b: {  	s6 =	sld [smem:$0x3FB0]  }
0x2c: {  	s7 =	sld [smem:$0x3FB1]  }
0x2d: {  	s3 =	simm.s32 $0x108;
	s8 =	sld [smem:$0x3FB2]  }
0x2e: {  	s3 =	simm.s32 @!p0 $0x1082;
	s9 =	sld [smem:$0x3FB3]  }
0x2f: {  	lr =	sadd.s32 s0, s3;
	s0 =	sld [smem:$0x3FAA]  }
0x30: {  	s3 =	sld [smem:$0x3FAD]  }
0x31: {  	[smem:$0x3FB6] =	sst s10  }
0x32: {  	s10 =	sld [smem:$0x3FB4];
	_ =	sdelay $0x3  }
0x33: {  	p0 =	seq.s32 s10, $0x1;
	s10 =	sld [smem:$0x3FB6];
	_ =	sdelay $0x3  }
0x34: {  	[smem:$0x3FB6] =	sst s10  }
0x35: {  	s10 =	sld [smem:$0x3FB5];
	_ =	sdelay $0x3  }
0x36: {  	p1 =	seq.s32 s10, $0x1;
	s10 =	sld [smem:$0x3FB6];
	_ =	sdelay $0x3  }
0x37: {  	[smem:$0x3FB6] =	sst s10  }
0x38: {  	s10 =	sld [smem:$0x3FB7]  }
0x39: {  	_ = 	snop;
	(pc) =	sbr.ind lr, $3  }
0x3a: {  	_ = 	snop  }
0x3b: {  	_ = 	snop  }
0x3c: {  	p2 =	seq.s32 s10, $0x1;
	s10 =	sld [smem:$0x3FB6]  }
0x3d: {  	_ =	shalt  }
0x3e: {  	_ =	shalt  }
0x3f: {  	_ =	shalt  }
0x40: {  	_ =	shalt  }
0x41: {  	_ =	shalt  }
0x42: {  	_ =	shalt  }
0x43: {  	_ =	shalt  }
0x44: {  	_ =	shalt  }
0x45: {  	_ =	shalt  }
0x46: {  	_ =	shalt  }
0x47: {  	_ =	shalt  }
0x48: {  	_ =	shalt  }
0x49: {  	_ =	shalt  }
0x4a: {  	_ =	shalt  }
0x4b: {  	_ =	shalt  }
0x4c: {  	_ =	shalt  }
0x4d: {  	_ =	shalt  }
0x4e: {  	_ =	shalt  }
0x4f: {  	_ =	shalt  }
0x50: {  	_ =	shalt  }
0x51: {  	_ =	shalt  }
0x52: {  	_ =	shalt  }
0x53: {  	_ =	shalt  }
0x54: {  	_ =	shalt  }
0x55: {  	_ =	shalt  }
0x56: {  	_ =	shalt  }
0x57: {  	_ =	shalt  }
0x58: {  	_ =	shalt  }
0x59: {  	_ =	shalt  }
0x5a: {  	_ =	shalt  }
0x5b: {  	_ =	shalt  }
0x5c: {  	_ =	shalt  }
0x5d: {  	_ =	shalt  }
0x5e: {  	_ =	shalt  }
0x5f: {  	_ =	shalt  }
0x60: {  	_ =	shalt  }
0x61: {  	_ =	shalt  }
0x62: {  	_ =	shalt  }
0x63: {  	_ =	shalt  }
0x64: {  	_ =	shalt  }
0x65: {  	_ =	shalt  }
0x66: {  	_ =	shalt  }
0x67: {  	_ =	shalt  }
0x68: {  	_ =	shalt  }
0x69: {  	_ =	shalt  }
0x6a: {  	_ =	shalt  }
0x6b: {  	_ =	shalt  }
0x6c: {  	_ =	shalt  }
0x6d: {  	_ =	shalt  }
0x6e: {  	_ =	shalt  }
0x6f: {  	_ =	shalt  }
0x70: {  	_ =	shalt  }
0x71: {  	_ =	shalt  }
0x72: {  	_ =	shalt  }
0x73: {  	_ =	shalt  }
0x74: {  	_ =	shalt  }
0x75: {  	_ =	shalt  }
0x76: {  	_ =	shalt  }
0x77: {  	_ =	shalt  }
0x78: {  	_ =	shalt  }
0x79: {  	_ =	shalt  }
0x7a: {  	_ =	shalt  }
0x7b: {  	_ =	shalt  }
0x7c: {  	_ =	shalt  }
0x7d: {  	_ =	shalt  }
0x7e: {  	_ =	shalt  }
0x7f: {  	_ =	shalt  }
0x80: {  	_ =	shalt  }
0x81: {  	_ =	shalt  }
0x82: {  	_ =	shalt  }
0x83: {  	_ =	shalt  }
0x84: {  	_ =	shalt  }
0x85: {  	_ =	shalt  }
0x86: {  	_ =	shalt  }
0x87: {  	_ =	shalt  }
.Lfunc_end0:
.L_simem_size_0:
called_computation_lowered:
.L_overlay_start_0:
0x88: {  	s2 =	sld [smem:$0x3FD9]  }
0x89: {  	s3 =	sld [smem:$0x3FFE];
	_ =	sdelay $0x1  }
0x8a: {  	s1 =	srdreg.scid  }
0x8b: {  	s0 =	sand.u32 $0x1, s1  }
0x8c: {  	s17 =	sshll.u32 s0, $0xA;
	s2 =	sadd.s32 s3, s2  }
0x8d: {  	s2 =	sadd.s32 s2, s17  }
0x8e: {  	[smem:$0x3FC2] =	sst s2  }
0x8f: {  	_ = 	snop  }
0x90: {  	s2 =	sld [smem:$0x3FC9]  }
0x91: {  	s18 =	sld [smem:$0x3FC5]  }
0x92: {  	s4 =	sld [smem:$0x3FC4]  }
0x93: {  	s5 =	sld [smem:$0x3FD0];
	(tm) =	ssettm $0x1  }
0x94: {  	s6 =	sld [smem:$0x3FFB];
	_ =	sdelay $0x3  }
0x95: {  	_ =	strace s6  }
0x96: {  	s6 =	sld [smem:$0x3FFC];
	_ =	sdelay $0x3  }
0x97: {  	_ =	strace s6  }
0x98: {  	s6 =	sld [smem:$0x3FFD];
	_ =	sdelay $0x3  }
0x99: {  	_ =	strace s6  }
0x9a: {  	_ =	strace $0x8FFFFFFF  }
0x9b: {  	s19 =	sld [smem:$0x3FDB];
	_ =	sdelay $0x1  }
0x9c: {  	s7 =	simm.s32 $_scs_section_size  }
0x9d: {  	s8 =	simm.s32 $_size__tile_overlayer_lowered;
	s9 =	simm.s32 $_tile_overlayer_lowered  }
0x9e: {  	s22 =	simm.s32 $0x1BFF;
	s21 =	sshll.u32 s9, $0x1;
	s6 =	sadd.s32 s7, s19  }
0x9f: {  	s10 =	simm.s32 $0x0;
	s20 =	sshll.u32 s8, $0x1;
	s8 =	sadd.s32 s21, s6  }
0xa0: {  	[timem:s10], [sflag:s22] =	dma.local [hbm:s8], s20  }
0xa1: {  	_ =	swait.ge [sflag:s22], s20  }
0xa2: {  	s7 =	ssub.s32 $0x0, s20;
	[sflag:s22] =	ssyncset.done $0x0  }
0xa3: {  	[sflag:s22] =	ssyncadd.s32 s7;
	_ =	sdelay $0x1  }
0xa4: {  	s23 =	simm.s32 $0x1B8B  }
0xa5: {  	_ =	swait.ge [sflag:s23], $0x1  }
0xa6: {  	[sflag:s23] =	ssyncset.done $0x0  }
0xa7: {  	s25 =	simm.s32 $0x1B8E;
	s24 =	sld [smem:$0x3FFE];
	[sflag:s23] =	ssyncadd.s32 $0xFFFFFFFF  }
0xa8: {  	s26 =	simm.s32 $execute0_lowered;
	[smem:$0x3FD2] =	sst s25  }
0xa9: {  	s8 =	sshll.u32 s26, $0x1;
	_ =	strace $0x80000046;
	[dreg:$0x1] =	wrdreg $0xFFFFFFFF  }
0xaa: {  	s28 =	simm.s32 $_size_execute0_lowered;
	s6 =	sadd.s32 s6, s8;
	[dreg:$0x0] =	wrdreg $0x0  }
0xab: {  	s8 =	sshll.u32 s28, $0x1;
	[dreg:$0x2] =	wrdreg s6  }
0xac: {  	[dreg:$0x3] =	wrdreg s8  }
0xad: {  	[dreg:$0x4] =	wrdreg $0xC0  }
0xae: {  	_ =	task [dreg:s10], $0x5FFFF  }
0xaf: {  	[dreg:$0x1] =	wrdreg $0xFFFFFFFF  }
0xb0: {  	[dreg:$0x0] =	wrdreg $0x60  }
0xb1: {  	[dreg:$0x2] =	wrdreg s2  }
0xb2: {  	[dreg:$0x3] =	wrdreg s5  }
0xb3: {  	[dreg:$0x4] =	wrdreg s24  }
0xb4: {  	[dreg:$0x5] =	wrdreg s18  }
0xb5: {  	[dreg:$0x6] =	wrdreg s4  }
0xb6: {  	[dreg:$0x7] =	wrdreg $0x5A000  }
0xb7: {  	[dreg:$0x8] =	wrdreg $0x9  }
0xb8: {  	_ =	task.clear_ibuf [dreg:s10], $0x9FFFF;
	_ =	strace $0x90000046  }
0xb9: {  	s29 =	simm.s32 $0x9;
	_ =	strace $0x80000048  }
0xba: {  	_ =	swait.ge [sflag:s29], $0x1  }
0xbb: {  	[sflag:s29] =	ssyncadd.s32 $0xFFFFFFFF  }
0xbc: {  	_ =	strace $0x90000048  }
0xbd: {  	_ =	sfence  }
0xbe: {  	s30 =	sld [smem:$0x0];
	_ =	sdelay $0x2  }
0xbf: {  	s31 =	sshll.u32 s1, $0xD;
	s1 =	sshrl.u32 s1, $0x2  }
0xc0: {  	s3 =	sand.u32 $0x4000, s31;
	s1 =	sadd.s32 s1, s30  }
0xc1: {  	s0 =	sor.u32 s3, s0;
	s1 =	sshll.u32 s1, $0x11  }
0xc2: {  	s0 =	sor.u32 s1, s0  }
0xc3: {  	s0 =	sadd.s32 $0x8F2B, s0  }
0xc4: {  	[sflag:s0] =	ssyncadd.remote.s32 $0x1  }
0xc5: {  	_ =	sfence.sel $0xFFFF  }
0xc6: {  	[dreg:$0x0] =	wrdreg $0xFFFFFFFF;
	(pc) =	sbr.abs _section_cstart, $3  }
0xc7: {  	[dreg:$0x1] =	wrdreg $0xFFFFFFFF  }
0xc8: {  	_ =	task.clear_ibuf [dreg:s10], $0x2FFFF;
	_ =	strace $0x9FFFFFFF  }
0xc9: {  	(tm) =	ssettm $0x7FFFFFFF  }
tec
execute0_lowered:
.L_overlay_start_1:
0x0: {  	(tag) =	ssettag $0x1  }
0x1: {  	v0 =	vimm.s32 $0xEDCBA987  }
0x2: {  	v1 =	vimm.s32 $0x65432100;
	s0 =	rddreg [dreg:$0x0];
	v0 =	vunpack.c.l.s4.s8 v0  }
0x3: {  	s2 =	rddreg [dreg:$0x2];
	v1 =	vunpack.c.l.s4.s8 v1  }
0x4: {  	s5 =	rddreg [dreg:$0x5];
	v2 =	vunpack.c.0.s8.s32 v0  }
0x5: {  	s1 =	simm.s32 $0x0;
	s3 =	srdreg.scid;
	s13 =	stileid.u32;
	v3 =	vunpack.c.0.s8.s32 v1  }
0x6: {  	v5 =	vimm.s32 $0xBA987654;
	[smem:$0x7FF] =	sst s1;
	s14 =	smul.u32 $0x68000, s13;
	v2 =	vand.u32 $0xF, v2  }
0x7: {  	v4 =	vimm.s32 $0x54321000;
	s9 =	sadd.s32 $0x800, s2;
	s10 =	sadd.s32 $0x10000, s2;
	s2 =	sadd.s32 $0x1F800, s2;
	v2 =	vcombine.low v3, v2;
	v3 =	vimm.s32 $0xDCBA9876  }
0x8: {  	v6 =	vimm.s32 $0x32100000;
	vm0 =	vmmov $0x3;
	s29 =	sadd.s32 $0x1A0000, s5;
	_ =	strace $0x80000047;
	[dreg:$0x8] =	wrdreg s2;
	v3 =	vunpack.c.l.s4.s8 v3  }
0x9: {  	vm1 =	vmmov $0xf;
	v9 =	vimm.s32 $0x87654321;
	v4 =	vunpack.c.l.s4.s8 v4;
	s8 =	sand.u32 $0x1, s3;
	s1 =	smul.u32 $0x340, s13;
	[dreg:$0x17] =	wrdreg s29  }
0xa: {  	v5 =	vunpack.c.l.s4.s8 v5;
	[dreg:$0x7] =	wrdreg s8;
	s3 =	sshrl.u32 s14, $0x2;
	v7 =	vunpack.c.0.s8.s32 v3;
	v3 =	vimm.s32 $0xE40000  }
0xb: {  	v10 =	vimm.s32 $0x7060504;
	v6 =	vunpack.c.l.s4.s8 v6;
	[dreg:$0x18] =	wrdreg s1;
	s19 =	sadd.s32 s3, s5;
	v8 =	vunpack.c.l.s2.s4 v3  }
0xc: {  	vm2 =	vcmask $0x3F30;
	s30 =	simm.s32 $0x3;
	v4 =	vunpack.c.0.s8.s32 v4;
	v5 =	vunpack.c.0.s8.s32 v5;
	s3 =	sadd.s32 $0x2000, s19;
	[dreg:$0x9] =	wrdreg s19  }
0xd: {  	s31 =	simm.s32 $0x900;
	v6 =	vunpack.c.0.s8.s32 v6;
	s16 =	sadd.s32 $0x4000, s19;
	[dreg:$0xa] =	wrdreg s3;
	v7 =	vand.u32 $0xF, v7;
	v8 =	vunpack.c.l.s4.s8 v8  }
0xe: {  	v11 =	vimm.s32 $0xFFFEDCBA;
	s6 =	simm.s32 $0x1;
	s17 =	sadd.s32 $0x6000, s19;
	[dreg:$0xb] =	wrdreg s16;
	v4 =	vcombine.low v4, v7;
	v7 =	vand.u32 $0xF, v5  }
0xf: {  	s11 =	simm.s32 $0x5900;
	s18 =	sadd.s32 $0x8000, s19;
	[dreg:$0xc] =	wrdreg s17;
	v5 =	vcombine.low v6, v7;
	v6 =	vunpack.c.0.s8.s32 v8;
	v8 =	vimm.s32 $0xFFEDCBA9  }
0x10: {  	v12 =	vimm.s32 $0xF0E0D0C;
	s7 =	simm.s32 $0x0;
	v9 =	vunpack.c.l.s4.s8 v9;
	s20 =	sadd.s32 $0xA000, s19;
	[dreg:$0xd] =	wrdreg s18;
	v8 =	vunpack.c.l.s4.s8 v8  }
0x11: {  	vm3 =	vcmask $0x1F00;
	vm4 =	vcmask $0x2F20;
	s12 =	smul.u32 $0x7C00, s13;
	v10 =	vunpack.c.0.s8.s32 v10;
	s21 =	sadd.s32 $0xC000, s19;
	[dreg:$0xe] =	wrdreg s20  }
0x12: {  	p0 =	sne.s32 s13, $0x0;
	v9 =	vunpack.c.0.s8.s32 v9;
	s22 =	sadd.s32 $0xE000, s19;
	[dreg:$0xf] =	wrdreg s21;
	v6 =	vand.u32 $0x3, v6;
	v8 =	vunpack.c.0.s8.s32 v8  }
0x13: {  	s4 =	ssub.s32 $0x2, s8;
	s23 =	sadd.s32 $0x10000, s19;
	[dreg:$0x10] =	wrdreg s22;
	v6 =	vsel vm2, v10, v6;
	v10 =	vunpack.c.l.s4.s8 v11;
	v11 =	vimm.s32 $0x98765432  }
0x14: {  	s15 =	sshrl.u32 s4, $0x1;
	s24 =	sadd.s32 $0x12000, s19;
	[dreg:$0x11] =	wrdreg s23;
	v9 =	vcombine.low v9, v8;
	v8 =	vunpack.c.l.s4.s8 v11;
	v11 =	vimm.s32 $0xFEDCBA98  }
0x15: {  	v12 =	vunpack.c.0.s8.s32 v12;
	v0 =	vimm.f32 $0.0e+00;
	s2 =	ssub.s32 s4, s15;
	s25 =	sadd.s32 $0x14000, s19;
	[dreg:$0x12] =	wrdreg s24;
	v11 =	vunpack.c.l.s4.s8 v11  }
.Ltmp0:
0x16: {  	v1 =	vimm.s32 $0x0;
	s26 =	sadd.s32 $0x16000, s19;
	[dreg:$0x13] =	wrdreg s25;
	v10 =	vunpack.c.0.s8.s32 v10;
	v8 =	vunpack.c.0.s8.s32 v8;
	(pc) =	sbr.rel .LBB2_1-.Ltmp0, $4  }
0x17: {  	s14 =	simm.s32 $0x5980;
	s2 =	smax.u32 s2, $0x1;
	[dreg:$0x14] =	wrdreg s26;
	v3 =	vlaneseq.u32;
	v7 =	vnsel vm3, $0xF, v7;
	v11 =	vunpack.c.0.s8.s32 v11  }
0x18: {  	s4 =	simm.s32 $0x1800;
	s28 =	sadd.s32 $0x18000, s19;
	[dreg:$0x15] =	wrdreg s2;
	v7 =	vsel vm4, v12, v7;
	v12 =	vimm.s32 $0x68000000;
	v10 =	vcombine.low v8, v10  }
0x19: {  	s15 =	simm.s32 $0x3800;
	[dreg:$0x16] =	wrdreg s28;
	s2 =	simm.s32 $0x100;
	vm2 =	vmmov $0xff;
	v9 =	vand.u32 $0xF, v9;
	v11 =	vand.u32 $0xF, v11  }
0x1a: {  	s3 =	simm.s32 $0x500;
	s25 =	simm.s32 $0x40;
	s16 =	simm.s32 $0x2;
	v8 =	vadd.s32 $0x1, v3;
	v10 =	vand.u32 $0xF, v10;
	v11 =	vnsel vm3, $0xF, v11  }
.LBB2_36:
0x1b: {  	s7 =	rddreg [dreg:$0x19]  }
0x1c: {  	s1 =	rddreg [dreg:$0x15];
	s7 =	sadd.s32 $0x1, s7  }
0x1d: {  	p1 =	sne.s32 s7, s1  }
.Ltmp1:
0x1e: {  	_ = 	snop;
	(pc) =	sbr.rel @!p1 .LBB2_37-.Ltmp1, $1  }
0x1f: {  	_ =	sdelay $0x3  }
.LBB2_1:
0x20: {  	[dreg:$0x19] =	wrdreg s7  }
0x21: {  	s1 =	rddreg [dreg:$0x3];
	s28 =	simm.s32 $0x0  }
0x22: {  	[tilespmem:s28], [sflag:$0x3] =	stream.linear.gather [hbm4b:s1+s28], $0x80, $0x38;
	[tilespmem:$0x1FA40] =	vst v63  }
0x23: {  	_ =	swait.ge [sflag:s30], $0x80  }
0x24: {  	[sflag:s30] =	ssyncset.done $0x0  }
0x25: {  	[sflag:s30] =	ssyncadd.s32 $0xFFFFFF80  }
.Ltmp2:
0x26: {  	s13 =	simm.s32 $0x80;
	s29 =	rddreg [dreg:$0x4];
	(pc) =	sbr.rel .LBB2_2-.Ltmp2, $4  }
0x27: {  	[tilespmem:s13], [sflag:$0x3] =	stream.linear.gather [hbm4b:s29+s28], $0x80, $0x38;
	[tilespmem:$0x1FA40] =	vst v63  }
0x28: {  	_ =	swait.ge [sflag:s30], $0x80  }
0x29: {  	[sflag:s30] =	ssyncset.done $0x0  }
0x2a: {  	s17 =	simm.s32 $0x0;
	[sflag:s30] =	ssyncadd.s32 $0xFFFFFF80  }
.LBB2_38:
0x2b: {  	[bflag:$0x0] =	sbarrier.arrive $0xFFFF  }
0x2c: {  	[bflag:$0x0] =	sbarrier.arrive $0xFFFF  }
.LBB2_35:
0x2d: {  	s17 =	sadd.s32 $0x1, s17  }
0x2e: {  	p1 =	sne.s32 s17, $0x4  }
.Ltmp3:
0x2f: {  	_ = 	snop;
	(pc) =	sbr.rel @!p1 .LBB2_36-.Ltmp3, $2  }
0x30: {  	_ =	sdelay $0x1  }
0x31: {  	[bflag:$0x0] =	sbarrier.arrive $0xFFFF;
	_ =	sdelay $0x1  }
.LBB2_2:
0x32: {  	s7 =	sand.u32 $0x1, s17  }
0x33: {  	p1 =	sne.s32 s7, s8  }
.Ltmp4:
0x34: {  	_ = 	snop;
	(pc) =	sbr.rel @p1 .LBB2_38-.Ltmp4, $1  }
0x35: {  	_ =	sdelay $0x3  }
0x36: {  	s8 =	simm.s32 $0x0  }
0x37: {  	s7 =	sand.u32 $0x7E00, s8  }
0x38: {  	s18 =	sand.u32 $0x70, s8;
	s7 =	sshrl.u32 s7, $0x2  }
0x39: {  	s20 =	smul.u32 $0x3400, s17;
	s13 =	simm.s32 $0x40;
	s7 =	sor.u32 s18, s7  }
.LBB2_4:
0x3a: {  	p1 =	sne.s32 s13, $0x7FC0  }
0x3b: {  	[tilespmem:s7+$0x1800] =	vst v0;
	s8 =	sadd.s32 $0x10, s8;
	s7 =	smov.u32 s13;
	s13 =	sadd.s32 $0x40, s13  }
.Ltmp5:
0x3c: {  	(pc) =	sbr.rel @p1 .LBB2_4-.Ltmp5, $4  }
0x3d: {  	_ = 	snop  }
0x3e: {  	s7 =	sand.u32 $0x7E00, s7  }
0x3f: {  	s18 =	sand.u32 $0x70, s8;
	s7 =	sshrl.u32 s7, $0x2  }
0x40: {  	s7 =	sor.u32 s18, s7  }
0x41: {  	[tilespmem:s7+$0x1800] =	vst v0  }
0x42: {  	[spmem:s19] =	stream.linear.scatter [tilespmem:s4], [sflag:$0x3], $0x2000, $0x38;
	[tilespmem:$0x1FA40] =	vst v63  }
0x43: {  	_ =	swait.ge [sflag:s30], $0x2000  }
0x44: {  	[sflag:s30] =	ssyncset.done $0x0  }
0x45: {  	s1 =	rddreg [dreg:$0xa];
	[sflag:s30] =	ssyncadd.s32 $0xFFFFE000  }
0x46: {  	[spmem:s1] =	stream.linear.scatter [tilespmem:s4], [sflag:$0x3], $0x2000, $0x38;
	[tilespmem:$0x1FA40] =	vst v63  }
0x47: {  	_ =	swait.ge [sflag:s30], $0x2000  }
0x48: {  	[sflag:s30] =	ssyncset.done $0x0  }
0x49: {  	s7 =	rddreg [dreg:$0xb];
	[sflag:s30] =	ssyncadd.s32 $0xFFFFE000  }
0x4a: {  	[spmem:s7] =	stream.linear.scatter [tilespmem:s4], [sflag:$0x3], $0x2000, $0x38;
	[tilespmem:$0x1FA40] =	vst v63  }
0x4b: {  	_ =	swait.ge [sflag:s30], $0x2000  }
0x4c: {  	[sflag:s30] =	ssyncset.done $0x0  }
0x4d: {  	s8 =	rddreg [dreg:$0xc];
	[sflag:s30] =	ssyncadd.s32 $0xFFFFE000  }
0x4e: {  	[spmem:s8] =	stream.linear.scatter [tilespmem:s4], [sflag:$0x3], $0x2000, $0x38;
	[tilespmem:$0x1FA40] =	vst v63  }
0x4f: {  	_ =	swait.ge [sflag:s30], $0x2000  }
0x50: {  	[sflag:s30] =	ssyncset.done $0x0  }
0x51: {  	s13 =	rddreg [dreg:$0xd];
	[sflag:s30] =	ssyncadd.s32 $0xFFFFE000  }
0x52: {  	[spmem:s13] =	stream.linear.scatter [tilespmem:s4], [sflag:$0x3], $0x2000, $0x38;
	[tilespmem:$0x1FA40] =	vst v63  }
0x53: {  	_ =	swait.ge [sflag:s30], $0x2000  }
0x54: {  	[sflag:s30] =	ssyncset.done $0x0  }
0x55: {  	s18 =	rddreg [dreg:$0xe];
	[sflag:s30] =	ssyncadd.s32 $0xFFFFE000  }
0x56: {  	[spmem:s18] =	stream.linear.scatter [tilespmem:s4], [sflag:$0x3], $0x2000, $0x38;
	[tilespmem:$0x1FA40] =	vst v63  }
0x57: {  	_ =	swait.ge [sflag:s30], $0x2000  }
0x58: {  	[sflag:s30] =	ssyncset.done $0x0  }
0x59: {  	s19 =	rddreg [dreg:$0xf];
	[sflag:s30] =	ssyncadd.s32 $0xFFFFE000  }
0x5a: {  	[spmem:s19] =	stream.linear.scatter [tilespmem:s4], [sflag:$0x3], $0x2000, $0x38;
	[tilespmem:$0x1FA40] =	vst v63  }
0x5b: {  	_ =	swait.ge [sflag:s30], $0x2000  }
0x5c: {  	[sflag:s30] =	ssyncset.done $0x0  }
0x5d: {  	s21 =	rddreg [dreg:$0x10];
	[sflag:s30] =	ssyncadd.s32 $0xFFFFE000  }
0x5e: {  	[spmem:s21] =	stream.linear.scatter [tilespmem:s4], [sflag:$0x3], $0x2000, $0x38;
	[tilespmem:$0x1FA40] =	vst v63  }
0x5f: {  	_ =	swait.ge [sflag:s30], $0x2000  }
0x60: {  	[sflag:s30] =	ssyncset.done $0x0  }
0x61: {  	s22 =	rddreg [dreg:$0x11];
	[sflag:s30] =	ssyncadd.s32 $0xFFFFE000  }
0x62: {  	[spmem:s22] =	stream.linear.scatter [tilespmem:s4], [sflag:$0x3], $0x2000, $0x38;
	[tilespmem:$0x1FA40] =	vst v63  }
0x63: {  	_ =	swait.ge [sflag:s30], $0x2000  }
0x64: {  	[sflag:s30] =	ssyncset.done $0x0  }
0x65: {  	s23 =	rddreg [dreg:$0x12];
	[sflag:s30] =	ssyncadd.s32 $0xFFFFE000  }
0x66: {  	[spmem:s23] =	stream.linear.scatter [tilespmem:s4], [sflag:$0x3], $0x2000, $0x38;
	[tilespmem:$0x1FA40] =	vst v63  }
0x67: {  	_ =	swait.ge [sflag:s30], $0x2000  }
0x68: {  	[sflag:s30] =	ssyncset.done $0x0  }
0x69: {  	s24 =	rddreg [dreg:$0x13];
	[sflag:s30] =	ssyncadd.s32 $0xFFFFE000  }
0x6a: {  	[spmem:s24] =	stream.linear.scatter [tilespmem:s4], [sflag:$0x3], $0x2000, $0x38;
	[tilespmem:$0x1FA40] =	vst v63  }
0x6b: {  	_ =	swait.ge [sflag:s30], $0x2000  }
0x6c: {  	[sflag:s30] =	ssyncset.done $0x0  }
0x6d: {  	s26 =	rddreg [dreg:$0x14];
	[sflag:s30] =	ssyncadd.s32 $0xFFFFE000  }
0x6e: {  	[spmem:s26] =	stream.linear.scatter [tilespmem:s4], [sflag:$0x3], $0x2000, $0x38;
	[tilespmem:$0x1FA40] =	vst v63  }
0x6f: {  	_ =	swait.ge [sflag:s30], $0x2000  }
0x70: {  	[sflag:s30] =	ssyncset.done $0x0  }
0x71: {  	s28 =	rddreg [dreg:$0x16];
	[sflag:s30] =	ssyncadd.s32 $0xFFFFE000  }
0x72: {  	[spmem:s28] =	stream.linear.scatter [tilespmem:s4], [sflag:$0x3], $0x2000, $0x38;
	[tilespmem:$0x1FA40] =	vst v63  }
0x73: {  	_ =	swait.ge [sflag:s30], $0x2000  }
0x74: {  	[sflag:s30] =	ssyncset.done $0x0  }
0x75: {  	s7 =	simm.s32 @!p0 $0x1800;
	s1 =	rddreg [dreg:$0x17];
	[sflag:s30] =	ssyncadd.s32 $0xFFFFE000  }
0x76: {  	[spmem:s1] =	stream.linear.scatter @!p0 [tilespmem:s7], [sflag:$0x3], $0x400, $0x38;
	[tilespmem:$0x1FA40] =	vst v63  }
0x77: {  	s7 =	simm.s32 @!p0 $0x3  }
.Ltmp6:
0x78: {  	_ =	swait.ge @!p0 [sflag:s7], $0x400;
	(pc) =	sbr.rel .LBB2_6-.Ltmp6, $4  }
0x79: {  	[sflag:s7] =	ssyncset.done @!p0 $0x0  }
0x7a: {  	[sflag:s7] =	ssyncadd.s32 @!p0 $0xFFFFFC00  }
0x7b: {  	s29 =	sadd.s32 $0x3400, s20;
	s8 =	simm.s32 $0x0;
	[bflag:$0x0] =	sbarrier.arrive $0xFFFF  }
0x7c: {  	v13 =	vmov s20;
	v14 =	vmov s29;
	s19 =	simm.s32 $0x0;
	[dreg:$0x1a] =	wrdreg s20;
	s20 =	simm.s32 $0x0  }
.LBB2_20:
0x7d: {  	p1 =	seq.s32 s22, $0x1  }
0x7e: {  	s1 =	simm.s32 @!p1 $0x2  }
0x7f: {  	_ =	swait.ge @!p1 [sflag:s1], $0x2000  }
0x80: {  	[sflag:s1] =	ssyncset.done @!p1 $0x0  }
0x81: {  	[sflag:s1] =	ssyncadd.s32 @!p1 $0xFFFFE000  }
0x82: {  	_ =	swait.ge [sflag:s16], $0x2000  }
0x83: {  	[sflag:s16] =	ssyncset.done $0x0  }
0x84: {  	s8 =	sshll.u32 s22, $0x6;
	[sflag:s16] =	ssyncadd.s32 $0xFFFFE000  }
0x85: {  	v15 =	vld [tilespmem:s8+$0xD00];
	_ =	sdelay $0x4  }
0x86: {  	[tilespmem:$0xD00] =	vst v15  }
0x87: {  	v15 =	vld [tilespmem:s8+$0x1280];
	_ =	sdelay $0x4  }
0x88: {  	[tilespmem:$0x1280] =	vst v15  }
0x89: {  	v15 =	vld [tilespmem:s8+$0xD10];
	_ =	sdelay $0x4  }
0x8a: {  	[tilespmem:$0xD10] =	vst v15  }
0x8b: {  	v15 =	vld [tilespmem:s8+$0x1290];
	_ =	sdelay $0x4  }
0x8c: {  	[tilespmem:$0x1290] =	vst v15  }
0x8d: {  	v15 =	vld [tilespmem:s8+$0xD20];
	_ =	sdelay $0x4  }
0x8e: {  	[tilespmem:$0xD20] =	vst v15  }
0x8f: {  	v15 =	vld [tilespmem:s8+$0x12A0];
	_ =	sdelay $0x4  }
0x90: {  	[tilespmem:$0x12A0] =	vst v15  }
0x91: {  	v15 =	vld [tilespmem:s8+$0xD30];
	_ =	sdelay $0x4  }
0x92: {  	[tilespmem:$0xD30] =	vst v15  }
0x93: {  	v15 =	vld [tilespmem:s8+$0x12B0];
	_ =	sdelay $0x4  }
0x94: {  	[tilespmem:$0x12B0] =	vst v15  }
0x95: {  	v15 =	vld [tilespmem:s8+$0xD40];
	_ =	sdelay $0x4  }
0x96: {  	[tilespmem:$0xD40] =	vst v15  }
0x97: {  	v15 =	vld [tilespmem:s8+$0x12C0];
	_ =	sdelay $0x4  }
0x98: {  	[tilespmem:$0x12C0] =	vst v15  }
0x99: {  	v15 =	vld [tilespmem:s8+$0xD50];
	_ =	sdelay $0x4  }
0x9a: {  	[tilespmem:$0xD50] =	vst v15  }
0x9b: {  	v15 =	vld [tilespmem:s8+$0x12D0];
	_ =	sdelay $0x4  }
0x9c: {  	[tilespmem:$0x12D0] =	vst v15  }
0x9d: {  	v15 =	vld [tilespmem:s8+$0xD60];
	_ =	sdelay $0x4  }
0x9e: {  	[tilespmem:$0xD60] =	vst v15  }
0x9f: {  	v15 =	vld [tilespmem:s8+$0x12E0];
	_ =	sdelay $0x4  }
0xa0: {  	[tilespmem:$0x12E0] =	vst v15  }
0xa1: {  	v15 =	vld [tilespmem:s8+$0xD70];
	_ =	sdelay $0x4  }
0xa2: {  	[tilespmem:$0xD70] =	vst v15  }
0xa3: {  	v15 =	vld [tilespmem:s8+$0x12F0];
	_ =	sdelay $0x4  }
0xa4: {  	[tilespmem:$0x12F0] =	vst v15  }
.LBB2_21:
0xa5: {  	s20 =	sadd.s32 $0x1, s20  }
0xa6: {  	p1 =	sne.s32 s20, $0x1F  }
.Ltmp7:
0xa7: {  	_ = 	snop;
	(pc) =	sbr.rel @!p1 .LBB2_22-.Ltmp7, $2  }
0xa8: {  	_ =	sdelay $0x2  }
0xa9: {  	s8 =	ssub.s32 s21, s8  }
.LBB2_6:
0xaa: {  	s7 =	sshll.u32 s20, $0xA  }
0xab: {  	s7 =	sadd.s32 s12, s7  }
0xac: {  	s7 =	sshrl.u32 s7, $0x3  }
0xad: {  	s13 =	sadd.s32 s9, s7  }
0xae: {  	[tilespmem:s2], [sflag:$0x3] =	stream.linear.gather [hbm4b:s13+s19], $0x400, $0x38;
	[tilespmem:$0x1FA40] =	vst v63  }
0xaf: {  	_ =	swait.ge [sflag:s30], $0x400  }
0xb0: {  	[sflag:s30] =	ssyncset.done $0x0  }
0xb1: {  	[sflag:s30] =	ssyncadd.s32 $0xFFFFFC00  }
0xb2: {  	s1 =	rddreg [dreg:$0x1]  }
0xb3: {  	s29 =	sadd.s32 s1, s7  }
0xb4: {  	[tilespmem:s3], [sflag:$0x3] =	stream.linear.gather [hbm4b:s29+s19], $0x400, $0x38;
	[tilespmem:$0x1FA40] =	vst v63  }
0xb5: {  	_ =	swait.ge [sflag:s30], $0x400  }
0xb6: {  	[sflag:s30] =	ssyncset.done $0x0  }
0xb7: {  	s7 =	sadd.s32 s10, s7;
	[sflag:s30] =	ssyncadd.s32 $0xFFFFFC00  }
0xb8: {  	[tilespmem:s31], [sflag:$0x3] =	stream.linear.gather [hbm4b:s7+s19], $0x400, $0x38;
	[tilespmem:$0x1FA40] =	vst v63  }
0xb9: {  	_ =	swait.ge [sflag:s30], $0x400  }
0xba: {  	s18 =	simm.s32 $0x0;
	[sflag:s30] =	ssyncset.done $0x0  }
0xbb: {  	s23 =	smov.u32 s8;
	s13 =	simm.s32 $0x40;
	[sflag:s30] =	ssyncadd.s32 $0xFFFFFC00  }
.LBB2_7:
0xbc: {  	p1 =	sne.s32 s13, $0xFC0;
	v15 =	vld [tilespmem:s18+$0x100]  }
0xbd: {  	v16 =	vld [tilespmem:s18+$0x500];
	_ =	sdelay $0x3  }
0xbe: {  	vm3 =	vge.s32 v15, v13;
	vm4 =	vlt.s32 v15, v14;
	v15 =	vsub.s32 v15, v13  }
0xbf: {  	vm4 =	vmand vm3, vm4;
	v15 =	vshll.u32 v15, $0x11  }
0xc0: {  	v17 =	vsel vm4, $0x1, v1;
	v15 =	vor.u32 v16, v15  }
0xc1: {  	v16 =	vperm.xlane v17, v2;
	v18 =	vperm.xlane v15, v9  }
0xc2: {  	vm3 =	veq.s32 v3, $0x0  }
0xc3: {  	v16 =	vsel vm3, $0x0, v16  }
0xc4: {  	v16 =	vadd.s32 v17, v16  }
0xc5: {  	v17 =	vperm.xlane v16, v4;
	_ =	sdelay $0x1  }
0xc6: {  	v17 =	vsel vm0, $0x0, v17  }
0xc7: {  	v16 =	vadd.s32 v17, v16  }
0xc8: {  	v17 =	vperm.xlane v16, v5;
	_ =	sdelay $0x1  }
0xc9: {  	v17 =	vsel vm1, $0x0, v17  }
0xca: {  	v16 =	vadd.s32 v17, v16  }
0xcb: {  	v17 =	vperm.xlane v16, v6;
	_ =	sdelay $0x1  }
0xcc: {  	v17 =	vsel vm2, $0x0, v17  }
0xcd: {  	v16 =	vadd.s32 v17, v16  }
0xce: {  	v17 =	vsub.s32 v8, v16;
	(v2sf) =	vpush v16, $0xF  }
0xcf: {  	v16 =	vnsel vm4, $0x0, v17  }
0xd0: {  	v17 =	vperm.xlane v16, v9  }
0xd1: {  	v19 =	vand.u32 $0x1, v16  }
0xd2: {  	vm4 =	veq.s32 v19, $0x0;
	v20 =	vld [tilespmem:s18+$0x900];
	v21 =	vand.u32 $0x1, v17  }
0xd3: {  	v17 =	vand.u32 $0xFFFFFFFE, v17;
	v16 =	vnsel vm4, $0x0, v16;
	vm5 =	veq.s32 v21, $0x0  }
0xd4: {  	v15 =	vsel vm5, v15, v18;
	v16 =	vsel vm5, v16, v17  }
0xd5: {  	v17 =	vperm.xlane v16, v10;
	v18 =	vperm.xlane v15, v10  }
0xd6: {  	v19 =	vand.u32 $0x2, v16  }
0xd7: {  	vm4 =	veq.s32 v19, $0x0;
	v21 =	vperm.xlane v20, v9;
	v22 =	vand.u32 $0x2, v17  }
0xd8: {  	v17 =	vand.u32 $0xFFFFFFFD, v17;
	v16 =	vnsel vm4, $0x0, v16;
	vm6 =	veq.s32 v22, $0x0  }
0xd9: {  	v19 =	vsel vm5, v20, v21;
	v15 =	vsel vm6, v15, v18;
	v16 =	vsel vm6, v16, v17  }
0xda: {  	v17 =	vperm.xlane v19, v10;
	v18 =	vperm.xlane v16, v7  }
0xdb: {  	v20 =	vand.u32 $0x4, v16;
	v21 =	vperm.xlane v15, v7  }
0xdc: {  	vm4 =	veq.s32 v20, $0x0;
	v17 =	vsel vm6, v19, v17;
	v19 =	vand.u32 $0x4, v18  }
0xdd: {  	v18 =	vand.u32 $0xFFFFFFFB, v18;
	v16 =	vnsel vm4, $0x0, v16;
	vm5 =	veq.s32 v19, $0x0;
	s7 =	spop (v2sf)  }
0xde: {  	v19 =	vperm.xlane v17, v7;
	v15 =	vsel vm5, v15, v21;
	v16 =	vsel vm5, v16, v18;
	s8 =	sadd.s32 s8, s7  }
0xdf: {  	v16 =	vperm.xlane v16, v11;
	v18 =	vperm.xlane v15, v11  }
0xe0: {  	v17 =	vsel vm5, v17, v19  }
.Ltmp8:
0xe1: {  	v19 =	vperm.xlane v17, v11;
	v16 =	vand.u32 $0x8, v16;
	(pc) =	sbr.rel @p1 .LBB2_7-.Ltmp8, $4  }
0xe2: {  	vm4 =	veq.s32 v16, $0x0  }
0xe3: {  	v15 =	vsel vm4, v15, v18;
	v16 =	vsel vm4, v17, v19  }
0xe4: {  	[tilespmem:s23+$0x1280] =	vst v16  }
0xe5: {  	s18 =	sshra.s32 s13, $0x2;
	s13 =	sadd.s32 $0x40, s13;
	[tilespmem:s23+$0xD00] =	vst v15;
	s23 =	smov.u32 s8  }
0xe6: {  	v15 =	vld [tilespmem:s18+$0x100];
	_ =	sdelay $0x4  }
0xe7: {  	vm4 =	vge.s32 v15, v13;
	vm5 =	vlt.s32 v15, v14  }
0xe8: {  	vm4 =	vmand vm4, vm5  }
0xe9: {  	v16 =	vsel vm4, $0x1, v1  }
0xea: {  	v17 =	vperm.xlane v16, v2;
	_ =	sdelay $0x1  }
0xeb: {  	v17 =	vsel vm3, $0x0, v17  }
0xec: {  	v16 =	vadd.s32 v16, v17  }
0xed: {  	v17 =	vperm.xlane v16, v4;
	_ =	sdelay $0x1  }
0xee: {  	v17 =	vsel vm0, $0x0, v17  }
0xef: {  	v16 =	vadd.s32 v17, v16  }
0xf0: {  	v17 =	vperm.xlane v16, v5;
	_ =	sdelay $0x1  }
0xf1: {  	v17 =	vsel vm1, $0x0, v17  }
0xf2: {  	v16 =	vadd.s32 v17, v16  }
0xf3: {  	v17 =	vperm.xlane v16, v6;
	_ =	sdelay $0x1  }
0xf4: {  	v17 =	vsel vm2, $0x0, v17  }
0xf5: {  	v16 =	vadd.s32 v17, v16  }
0xf6: {  	(v2sf) =	vpush v16, $0xF;
	_ =	sdelay $0x4  }
0xf7: {  	v16 =	vsub.s32 v8, v16  }
0xf8: {  	v16 =	vnsel vm4, $0x0, v16  }
0xf9: {  	v49 =	vld [tilespmem:s18+$0x500];
	v18 =	vperm.xlane v16, v9  }
0xfa: {  	v20 =	vld [tilespmem:s18+$0x900];
	v19 =	vand.u32 $0x1, v16  }
0xfb: {  	vm3 =	veq.s32 v19, $0x0;
	v21 =	vand.u32 $0x1, v18  }
0xfc: {  	v18 =	vand.u32 $0xFFFFFFFE, v18;
	v16 =	vnsel vm3, $0x0, v16;
	vm13 =	veq.s32 v21, $0x0  }
0xfd: {  	v15 =	vsub.s32 v15, v13;
	v16 =	vsel vm13, v16, v18  }
0xfe: {  	v15 =	vshll.u32 v15, $0x11;
	v50 =	vperm.xlane v16, v10  }
0xff: {  	v53 =	vperm.xlane v20, v9;
	v15 =	vor.u32 v49, v15;
	v52 =	vand.u32 $0x2, v16  }
0x100: {  	v51 =	vperm.xlane v15, v9;
	vm3 =	veq.s32 v52, $0x0;
	v22 =	vand.u32 $0x2, v50  }
0x101: {  	v17 =	vand.u32 $0xFFFFFFFD, v50;
	v16 =	vnsel vm3, $0x0, v16;
	vm14 =	veq.s32 v22, $0x0;
	s7 =	spop (v2sf)  }
0x102: {  	v54 =	vsel vm13, v20, v53;
	v16 =	vsel vm14, v16, v17;
	s21 =	sadd.s32 s8, s7  }
0x103: {  	v15 =	vsel vm13, v15, v51;
	v55 =	vperm.xlane v54, v10;
	v56 =	vperm.xlane v16, v7;
	s7 =	sand.u32 $0x3F, s21  }
0x104: {  	v57 =	vperm.xlane v15, v10;
	v58 =	vand.u32 $0x4, v16;
	s8 =	sshra.s32 s21, $0x1F;
	p1 =	slt.s32 s21, $0x1;
	p2 =	sne.s32 s7, $0x0  }
0x105: {  	v17 =	vsel vm14, v54, v55;
	vm3 =	veq.s32 v58, $0x0;
	v59 =	vand.u32 $0x4, v56;
	s29 =	sshrl.u32 s8, $0x1A;
	p1 =	por !p1, !p2  }
0x106: {  	v18 =	vand.u32 $0xFFFFFFFB, v56;
	v16 =	vnsel vm3, $0x0, v16;
	vm15 =	veq.s32 v59, $0x0;
	s8 =	simm.s32 $0x1;
	s7 =	sadd.s32 s29, s21;
	p1 =	por !p1, !p1  }
0x107: {  	v15 =	vsel vm14, v15, v57;
	v60 =	vperm.xlane v17, v7;
	v16 =	vsel vm15, v16, v18;
	s7 =	sshra.s32 s7, $0x6;
	s8 =	simm.s32 @!p1 $0x0  }
0x108: {  	v61 =	vperm.xlane v15, v7;
	v16 =	vperm.xlane v16, v11;
	s22 =	ssub.s32 s7, s8  }
0x109: {  	v17 =	vsel vm15, v17, v60;
	p1 =	sgt.s32 s22, $0x0  }
.Ltmp9:
0x10a: {  	v15 =	vsel vm15, v15, v61;
	v62 =	vperm.xlane v17, v11;
	v16 =	vand.u32 $0x8, v16;
	(pc) =	sbr.rel @!p1 .LBB2_9-.Ltmp9, $4  }
0x10b: {  	v63 =	vperm.xlane v15, v11;
	vm3 =	veq.s32 v16, $0x0  }
0x10c: {  	v16 =	vsel vm3, v17, v62  }
0x10d: {  	v15 =	vsel vm3, v15, v63;
	[tilespmem:s23+$0x1280] =	vst v16  }
0x10e: {  	[tilespmem:s23+$0xD00] =	vst v15  }
0x10f: {  	v15 =	vld [tilespmem:$0xD00];
	_ =	sdelay $0x1  }
0x110: {  	v16 =	vld [tilespmem:$0xD10];
	_ =	sdelay $0x1  }
0x111: {  	v17 =	vld [tilespmem:$0xD20]  }
0x112: {  	v18 =	vshrl.u32 v15, $0x11  }
0x113: {  	v63 =	vld [tilespmem:$0xD30];
	v15 =	vand.u32 $0x1FFFF, v15;
	[tilespmem:$0x5900] =	vst v18  }
0x114: {  	[tilespmem:$0x5800] =	vst v15;
	v15 =	vshrl.u32 v16, $0x11  }
0x115: {  	[tilespmem:$0x5910] =	vst v15;
	v15 =	vand.u32 $0x1FFFF, v16  }
0x116: {  	[tilespmem:$0x5810] =	vst v15;
	v15 =	vshrl.u32 v17, $0x11  }
.Ltmp10:
0x117: {  	[tilespmem:$0x5920] =	vst v15;
	v15 =	vand.u32 $0x1FFFF, v17;
	(pc) =	sbr.rel .LBB2_11-.Ltmp10, $4  }
0x118: {  	[tilespmem:$0x5820] =	vst v15;
	v15 =	vshrl.u32 v63, $0x11  }
0x119: {  	s1 =	simm.s32 $0x5800;
	s7 =	sadd.s32 $0x1, s22;
	s24 =	simm.s32 $0x0;
	[tilespmem:$0x5930] =	vst v15;
	v15 =	vand.u32 $0x1FFFF, v63  }
0x11a: {  	s26 =	simm.s32 $0x1280;
	s28 =	simm.s32 $0x12C0;
	s23 =	sshrl.u32 s7, $0x1;
	[tilespmem:$0x5830] =	vst v15  }
0x11b: {  	[tilespmem:s4], [sflag:$0x1] =	stream.indirect.gather [hbm4b:s0+s25], $0x80, s1, s25, $0xb8;
	[tilespmem:$0x1FA40] =	vst v63  }
.LBB2_19:
0x11c: {  	s24 =	sadd.s32 $0x1, s24  }
0x11d: {  	p1 =	sne.s32 s24, s23  }
.Ltmp11:
0x11e: {  	_ = 	snop;
	(pc) =	sbr.rel @!p1 .LBB2_20-.Ltmp11, $2  }
0x11f: {  	_ =	sdelay $0x2  }
0x120: {  	s26 =	sadd.s32 $0x80, s26;
	s28 =	sadd.s32 $0x80, s28  }
.LBB2_11:
0x121: {  	s29 =	sshll.u32 s24, $0x1  }
0x122: {  	p2 =	sge.s32 s29, s22  }
.Ltmp12:
0x123: {  	_ = 	snop;
	(pc) =	sbr.rel @p2 .LBB2_15-.Ltmp12, $3  }
0x124: {  	_ =	sdelay $0x1  }
0x125: {  	s8 =	sshllo.u32 s24, $0x1  }
0x126: {  	p1 =	sge.s32 s8, s22  }
0x127: {  	_ =	swait.ge [sflag:s6], $0x2000;
	p2 =	slt.s32 @!p1 s29, $0x1  }
0x128: {  	[sflag:s6] =	ssyncset.done $0x0;
	p2 =	por p2, p1  }
0x129: {  	[sflag:s6] =	ssyncadd.s32 $0xFFFFE000;
	s7 =	simm.s32 @!p2 $0x2  }
0x12a: {  	_ =	swait.ge @!p2 [sflag:s7], $0x2000  }
0x12b: {  	[sflag:s7] =	ssyncset.done @!p2 $0x0  }
0x12c: {  	[sflag:s7] =	ssyncadd.s32 @!p2 $0xFFFFE000;
	s7 =	sshll.u32 @!p1 s8, $0x6  }
0x12d: {  	v15 =	vld @!p1 [tilespmem:s7+$0xD00];
	_ =	sdelay $0x4  }
0x12e: {  	v16 =	vshrl.u32 @!p1 v15, $0x11  }
0x12f: {  	v15 =	vand.u32 @!p1 $0x1FFFF, v15;
	[tilespmem:$0x5980] =	vst @!p1 v16  }
0x130: {  	s8 =	sor.u32 @!p1 $0x50, s7;
	[tilespmem:$0x5880] =	vst @!p1 v15  }
0x131: {  	v15 =	vld @!p1 [tilespmem:s8+$0xD00];
	_ =	sdelay $0x4  }
0x132: {  	v16 =	vshrl.u32 @!p1 v15, $0x11  }
0x133: {  	v15 =	vand.u32 @!p1 $0x1FFFF, v15;
	[tilespmem:$0x5990] =	vst @!p1 v16  }
0x134: {  	s8 =	sor.u32 @!p1 $0x60, s7;
	[tilespmem:$0x5890] =	vst @!p1 v15  }
0x135: {  	v15 =	vld @!p1 [tilespmem:s8+$0xD00];
	_ =	sdelay $0x4  }
0x136: {  	v16 =	vshrl.u32 @!p1 v15, $0x11  }
0x137: {  	v15 =	vand.u32 @!p1 $0x1FFFF, v15;
	[tilespmem:$0x59A0] =	vst @!p1 v16  }
0x138: {  	s7 =	sor.u32 @!p1 $0x70, s7;
	[tilespmem:$0x58A0] =	vst @!p1 v15  }
0x139: {  	v15 =	vld @!p1 [tilespmem:s7+$0xD00];
	_ =	sdelay $0x4  }
0x13a: {  	v16 =	vshrl.u32 @!p1 v15, $0x11  }
0x13b: {  	s13 =	simm.s32 @!p1 $0x3800;
	v15 =	vand.u32 @!p1 $0x1FFFF, v15;
	[tilespmem:$0x59B0] =	vst @!p1 v16  }
0x13c: {  	s18 =	sadd.s32 $0x0, s26;
	s8 =	simm.s32 @!p1 $0x5880;
	s7 =	simm.s32 @!p1 $0x40;
	[tilespmem:$0x58B0] =	vst @!p1 v15  }
0x13d: {  	[tilespmem:s13], [sflag:$0x1] =	stream.indirect.gather @!p1 [hbm4b:s0+s7], $0x80, s8, s7, $0xb8;
	[tilespmem:$0x1FA40] =	vst v63  }
0x13e: {  	v15 =	vld.msk [tilespmem:s18+$0x0 ss:$0x0], $0xffff  }
0x13f: {  	v16 =	vld [tilespmem:$0x0]  }
0x140: {  	s8 =	simm.s32 $0x1840  }
0x141: {  	v17 =	vld [tilespmem:s8+$0xFFFFFFC0];
	_ =	sdelay $0x1  }
0x142: {  	v18 =	vld [tilespmem:$0x80]  }
0x143: {  	v16 =	vmul.f32 v16, v15;
	_ =	sdelay $0x1  }
0x144: {  	v16 =	vadd.f32 v16, v17;
	_ =	sdelay $0x1  }
0x145: {  	v16 =	vadd.f32 v16, v18;
	_ =	sdelay $0x1  }
0x146: {  	v16 =	vmax.f32 v16, $0.0e+00  }
0x147: {  	[tilespmem:s8+$0xFFFFFFC0] =	vst v16  }
0x148: {  	v16 =	vld [tilespmem:$0x10];
	_ =	sdelay $0x1  }
0x149: {  	v17 =	vld [tilespmem:s8+$0xFFFFFFD0];
	_ =	sdelay $0x1  }
0x14a: {  	v57 =	vld [tilespmem:$0x90]  }
0x14b: {  	v16 =	vmul.f32 v16, v15;
	_ =	sdelay $0x1  }
0x14c: {  	v16 =	vadd.f32 v16, v17;
	_ =	sdelay $0x1  }
0x14d: {  	v16 =	vadd.f32 v16, v57;
	_ =	sdelay $0x1  }
0x14e: {  	v16 =	vmax.f32 v16, $0.0e+00  }
0x14f: {  	[tilespmem:s8+$0xFFFFFFD0] =	vst v16  }
0x150: {  	v16 =	vld [tilespmem:$0x20];
	_ =	sdelay $0x1  }
0x151: {  	v17 =	vld [tilespmem:s8+$0xFFFFFFE0];
	_ =	sdelay $0x1  }
0x152: {  	v58 =	vld [tilespmem:$0xA0]  }
0x153: {  	v16 =	vmul.f32 v16, v15;
	_ =	sdelay $0x1  }
0x154: {  	v16 =	vadd.f32 v16, v17;
	_ =	sdelay $0x1  }
0x155: {  	v16 =	vadd.f32 v16, v58;
	_ =	sdelay $0x1  }
0x156: {  	v16 =	vmax.f32 v16, $0.0e+00  }
0x157: {  	[tilespmem:s8+$0xFFFFFFE0] =	vst v16  }
0x158: {  	v16 =	vld [tilespmem:$0x30];
	_ =	sdelay $0x1  }
0x159: {  	v17 =	vld [tilespmem:s8+$0xFFFFFFF0];
	_ =	sdelay $0x1  }
0x15a: {  	v59 =	vld [tilespmem:$0xB0]  }
0x15b: {  	v16 =	vmul.f32 v16, v15;
	_ =	sdelay $0x1  }
0x15c: {  	v16 =	vadd.f32 v16, v17;
	_ =	sdelay $0x1  }
0x15d: {  	v16 =	vadd.f32 v16, v59;
	_ =	sdelay $0x1  }
0x15e: {  	v16 =	vmax.f32 v16, $0.0e+00  }
0x15f: {  	[tilespmem:s8+$0xFFFFFFF0] =	vst v16  }
0x160: {  	v16 =	vld [tilespmem:$0x40];
	_ =	sdelay $0x1  }
0x161: {  	v17 =	vld [tilespmem:s8+$0x0];
	_ =	sdelay $0x1  }
0x162: {  	v60 =	vld [tilespmem:$0xC0]  }
0x163: {  	v16 =	vmul.f32 v16, v15;
	_ =	sdelay $0x1  }
0x164: {  	v16 =	vadd.f32 v16, v17;
	_ =	sdelay $0x1  }
0x165: {  	v16 =	vadd.f32 v16, v60;
	_ =	sdelay $0x1  }
0x166: {  	v16 =	vmax.f32 v16, $0.0e+00  }
0x167: {  	[tilespmem:s8+$0x0] =	vst v16  }
0x168: {  	v16 =	vld [tilespmem:$0x50];
	_ =	sdelay $0x1  }
0x169: {  	v17 =	vld [tilespmem:s8+$0x10];
	_ =	sdelay $0x1  }
0x16a: {  	v61 =	vld [tilespmem:$0xD0]  }
0x16b: {  	v16 =	vmul.f32 v16, v15;
	_ =	sdelay $0x1  }
0x16c: {  	v16 =	vadd.f32 v16, v17;
	_ =	sdelay $0x1  }
0x16d: {  	v16 =	vadd.f32 v16, v61;
	_ =	sdelay $0x1  }
0x16e: {  	v16 =	vmax.f32 v16, $0.0e+00  }
0x16f: {  	[tilespmem:s8+$0x10] =	vst v16  }
0x170: {  	v16 =	vld [tilespmem:$0x60];
	_ =	sdelay $0x1  }
0x171: {  	v17 =	vld [tilespmem:s8+$0x20];
	_ =	sdelay $0x1  }
0x172: {  	v62 =	vld [tilespmem:$0xE0]  }
0x173: {  	v16 =	vmul.f32 v16, v15;
	_ =	sdelay $0x1  }
0x174: {  	v16 =	vadd.f32 v16, v17;
	_ =	sdelay $0x1  }
0x175: {  	v16 =	vadd.f32 v16, v62;
	_ =	sdelay $0x1  }
0x176: {  	v16 =	vmax.f32 v16, $0.0e+00  }
0x177: {  	[tilespmem:s8+$0x20] =	vst v16  }
0x178: {  	v16 =	vld [tilespmem:$0x70];
	_ =	sdelay $0x1  }
0x179: {  	v17 =	vld [tilespmem:s8+$0x30];
	_ =	sdelay $0x1  }
0x17a: {  	v63 =	vld [tilespmem:$0xF0]  }
0x17b: {  	v15 =	vmul.f32 v16, v15;
	_ =	sdelay $0x1  }
0x17c: {  	v15 =	vadd.f32 v15, v17;
	_ =	sdelay $0x1  }
0x17d: {  	v15 =	vadd.f32 v15, v63;
	_ =	sdelay $0x1  }
0x17e: {  	s13 =	simm.s32 $0x8;
	s18 =	simm.s32 $0x1;
	v15 =	vmax.f32 v15, $0.0e+00  }
.LBB2_13:
0x17f: {  	s1 =	sadd.s32 s18, s26  }
0x180: {  	[tilespmem:s8+$0x30] =	vst v15;
	s8 =	sadd.s32 $0x80, s8;
	s18 =	smov.u32 s13;
	s7 =	sadd.s32 $0x4, s13  }
0x181: {  	p2 =	sne.s32 s13, $0xFC;
	v15 =	vld.msk [tilespmem:s1+$0x0 ss:$0x0], $0xffff  }
0x182: {  	v16 =	vld [tilespmem:$0x0];
	_ =	sdelay $0x1  }
0x183: {  	v17 =	vld [tilespmem:s8+$0xFFFFFFC0];
	_ =	sdelay $0x1  }
0x184: {  	v18 =	vld [tilespmem:$0x80]  }
0x185: {  	v16 =	vmul.f32 v16, v15;
	_ =	sdelay $0x1  }
0x186: {  	v16 =	vadd.f32 v16, v17;
	_ =	sdelay $0x1  }
0x187: {  	v16 =	vadd.f32 v16, v18;
	_ =	sdelay $0x1  }
0x188: {  	v16 =	vmax.f32 v16, $0.0e+00  }
0x189: {  	[tilespmem:s8+$0xFFFFFFC0] =	vst v16  }
0x18a: {  	v16 =	vld [tilespmem:$0x10];
	_ =	sdelay $0x1  }
0x18b: {  	v17 =	vld [tilespmem:s8+$0xFFFFFFD0];
	_ =	sdelay $0x1  }
0x18c: {  	v18 =	vld [tilespmem:$0x90]  }
0x18d: {  	v16 =	vmul.f32 v16, v15;
	_ =	sdelay $0x1  }
0x18e: {  	v16 =	vadd.f32 v16, v17;
	_ =	sdelay $0x1  }
0x18f: {  	v16 =	vadd.f32 v16, v18;
	_ =	sdelay $0x1  }
0x190: {  	v16 =	vmax.f32 v16, $0.0e+00  }
0x191: {  	[tilespmem:s8+$0xFFFFFFD0] =	vst v16  }
0x192: {  	v16 =	vld [tilespmem:$0x20];
	_ =	sdelay $0x1  }
0x193: {  	v17 =	vld [tilespmem:s8+$0xFFFFFFE0];
	_ =	sdelay $0x1  }
0x194: {  	v18 =	vld [tilespmem:$0xA0]  }
0x195: {  	v16 =	vmul.f32 v16, v15;
	_ =	sdelay $0x1  }
0x196: {  	v16 =	vadd.f32 v16, v17;
	_ =	sdelay $0x1  }
0x197: {  	v16 =	vadd.f32 v16, v18;
	_ =	sdelay $0x1  }
0x198: {  	v16 =	vmax.f32 v16, $0.0e+00  }
0x199: {  	[tilespmem:s8+$0xFFFFFFE0] =	vst v16  }
0x19a: {  	v16 =	vld [tilespmem:$0x30];
	_ =	sdelay $0x1  }
0x19b: {  	v17 =	vld [tilespmem:s8+$0xFFFFFFF0];
	_ =	sdelay $0x1  }
0x19c: {  	v18 =	vld [tilespmem:$0xB0]  }
0x19d: {  	v16 =	vmul.f32 v16, v15;
	_ =	sdelay $0x1  }
0x19e: {  	v16 =	vadd.f32 v16, v17;
	_ =	sdelay $0x1  }
0x19f: {  	v16 =	vadd.f32 v16, v18;
	_ =	sdelay $0x1  }
0x1a0: {  	v16 =	vmax.f32 v16, $0.0e+00  }
0x1a1: {  	[tilespmem:s8+$0xFFFFFFF0] =	vst v16  }
0x1a2: {  	v16 =	vld [tilespmem:$0x40];
	_ =	sdelay $0x1  }
0x1a3: {  	v17 =	vld [tilespmem:s8+$0x0];
	_ =	sdelay $0x1  }
0x1a4: {  	v18 =	vld [tilespmem:$0xC0]  }
0x1a5: {  	v16 =	vmul.f32 v16, v15;
	_ =	sdelay $0x1  }
0x1a6: {  	v16 =	vadd.f32 v16, v17;
	_ =	sdelay $0x1  }
0x1a7: {  	v16 =	vadd.f32 v16, v18;
	_ =	sdelay $0x1  }
0x1a8: {  	v16 =	vmax.f32 v16, $0.0e+00  }
0x1a9: {  	[tilespmem:s8+$0x0] =	vst v16  }
0x1aa: {  	v16 =	vld [tilespmem:$0x50]  }
0x1ab: {  	v17 =	vld [tilespmem:$0xD0]  }
0x1ac: {  	v18 =	vld [tilespmem:s8+$0x10];
	_ =	sdelay $0x2  }
0x1ad: {  	v16 =	vmul.f32 v16, v15;
	_ =	sdelay $0x1  }
0x1ae: {  	v16 =	vadd.f32 v16, v18;
	_ =	sdelay $0x1  }
0x1af: {  	v16 =	vadd.f32 v16, v17;
	_ =	sdelay $0x1  }
0x1b0: {  	v16 =	vmax.f32 v16, $0.0e+00  }
0x1b1: {  	[tilespmem:s8+$0x10] =	vst v16  }
0x1b2: {  	v16 =	vld [tilespmem:$0x60]  }
0x1b3: {  	v17 =	vld [tilespmem:$0xE0]  }
0x1b4: {  	v18 =	vld [tilespmem:s8+$0x20];
	_ =	sdelay $0x2  }
0x1b5: {  	v16 =	vmul.f32 v16, v15;
	_ =	sdelay $0x1  }
0x1b6: {  	v16 =	vadd.f32 v16, v18;
	_ =	sdelay $0x1  }
0x1b7: {  	v16 =	vadd.f32 v16, v17;
	_ =	sdelay $0x1  }
0x1b8: {  	v16 =	vmax.f32 v16, $0.0e+00  }
0x1b9: {  	[tilespmem:s8+$0x20] =	vst v16  }
0x1ba: {  	v16 =	vld [tilespmem:$0x70]  }
0x1bb: {  	v17 =	vld [tilespmem:$0xF0]  }
0x1bc: {  	v18 =	vld [tilespmem:s8+$0x30];
	_ =	sdelay $0x2  }
0x1bd: {  	v15 =	vmul.f32 v16, v15;
	_ =	sdelay $0x1  }
.Ltmp13:
0x1be: {  	v15 =	vadd.f32 v15, v18;
	(pc) =	sbr.rel @p2 .LBB2_13-.Ltmp13, $3  }
0x1bf: {  	_ = 	snop  }
0x1c0: {  	v15 =	vadd.f32 v15, v17;
	_ =	sdelay $0x1  }
0x1c1: {  	s18 =	sshra.s32 s18, $0x2;
	s13 =	smov.u32 s7;
	v15 =	vmax.f32 v15, $0.0e+00  }
0x1c2: {  	s1 =	sadd.s32 s18, s26;
	[tilespmem:s8+$0x30] =	vst v15  }
0x1c3: {  	v15 =	vld.msk [tilespmem:s1+$0x0 ss:$0x0], $0xffff  }
0x1c4: {  	v16 =	vld [tilespmem:$0x0]  }
0x1c5: {  	s18 =	sadd.s32 $0x80, s8  }
0x1c6: {  	v17 =	vld [tilespmem:s18+$0xFFFFFFC0];
	_ =	sdelay $0x1  }
0x1c7: {  	v18 =	vld [tilespmem:$0x80]  }
0x1c8: {  	v16 =	vmul.f32 v16, v15;
	_ =	sdelay $0x1  }
0x1c9: {  	v16 =	vadd.f32 v16, v17;
	_ =	sdelay $0x1  }
0x1ca: {  	v16 =	vadd.f32 v16, v18;
	_ =	sdelay $0x1  }
0x1cb: {  	v16 =	vmax.f32 v16, $0.0e+00  }
0x1cc: {  	[tilespmem:s18+$0xFFFFFFC0] =	vst v16  }
0x1cd: {  	v16 =	vld [tilespmem:$0x10];
	_ =	sdelay $0x1  }
0x1ce: {  	v50 =	vld [tilespmem:s18+$0xFFFFFFD0];
	_ =	sdelay $0x1  }
0x1cf: {  	v51 =	vld [tilespmem:$0x90]  }
0x1d0: {  	v16 =	vmul.f32 v16, v15;
	_ =	sdelay $0x1  }
0x1d1: {  	v16 =	vadd.f32 v16, v50;
	_ =	sdelay $0x1  }
0x1d2: {  	v16 =	vadd.f32 v16, v51;
	_ =	sdelay $0x1  }
0x1d3: {  	v16 =	vmax.f32 v16, $0.0e+00  }
0x1d4: {  	[tilespmem:s18+$0xFFFFFFD0] =	vst v16  }
0x1d5: {  	v16 =	vld [tilespmem:$0x20];
	_ =	sdelay $0x1  }
0x1d6: {  	v52 =	vld [tilespmem:s18+$0xFFFFFFE0];
	_ =	sdelay $0x1  }
0x1d7: {  	v53 =	vld [tilespmem:$0xA0]  }
0x1d8: {  	v16 =	vmul.f32 v16, v15;
	_ =	sdelay $0x1  }
0x1d9: {  	v16 =	vadd.f32 v16, v52;
	_ =	sdelay $0x1  }
0x1da: {  	v16 =	vadd.f32 v16, v53;
	_ =	sdelay $0x1  }
0x1db: {  	v16 =	vmax.f32 v16, $0.0e+00  }
0x1dc: {  	[tilespmem:s18+$0xFFFFFFE0] =	vst v16  }
0x1dd: {  	v16 =	vld [tilespmem:$0x30];
	_ =	sdelay $0x1  }
0x1de: {  	v54 =	vld [tilespmem:s18+$0xFFFFFFF0];
	_ =	sdelay $0x1  }
0x1df: {  	v55 =	vld [tilespmem:$0xB0]  }
0x1e0: {  	v16 =	vmul.f32 v16, v15;
	_ =	sdelay $0x1  }
0x1e1: {  	v16 =	vadd.f32 v16, v54;
	_ =	sdelay $0x1  }
0x1e2: {  	v16 =	vadd.f32 v16, v55;
	_ =	sdelay $0x1  }
0x1e3: {  	v16 =	vmax.f32 v16, $0.0e+00  }
0x1e4: {  	[tilespmem:s18+$0xFFFFFFF0] =	vst v16  }
0x1e5: {  	v16 =	vld [tilespmem:$0x40];
	_ =	sdelay $0x1  }
0x1e6: {  	v56 =	vld [tilespmem:s18+$0x0];
	_ =	sdelay $0x1  }
0x1e7: {  	v57 =	vld [tilespmem:$0xC0]  }
0x1e8: {  	v16 =	vmul.f32 v16, v15;
	_ =	sdelay $0x1  }
0x1e9: {  	v16 =	vadd.f32 v16, v56;
	_ =	sdelay $0x1  }
0x1ea: {  	v16 =	vadd.f32 v16, v57;
	_ =	sdelay $0x1  }
0x1eb: {  	v16 =	vmax.f32 v16, $0.0e+00  }
0x1ec: {  	[tilespmem:s18+$0x0] =	vst v16  }
0x1ed: {  	v16 =	vld [tilespmem:$0x50];
	_ =	sdelay $0x1  }
0x1ee: {  	v58 =	vld [tilespmem:s18+$0x10];
	_ =	sdelay $0x1  }
0x1ef: {  	v59 =	vld [tilespmem:$0xD0]  }
0x1f0: {  	v16 =	vmul.f32 v16, v15;
	_ =	sdelay $0x1  }
0x1f1: {  	v16 =	vadd.f32 v16, v58;
	_ =	sdelay $0x1  }
0x1f2: {  	v16 =	vadd.f32 v16, v59;
	_ =	sdelay $0x1  }
0x1f3: {  	v16 =	vmax.f32 v16, $0.0e+00  }
0x1f4: {  	[tilespmem:s18+$0x10] =	vst v16  }
0x1f5: {  	v16 =	vld [tilespmem:$0x60];
	_ =	sdelay $0x1  }
0x1f6: {  	v60 =	vld [tilespmem:s18+$0x20];
	_ =	sdelay $0x1  }
0x1f7: {  	v61 =	vld [tilespmem:$0xE0]  }
0x1f8: {  	v16 =	vmul.f32 v16, v15;
	_ =	sdelay $0x1  }
0x1f9: {  	v16 =	vadd.f32 v16, v60;
	_ =	sdelay $0x1  }
0x1fa: {  	v16 =	vadd.f32 v16, v61;
	_ =	sdelay $0x1  }
0x1fb: {  	v16 =	vmax.f32 v16, $0.0e+00  }
0x1fc: {  	[tilespmem:s18+$0x20] =	vst v16  }
0x1fd: {  	v16 =	vld [tilespmem:$0x70];
	_ =	sdelay $0x1  }
0x1fe: {  	v62 =	vld [tilespmem:s18+$0x30];
	_ =	sdelay $0x1  }
0x1ff: {  	v63 =	vld [tilespmem:$0xF0]  }
0x200: {  	v15 =	vmul.f32 v16, v15;
	_ =	sdelay $0x1  }
0x201: {  	v15 =	vadd.f32 v15, v62;
	_ =	sdelay $0x1  }
0x202: {  	v15 =	vadd.f32 v15, v63;
	_ =	sdelay $0x1  }
0x203: {  	v15 =	vmax.f32 v15, $0.0e+00  }
0x204: {  	[tilespmem:s18+$0x30] =	vst v15  }
0x205: {  	[spmem:s5] =	stream.indirect.scatter.add.f32 [tilespmem:s4], [sflag:$0x2], $0x80, s11, s25, $0xb8;
	[tilespmem:$0x1FA40] =	vst v63  }
.LBB2_15:
.Ltmp14:
0x206: {  	(pc) =	sbr.rel @p1 .LBB2_19-.Ltmp14, $1  }
0x207: {  	_ =	sdelay $0x3  }
0x208: {  	s1 =	sadd.s32 $0x2, s29  }
0x209: {  	p1 =	sge.s32 s1, s22  }
0x20a: {  	_ =	swait.ge [sflag:s6], $0x2000;
	p2 =	slt.s32 @!p1 s29, $0x0  }
0x20b: {  	[sflag:s6] =	ssyncset.done $0x0;
	p2 =	por p2, p1  }
0x20c: {  	[sflag:s6] =	ssyncadd.s32 $0xFFFFE000;
	s7 =	simm.s32 @!p2 $0x2  }
0x20d: {  	_ =	swait.ge @!p2 [sflag:s7], $0x2000  }
0x20e: {  	s1 =	sshll.u32 @!p1 s1, $0x8;
	[sflag:s7] =	ssyncset.done @!p2 $0x0  }
0x20f: {  	s1 =	sshra.s32 @!p1 s1, $0x2;
	[sflag:s7] =	ssyncadd.s32 @!p2 $0xFFFFE000  }
0x210: {  	v15 =	vld @!p1 [tilespmem:s1+$0xD00];
	_ =	sdelay $0x4  }
0x211: {  	v16 =	vshrl.u32 @!p1 v15, $0x11  }
0x212: {  	v15 =	vand.u32 @!p1 $0x1FFFF, v15;
	[tilespmem:$0x5900] =	vst @!p1 v16  }
0x213: {  	[tilespmem:$0x5800] =	vst @!p1 v15  }
0x214: {  	v15 =	vld @!p1 [tilespmem:s1+$0xD10];
	_ =	sdelay $0x4  }
0x215: {  	v16 =	vshrl.u32 @!p1 v15, $0x11  }
0x216: {  	v15 =	vand.u32 @!p1 $0x1FFFF, v15;
	[tilespmem:$0x5910] =	vst @!p1 v16  }
0x217: {  	[tilespmem:$0x5810] =	vst @!p1 v15  }
0x218: {  	v15 =	vld @!p1 [tilespmem:s1+$0xD20];
	_ =	sdelay $0x4  }
0x219: {  	v16 =	vshrl.u32 @!p1 v15, $0x11  }
0x21a: {  	v15 =	vand.u32 @!p1 $0x1FFFF, v15;
	[tilespmem:$0x5920] =	vst @!p1 v16  }
0x21b: {  	[tilespmem:$0x5820] =	vst @!p1 v15  }
0x21c: {  	v15 =	vld @!p1 [tilespmem:s1+$0xD30];
	_ =	sdelay $0x4  }
0x21d: {  	v16 =	vshrl.u32 @!p1 v15, $0x11  }
0x21e: {  	s8 =	simm.s32 @!p1 $0x1800;
	v15 =	vand.u32 @!p1 $0x1FFFF, v15;
	[tilespmem:$0x5930] =	vst @!p1 v16  }
0x21f: {  	s29 =	sadd.s32 $0x0, s28;
	s7 =	simm.s32 @!p1 $0x5800;
	s1 =	simm.s32 @!p1 $0x40;
	[tilespmem:$0x5830] =	vst @!p1 v15  }
0x220: {  	[tilespmem:s8], [sflag:$0x1] =	stream.indirect.gather @!p1 [hbm4b:s0+s1], $0x80, s7, s1, $0xb8;
	[tilespmem:$0x1FA40] =	vst v63  }
0x221: {  	v15 =	vld.msk [tilespmem:s29+$0x0 ss:$0x0], $0xffff  }
0x222: {  	v16 =	vld [tilespmem:$0x0]  }
0x223: {  	s8 =	simm.s32 $0x3840  }
0x224: {  	v17 =	vld [tilespmem:s8+$0xFFFFFFC0];
	_ =	sdelay $0x1  }
0x225: {  	v18 =	vld [tilespmem:$0x80]  }
0x226: {  	v16 =	vmul.f32 v16, v15;
	_ =	sdelay $0x1  }
0x227: {  	v16 =	vadd.f32 v16, v17;
	_ =	sdelay $0x1  }
0x228: {  	v16 =	vadd.f32 v16, v18;
	_ =	sdelay $0x1  }
0x229: {  	v16 =	vmax.f32 v16, $0.0e+00  }
0x22a: {  	[tilespmem:s8+$0xFFFFFFC0] =	vst v16  }
0x22b: {  	v16 =	vld [tilespmem:$0x10];
	_ =	sdelay $0x1  }
0x22c: {  	v17 =	vld [tilespmem:s8+$0xFFFFFFD0];
	_ =	sdelay $0x1  }
0x22d: {  	v57 =	vld [tilespmem:$0x90]  }
0x22e: {  	v16 =	vmul.f32 v16, v15;
	_ =	sdelay $0x1  }
0x22f: {  	v16 =	vadd.f32 v16, v17;
	_ =	sdelay $0x1  }
0x230: {  	v16 =	vadd.f32 v16, v57;
	_ =	sdelay $0x1  }
0x231: {  	v16 =	vmax.f32 v16, $0.0e+00  }
0x232: {  	[tilespmem:s8+$0xFFFFFFD0] =	vst v16  }
0x233: {  	v16 =	vld [tilespmem:$0x20];
	_ =	sdelay $0x1  }
0x234: {  	v17 =	vld [tilespmem:s8+$0xFFFFFFE0];
	_ =	sdelay $0x1  }
0x235: {  	v58 =	vld [tilespmem:$0xA0]  }
0x236: {  	v16 =	vmul.f32 v16, v15;
	_ =	sdelay $0x1  }
0x237: {  	v16 =	vadd.f32 v16, v17;
	_ =	sdelay $0x1  }
0x238: {  	v16 =	vadd.f32 v16, v58;
	_ =	sdelay $0x1  }
0x239: {  	v16 =	vmax.f32 v16, $0.0e+00  }
0x23a: {  	[tilespmem:s8+$0xFFFFFFE0] =	vst v16  }
0x23b: {  	v16 =	vld [tilespmem:$0x30];
	_ =	sdelay $0x1  }
0x23c: {  	v17 =	vld [tilespmem:s8+$0xFFFFFFF0];
	_ =	sdelay $0x1  }
0x23d: {  	v59 =	vld [tilespmem:$0xB0]  }
0x23e: {  	v16 =	vmul.f32 v16, v15;
	_ =	sdelay $0x1  }
0x23f: {  	v16 =	vadd.f32 v16, v17;
	_ =	sdelay $0x1  }
0x240: {  	v16 =	vadd.f32 v16, v59;
	_ =	sdelay $0x1  }
0x241: {  	v16 =	vmax.f32 v16, $0.0e+00  }
0x242: {  	[tilespmem:s8+$0xFFFFFFF0] =	vst v16  }
0x243: {  	v16 =	vld [tilespmem:$0x40];
	_ =	sdelay $0x1  }
0x244: {  	v17 =	vld [tilespmem:s8+$0x0];
	_ =	sdelay $0x1  }
0x245: {  	v60 =	vld [tilespmem:$0xC0]  }
0x246: {  	v16 =	vmul.f32 v16, v15;
	_ =	sdelay $0x1  }
0x247: {  	v16 =	vadd.f32 v16, v17;
	_ =	sdelay $0x1  }
0x248: {  	v16 =	vadd.f32 v16, v60;
	_ =	sdelay $0x1  }
0x249: {  	v16 =	vmax.f32 v16, $0.0e+00  }
0x24a: {  	[tilespmem:s8+$0x0] =	vst v16  }
0x24b: {  	v16 =	vld [tilespmem:$0x50];
	_ =	sdelay $0x1  }
0x24c: {  	v17 =	vld [tilespmem:s8+$0x10];
	_ =	sdelay $0x1  }
0x24d: {  	v61 =	vld [tilespmem:$0xD0]  }
0x24e: {  	v16 =	vmul.f32 v16, v15;
	_ =	sdelay $0x1  }
0x24f: {  	v16 =	vadd.f32 v16, v17;
	_ =	sdelay $0x1  }
0x250: {  	v16 =	vadd.f32 v16, v61;
	_ =	sdelay $0x1  }
0x251: {  	v16 =	vmax.f32 v16, $0.0e+00  }
0x252: {  	[tilespmem:s8+$0x10] =	vst v16  }
0x253: {  	v16 =	vld [tilespmem:$0x60];
	_ =	sdelay $0x1  }
0x254: {  	v17 =	vld [tilespmem:s8+$0x20];
	_ =	sdelay $0x1  }
0x255: {  	v62 =	vld [tilespmem:$0xE0]  }
0x256: {  	v16 =	vmul.f32 v16, v15;
	_ =	sdelay $0x1  }
0x257: {  	v16 =	vadd.f32 v16, v17;
	_ =	sdelay $0x1  }
0x258: {  	v16 =	vadd.f32 v16, v62;
	_ =	sdelay $0x1  }
0x259: {  	v16 =	vmax.f32 v16, $0.0e+00  }
0x25a: {  	[tilespmem:s8+$0x20] =	vst v16  }
0x25b: {  	v16 =	vld [tilespmem:$0x70];
	_ =	sdelay $0x1  }
0x25c: {  	v17 =	vld [tilespmem:s8+$0x30];
	_ =	sdelay $0x1  }
0x25d: {  	v63 =	vld [tilespmem:$0xF0]  }
0x25e: {  	v15 =	vmul.f32 v16, v15;
	_ =	sdelay $0x1  }
0x25f: {  	v15 =	vadd.f32 v15, v17;
	_ =	sdelay $0x1  }
0x260: {  	v15 =	vadd.f32 v15, v63;
	_ =	sdelay $0x1  }
0x261: {  	s18 =	simm.s32 $0x1;
	s7 =	simm.s32 $0x8;
	v15 =	vmax.f32 v15, $0.0e+00  }
.LBB2_17:
0x262: {  	s1 =	sadd.s32 s18, s28  }
0x263: {  	[tilespmem:s8+$0x30] =	vst v15;
	s8 =	sadd.s32 $0x80, s8;
	s18 =	smov.u32 s7;
	s13 =	sadd.s32 $0x4, s7  }
0x264: {  	p1 =	sne.s32 s7, $0xFC;
	v15 =	vld.msk [tilespmem:s1+$0x0 ss:$0x0], $0xffff  }
0x265: {  	v16 =	vld [tilespmem:$0x0];
	_ =	sdelay $0x1  }
0x266: {  	v17 =	vld [tilespmem:s8+$0xFFFFFFC0];
	_ =	sdelay $0x1  }
0x267: {  	v18 =	vld [tilespmem:$0x80]  }
0x268: {  	v16 =	vmul.f32 v16, v15;
	_ =	sdelay $0x1  }
0x269: {  	v16 =	vadd.f32 v16, v17;
	_ =	sdelay $0x1  }
0x26a: {  	v16 =	vadd.f32 v16, v18;
	_ =	sdelay $0x1  }
0x26b: {  	v16 =	vmax.f32 v16, $0.0e+00  }
0x26c: {  	[tilespmem:s8+$0xFFFFFFC0] =	vst v16  }
0x26d: {  	v16 =	vld [tilespmem:$0x10];
	_ =	sdelay $0x1  }
0x26e: {  	v17 =	vld [tilespmem:s8+$0xFFFFFFD0];
	_ =	sdelay $0x1  }
0x26f: {  	v18 =	vld [tilespmem:$0x90]  }
0x270: {  	v16 =	vmul.f32 v16, v15;
	_ =	sdelay $0x1  }
0x271: {  	v16 =	vadd.f32 v16, v17;
	_ =	sdelay $0x1  }
0x272: {  	v16 =	vadd.f32 v16, v18;
	_ =	sdelay $0x1  }
0x273: {  	v16 =	vmax.f32 v16, $0.0e+00  }
0x274: {  	[tilespmem:s8+$0xFFFFFFD0] =	vst v16  }
0x275: {  	v16 =	vld [tilespmem:$0x20];
	_ =	sdelay $0x1  }
0x276: {  	v17 =	vld [tilespmem:s8+$0xFFFFFFE0];
	_ =	sdelay $0x1  }
0x277: {  	v18 =	vld [tilespmem:$0xA0]  }
0x278: {  	v16 =	vmul.f32 v16, v15;
	_ =	sdelay $0x1  }
0x279: {  	v16 =	vadd.f32 v16, v17;
	_ =	sdelay $0x1  }
0x27a: {  	v16 =	vadd.f32 v16, v18;
	_ =	sdelay $0x1  }
0x27b: {  	v16 =	vmax.f32 v16, $0.0e+00  }
0x27c: {  	[tilespmem:s8+$0xFFFFFFE0] =	vst v16  }
0x27d: {  	v16 =	vld [tilespmem:$0x30];
	_ =	sdelay $0x1  }
0x27e: {  	v17 =	vld [tilespmem:s8+$0xFFFFFFF0];
	_ =	sdelay $0x1  }
0x27f: {  	v18 =	vld [tilespmem:$0xB0]  }
0x280: {  	v16 =	vmul.f32 v16, v15;
	_ =	sdelay $0x1  }
0x281: {  	v16 =	vadd.f32 v16, v17;
	_ =	sdelay $0x1  }
0x282: {  	v16 =	vadd.f32 v16, v18;
	_ =	sdelay $0x1  }
0x283: {  	v16 =	vmax.f32 v16, $0.0e+00  }
0x284: {  	[tilespmem:s8+$0xFFFFFFF0] =	vst v16  }
0x285: {  	v16 =	vld [tilespmem:$0x40];
	_ =	sdelay $0x1  }
0x286: {  	v17 =	vld [tilespmem:s8+$0x0];
	_ =	sdelay $0x1  }
0x287: {  	v18 =	vld [tilespmem:$0xC0]  }
0x288: {  	v16 =	vmul.f32 v16, v15;
	_ =	sdelay $0x1  }
0x289: {  	v16 =	vadd.f32 v16, v17;
	_ =	sdelay $0x1  }
0x28a: {  	v16 =	vadd.f32 v16, v18;
	_ =	sdelay $0x1  }
0x28b: {  	v16 =	vmax.f32 v16, $0.0e+00  }
0x28c: {  	[tilespmem:s8+$0x0] =	vst v16  }
0x28d: {  	v16 =	vld [tilespmem:$0x50]  }
0x28e: {  	v17 =	vld [tilespmem:$0xD0]  }
0x28f: {  	v18 =	vld [tilespmem:s8+$0x10];
	_ =	sdelay $0x2  }
0x290: {  	v16 =	vmul.f32 v16, v15;
	_ =	sdelay $0x1  }
0x291: {  	v16 =	vadd.f32 v16, v18;
	_ =	sdelay $0x1  }
0x292: {  	v16 =	vadd.f32 v16, v17;
	_ =	sdelay $0x1  }
0x293: {  	v16 =	vmax.f32 v16, $0.0e+00  }
0x294: {  	[tilespmem:s8+$0x10] =	vst v16  }
0x295: {  	v16 =	vld [tilespmem:$0x60]  }
0x296: {  	v17 =	vld [tilespmem:$0xE0]  }
0x297: {  	v18 =	vld [tilespmem:s8+$0x20];
	_ =	sdelay $0x2  }
0x298: {  	v16 =	vmul.f32 v16, v15;
	_ =	sdelay $0x1  }
0x299: {  	v16 =	vadd.f32 v16, v18;
	_ =	sdelay $0x1  }
0x29a: {  	v16 =	vadd.f32 v16, v17;
	_ =	sdelay $0x1  }
0x29b: {  	v16 =	vmax.f32 v16, $0.0e+00  }
0x29c: {  	[tilespmem:s8+$0x20] =	vst v16  }
0x29d: {  	v16 =	vld [tilespmem:$0x70]  }
0x29e: {  	v17 =	vld [tilespmem:$0xF0]  }
0x29f: {  	v18 =	vld [tilespmem:s8+$0x30];
	_ =	sdelay $0x2  }
0x2a0: {  	v15 =	vmul.f32 v16, v15;
	_ =	sdelay $0x1  }
.Ltmp15:
0x2a1: {  	v15 =	vadd.f32 v15, v18;
	(pc) =	sbr.rel @p1 .LBB2_17-.Ltmp15, $3  }
0x2a2: {  	_ = 	snop  }
0x2a3: {  	v15 =	vadd.f32 v15, v17;
	_ =	sdelay $0x1  }
0x2a4: {  	s18 =	sshra.s32 s18, $0x2;
	s7 =	smov.u32 s13;
	v15 =	vmax.f32 v15, $0.0e+00  }
0x2a5: {  	s1 =	sadd.s32 s18, s28;
	[tilespmem:s8+$0x30] =	vst v15  }
0x2a6: {  	v15 =	vld.msk [tilespmem:s1+$0x0 ss:$0x0], $0xffff  }
0x2a7: {  	v16 =	vld [tilespmem:$0x0]  }
0x2a8: {  	s29 =	sadd.s32 $0x80, s8  }
0x2a9: {  	v17 =	vld [tilespmem:s29+$0xFFFFFFC0];
	_ =	sdelay $0x1  }
0x2aa: {  	v18 =	vld [tilespmem:$0x80]  }
0x2ab: {  	v16 =	vmul.f32 v16, v15;
	_ =	sdelay $0x1  }
0x2ac: {  	v16 =	vadd.f32 v16, v17;
	_ =	sdelay $0x1  }
0x2ad: {  	v16 =	vadd.f32 v16, v18;
	_ =	sdelay $0x1  }
0x2ae: {  	v16 =	vmax.f32 v16, $0.0e+00  }
0x2af: {  	[tilespmem:s29+$0xFFFFFFC0] =	vst v16  }
0x2b0: {  	v16 =	vld [tilespmem:$0x10];
	_ =	sdelay $0x1  }
0x2b1: {  	v50 =	vld [tilespmem:s29+$0xFFFFFFD0];
	_ =	sdelay $0x1  }
0x2b2: {  	v51 =	vld [tilespmem:$0x90]  }
0x2b3: {  	v16 =	vmul.f32 v16, v15;
	_ =	sdelay $0x1  }
0x2b4: {  	v16 =	vadd.f32 v16, v50;
	_ =	sdelay $0x1  }
0x2b5: {  	v16 =	vadd.f32 v16, v51;
	_ =	sdelay $0x1  }
0x2b6: {  	v16 =	vmax.f32 v16, $0.0e+00  }
0x2b7: {  	[tilespmem:s29+$0xFFFFFFD0] =	vst v16  }
0x2b8: {  	v16 =	vld [tilespmem:$0x20];
	_ =	sdelay $0x1  }
0x2b9: {  	v52 =	vld [tilespmem:s29+$0xFFFFFFE0];
	_ =	sdelay $0x1  }
0x2ba: {  	v53 =	vld [tilespmem:$0xA0]  }
0x2bb: {  	v16 =	vmul.f32 v16, v15;
	_ =	sdelay $0x1  }
0x2bc: {  	v16 =	vadd.f32 v16, v52;
	_ =	sdelay $0x1  }
0x2bd: {  	v16 =	vadd.f32 v16, v53;
	_ =	sdelay $0x1  }
0x2be: {  	v16 =	vmax.f32 v16, $0.0e+00  }
0x2bf: {  	[tilespmem:s29+$0xFFFFFFE0] =	vst v16  }
0x2c0: {  	v16 =	vld [tilespmem:$0x30];
	_ =	sdelay $0x1  }
0x2c1: {  	v54 =	vld [tilespmem:s29+$0xFFFFFFF0];
	_ =	sdelay $0x1  }
0x2c2: {  	v55 =	vld [tilespmem:$0xB0]  }
0x2c3: {  	v16 =	vmul.f32 v16, v15;
	_ =	sdelay $0x1  }
0x2c4: {  	v16 =	vadd.f32 v16, v54;
	_ =	sdelay $0x1  }
0x2c5: {  	v16 =	vadd.f32 v16, v55;
	_ =	sdelay $0x1  }
0x2c6: {  	v16 =	vmax.f32 v16, $0.0e+00  }
0x2c7: {  	[tilespmem:s29+$0xFFFFFFF0] =	vst v16  }
0x2c8: {  	v16 =	vld [tilespmem:$0x40];
	_ =	sdelay $0x1  }
0x2c9: {  	v56 =	vld [tilespmem:s29+$0x0];
	_ =	sdelay $0x1  }
0x2ca: {  	v57 =	vld [tilespmem:$0xC0]  }
0x2cb: {  	v16 =	vmul.f32 v16, v15;
	_ =	sdelay $0x1  }
0x2cc: {  	v16 =	vadd.f32 v16, v56;
	_ =	sdelay $0x1  }
0x2cd: {  	v16 =	vadd.f32 v16, v57;
	_ =	sdelay $0x1  }
0x2ce: {  	v16 =	vmax.f32 v16, $0.0e+00  }
0x2cf: {  	[tilespmem:s29+$0x0] =	vst v16  }
0x2d0: {  	v16 =	vld [tilespmem:$0x50];
	_ =	sdelay $0x1  }
0x2d1: {  	v58 =	vld [tilespmem:s29+$0x10];
	_ =	sdelay $0x1  }
0x2d2: {  	v59 =	vld [tilespmem:$0xD0]  }
0x2d3: {  	v16 =	vmul.f32 v16, v15;
	_ =	sdelay $0x1  }
0x2d4: {  	v16 =	vadd.f32 v16, v58;
	_ =	sdelay $0x1  }
0x2d5: {  	v16 =	vadd.f32 v16, v59;
	_ =	sdelay $0x1  }
0x2d6: {  	v16 =	vmax.f32 v16, $0.0e+00  }
0x2d7: {  	[tilespmem:s29+$0x10] =	vst v16  }
0x2d8: {  	v16 =	vld [tilespmem:$0x60];
	_ =	sdelay $0x1  }
0x2d9: {  	v60 =	vld [tilespmem:s29+$0x20];
	_ =	sdelay $0x1  }
0x2da: {  	v61 =	vld [tilespmem:$0xE0]  }
0x2db: {  	v16 =	vmul.f32 v16, v15;
	_ =	sdelay $0x1  }
0x2dc: {  	v16 =	vadd.f32 v16, v60;
	_ =	sdelay $0x1  }
0x2dd: {  	v16 =	vadd.f32 v16, v61;
	_ =	sdelay $0x1  }
0x2de: {  	v16 =	vmax.f32 v16, $0.0e+00  }
0x2df: {  	[tilespmem:s29+$0x20] =	vst v16  }
0x2e0: {  	v16 =	vld [tilespmem:$0x70];
	_ =	sdelay $0x1  }
0x2e1: {  	v62 =	vld [tilespmem:s29+$0x30];
	_ =	sdelay $0x1  }
0x2e2: {  	v63 =	vld [tilespmem:$0xF0]  }
0x2e3: {  	v15 =	vmul.f32 v16, v15;
	_ =	sdelay $0x1  }
0x2e4: {  	v15 =	vadd.f32 v15, v62;
	_ =	sdelay $0x1  }
.Ltmp16:
0x2e5: {  	v15 =	vadd.f32 v15, v63;
	(pc) =	sbr.rel .LBB2_19-.Ltmp16, $4  }
0x2e6: {  	_ = 	snop  }
0x2e7: {  	v15 =	vmax.f32 v15, $0.0e+00  }
0x2e8: {  	[tilespmem:s29+$0x30] =	vst v15  }
0x2e9: {  	[spmem:s5] =	stream.indirect.scatter.add.f32 [tilespmem:s15], [sflag:$0x2], $0x80, s14, s25, $0xb8;
	[tilespmem:$0x1FA40] =	vst v63  }
.LBB2_9:
.Ltmp17:
0x2ea: {  	(pc) =	sbr.rel .LBB2_21-.Ltmp17, $2  }
0x2eb: {  	_ =	sdelay $0x2  }
0x2ec: {  	s8 =	sshll.u32 s22, $0x6  }
.LBB2_22:
0x2ed: {  	s1 =	sadd.s32 $0x3F, s8  }
0x2ee: {  	s7 =	sand.u32 $0x3F, s1  }
0x2ef: {  	s29 =	sshra.s32 s1, $0x1F;
	p2 =	slt.s32 s1, $0x1;
	p1 =	sne.s32 s7, $0x0  }
0x2f0: {  	s7 =	sshrl.u32 s29, $0x1A;
	p1 =	por !p2, !p1  }
0x2f1: {  	s1 =	sadd.s32 s7, s1;
	s7 =	simm.s32 $0x1;
	p1 =	por !p1, !p1  }
0x2f2: {  	[tilespmem:s8+$0xD00] =	vst v12;
	s1 =	sshra.s32 s1, $0x6;
	s7 =	simm.s32 @!p1 $0x0  }
0x2f3: {  	[tilespmem:s8+$0x1280] =	vst v0;
	s19 =	ssub.s32 s1, s7  }
0x2f4: {  	[tilespmem:s8+$0xD10] =	vst v12;
	p1 =	slt.s32 s19, $0x1  }
.Ltmp18:
0x2f5: {  	[tilespmem:s8+$0x1290] =	vst v0;
	(pc) =	sbr.rel @p1 .LBB2_34-.Ltmp18, $4  }
0x2f6: {  	[tilespmem:s8+$0xD20] =	vst v12  }
0x2f7: {  	[tilespmem:s8+$0x12A0] =	vst v0  }
0x2f8: {  	[tilespmem:s8+$0xD30] =	vst v12  }
0x2f9: {  	[tilespmem:s8+$0x12B0] =	vst v0  }
0x2fa: {  	v13 =	vld [tilespmem:$0xD00];
	_ =	sdelay $0x1  }
0x2fb: {  	v14 =	vld [tilespmem:$0xD10];
	_ =	sdelay $0x1  }
0x2fc: {  	v15 =	vld [tilespmem:$0xD20]  }
0x2fd: {  	v16 =	vshrl.u32 v13, $0x11  }
0x2fe: {  	v63 =	vld [tilespmem:$0xD30];
	v13 =	vand.u32 $0x1FFFF, v13;
	[tilespmem:$0x5900] =	vst v16  }
0x2ff: {  	[tilespmem:$0x5800] =	vst v13;
	v13 =	vshrl.u32 v14, $0x11  }
0x300: {  	[tilespmem:$0x5910] =	vst v13;
	v13 =	vand.u32 $0x1FFFF, v14  }
0x301: {  	[tilespmem:$0x5810] =	vst v13;
	v13 =	vshrl.u32 v15, $0x11  }
.Ltmp19:
0x302: {  	[tilespmem:$0x5920] =	vst v13;
	v13 =	vand.u32 $0x1FFFF, v15;
	(pc) =	sbr.rel .LBB2_24-.Ltmp19, $4  }
0x303: {  	[tilespmem:$0x5820] =	vst v13;
	v13 =	vshrl.u32 v63, $0x11  }
0x304: {  	s1 =	simm.s32 $0x5800;
	s29 =	sadd.s32 $0x1, s19;
	s21 =	simm.s32 $0x0;
	[tilespmem:$0x5930] =	vst v13;
	v13 =	vand.u32 $0x1FFFF, v63  }
0x305: {  	s22 =	simm.s32 $0x1280;
	s23 =	simm.s32 $0x12C0;
	s20 =	sshrl.u32 s29, $0x1;
	[tilespmem:$0x5830] =	vst v13  }
0x306: {  	[tilespmem:s4], [sflag:$0x1] =	stream.indirect.gather [hbm4b:s0+s25], $0x80, s1, s25, $0xb8;
	[tilespmem:$0x1FA40] =	vst v63  }
.LBB2_32:
0x307: {  	s21 =	sadd.s32 $0x1, s21  }
0x308: {  	p1 =	sne.s32 s21, s20  }
.Ltmp20:
0x309: {  	_ = 	snop;
	(pc) =	sbr.rel @!p1 .LBB2_33-.Ltmp20, $2  }
0x30a: {  	_ =	sdelay $0x2  }
0x30b: {  	s22 =	sadd.s32 $0x80, s22;
	s23 =	sadd.s32 $0x80, s23  }
.LBB2_24:
0x30c: {  	s24 =	sshll.u32 s21, $0x1  }
0x30d: {  	p2 =	sge.s32 s24, s19  }
.Ltmp21:
0x30e: {  	_ = 	snop;
	(pc) =	sbr.rel @p2 .LBB2_28-.Ltmp21, $3  }
0x30f: {  	_ =	sdelay $0x1  }
0x310: {  	s8 =	sshllo.u32 s21, $0x1  }
0x311: {  	p1 =	sge.s32 s8, s19  }
0x312: {  	_ =	swait.ge [sflag:s6], $0x2000;
	p2 =	slt.s32 @!p1 s24, $0x1  }
0x313: {  	[sflag:s6] =	ssyncset.done $0x0;
	p2 =	por p2, p1  }
0x314: {  	[sflag:s6] =	ssyncadd.s32 $0xFFFFE000;
	s1 =	simm.s32 @!p2 $0x2  }
0x315: {  	_ =	swait.ge @!p2 [sflag:s1], $0x2000  }
0x316: {  	[sflag:s1] =	ssyncset.done @!p2 $0x0  }
0x317: {  	[sflag:s1] =	ssyncadd.s32 @!p2 $0xFFFFE000;
	s1 =	sshll.u32 @!p1 s8, $0x6  }
0x318: {  	v13 =	vld @!p1 [tilespmem:s1+$0xD00];
	_ =	sdelay $0x4  }
0x319: {  	v14 =	vshrl.u32 @!p1 v13, $0x11  }
0x31a: {  	v13 =	vand.u32 @!p1 $0x1FFFF, v13;
	[tilespmem:$0x5980] =	vst @!p1 v14  }
0x31b: {  	s7 =	sor.u32 @!p1 $0x50, s1;
	[tilespmem:$0x5880] =	vst @!p1 v13  }
0x31c: {  	v13 =	vld @!p1 [tilespmem:s7+$0xD00];
	_ =	sdelay $0x4  }
0x31d: {  	v14 =	vshrl.u32 @!p1 v13, $0x11  }
0x31e: {  	v13 =	vand.u32 @!p1 $0x1FFFF, v13;
	[tilespmem:$0x5990] =	vst @!p1 v14  }
0x31f: {  	s7 =	sor.u32 @!p1 $0x60, s1;
	[tilespmem:$0x5890] =	vst @!p1 v13  }
0x320: {  	v13 =	vld @!p1 [tilespmem:s7+$0xD00];
	_ =	sdelay $0x4  }
0x321: {  	v14 =	vshrl.u32 @!p1 v13, $0x11  }
0x322: {  	v13 =	vand.u32 @!p1 $0x1FFFF, v13;
	[tilespmem:$0x59A0] =	vst @!p1 v14  }
0x323: {  	s1 =	sor.u32 @!p1 $0x70, s1;
	[tilespmem:$0x58A0] =	vst @!p1 v13  }
0x324: {  	v13 =	vld @!p1 [tilespmem:s1+$0xD00];
	_ =	sdelay $0x4  }
0x325: {  	v14 =	vshrl.u32 @!p1 v13, $0x11  }
0x326: {  	s29 =	sadd.s32 $0x0, s22;
	v13 =	vand.u32 @!p1 $0x1FFFF, v13;
	[tilespmem:$0x59B0] =	vst @!p1 v14  }
0x327: {  	s8 =	simm.s32 @!p1 $0x3800;
	s7 =	simm.s32 @!p1 $0x5880;
	s1 =	simm.s32 @!p1 $0x40;
	[tilespmem:$0x58B0] =	vst @!p1 v13  }
0x328: {  	[tilespmem:s8], [sflag:$0x1] =	stream.indirect.gather @!p1 [hbm4b:s0+s1], $0x80, s7, s1, $0xb8;
	[tilespmem:$0x1FA40] =	vst v63  }
0x329: {  	v13 =	vld.msk [tilespmem:s29+$0x0 ss:$0x0], $0xffff  }
0x32a: {  	v14 =	vld [tilespmem:$0x0]  }
0x32b: {  	s8 =	simm.s32 $0x1840  }
0x32c: {  	v15 =	vld [tilespmem:s8+$0xFFFFFFC0];
	_ =	sdelay $0x1  }
0x32d: {  	v16 =	vld [tilespmem:$0x80]  }
0x32e: {  	v14 =	vmul.f32 v14, v13;
	_ =	sdelay $0x1  }
0x32f: {  	v14 =	vadd.f32 v14, v15;
	_ =	sdelay $0x1  }
0x330: {  	v14 =	vadd.f32 v14, v16;
	_ =	sdelay $0x1  }
0x331: {  	v14 =	vmax.f32 v14, $0.0e+00  }
0x332: {  	[tilespmem:s8+$0xFFFFFFC0] =	vst v14  }
0x333: {  	v14 =	vld [tilespmem:$0x10];
	_ =	sdelay $0x1  }
0x334: {  	v15 =	vld [tilespmem:s8+$0xFFFFFFD0];
	_ =	sdelay $0x1  }
0x335: {  	v57 =	vld [tilespmem:$0x90]  }
0x336: {  	v14 =	vmul.f32 v14, v13;
	_ =	sdelay $0x1  }
0x337: {  	v14 =	vadd.f32 v14, v15;
	_ =	sdelay $0x1  }
0x338: {  	v14 =	vadd.f32 v14, v57;
	_ =	sdelay $0x1  }
0x339: {  	v14 =	vmax.f32 v14, $0.0e+00  }
0x33a: {  	[tilespmem:s8+$0xFFFFFFD0] =	vst v14  }
0x33b: {  	v14 =	vld [tilespmem:$0x20];
	_ =	sdelay $0x1  }
0x33c: {  	v15 =	vld [tilespmem:s8+$0xFFFFFFE0];
	_ =	sdelay $0x1  }
0x33d: {  	v58 =	vld [tilespmem:$0xA0]  }
0x33e: {  	v14 =	vmul.f32 v14, v13;
	_ =	sdelay $0x1  }
0x33f: {  	v14 =	vadd.f32 v14, v15;
	_ =	sdelay $0x1  }
0x340: {  	v14 =	vadd.f32 v14, v58;
	_ =	sdelay $0x1  }
0x341: {  	v14 =	vmax.f32 v14, $0.0e+00  }
0x342: {  	[tilespmem:s8+$0xFFFFFFE0] =	vst v14  }
0x343: {  	v14 =	vld [tilespmem:$0x30];
	_ =	sdelay $0x1  }
0x344: {  	v15 =	vld [tilespmem:s8+$0xFFFFFFF0];
	_ =	sdelay $0x1  }
0x345: {  	v59 =	vld [tilespmem:$0xB0]  }
0x346: {  	v14 =	vmul.f32 v14, v13;
	_ =	sdelay $0x1  }
0x347: {  	v14 =	vadd.f32 v14, v15;
	_ =	sdelay $0x1  }
0x348: {  	v14 =	vadd.f32 v14, v59;
	_ =	sdelay $0x1  }
0x349: {  	v14 =	vmax.f32 v14, $0.0e+00  }
0x34a: {  	[tilespmem:s8+$0xFFFFFFF0] =	vst v14  }
0x34b: {  	v14 =	vld [tilespmem:$0x40];
	_ =	sdelay $0x1  }
0x34c: {  	v15 =	vld [tilespmem:s8+$0x0];
	_ =	sdelay $0x1  }
0x34d: {  	v60 =	vld [tilespmem:$0xC0]  }
0x34e: {  	v14 =	vmul.f32 v14, v13;
	_ =	sdelay $0x1  }
0x34f: {  	v14 =	vadd.f32 v14, v15;
	_ =	sdelay $0x1  }
0x350: {  	v14 =	vadd.f32 v14, v60;
	_ =	sdelay $0x1  }
0x351: {  	v14 =	vmax.f32 v14, $0.0e+00  }
0x352: {  	[tilespmem:s8+$0x0] =	vst v14  }
0x353: {  	v14 =	vld [tilespmem:$0x50];
	_ =	sdelay $0x1  }
0x354: {  	v15 =	vld [tilespmem:s8+$0x10];
	_ =	sdelay $0x1  }
0x355: {  	v61 =	vld [tilespmem:$0xD0]  }
0x356: {  	v14 =	vmul.f32 v14, v13;
	_ =	sdelay $0x1  }
0x357: {  	v14 =	vadd.f32 v14, v15;
	_ =	sdelay $0x1  }
0x358: {  	v14 =	vadd.f32 v14, v61;
	_ =	sdelay $0x1  }
0x359: {  	v14 =	vmax.f32 v14, $0.0e+00  }
0x35a: {  	[tilespmem:s8+$0x10] =	vst v14  }
0x35b: {  	v14 =	vld [tilespmem:$0x60];
	_ =	sdelay $0x1  }
0x35c: {  	v15 =	vld [tilespmem:s8+$0x20];
	_ =	sdelay $0x1  }
0x35d: {  	v62 =	vld [tilespmem:$0xE0]  }
0x35e: {  	v14 =	vmul.f32 v14, v13;
	_ =	sdelay $0x1  }
0x35f: {  	v14 =	vadd.f32 v14, v15;
	_ =	sdelay $0x1  }
0x360: {  	v14 =	vadd.f32 v14, v62;
	_ =	sdelay $0x1  }
0x361: {  	v14 =	vmax.f32 v14, $0.0e+00  }
0x362: {  	[tilespmem:s8+$0x20] =	vst v14  }
0x363: {  	v14 =	vld [tilespmem:$0x70];
	_ =	sdelay $0x1  }
0x364: {  	v15 =	vld [tilespmem:s8+$0x30];
	_ =	sdelay $0x1  }
0x365: {  	v63 =	vld [tilespmem:$0xF0]  }
0x366: {  	v13 =	vmul.f32 v14, v13;
	_ =	sdelay $0x1  }
0x367: {  	v13 =	vadd.f32 v13, v15;
	_ =	sdelay $0x1  }
0x368: {  	v13 =	vadd.f32 v13, v63;
	_ =	sdelay $0x1  }
0x369: {  	s18 =	simm.s32 $0x1;
	s7 =	simm.s32 $0x8;
	v13 =	vmax.f32 v13, $0.0e+00  }
.LBB2_26:
0x36a: {  	s1 =	sadd.s32 s18, s22  }
0x36b: {  	[tilespmem:s8+$0x30] =	vst v13;
	s8 =	sadd.s32 $0x80, s8;
	s18 =	smov.u32 s7;
	s13 =	sadd.s32 $0x4, s7  }
0x36c: {  	p2 =	sne.s32 s7, $0xFC;
	v13 =	vld.msk [tilespmem:s1+$0x0 ss:$0x0], $0xffff  }
0x36d: {  	v14 =	vld [tilespmem:$0x0];
	_ =	sdelay $0x1  }
0x36e: {  	v15 =	vld [tilespmem:s8+$0xFFFFFFC0];
	_ =	sdelay $0x1  }
0x36f: {  	v16 =	vld [tilespmem:$0x80]  }
0x370: {  	v14 =	vmul.f32 v14, v13;
	_ =	sdelay $0x1  }
0x371: {  	v14 =	vadd.f32 v14, v15;
	_ =	sdelay $0x1  }
0x372: {  	v14 =	vadd.f32 v14, v16;
	_ =	sdelay $0x1  }
0x373: {  	v14 =	vmax.f32 v14, $0.0e+00  }
0x374: {  	[tilespmem:s8+$0xFFFFFFC0] =	vst v14  }
0x375: {  	v14 =	vld [tilespmem:$0x10];
	_ =	sdelay $0x1  }
0x376: {  	v15 =	vld [tilespmem:s8+$0xFFFFFFD0];
	_ =	sdelay $0x1  }
0x377: {  	v16 =	vld [tilespmem:$0x90]  }
0x378: {  	v14 =	vmul.f32 v14, v13;
	_ =	sdelay $0x1  }
0x379: {  	v14 =	vadd.f32 v14, v15;
	_ =	sdelay $0x1  }
0x37a: {  	v14 =	vadd.f32 v14, v16;
	_ =	sdelay $0x1  }
0x37b: {  	v14 =	vmax.f32 v14, $0.0e+00  }
0x37c: {  	[tilespmem:s8+$0xFFFFFFD0] =	vst v14  }
0x37d: {  	v14 =	vld [tilespmem:$0x20];
	_ =	sdelay $0x1  }
0x37e: {  	v15 =	vld [tilespmem:s8+$0xFFFFFFE0];
	_ =	sdelay $0x1  }
0x37f: {  	v16 =	vld [tilespmem:$0xA0]  }
0x380: {  	v14 =	vmul.f32 v14, v13;
	_ =	sdelay $0x1  }
0x381: {  	v14 =	vadd.f32 v14, v15;
	_ =	sdelay $0x1  }
0x382: {  	v14 =	vadd.f32 v14, v16;
	_ =	sdelay $0x1  }
0x383: {  	v14 =	vmax.f32 v14, $0.0e+00  }
0x384: {  	[tilespmem:s8+$0xFFFFFFE0] =	vst v14  }
0x385: {  	v14 =	vld [tilespmem:$0x30];
	_ =	sdelay $0x1  }
0x386: {  	v15 =	vld [tilespmem:s8+$0xFFFFFFF0];
	_ =	sdelay $0x1  }
0x387: {  	v16 =	vld [tilespmem:$0xB0]  }
0x388: {  	v14 =	vmul.f32 v14, v13;
	_ =	sdelay $0x1  }
0x389: {  	v14 =	vadd.f32 v14, v15;
	_ =	sdelay $0x1  }
0x38a: {  	v14 =	vadd.f32 v14, v16;
	_ =	sdelay $0x1  }
0x38b: {  	v14 =	vmax.f32 v14, $0.0e+00  }
0x38c: {  	[tilespmem:s8+$0xFFFFFFF0] =	vst v14  }
0x38d: {  	v14 =	vld [tilespmem:$0x40];
	_ =	sdelay $0x1  }
0x38e: {  	v15 =	vld [tilespmem:s8+$0x0];
	_ =	sdelay $0x1  }
0x38f: {  	v16 =	vld [tilespmem:$0xC0]  }
0x390: {  	v14 =	vmul.f32 v14, v13;
	_ =	sdelay $0x1  }
0x391: {  	v14 =	vadd.f32 v14, v15;
	_ =	sdelay $0x1  }
0x392: {  	v14 =	vadd.f32 v14, v16;
	_ =	sdelay $0x1  }
0x393: {  	v14 =	vmax.f32 v14, $0.0e+00  }
0x394: {  	[tilespmem:s8+$0x0] =	vst v14  }
0x395: {  	v14 =	vld [tilespmem:$0x50]  }
0x396: {  	v15 =	vld [tilespmem:$0xD0]  }
0x397: {  	v16 =	vld [tilespmem:s8+$0x10];
	_ =	sdelay $0x2  }
0x398: {  	v14 =	vmul.f32 v14, v13;
	_ =	sdelay $0x1  }
0x399: {  	v14 =	vadd.f32 v14, v16;
	_ =	sdelay $0x1  }
0x39a: {  	v14 =	vadd.f32 v14, v15;
	_ =	sdelay $0x1  }
0x39b: {  	v14 =	vmax.f32 v14, $0.0e+00  }
0x39c: {  	[tilespmem:s8+$0x10] =	vst v14  }
0x39d: {  	v14 =	vld [tilespmem:$0x60]  }
0x39e: {  	v15 =	vld [tilespmem:$0xE0]  }
0x39f: {  	v16 =	vld [tilespmem:s8+$0x20];
	_ =	sdelay $0x2  }
0x3a0: {  	v14 =	vmul.f32 v14, v13;
	_ =	sdelay $0x1  }
0x3a1: {  	v14 =	vadd.f32 v14, v16;
	_ =	sdelay $0x1  }
0x3a2: {  	v14 =	vadd.f32 v14, v15;
	_ =	sdelay $0x1  }
0x3a3: {  	v14 =	vmax.f32 v14, $0.0e+00  }
0x3a4: {  	[tilespmem:s8+$0x20] =	vst v14  }
0x3a5: {  	v14 =	vld [tilespmem:$0x70]  }
0x3a6: {  	v15 =	vld [tilespmem:$0xF0]  }
0x3a7: {  	v16 =	vld [tilespmem:s8+$0x30];
	_ =	sdelay $0x2  }
0x3a8: {  	v13 =	vmul.f32 v14, v13;
	_ =	sdelay $0x1  }
.Ltmp22:
0x3a9: {  	v13 =	vadd.f32 v13, v16;
	(pc) =	sbr.rel @p2 .LBB2_26-.Ltmp22, $3  }
0x3aa: {  	_ = 	snop  }
0x3ab: {  	v13 =	vadd.f32 v13, v15;
	_ =	sdelay $0x1  }
0x3ac: {  	s18 =	sshra.s32 s18, $0x2;
	s7 =	smov.u32 s13;
	v13 =	vmax.f32 v13, $0.0e+00  }
0x3ad: {  	s1 =	sadd.s32 s18, s22;
	[tilespmem:s8+$0x30] =	vst v13  }
0x3ae: {  	v13 =	vld.msk [tilespmem:s1+$0x0 ss:$0x0], $0xffff  }
0x3af: {  	v14 =	vld [tilespmem:$0x0]  }
0x3b0: {  	s29 =	sadd.s32 $0x80, s8  }
0x3b1: {  	v15 =	vld [tilespmem:s29+$0xFFFFFFC0];
	_ =	sdelay $0x1  }
0x3b2: {  	v16 =	vld [tilespmem:$0x80]  }
0x3b3: {  	v14 =	vmul.f32 v14, v13;
	_ =	sdelay $0x1  }
0x3b4: {  	v14 =	vadd.f32 v14, v15;
	_ =	sdelay $0x1  }
0x3b5: {  	v14 =	vadd.f32 v14, v16;
	_ =	sdelay $0x1  }
0x3b6: {  	v14 =	vmax.f32 v14, $0.0e+00  }
0x3b7: {  	[tilespmem:s29+$0xFFFFFFC0] =	vst v14  }
0x3b8: {  	v14 =	vld [tilespmem:$0x10];
	_ =	sdelay $0x1  }
0x3b9: {  	v15 =	vld [tilespmem:s29+$0xFFFFFFD0];
	_ =	sdelay $0x1  }
0x3ba: {  	v57 =	vld [tilespmem:$0x90]  }
0x3bb: {  	v14 =	vmul.f32 v14, v13;
	_ =	sdelay $0x1  }
0x3bc: {  	v14 =	vadd.f32 v14, v15;
	_ =	sdelay $0x1  }
0x3bd: {  	v14 =	vadd.f32 v14, v57;
	_ =	sdelay $0x1  }
0x3be: {  	v14 =	vmax.f32 v14, $0.0e+00  }
0x3bf: {  	[tilespmem:s29+$0xFFFFFFD0] =	vst v14  }
0x3c0: {  	v14 =	vld [tilespmem:$0x20];
	_ =	sdelay $0x1  }
0x3c1: {  	v15 =	vld [tilespmem:s29+$0xFFFFFFE0];
	_ =	sdelay $0x1  }
0x3c2: {  	v58 =	vld [tilespmem:$0xA0]  }
0x3c3: {  	v14 =	vmul.f32 v14, v13;
	_ =	sdelay $0x1  }
0x3c4: {  	v14 =	vadd.f32 v14, v15;
	_ =	sdelay $0x1  }
0x3c5: {  	v14 =	vadd.f32 v14, v58;
	_ =	sdelay $0x1  }
0x3c6: {  	v14 =	vmax.f32 v14, $0.0e+00  }
0x3c7: {  	[tilespmem:s29+$0xFFFFFFE0] =	vst v14  }
0x3c8: {  	v14 =	vld [tilespmem:$0x30];
	_ =	sdelay $0x1  }
0x3c9: {  	v15 =	vld [tilespmem:s29+$0xFFFFFFF0];
	_ =	sdelay $0x1  }
0x3ca: {  	v59 =	vld [tilespmem:$0xB0]  }
0x3cb: {  	v14 =	vmul.f32 v14, v13;
	_ =	sdelay $0x1  }
0x3cc: {  	v14 =	vadd.f32 v14, v15;
	_ =	sdelay $0x1  }
0x3cd: {  	v14 =	vadd.f32 v14, v59;
	_ =	sdelay $0x1  }
0x3ce: {  	v14 =	vmax.f32 v14, $0.0e+00  }
0x3cf: {  	[tilespmem:s29+$0xFFFFFFF0] =	vst v14  }
0x3d0: {  	v14 =	vld [tilespmem:$0x40];
	_ =	sdelay $0x1  }
0x3d1: {  	v15 =	vld [tilespmem:s29+$0x0];
	_ =	sdelay $0x1  }
0x3d2: {  	v60 =	vld [tilespmem:$0xC0]  }
0x3d3: {  	v14 =	vmul.f32 v14, v13;
	_ =	sdelay $0x1  }
0x3d4: {  	v14 =	vadd.f32 v14, v15;
	_ =	sdelay $0x1  }
0x3d5: {  	v14 =	vadd.f32 v14, v60;
	_ =	sdelay $0x1  }
0x3d6: {  	v14 =	vmax.f32 v14, $0.0e+00  }
0x3d7: {  	[tilespmem:s29+$0x0] =	vst v14  }
0x3d8: {  	v14 =	vld [tilespmem:$0x50];
	_ =	sdelay $0x1  }
0x3d9: {  	v15 =	vld [tilespmem:s29+$0x10];
	_ =	sdelay $0x1  }
0x3da: {  	v61 =	vld [tilespmem:$0xD0]  }
0x3db: {  	v14 =	vmul.f32 v14, v13;
	_ =	sdelay $0x1  }
0x3dc: {  	v14 =	vadd.f32 v14, v15;
	_ =	sdelay $0x1  }
0x3dd: {  	v14 =	vadd.f32 v14, v61;
	_ =	sdelay $0x1  }
0x3de: {  	v14 =	vmax.f32 v14, $0.0e+00  }
0x3df: {  	[tilespmem:s29+$0x10] =	vst v14  }
0x3e0: {  	v14 =	vld [tilespmem:$0x60];
	_ =	sdelay $0x1  }
0x3e1: {  	v15 =	vld [tilespmem:s29+$0x20];
	_ =	sdelay $0x1  }
0x3e2: {  	v62 =	vld [tilespmem:$0xE0]  }
0x3e3: {  	v14 =	vmul.f32 v14, v13;
	_ =	sdelay $0x1  }
0x3e4: {  	v14 =	vadd.f32 v14, v15;
	_ =	sdelay $0x1  }
0x3e5: {  	v14 =	vadd.f32 v14, v62;
	_ =	sdelay $0x1  }
0x3e6: {  	v14 =	vmax.f32 v14, $0.0e+00  }
0x3e7: {  	[tilespmem:s29+$0x20] =	vst v14  }
0x3e8: {  	v14 =	vld [tilespmem:$0x70];
	_ =	sdelay $0x1  }
0x3e9: {  	v15 =	vld [tilespmem:s29+$0x30];
	_ =	sdelay $0x1  }
0x3ea: {  	v63 =	vld [tilespmem:$0xF0]  }
0x3eb: {  	v13 =	vmul.f32 v14, v13;
	_ =	sdelay $0x1  }
0x3ec: {  	v13 =	vadd.f32 v13, v15;
	_ =	sdelay $0x1  }
0x3ed: {  	v13 =	vadd.f32 v13, v63;
	_ =	sdelay $0x1  }
0x3ee: {  	v13 =	vmax.f32 v13, $0.0e+00  }
0x3ef: {  	[tilespmem:s29+$0x30] =	vst v13  }
0x3f0: {  	[spmem:s5] =	stream.indirect.scatter.add.f32 [tilespmem:s4], [sflag:$0x2], $0x80, s11, s25, $0xb8;
	[tilespmem:$0x1FA40] =	vst v63  }
.LBB2_28:
.Ltmp23:
0x3f1: {  	(pc) =	sbr.rel @p1 .LBB2_32-.Ltmp23, $1  }
0x3f2: {  	_ =	sdelay $0x3  }
0x3f3: {  	s1 =	sadd.s32 $0x2, s24  }
0x3f4: {  	p1 =	sge.s32 s1, s19  }
0x3f5: {  	_ =	swait.ge [sflag:s6], $0x2000;
	p2 =	slt.s32 @!p1 s24, $0x0  }
0x3f6: {  	[sflag:s6] =	ssyncset.done $0x0;
	p2 =	por p2, p1  }
0x3f7: {  	[sflag:s6] =	ssyncadd.s32 $0xFFFFE000;
	s7 =	simm.s32 @!p2 $0x2  }
0x3f8: {  	_ =	swait.ge @!p2 [sflag:s7], $0x2000  }
0x3f9: {  	s1 =	sshll.u32 @!p1 s1, $0x8;
	[sflag:s7] =	ssyncset.done @!p2 $0x0  }
0x3fa: {  	s1 =	sshra.s32 @!p1 s1, $0x2;
	[sflag:s7] =	ssyncadd.s32 @!p2 $0xFFFFE000  }
0x3fb: {  	v13 =	vld @!p1 [tilespmem:s1+$0xD00];
	_ =	sdelay $0x4  }
0x3fc: {  	v14 =	vshrl.u32 @!p1 v13, $0x11  }
0x3fd: {  	v13 =	vand.u32 @!p1 $0x1FFFF, v13;
	[tilespmem:$0x5900] =	vst @!p1 v14  }
0x3fe: {  	[tilespmem:$0x5800] =	vst @!p1 v13  }
0x3ff: {  	v13 =	vld @!p1 [tilespmem:s1+$0xD10];
	_ =	sdelay $0x4  }
0x400: {  	v14 =	vshrl.u32 @!p1 v13, $0x11  }
0x401: {  	v13 =	vand.u32 @!p1 $0x1FFFF, v13;
	[tilespmem:$0x5910] =	vst @!p1 v14  }
0x402: {  	[tilespmem:$0x5810] =	vst @!p1 v13  }
0x403: {  	v13 =	vld @!p1 [tilespmem:s1+$0xD20];
	_ =	sdelay $0x4  }
0x404: {  	v14 =	vshrl.u32 @!p1 v13, $0x11  }
0x405: {  	v13 =	vand.u32 @!p1 $0x1FFFF, v13;
	[tilespmem:$0x5920] =	vst @!p1 v14  }
0x406: {  	[tilespmem:$0x5820] =	vst @!p1 v13  }
0x407: {  	v13 =	vld @!p1 [tilespmem:s1+$0xD30];
	_ =	sdelay $0x4  }
0x408: {  	v14 =	vshrl.u32 @!p1 v13, $0x11  }
0x409: {  	s29 =	sadd.s32 $0x0, s23;
	v13 =	vand.u32 @!p1 $0x1FFFF, v13;
	[tilespmem:$0x5930] =	vst @!p1 v14  }
0x40a: {  	s8 =	simm.s32 @!p1 $0x1800;
	s7 =	simm.s32 @!p1 $0x5800;
	s1 =	simm.s32 @!p1 $0x40;
	[tilespmem:$0x5830] =	vst @!p1 v13  }
0x40b: {  	[tilespmem:s8], [sflag:$0x1] =	stream.indirect.gather @!p1 [hbm4b:s0+s1], $0x80, s7, s1, $0xb8;
	[tilespmem:$0x1FA40] =	vst v63  }
0x40c: {  	v13 =	vld.msk [tilespmem:s29+$0x0 ss:$0x0], $0xffff  }
0x40d: {  	v14 =	vld [tilespmem:$0x0]  }
0x40e: {  	s8 =	simm.s32 $0x3840  }
0x40f: {  	v15 =	vld [tilespmem:s8+$0xFFFFFFC0];
	_ =	sdelay $0x1  }
0x410: {  	v16 =	vld [tilespmem:$0x80]  }
0x411: {  	v14 =	vmul.f32 v14, v13;
	_ =	sdelay $0x1  }
0x412: {  	v14 =	vadd.f32 v14, v15;
	_ =	sdelay $0x1  }
0x413: {  	v14 =	vadd.f32 v14, v16;
	_ =	sdelay $0x1  }
0x414: {  	v14 =	vmax.f32 v14, $0.0e+00  }
0x415: {  	[tilespmem:s8+$0xFFFFFFC0] =	vst v14  }
0x416: {  	v14 =	vld [tilespmem:$0x10];
	_ =	sdelay $0x1  }
0x417: {  	v15 =	vld [tilespmem:s8+$0xFFFFFFD0];
	_ =	sdelay $0x1  }
0x418: {  	v57 =	vld [tilespmem:$0x90]  }
0x419: {  	v14 =	vmul.f32 v14, v13;
	_ =	sdelay $0x1  }
0x41a: {  	v14 =	vadd.f32 v14, v15;
	_ =	sdelay $0x1  }
0x41b: {  	v14 =	vadd.f32 v14, v57;
	_ =	sdelay $0x1  }
0x41c: {  	v14 =	vmax.f32 v14, $0.0e+00  }
0x41d: {  	[tilespmem:s8+$0xFFFFFFD0] =	vst v14  }
0x41e: {  	v14 =	vld [tilespmem:$0x20];
	_ =	sdelay $0x1  }
0x41f: {  	v15 =	vld [tilespmem:s8+$0xFFFFFFE0];
	_ =	sdelay $0x1  }
0x420: {  	v58 =	vld [tilespmem:$0xA0]  }
0x421: {  	v14 =	vmul.f32 v14, v13;
	_ =	sdelay $0x1  }
0x422: {  	v14 =	vadd.f32 v14, v15;
	_ =	sdelay $0x1  }
0x423: {  	v14 =	vadd.f32 v14, v58;
	_ =	sdelay $0x1  }
0x424: {  	v14 =	vmax.f32 v14, $0.0e+00  }
0x425: {  	[tilespmem:s8+$0xFFFFFFE0] =	vst v14  }
0x426: {  	v14 =	vld [tilespmem:$0x30];
	_ =	sdelay $0x1  }
0x427: {  	v15 =	vld [tilespmem:s8+$0xFFFFFFF0];
	_ =	sdelay $0x1  }
0x428: {  	v59 =	vld [tilespmem:$0xB0]  }
0x429: {  	v14 =	vmul.f32 v14, v13;
	_ =	sdelay $0x1  }
0x42a: {  	v14 =	vadd.f32 v14, v15;
	_ =	sdelay $0x1  }
0x42b: {  	v14 =	vadd.f32 v14, v59;
	_ =	sdelay $0x1  }
0x42c: {  	v14 =	vmax.f32 v14, $0.0e+00  }
0x42d: {  	[tilespmem:s8+$0xFFFFFFF0] =	vst v14  }
0x42e: {  	v14 =	vld [tilespmem:$0x40];
	_ =	sdelay $0x1  }
0x42f: {  	v15 =	vld [tilespmem:s8+$0x0];
	_ =	sdelay $0x1  }
0x430: {  	v60 =	vld [tilespmem:$0xC0]  }
0x431: {  	v14 =	vmul.f32 v14, v13;
	_ =	sdelay $0x1  }
0x432: {  	v14 =	vadd.f32 v14, v15;
	_ =	sdelay $0x1  }
0x433: {  	v14 =	vadd.f32 v14, v60;
	_ =	sdelay $0x1  }
0x434: {  	v14 =	vmax.f32 v14, $0.0e+00  }
0x435: {  	[tilespmem:s8+$0x0] =	vst v14  }
0x436: {  	v14 =	vld [tilespmem:$0x50];
	_ =	sdelay $0x1  }
0x437: {  	v15 =	vld [tilespmem:s8+$0x10];
	_ =	sdelay $0x1  }
0x438: {  	v61 =	vld [tilespmem:$0xD0]  }
0x439: {  	v14 =	vmul.f32 v14, v13;
	_ =	sdelay $0x1  }
0x43a: {  	v14 =	vadd.f32 v14, v15;
	_ =	sdelay $0x1  }
0x43b: {  	v14 =	vadd.f32 v14, v61;
	_ =	sdelay $0x1  }
0x43c: {  	v14 =	vmax.f32 v14, $0.0e+00  }
0x43d: {  	[tilespmem:s8+$0x10] =	vst v14  }
0x43e: {  	v14 =	vld [tilespmem:$0x60];
	_ =	sdelay $0x1  }
0x43f: {  	v15 =	vld [tilespmem:s8+$0x20];
	_ =	sdelay $0x1  }
0x440: {  	v62 =	vld [tilespmem:$0xE0]  }
0x441: {  	v14 =	vmul.f32 v14, v13;
	_ =	sdelay $0x1  }
0x442: {  	v14 =	vadd.f32 v14, v15;
	_ =	sdelay $0x1  }
0x443: {  	v14 =	vadd.f32 v14, v62;
	_ =	sdelay $0x1  }
0x444: {  	v14 =	vmax.f32 v14, $0.0e+00  }
0x445: {  	[tilespmem:s8+$0x20] =	vst v14  }
0x446: {  	v14 =	vld [tilespmem:$0x70];
	_ =	sdelay $0x1  }
0x447: {  	v15 =	vld [tilespmem:s8+$0x30];
	_ =	sdelay $0x1  }
0x448: {  	v63 =	vld [tilespmem:$0xF0]  }
0x449: {  	v13 =	vmul.f32 v14, v13;
	_ =	sdelay $0x1  }
0x44a: {  	v13 =	vadd.f32 v13, v15;
	_ =	sdelay $0x1  }
0x44b: {  	v13 =	vadd.f32 v13, v63;
	_ =	sdelay $0x1  }
0x44c: {  	s18 =	simm.s32 $0x1;
	s7 =	simm.s32 $0x8;
	v13 =	vmax.f32 v13, $0.0e+00  }
.LBB2_30:
0x44d: {  	s1 =	sadd.s32 s18, s23  }
0x44e: {  	[tilespmem:s8+$0x30] =	vst v13;
	s8 =	sadd.s32 $0x80, s8;
	s18 =	smov.u32 s7;
	s13 =	sadd.s32 $0x4, s7  }
0x44f: {  	p1 =	sne.s32 s7, $0xFC;
	v13 =	vld.msk [tilespmem:s1+$0x0 ss:$0x0], $0xffff  }
0x450: {  	v14 =	vld [tilespmem:$0x0];
	_ =	sdelay $0x1  }
0x451: {  	v15 =	vld [tilespmem:s8+$0xFFFFFFC0];
	_ =	sdelay $0x1  }
0x452: {  	v16 =	vld [tilespmem:$0x80]  }
0x453: {  	v14 =	vmul.f32 v14, v13;
	_ =	sdelay $0x1  }
0x454: {  	v14 =	vadd.f32 v14, v15;
	_ =	sdelay $0x1  }
0x455: {  	v14 =	vadd.f32 v14, v16;
	_ =	sdelay $0x1  }
0x456: {  	v14 =	vmax.f32 v14, $0.0e+00  }
0x457: {  	[tilespmem:s8+$0xFFFFFFC0] =	vst v14  }
0x458: {  	v14 =	vld [tilespmem:$0x10];
	_ =	sdelay $0x1  }
0x459: {  	v15 =	vld [tilespmem:s8+$0xFFFFFFD0];
	_ =	sdelay $0x1  }
0x45a: {  	v16 =	vld [tilespmem:$0x90]  }
0x45b: {  	v14 =	vmul.f32 v14, v13;
	_ =	sdelay $0x1  }
0x45c: {  	v14 =	vadd.f32 v14, v15;
	_ =	sdelay $0x1  }
0x45d: {  	v14 =	vadd.f32 v14, v16;
	_ =	sdelay $0x1  }
0x45e: {  	v14 =	vmax.f32 v14, $0.0e+00  }
0x45f: {  	[tilespmem:s8+$0xFFFFFFD0] =	vst v14  }
0x460: {  	v14 =	vld [tilespmem:$0x20];
	_ =	sdelay $0x1  }
0x461: {  	v15 =	vld [tilespmem:s8+$0xFFFFFFE0];
	_ =	sdelay $0x1  }
0x462: {  	v16 =	vld [tilespmem:$0xA0]  }
0x463: {  	v14 =	vmul.f32 v14, v13;
	_ =	sdelay $0x1  }
0x464: {  	v14 =	vadd.f32 v14, v15;
	_ =	sdelay $0x1  }
0x465: {  	v14 =	vadd.f32 v14, v16;
	_ =	sdelay $0x1  }
0x466: {  	v14 =	vmax.f32 v14, $0.0e+00  }
0x467: {  	[tilespmem:s8+$0xFFFFFFE0] =	vst v14  }
0x468: {  	v14 =	vld [tilespmem:$0x30];
	_ =	sdelay $0x1  }
0x469: {  	v15 =	vld [tilespmem:s8+$0xFFFFFFF0];
	_ =	sdelay $0x1  }
0x46a: {  	v16 =	vld [tilespmem:$0xB0]  }
0x46b: {  	v14 =	vmul.f32 v14, v13;
	_ =	sdelay $0x1  }
0x46c: {  	v14 =	vadd.f32 v14, v15;
	_ =	sdelay $0x1  }
0x46d: {  	v14 =	vadd.f32 v14, v16;
	_ =	sdelay $0x1  }
0x46e: {  	v14 =	vmax.f32 v14, $0.0e+00  }
0x46f: {  	[tilespmem:s8+$0xFFFFFFF0] =	vst v14  }
0x470: {  	v14 =	vld [tilespmem:$0x40];
	_ =	sdelay $0x1  }
0x471: {  	v15 =	vld [tilespmem:s8+$0x0];
	_ =	sdelay $0x1  }
0x472: {  	v16 =	vld [tilespmem:$0xC0]  }
0x473: {  	v14 =	vmul.f32 v14, v13;
	_ =	sdelay $0x1  }
0x474: {  	v14 =	vadd.f32 v14, v15;
	_ =	sdelay $0x1  }
0x475: {  	v14 =	vadd.f32 v14, v16;
	_ =	sdelay $0x1  }
0x476: {  	v14 =	vmax.f32 v14, $0.0e+00  }
0x477: {  	[tilespmem:s8+$0x0] =	vst v14  }
0x478: {  	v14 =	vld [tilespmem:$0x50]  }
0x479: {  	v15 =	vld [tilespmem:$0xD0]  }
0x47a: {  	v16 =	vld [tilespmem:s8+$0x10];
	_ =	sdelay $0x2  }
0x47b: {  	v14 =	vmul.f32 v14, v13;
	_ =	sdelay $0x1  }
0x47c: {  	v14 =	vadd.f32 v14, v16;
	_ =	sdelay $0x1  }
0x47d: {  	v14 =	vadd.f32 v14, v15;
	_ =	sdelay $0x1  }
0x47e: {  	v14 =	vmax.f32 v14, $0.0e+00  }
0x47f: {  	[tilespmem:s8+$0x10] =	vst v14  }
0x480: {  	v14 =	vld [tilespmem:$0x60]  }
0x481: {  	v15 =	vld [tilespmem:$0xE0]  }
0x482: {  	v16 =	vld [tilespmem:s8+$0x20];
	_ =	sdelay $0x2  }
0x483: {  	v14 =	vmul.f32 v14, v13;
	_ =	sdelay $0x1  }
0x484: {  	v14 =	vadd.f32 v14, v16;
	_ =	sdelay $0x1  }
0x485: {  	v14 =	vadd.f32 v14, v15;
	_ =	sdelay $0x1  }
0x486: {  	v14 =	vmax.f32 v14, $0.0e+00  }
0x487: {  	[tilespmem:s8+$0x20] =	vst v14  }
0x488: {  	v14 =	vld [tilespmem:$0x70]  }
0x489: {  	v15 =	vld [tilespmem:$0xF0]  }
0x48a: {  	v16 =	vld [tilespmem:s8+$0x30];
	_ =	sdelay $0x2  }
0x48b: {  	v13 =	vmul.f32 v14, v13;
	_ =	sdelay $0x1  }
.Ltmp24:
0x48c: {  	v13 =	vadd.f32 v13, v16;
	(pc) =	sbr.rel @p1 .LBB2_30-.Ltmp24, $3  }
0x48d: {  	_ = 	snop  }
0x48e: {  	v13 =	vadd.f32 v13, v15;
	_ =	sdelay $0x1  }
0x48f: {  	s18 =	sshra.s32 s18, $0x2;
	s7 =	smov.u32 s13;
	v13 =	vmax.f32 v13, $0.0e+00  }
0x490: {  	s1 =	sadd.s32 s18, s23;
	[tilespmem:s8+$0x30] =	vst v13  }
0x491: {  	v13 =	vld.msk [tilespmem:s1+$0x0 ss:$0x0], $0xffff  }
0x492: {  	v14 =	vld [tilespmem:$0x0]  }
0x493: {  	s29 =	sadd.s32 $0x80, s8  }
0x494: {  	v15 =	vld [tilespmem:s29+$0xFFFFFFC0];
	_ =	sdelay $0x1  }
0x495: {  	v16 =	vld [tilespmem:$0x80]  }
0x496: {  	v14 =	vmul.f32 v14, v13;
	_ =	sdelay $0x1  }
0x497: {  	v14 =	vadd.f32 v14, v15;
	_ =	sdelay $0x1  }
0x498: {  	v14 =	vadd.f32 v14, v16;
	_ =	sdelay $0x1  }
0x499: {  	v14 =	vmax.f32 v14, $0.0e+00  }
0x49a: {  	[tilespmem:s29+$0xFFFFFFC0] =	vst v14  }
0x49b: {  	v14 =	vld [tilespmem:$0x10];
	_ =	sdelay $0x1  }
0x49c: {  	v15 =	vld [tilespmem:s29+$0xFFFFFFD0];
	_ =	sdelay $0x1  }
0x49d: {  	v57 =	vld [tilespmem:$0x90]  }
0x49e: {  	v14 =	vmul.f32 v14, v13;
	_ =	sdelay $0x1  }
0x49f: {  	v14 =	vadd.f32 v14, v15;
	_ =	sdelay $0x1  }
0x4a0: {  	v14 =	vadd.f32 v14, v57;
	_ =	sdelay $0x1  }
0x4a1: {  	v14 =	vmax.f32 v14, $0.0e+00  }
0x4a2: {  	[tilespmem:s29+$0xFFFFFFD0] =	vst v14  }
0x4a3: {  	v14 =	vld [tilespmem:$0x20];
	_ =	sdelay $0x1  }
0x4a4: {  	v15 =	vld [tilespmem:s29+$0xFFFFFFE0];
	_ =	sdelay $0x1  }
0x4a5: {  	v58 =	vld [tilespmem:$0xA0]  }
0x4a6: {  	v14 =	vmul.f32 v14, v13;
	_ =	sdelay $0x1  }
0x4a7: {  	v14 =	vadd.f32 v14, v15;
	_ =	sdelay $0x1  }
0x4a8: {  	v14 =	vadd.f32 v14, v58;
	_ =	sdelay $0x1  }
0x4a9: {  	v14 =	vmax.f32 v14, $0.0e+00  }
0x4aa: {  	[tilespmem:s29+$0xFFFFFFE0] =	vst v14  }
0x4ab: {  	v14 =	vld [tilespmem:$0x30];
	_ =	sdelay $0x1  }
0x4ac: {  	v15 =	vld [tilespmem:s29+$0xFFFFFFF0];
	_ =	sdelay $0x1  }
0x4ad: {  	v59 =	vld [tilespmem:$0xB0]  }
0x4ae: {  	v14 =	vmul.f32 v14, v13;
	_ =	sdelay $0x1  }
0x4af: {  	v14 =	vadd.f32 v14, v15;
	_ =	sdelay $0x1  }
0x4b0: {  	v14 =	vadd.f32 v14, v59;
	_ =	sdelay $0x1  }
0x4b1: {  	v14 =	vmax.f32 v14, $0.0e+00  }
0x4b2: {  	[tilespmem:s29+$0xFFFFFFF0] =	vst v14  }
0x4b3: {  	v14 =	vld [tilespmem:$0x40];
	_ =	sdelay $0x1  }
0x4b4: {  	v15 =	vld [tilespmem:s29+$0x0];
	_ =	sdelay $0x1  }
0x4b5: {  	v60 =	vld [tilespmem:$0xC0]  }
0x4b6: {  	v14 =	vmul.f32 v14, v13;
	_ =	sdelay $0x1  }
0x4b7: {  	v14 =	vadd.f32 v14, v15;
	_ =	sdelay $0x1  }
0x4b8: {  	v14 =	vadd.f32 v14, v60;
	_ =	sdelay $0x1  }
0x4b9: {  	v14 =	vmax.f32 v14, $0.0e+00  }
0x4ba: {  	[tilespmem:s29+$0x0] =	vst v14  }
0x4bb: {  	v14 =	vld [tilespmem:$0x50];
	_ =	sdelay $0x1  }
0x4bc: {  	v15 =	vld [tilespmem:s29+$0x10];
	_ =	sdelay $0x1  }
0x4bd: {  	v61 =	vld [tilespmem:$0xD0]  }
0x4be: {  	v14 =	vmul.f32 v14, v13;
	_ =	sdelay $0x1  }
0x4bf: {  	v14 =	vadd.f32 v14, v15;
	_ =	sdelay $0x1  }
0x4c0: {  	v14 =	vadd.f32 v14, v61;
	_ =	sdelay $0x1  }
0x4c1: {  	v14 =	vmax.f32 v14, $0.0e+00  }
0x4c2: {  	[tilespmem:s29+$0x10] =	vst v14  }
0x4c3: {  	v14 =	vld [tilespmem:$0x60];
	_ =	sdelay $0x1  }
0x4c4: {  	v15 =	vld [tilespmem:s29+$0x20];
	_ =	sdelay $0x1  }
0x4c5: {  	v62 =	vld [tilespmem:$0xE0]  }
0x4c6: {  	v14 =	vmul.f32 v14, v13;
	_ =	sdelay $0x1  }
0x4c7: {  	v14 =	vadd.f32 v14, v15;
	_ =	sdelay $0x1  }
0x4c8: {  	v14 =	vadd.f32 v14, v62;
	_ =	sdelay $0x1  }
0x4c9: {  	v14 =	vmax.f32 v14, $0.0e+00  }
0x4ca: {  	[tilespmem:s29+$0x20] =	vst v14  }
0x4cb: {  	v14 =	vld [tilespmem:$0x70];
	_ =	sdelay $0x1  }
0x4cc: {  	v15 =	vld [tilespmem:s29+$0x30];
	_ =	sdelay $0x1  }
0x4cd: {  	v63 =	vld [tilespmem:$0xF0]  }
0x4ce: {  	v13 =	vmul.f32 v14, v13;
	_ =	sdelay $0x1  }
0x4cf: {  	v13 =	vadd.f32 v13, v15;
	_ =	sdelay $0x1  }
.Ltmp25:
0x4d0: {  	v13 =	vadd.f32 v13, v63;
	(pc) =	sbr.rel .LBB2_32-.Ltmp25, $4  }
0x4d1: {  	_ = 	snop  }
0x4d2: {  	v13 =	vmax.f32 v13, $0.0e+00  }
0x4d3: {  	[tilespmem:s29+$0x30] =	vst v13  }
0x4d4: {  	[spmem:s5] =	stream.indirect.scatter.add.f32 [tilespmem:s15], [sflag:$0x2], $0x80, s14, s25, $0xb8;
	[tilespmem:$0x1FA40] =	vst v63  }
.LBB2_33:
0x4d5: {  	p1 =	seq.s32 s19, $0x1  }
0x4d6: {  	s1 =	simm.s32 @!p1 $0x2  }
0x4d7: {  	_ =	swait.ge @!p1 [sflag:s1], $0x2000  }
0x4d8: {  	[sflag:s1] =	ssyncset.done @!p1 $0x0  }
0x4d9: {  	[sflag:s1] =	ssyncadd.s32 @!p1 $0xFFFFE000  }
0x4da: {  	_ =	swait.ge [sflag:s16], $0x2000  }
0x4db: {  	[sflag:s16] =	ssyncset.done $0x0  }
0x4dc: {  	[sflag:s16] =	ssyncadd.s32 $0xFFFFE000  }
.LBB2_34:
0x4dd: {  	s1 =	rddreg [dreg:$0x18]  }
0x4de: {  	s7 =	rddreg [dreg:$0x1a];
	[bflag:$0x0] =	sbarrier.arrive $0xFFFF;
	s28 =	stileid.u32  }
0x4df: {  	s1 =	sadd.s32 s1, s7;
	s7 =	sshll.u32 s28, $0x6;
	s8 =	rddreg [dreg:$0x8]  }
0x4e0: {  	s19 =	rddreg [dreg:$0x9];
	s1 =	sshll.u32 s1, $0x4;
	s7 =	sor.u32 $0x1C03, s7  }
.Ltmp26:
0x4e1: {  	s29 =	sshrl.u32 s19, $0x3;
	s1 =	sadd.s32 s8, s1;
	(pc) =	sbr.rel .LBB2_35-.Ltmp26, $4  }
0x4e2: {  	[hbm:s1], [sflag:s7] =	dma.local [spmem:s29], $0x3400  }
0x4e3: {  	_ =	swait.ge [sflag:s30], $0x3400  }
0x4e4: {  	[sflag:s30] =	ssyncset.done $0x0  }
0x4e5: {  	s8 =	rddreg [dreg:$0x7];
	[sflag:s30] =	ssyncadd.s32 $0xFFFFCC00  }
.LBB2_37:
0x4e6: {  	_ =	sfence.sel $0x180000  }
0x4e7: {  	[bflag:$0x0] =	sbarrier.arrive $0xFFFF  }
0x4e8: {  	_ =	strace $0x90000047  }
0x4e9: {  	[bflag:$0x2] =	sbarrier.arrive $0xFFFF  }
0x4ea: {  	s0 =	rddreg [dreg:$0x6]  }
0x4eb: {  	s0 =	sadd.s32 @!p0 $0x100000, s0  }
0x4ec: {  	[sflag:s0] =	ssyncadd.tile.s32 @!p0 $0x1;
	_ =	shalt  }
.Lfunc_end2:
_tile_overlayer_lowered:
.L_overlay_start_2:
0x4ed: {  	(tag) =	ssettag $0x2  }
0x4ee: {  	s0 =	rddreg [dreg:$0x0];
	s2 =	stileid.u32  }
0x4ef: {  	s1 =	rddreg [dreg:$0x1];
	p0 =	sne.s32 s2, $0x0  }
0x4f0: {  	s3 =	rddreg [dreg:$0x2];
	[bflag:$0x3] =	sbarrier.arrive $0xFFFF;
	s2 =	simm.s32 @!p0 $0x1C03  }
0x4f1: {  	[timem:s3], [sflag:s2] =	dma.local @!p0 [hbm:s0], s1  }
0x4f2: {  	s0 =	simm.s32 @!p0 $0x3  }
0x4f3: {  	_ =	swait.ge @!p0 [sflag:s0], s1  }
0x4f4: {  	s1 =	ssub.s32 @!p0 $0x0, s1;
	[sflag:s0] =	ssyncset.done @!p0 $0x0  }
0x4f5: {  	[sflag:s0] =	ssyncadd.s32 @!p0 s1  }
0x4f6: {  	[bflag:$0x3] =	sbarrier.arrive $0xFFFF  }
0x4f7: {  	_ =	shalt  }

</sc_bundles>
